<compile_context>
chip_gen: v7x
topology: tpu7x:2x2x1
jax: 0.10.2.dev20260603
libtpu: 0.0.44.dev20260713+nightly
codegen_flags: <defaults>
</compile_context>

<pallas_src>
import functools

import jax
import jax.numpy as jnp
from jax import lax
from jax.experimental import pallas as pl
from jax.experimental.pallas import tpu as pltpu
from jax.experimental.pallas import tpu_sc as plsc

N = 10000; E = 320000; D = 128; H = 128; S = 2; F = 8; FH = 32; OUT = 64; G = 16; C = 10

_NW = 32
_EPW = E // _NW
_K = 80
_NCH = _EPW // _K
_RB = 80
_NRB = N // _RB


def _make_seg_sum():
    mesh = plsc.VectorSubcoreMesh(core_axis_name="c", subcore_axis_name="s")

    @functools.partial(
        pl.kernel, mesh=mesh,
        out_type=(jax.ShapeDtypeStruct((2, N, H), jnp.float32),
                  jax.ShapeDtypeStruct((2, 80, 128), jnp.float32)),
        scratch_types=[
            pltpu.VMEM((_K,), jnp.int32),
            pltpu.VMEM((_K,), jnp.int32),
            pltpu.VMEM((_K, H), jnp.float32),
            pltpu.VMEM((_RB, H), jnp.float32),
            pltpu.VMEM((_K,), jnp.float32),
            pltpu.VMEM((1, 128), jnp.float32),
            pltpu.VMEM((128,), jnp.float32),
            pltpu.VMEM_SHARED((N, H), jnp.float32),
            pltpu.VMEM_SHARED((80 * 128,), jnp.float32),
            pltpu.SemaphoreType.DMA,
        ],
    )
    def seg(h_hbm, src_hbm, dst_hbm, z_hbm, ones_hbm, z128_hbm, out_hbm, deg_hbm,
            sidx, didx, rows, zbuf, ones_v, dbb, z128, acc, dacc, sem):
        c = lax.axis_index("c")
        s = lax.axis_index("s")
        wid = s * 2 + c
        pltpu.sync_copy(z_hbm, zbuf)
        pltpu.sync_copy(z128_hbm, z128)
        pltpu.sync_copy(ones_hbm, ones_v)
        def zb(i, carry):
            j = s + i * 16
            @pl.when(j < _NRB)
            def _():
                pltpu.sync_copy(zbuf, acc.at[pl.ds(j * _RB, _RB)])
            return carry
        lax.fori_loop(0, (_NRB + 15) // 16, zb, 0)
        def zd(i, carry):
            j = s + i * 16
            pltpu.sync_copy(z128, dacc.at[pl.ds(j * 128, 128)])
            return carry
        lax.fori_loop(0, 5, zd, 0)
        plsc.subcore_barrier()
        base = wid * _EPW
        def body(i, carry):
            off = base + i * _K
            pltpu.sync_copy(src_hbm.at[pl.ds(off, _K)], sidx)
            pltpu.sync_copy(dst_hbm.at[pl.ds(off, _K)], didx)
            pltpu.async_copy(h_hbm.at[sidx], rows, sem).wait()
            pltpu.sync_copy(rows, acc.at[didx], add=True)
            pltpu.sync_copy(ones_v, dacc.at[didx], add=True)
            return carry
        lax.fori_loop(0, _NCH, body, 0)
        plsc.subcore_barrier()
        def rb(i, carry):
            j = s + i * 16
            @pl.when(j < _NRB)
            def _():
                r0 = j * _RB
                pltpu.sync_copy(acc.at[pl.ds(r0, _RB)], zbuf)
                pltpu.sync_copy(zbuf, out_hbm.at[c].at[pl.ds(r0, _RB)])
            return carry
        lax.fori_loop(0, (_NRB + 15) // 16, rb, 0)
        def rd(i, carry):
            j = s + i * 16
            pltpu.sync_copy(dacc.at[pl.ds(j * 128, 128)], dbb.at[0])
            pltpu.sync_copy(dbb, deg_hbm.at[c].at[pl.ds(j, 1)])
            return carry
        lax.fori_loop(0, 5, rd, 0)

    return seg


_seg_sum = _make_seg_sum()




_EB = 2560
_NBLK = 2000


def _ph_pool_body(a_ref, b_ref, idx_ref, w_ref, bias_ref, o_ref):
    i = pl.program_id(0)
    t = jnp.zeros((a_ref.shape[0], OUT), jnp.float32)
    w0 = w_ref[0:1, :]
    w1 = w_ref[1:2, :]
    bias = bias_ref[...]
    for f in range(F):
        t += jnp.maximum(a_ref[:, f:f + 1] * w0 + b_ref[:, f:f + 1] * w1 + bias, 0.0)
    t = t * (1.0 / F)
    idx = idx_ref[0, 0, :]
    oh = (jax.lax.broadcasted_iota(jnp.int32, (G, a_ref.shape[0]), 0)
          == idx[None, :]).astype(jnp.float32)
    part = jax.lax.dot(oh, t, preferred_element_type=jnp.float32)
    @pl.when(i == 0)
    def _():
        o_ref[...] = jnp.zeros_like(o_ref)
    o_ref[...] += part


def _ph_pool(a, b, idx3, w, bias, rows, blk, width=F):
    nb = rows // blk
    return pl.pallas_call(
        _ph_pool_body,
        grid=(nb,),
        in_specs=[
            pl.BlockSpec((blk, width), lambda i: (i, 0)),
            pl.BlockSpec((blk, width), lambda i: (i, 0)),
            pl.BlockSpec((1, 1, blk), lambda i: (i, 0, 0)),
            pl.BlockSpec((2, OUT), lambda i: (0, 0)),
            pl.BlockSpec((1, OUT), lambda i: (0, 0)),
        ],
        out_specs=pl.BlockSpec((G, OUT), lambda i: (0, 0)),
        out_shape=jax.ShapeDtypeStruct((G, OUT), jnp.float32),
    )(a, b, idx3, w, bias)


def _ph_pool_t_body(a_ref, b_ref, idx_ref, w_ref, bias_ref, o_ref):
    i = pl.program_id(0)
    blk = a_ref.shape[1]
    t = jnp.zeros((blk, OUT), jnp.float32)
    w0 = w_ref[0:1, :]
    w1 = w_ref[1:2, :]
    bias = bias_ref[...]
    for f in range(F):
        t += jnp.maximum(a_ref[f, :][:, None] * w0 + b_ref[f, :][:, None] * w1 + bias, 0.0)
    t = t * (1.0 / F)
    idx = idx_ref[0, 0, :]
    oh = (jax.lax.broadcasted_iota(jnp.int32, (G, blk), 0)
          == idx[None, :]).astype(jnp.float32)
    part = jax.lax.dot(oh, t, preferred_element_type=jnp.float32)
    @pl.when(i == 0)
    def _():
        o_ref[...] = jnp.zeros_like(o_ref)
    o_ref[...] += part


def _ph_pool_t(aT, bT, idx3, w, bias, rows, blk):
    nb = rows // blk
    return pl.pallas_call(
        _ph_pool_t_body,
        grid=(nb,),
        in_specs=[
            pl.BlockSpec((F, blk), lambda i: (0, i)),
            pl.BlockSpec((F, blk), lambda i: (0, i)),
            pl.BlockSpec((1, 1, blk), lambda i: (i, 0, 0)),
            pl.BlockSpec((2, OUT), lambda i: (0, 0)),
            pl.BlockSpec((1, OUT), lambda i: (0, 0)),
        ],
        out_specs=pl.BlockSpec((G, OUT), lambda i: (0, 0)),
        out_shape=jax.ShapeDtypeStruct((G, OUT), jnp.float32),
    )(aT, bT, idx3, w, bias)


def _sum_pool_body(a_ref, idx_ref, o_ref):
    i = pl.program_id(0)
    idx = idx_ref[0, 0, :]
    oh = (jax.lax.broadcasted_iota(jnp.int32, (G, a_ref.shape[0]), 0)
          == idx[None, :]).astype(jnp.float32)
    part = jax.lax.dot(oh, a_ref[...], preferred_element_type=jnp.float32)
    @pl.when(i == 0)
    def _():
        o_ref[...] = jnp.zeros_like(o_ref)
    o_ref[...] += part


def _sum_pool(a, idx3, rows, blk, k):
    nb = rows // blk
    return pl.pallas_call(
        _sum_pool_body,
        grid=(nb,),
        in_specs=[
            pl.BlockSpec((blk, k), lambda i: (i, 0)),
            pl.BlockSpec((1, 1, blk), lambda i: (i, 0, 0)),
        ],
        out_specs=pl.BlockSpec((G, k), lambda i: (0, 0)),
        out_shape=jax.ShapeDtypeStruct((G, k), jnp.float32),
    )(a, idx3)


def _head_kernel(xc_ref, w1_ref, b1_ref, w2_ref, b2_ref, w3_ref, b3_ref, o_ref):
    xc = xc_ref[...]
    o = jnp.maximum(xc @ w1_ref[...] + b1_ref[...], 0.0)
    o = jnp.maximum(o @ w2_ref[...] + b2_ref[...], 0.0)
    o_ref[...] = o @ w3_ref[...] + b3_ref[...]


def kernel(x, edge_index, batch, W_in, b_in, W_ode, b_ode, Wf1, bf1, Wf2, bf2, Wphi, bphi, Wrho, brho, Wr1, br1, Wr2, br2, Wc1, bc1, Wc2, bc2, Wc3, bc3):
    src = edge_index[0]; dst = edge_index[1]
    batch3 = batch.reshape(N // _NBLK, 1, _NBLK)
    bd3 = batch[dst].reshape(E // _EB, 1, _EB)
    h = jnp.tanh(x @ W_in + b_in)
    dt = 1.0 / S
    zrows = jnp.zeros((_RB, H), jnp.float32)
    ones_k = jnp.ones((_K,), jnp.float32)
    zeros128 = jnp.zeros((128,), jnp.float32)
    inv_deg = None
    embeds = []
    for _ in range(S):
        part, dpart = _seg_sum(h, src, dst, zrows, ones_k, zeros128)
        if inv_deg is None:
            deg = (dpart[0] + dpart[1]).reshape(-1)[:N]
            inv_deg = 1.0 / jnp.clip(deg, 1.0)
        agg = (part[0] + part[1]) * inv_deg[:, None]
        f = jnp.tanh(agg @ W_ode + b_ode)
        h = h + dt * f
        embeds.append(h)
    ode = jnp.stack(embeds)
    ph_vectors = []
    for i in range(S):
        hi = ode[i]
        v = jax.nn.sigmoid(jax.nn.relu(hi @ Wf1[i] + bf1[i]) @ Wf2[i] + bf2[i])
        vsrc = v[src]; vdst = v[dst]
        e = jnp.maximum(vsrc, vdst)
        death = jax.ops.segment_max(e, dst, num_segments=N)
        death = jnp.where(jnp.isfinite(death), jnp.maximum(v, death), v)
        bphi_i = bphi[i].reshape(1, OUT)
        g0 = _ph_pool(v, death, batch3, Wphi[i], bphi_i, N, _NBLK)
        g1 = _ph_pool(jnp.minimum(vsrc, vdst), e, bd3, Wphi[i], bphi_i, E, _EB)
        ph = jnp.tanh((g0 + g1) @ Wrho[i] + brho[i])
        ph_vectors.append(ph)
    ph_embedding = jnp.stack(ph_vectors).mean(axis=0)
    nr = jax.nn.relu(ode[-1] @ Wr1 + br1) @ Wr2 + br2
    xg = _sum_pool(nr, batch3, N, _NBLK, H)
    xc = jnp.concatenate([xg, ph_embedding], axis=1)
    out = pl.pallas_call(
        _head_kernel,
        out_shape=jax.ShapeDtypeStruct((G, C), jnp.float32),
    )(xc, Wc1, bc1, Wc2, bc2, Wc3, bc3)
    return out

# --- scband reference (transcript-rebuilt; emitter-appended) ---
"""Pipeline reference for scband-top-nn-2-d-30056181138048 (READ-ONLY COPY).

The authoritative reference and input builder live on the scoring server;
editing this copy changes nothing except your own understanding.
"""

import jax, jax.numpy as jnp
import numpy as np

N = 10000; E = 320000; D = 128; H = 128; S = 2; F = 8; FH = 32; OUT = 64; G = 16; C = 10

def setup_inputs(seed: int = 0):
    key = jax.random.key(seed)
    ks = jax.random.split(key, 16)
    def gl(k, shape, scale=0.1):
        return jax.random.normal(k, shape, dtype=jnp.float32) * scale
    inp = {}
    inp["x"] = jax.random.normal(ks[0], (N, D), dtype=jnp.float32)
    inp["edge_index"] = jax.random.randint(ks[1], (2, E), 0, N, dtype=jnp.int32)
    inp["batch"] = jnp.sort(jax.random.randint(ks[2], (N,), 0, G, dtype=jnp.int32))
    inp["W_in"] = gl(ks[3], (D, H)); inp["b_in"] = jnp.zeros((H,), jnp.float32)
    inp["W_ode"] = gl(ks[4], (H, H)); inp["b_ode"] = jnp.zeros((H,), jnp.float32)
    inp["Wf1"] = gl(ks[5], (S, H, FH)); inp["bf1"] = jnp.zeros((S, FH), jnp.float32)
    inp["Wf2"] = gl(ks[6], (S, FH, F)); inp["bf2"] = jnp.zeros((S, F), jnp.float32)
    inp["Wphi"] = gl(ks[7], (S, 2, OUT)); inp["bphi"] = jnp.zeros((S, OUT), jnp.float32)
    inp["Wrho"] = gl(ks[8], (S, OUT, OUT)); inp["brho"] = jnp.zeros((S, OUT), jnp.float32)
    inp["Wr1"] = gl(ks[9], (H, 2 * H)); inp["br1"] = jnp.zeros((2 * H,), jnp.float32)
    inp["Wr2"] = gl(ks[10], (2 * H, H)); inp["br2"] = jnp.zeros((H,), jnp.float32)
    inp["Wc1"] = gl(ks[11], (H + OUT, H // 2)); inp["bc1"] = jnp.zeros((H // 2,), jnp.float32)
    inp["Wc2"] = gl(ks[12], (H // 2, H // 4)); inp["bc2"] = jnp.zeros((H // 4,), jnp.float32)
    inp["Wc3"] = gl(ks[13], (H // 4, C)); inp["bc3"] = jnp.zeros((C,), jnp.float32)
    return inp

def _forward(x, edge_index, batch, W_in, b_in, W_ode, b_ode, Wf1, bf1, Wf2, bf2, Wphi, bphi, Wrho, brho, Wr1, br1, Wr2, br2, Wc1, bc1, Wc2, bc2, Wc3, bc3):
    src = edge_index[0]; dst = edge_index[1]
    deg = jax.ops.segment_sum(jnp.ones((E,), jnp.float32), dst, num_segments=N)
    inv_deg = 1.0 / jnp.clip(deg, 1.0)
    # ODE GNN: Euler integration of a GCN-style vector field, storing each step
    h = jnp.tanh(x @ W_in + b_in)
    dt = 1.0 / S
    embeds = []
    for _ in range(S):
        agg = jax.ops.segment_sum(h[src], dst, num_segments=N) * inv_deg[:, None]
        f = jnp.tanh(agg @ W_ode + b_ode)
        h = h + dt * f
        embeds.append(h)
    ode = jnp.stack(embeds)  # [S, N, H]
    # Rephine-style persistence layers, one per ODE step
    ph_vectors = []
    for i in range(S):
        hi = ode[i]
        v = jax.nn.sigmoid(jax.nn.relu(hi @ Wf1[i] + bf1[i]) @ Wf2[i] + bf2[i])  # [N, F] vertex filtrations
        e = jnp.maximum(v[src], v[dst])  # [E, F] edge filtration (max of endpoints)
        death = jax.ops.segment_max(e, dst, num_segments=N)
        death = jnp.where(jnp.isfinite(death), jnp.maximum(v, death), v)
        pairs0 = jnp.stack([v, death], axis=-1)  # [N, F, 2] dim-0 diagram
        emb0 = jax.nn.relu(pairs0 @ Wphi[i] + bphi[i])  # [N, F, OUT]
        pairs1 = jnp.stack([jnp.minimum(v[src], v[dst]), e], axis=-1)  # [E, F, 2] dim-1 diagram
        emb1 = jax.nn.relu(pairs1 @ Wphi[i] + bphi[i])
        g0 = jax.ops.segment_sum(emb0.mean(axis=1), batch, num_segments=G)
        g1 = jax.ops.segment_sum(emb1.mean(axis=1), batch[dst], num_segments=G)
        ph = jnp.tanh((g0 + g1) @ Wrho[i] + brho[i])
        ph_vectors.append(ph)
    ph_embedding = jnp.stack(ph_vectors).mean(axis=0)  # [G, OUT] (ph_pooling_type='mean')
    nr = jax.nn.relu(ode[-1] @ Wr1 + br1) @ Wr2 + br2  # node_readout
    xg = jax.ops.segment_sum(nr, batch, num_segments=G)  # global_add_pool
    xc = jnp.concatenate([xg, ph_embedding], axis=1)
    out = jax.nn.relu(xc @ Wc1 + bc1)
    out = jax.nn.relu(out @ Wc2 + bc2)
    out = out @ Wc3 + bc3
    return out

def reference(x, edge_index, batch, W_in, b_in, W_ode, b_ode, Wf1, bf1, Wf2, bf2, Wphi, bphi, Wrho, brho, Wr1, br1, Wr2, br2, Wc1, bc1, Wc2, bc2, Wc3, bc3):
    return _forward(x, edge_index, batch, W_in, b_in, W_ode, b_ode, Wf1, bf1, Wf2, bf2, Wphi, bphi, Wrho, brho, Wr1, br1, Wr2, br2, Wc1, bc1, Wc2, bc2, Wc3, bc3)

if __name__ == "__main__":
    import jax
    _d = setup_inputs()
    print(jax.jit(kernel)(*tuple(_d.values())))

</pallas_src>

<mosaic_0001>
#map = affine_map<(d0, d1) -> (0, 0)>
#map1 = affine_map<(d0, d1) -> (0)>
#map2 = affine_map<(d0, d1) -> (0, 0, 0)>
module attributes {stable_mosaic.version = 14 : i64} {
  func.func @seg(%arg0: i32, %arg1: i32, %arg2: memref<10000x128xf32, #tpu.memory_space<hbm>>, %arg3: memref<320000xi32, #tpu.memory_space<hbm>>, %arg4: memref<320000xi32, #tpu.memory_space<hbm>>, %arg5: memref<80x128xf32, #tpu.memory_space<hbm>>, %arg6: memref<80xf32, #tpu.memory_space<hbm>>, %arg7: memref<128xf32, #tpu.memory_space<hbm>>, %arg8: memref<2x10000x128xf32, #tpu.memory_space<hbm>>, %arg9: memref<2x80x128xf32, #tpu.memory_space<hbm>>, %arg10: memref<80xi32, #tpu.memory_space<vmem>>, %arg11: memref<80xi32, #tpu.memory_space<vmem>>, %arg12: memref<80x128xf32, #tpu.memory_space<vmem>>, %arg13: memref<80x128xf32, #tpu.memory_space<vmem>>, %arg14: memref<80xf32, #tpu.memory_space<vmem>>, %arg15: memref<1x128xf32, #tpu.memory_space<vmem>>, %arg16: memref<128xf32, #tpu.memory_space<vmem>>, %arg17: memref<10000x128xf32, #tpu.memory_space<vmem_shared>>, %arg18: memref<10240xf32, #tpu.memory_space<vmem_shared>>, %arg19: memref<!tpu.dma_semaphore, #tpu.memory_space<semaphore_mem>>) attributes {dimension_semantics = [#tpu.dimension_semantics<core_parallel>, #tpu.dimension_semantics<subcore_parallel>], iteration_bounds = array<i64: 2, 16>, scalar_prefetch = 0 : i64, scratch_operands = 10 : i64, tpu.core_type = #tpu.core_type<sc_vector_subcore>, window_params = [{transform_indices = #map}, {transform_indices = #map1}, {transform_indices = #map1}, {transform_indices = #map}, {transform_indices = #map1}, {transform_indices = #map1}, {transform_indices = #map2}, {transform_indices = #map2}]} {
    %mul3A = arith.constant 2 : i32
    %mul3A_0 = arith.muli %arg1, %mul3A : i32
    %add3A = arith.addi %mul3A_0, %arg0 : i32
    "tpu.region"() ({
      %run_scoped3A = tpu.sem_alloc : memref<!tpu.dma_semaphore, #tpu.memory_space<semaphore_mem>>
      tpu.enqueue_dma source(%arg5 : memref<80x128xf32, #tpu.memory_space<hbm>>) target(%arg13 : memref<80x128xf32, #tpu.memory_space<vmem>>) target_semaphore(%run_scoped3A : memref<!tpu.dma_semaphore, #tpu.memory_space<semaphore_mem>>)
      tpu.wait_dma2 semaphore(%run_scoped3A : memref<!tpu.dma_semaphore, #tpu.memory_space<semaphore_mem>>) src(%arg5 : memref<80x128xf32, #tpu.memory_space<hbm>>) dst(%arg13 : memref<80x128xf32, #tpu.memory_space<vmem>>)
      tpu.yield
    }) : () -> ()
    "tpu.region"() ({
      %run_scoped3A = tpu.sem_alloc : memref<!tpu.dma_semaphore, #tpu.memory_space<semaphore_mem>>
      tpu.enqueue_dma source(%arg7 : memref<128xf32, #tpu.memory_space<hbm>>) target(%arg16 : memref<128xf32, #tpu.memory_space<vmem>>) target_semaphore(%run_scoped3A : memref<!tpu.dma_semaphore, #tpu.memory_space<semaphore_mem>>)
      tpu.wait_dma2 semaphore(%run_scoped3A : memref<!tpu.dma_semaphore, #tpu.memory_space<semaphore_mem>>) src(%arg7 : memref<128xf32, #tpu.memory_space<hbm>>) dst(%arg16 : memref<128xf32, #tpu.memory_space<vmem>>)
      tpu.yield
    }) : () -> ()
    "tpu.region"() ({
      %run_scoped3A = tpu.sem_alloc : memref<!tpu.dma_semaphore, #tpu.memory_space<semaphore_mem>>
      tpu.enqueue_dma source(%arg6 : memref<80xf32, #tpu.memory_space<hbm>>) target(%arg14 : memref<80xf32, #tpu.memory_space<vmem>>) target_semaphore(%run_scoped3A : memref<!tpu.dma_semaphore, #tpu.memory_space<semaphore_mem>>)
      tpu.wait_dma2 semaphore(%run_scoped3A : memref<!tpu.dma_semaphore, #tpu.memory_space<semaphore_mem>>) src(%arg6 : memref<80xf32, #tpu.memory_space<hbm>>) dst(%arg14 : memref<80xf32, #tpu.memory_space<vmem>>)
      tpu.yield
    }) : () -> ()
    %scan3A = arith.constant 0 : i32
    %scan3A_1 = arith.constant 0 : i32
    %scan3A_2 = arith.constant 8 : i32
    %scan3A_3 = arith.addi %scan3A_1, %scan3A_2 : i32
    %scan3A_4 = arith.constant 1 : i32
    scf.for %scan3A_33 = %scan3A_1 to %scan3A_3 step %scan3A_4  : i32 {
      %mul3A_34 = arith.constant 16 : i32
      %mul3A_35 = arith.muli %scan3A_33, %mul3A_34 : i32
      %add3A_36 = arith.addi %arg1, %mul3A_35 : i32
      %lt3A = arith.constant 125 : i32
      %lt3A_37 = arith.cmpi slt, %add3A_36, %lt3A : i32
      %convert_element_type3A = arith.extui %lt3A_37 : i1 to i32
      %cond3A = arith.constant 0 : i32
      %cond3A_38 = arith.cmpi ne, %convert_element_type3A, %cond3A : i32
      scf.if %cond3A_38 {
        %mul3A_39 = arith.constant 80 : i32
        %mul3A_40 = arith.muli %add3A_36, %mul3A_39 : i32
        "tpu.region"() ({
          %run_scoped3A = tpu.sem_alloc : memref<!tpu.dma_semaphore, #tpu.memory_space<semaphore_mem>>
          %dma_start3A = arith.constant 0 : i32
          %dma_start3A_41 = tpu.memref_slice %arg17[%mul3A_40, %dma_start3A] : memref<10000x128xf32, #tpu.memory_space<vmem_shared>> -> memref<80x128xf32, #tpu.memory_space<vmem_shared>>
          %dma_start3A_42 = arith.constant 0 : i32
          %dma_start3A_43 = tpu.memref_slice %arg17[%mul3A_40, %dma_start3A_42] : memref<10000x128xf32, #tpu.memory_space<vmem_shared>> -> memref<80x128xf32, #tpu.memory_space<vmem_shared>>
          tpu.enqueue_dma source(%arg13 : memref<80x128xf32, #tpu.memory_space<vmem>>) target(%dma_start3A_43 : memref<80x128xf32, #tpu.memory_space<vmem_shared>>) target_semaphore(%run_scoped3A : memref<!tpu.dma_semaphore, #tpu.memory_space<semaphore_mem>>)
          %dma_wait3A = arith.constant 0 : i32
          %dma_wait3A_44 = tpu.memref_slice %arg17[%mul3A_40, %dma_wait3A] : memref<10000x128xf32, #tpu.memory_space<vmem_shared>> -> memref<80x128xf32, #tpu.memory_space<vmem_shared>>
          %dma_wait3A_45 = arith.constant 0 : i32
          %dma_wait3A_46 = tpu.memref_slice %arg17[%mul3A_40, %dma_wait3A_45] : memref<10000x128xf32, #tpu.memory_space<vmem_shared>> -> memref<80x128xf32, #tpu.memory_space<vmem_shared>>
          tpu.wait_dma2 semaphore(%run_scoped3A : memref<!tpu.dma_semaphore, #tpu.memory_space<semaphore_mem>>) src(%arg13 : memref<80x128xf32, #tpu.memory_space<vmem>>) dst(%dma_wait3A_46 : memref<80x128xf32, #tpu.memory_space<vmem_shared>>)
          tpu.yield
        }) : () -> ()
      } else {
      }
    }
    %scan3A_5 = arith.constant 8 : i32
    %scan3A_6 = arith.constant 0 : i32
    %scan3A_7 = arith.constant 0 : i32
    %scan3A_8 = arith.constant 5 : i32
    %scan3A_9 = arith.addi %scan3A_7, %scan3A_8 : i32
    %scan3A_10 = arith.constant 1 : i32
    scf.for %scan3A_33 = %scan3A_7 to %scan3A_9 step %scan3A_10  : i32 {
      %mul3A_34 = arith.constant 16 : i32
      %mul3A_35 = arith.muli %scan3A_33, %mul3A_34 : i32
      %add3A_36 = arith.addi %arg1, %mul3A_35 : i32
      %mul3A_37 = arith.constant 128 : i32
      %mul3A_38 = arith.muli %add3A_36, %mul3A_37 : i32
      "tpu.region"() ({
        %run_scoped3A = tpu.sem_alloc : memref<!tpu.dma_semaphore, #tpu.memory_space<semaphore_mem>>
        %dma_start3A = tpu.memref_slice %arg18[%mul3A_38] : memref<10240xf32, #tpu.memory_space<vmem_shared>> -> memref<128xf32, #tpu.memory_space<vmem_shared>>
        %dma_start3A_39 = tpu.memref_slice %arg18[%mul3A_38] : memref<10240xf32, #tpu.memory_space<vmem_shared>> -> memref<128xf32, #tpu.memory_space<vmem_shared>>
        tpu.enqueue_dma source(%arg16 : memref<128xf32, #tpu.memory_space<vmem>>) target(%dma_start3A_39 : memref<128xf32, #tpu.memory_space<vmem_shared>>) target_semaphore(%run_scoped3A : memref<!tpu.dma_semaphore, #tpu.memory_space<semaphore_mem>>)
        %dma_wait3A = tpu.memref_slice %arg18[%mul3A_38] : memref<10240xf32, #tpu.memory_space<vmem_shared>> -> memref<128xf32, #tpu.memory_space<vmem_shared>>
        %dma_wait3A_40 = tpu.memref_slice %arg18[%mul3A_38] : memref<10240xf32, #tpu.memory_space<vmem_shared>> -> memref<128xf32, #tpu.memory_space<vmem_shared>>
        tpu.wait_dma2 semaphore(%run_scoped3A : memref<!tpu.dma_semaphore, #tpu.memory_space<semaphore_mem>>) src(%arg16 : memref<128xf32, #tpu.memory_space<vmem>>) dst(%dma_wait3A_40 : memref<128xf32, #tpu.memory_space<vmem_shared>>)
        tpu.yield
      }) : () -> ()
    }
    %scan3A_11 = arith.constant 5 : i32
    %barrier3A = arith.constant 0 : index
    tpu.barrier barrier_id(%barrier3A)
    %mul3A_12 = arith.constant 10000 : i32
    %mul3A_13 = arith.muli %add3A, %mul3A_12 : i32
    %scan3A_14 = arith.constant 0 : i32
    %scan3A_15 = arith.constant 0 : i32
    %scan3A_16 = arith.constant 125 : i32
    %scan3A_17 = arith.addi %scan3A_15, %scan3A_16 : i32
    %scan3A_18 = arith.constant 1 : i32
    scf.for %scan3A_33 = %scan3A_15 to %scan3A_17 step %scan3A_18  : i32 {
      %mul3A_34 = arith.constant 80 : i32
      %mul3A_35 = arith.muli %scan3A_33, %mul3A_34 : i32
      %add3A_36 = arith.addi %mul3A_13, %mul3A_35 : i32
      "tpu.region"() ({
        %run_scoped3A = tpu.sem_alloc : memref<!tpu.dma_semaphore, #tpu.memory_space<semaphore_mem>>
        %dma_start3A_41 = tpu.memref_slice %arg3[%add3A_36] : memref<320000xi32, #tpu.memory_space<hbm>> -> memref<80xi32, #tpu.memory_space<hbm>>
        %dma_start3A_42 = tpu.memref_slice %arg3[%add3A_36] : memref<320000xi32, #tpu.memory_space<hbm>> -> memref<80xi32, #tpu.memory_space<hbm>>
        tpu.enqueue_dma source(%dma_start3A_42 : memref<80xi32, #tpu.memory_space<hbm>>) target(%arg10 : memref<80xi32, #tpu.memory_space<vmem>>) target_semaphore(%run_scoped3A : memref<!tpu.dma_semaphore, #tpu.memory_space<semaphore_mem>>)
        %dma_wait3A_43 = tpu.memref_slice %arg3[%add3A_36] : memref<320000xi32, #tpu.memory_space<hbm>> -> memref<80xi32, #tpu.memory_space<hbm>>
        %dma_wait3A_44 = tpu.memref_slice %arg3[%add3A_36] : memref<320000xi32, #tpu.memory_space<hbm>> -> memref<80xi32, #tpu.memory_space<hbm>>
        tpu.wait_dma2 semaphore(%run_scoped3A : memref<!tpu.dma_semaphore, #tpu.memory_space<semaphore_mem>>) src(%dma_wait3A_44 : memref<80xi32, #tpu.memory_space<hbm>>) dst(%arg10 : memref<80xi32, #tpu.memory_space<vmem>>)
        tpu.yield
      }) : () -> ()
      "tpu.region"() ({
        %run_scoped3A = tpu.sem_alloc : memref<!tpu.dma_semaphore, #tpu.memory_space<semaphore_mem>>
        %dma_start3A_41 = tpu.memref_slice %arg4[%add3A_36] : memref<320000xi32, #tpu.memory_space<hbm>> -> memref<80xi32, #tpu.memory_space<hbm>>
        %dma_start3A_42 = tpu.memref_slice %arg4[%add3A_36] : memref<320000xi32, #tpu.memory_space<hbm>> -> memref<80xi32, #tpu.memory_space<hbm>>
        tpu.enqueue_dma source(%dma_start3A_42 : memref<80xi32, #tpu.memory_space<hbm>>) target(%arg11 : memref<80xi32, #tpu.memory_space<vmem>>) target_semaphore(%run_scoped3A : memref<!tpu.dma_semaphore, #tpu.memory_space<semaphore_mem>>)
        %dma_wait3A_43 = tpu.memref_slice %arg4[%add3A_36] : memref<320000xi32, #tpu.memory_space<hbm>> -> memref<80xi32, #tpu.memory_space<hbm>>
        %dma_wait3A_44 = tpu.memref_slice %arg4[%add3A_36] : memref<320000xi32, #tpu.memory_space<hbm>> -> memref<80xi32, #tpu.memory_space<hbm>>
        tpu.wait_dma2 semaphore(%run_scoped3A : memref<!tpu.dma_semaphore, #tpu.memory_space<semaphore_mem>>) src(%dma_wait3A_44 : memref<80xi32, #tpu.memory_space<hbm>>) dst(%arg11 : memref<80xi32, #tpu.memory_space<vmem>>)
        tpu.yield
      }) : () -> ()
      %dma_start3A = arith.constant 0 : i32
      %dma_start3A_37 = arith.constant 0 : i32
      %dma_start3A_38 = tpu.memref_slice %arg2[%dma_start3A, %dma_start3A_37] : memref<10000x128xf32, #tpu.memory_space<hbm>> -> memref<10000x128xf32, #tpu.memory_space<hbm>>
      tpu.enqueue_indirect_dma source(%dma_start3A_38 : memref<10000x128xf32, #tpu.memory_space<hbm>>) target(%arg12 : memref<80x128xf32, #tpu.memory_space<vmem>>) offsets(%arg10 : memref<80xi32, #tpu.memory_space<vmem>>) semaphore(%arg19 : memref<!tpu.dma_semaphore, #tpu.memory_space<semaphore_mem>>)
      %dma_wait3A = arith.constant 0 : i32
      %dma_wait3A_39 = arith.constant 0 : i32
      %dma_wait3A_40 = tpu.memref_slice %arg2[%dma_wait3A, %dma_wait3A_39] : memref<10000x128xf32, #tpu.memory_space<hbm>> -> memref<10000x128xf32, #tpu.memory_space<hbm>>
      tpu.wait_indirect_dma semaphore(%arg19 : memref<!tpu.dma_semaphore, #tpu.memory_space<semaphore_mem>>) src(%dma_wait3A_40 : memref<10000x128xf32, #tpu.memory_space<hbm>>) dst(%arg12 : memref<80x128xf32, #tpu.memory_space<vmem>>)
      "tpu.region"() ({
        %run_scoped3A = tpu.sem_alloc : memref<!tpu.dma_semaphore, #tpu.memory_space<semaphore_mem>>
        %dma_start3A_41 = arith.constant 0 : i32
        %dma_start3A_42 = arith.constant 0 : i32
        %dma_start3A_43 = tpu.memref_slice %arg17[%dma_start3A_41, %dma_start3A_42] : memref<10000x128xf32, #tpu.memory_space<vmem_shared>> -> memref<10000x128xf32, #tpu.memory_space<vmem_shared>>
        tpu.enqueue_indirect_dma source(%arg12 : memref<80x128xf32, #tpu.memory_space<vmem>>) target(%dma_start3A_43 : memref<10000x128xf32, #tpu.memory_space<vmem_shared>>) offsets(%arg11 : memref<80xi32, #tpu.memory_space<vmem>>) semaphore(%run_scoped3A : memref<!tpu.dma_semaphore, #tpu.memory_space<semaphore_mem>>) {add = true}
        %dma_wait3A_44 = arith.constant 0 : i32
        %dma_wait3A_45 = arith.constant 0 : i32
        %dma_wait3A_46 = tpu.memref_slice %arg17[%dma_wait3A_44, %dma_wait3A_45] : memref<10000x128xf32, #tpu.memory_space<vmem_shared>> -> memref<10000x128xf32, #tpu.memory_space<vmem_shared>>
        tpu.wait_indirect_dma semaphore(%run_scoped3A : memref<!tpu.dma_semaphore, #tpu.memory_space<semaphore_mem>>) src(%arg12 : memref<80x128xf32, #tpu.memory_space<vmem>>) dst(%dma_wait3A_46 : memref<10000x128xf32, #tpu.memory_space<vmem_shared>>)
        tpu.yield
      }) : () -> ()
      "tpu.region"() ({
        %run_scoped3A = tpu.sem_alloc : memref<!tpu.dma_semaphore, #tpu.memory_space<semaphore_mem>>
        %dma_start3A_41 = arith.constant 0 : i32
        %dma_start3A_42 = tpu.memref_slice %arg18[%dma_start3A_41] : memref<10240xf32, #tpu.memory_space<vmem_shared>> -> memref<10240xf32, #tpu.memory_space<vmem_shared>>
        tpu.enqueue_indirect_dma source(%arg14 : memref<80xf32, #tpu.memory_space<vmem>>) target(%dma_start3A_42 : memref<10240xf32, #tpu.memory_space<vmem_shared>>) offsets(%arg11 : memref<80xi32, #tpu.memory_space<vmem>>) semaphore(%run_scoped3A : memref<!tpu.dma_semaphore, #tpu.memory_space<semaphore_mem>>) {add = true}
        %dma_wait3A_43 = arith.constant 0 : i32
        %dma_wait3A_44 = tpu.memref_slice %arg18[%dma_wait3A_43] : memref<10240xf32, #tpu.memory_space<vmem_shared>> -> memref<10240xf32, #tpu.memory_space<vmem_shared>>
        tpu.wait_indirect_dma semaphore(%run_scoped3A : memref<!tpu.dma_semaphore, #tpu.memory_space<semaphore_mem>>) src(%arg14 : memref<80xf32, #tpu.memory_space<vmem>>) dst(%dma_wait3A_44 : memref<10240xf32, #tpu.memory_space<vmem_shared>>)
        tpu.yield
      }) : () -> ()
    }
    %scan3A_19 = arith.constant 125 : i32
    %barrier3A_20 = arith.constant 0 : index
    tpu.barrier barrier_id(%barrier3A_20)
    %scan3A_21 = arith.constant 0 : i32
    %scan3A_22 = arith.constant 0 : i32
    %scan3A_23 = arith.constant 8 : i32
    %scan3A_24 = arith.addi %scan3A_22, %scan3A_23 : i32
    %scan3A_25 = arith.constant 1 : i32
    scf.for %scan3A_33 = %scan3A_22 to %scan3A_24 step %scan3A_25  : i32 {
      %mul3A_34 = arith.constant 16 : i32
      %mul3A_35 = arith.muli %scan3A_33, %mul3A_34 : i32
      %add3A_36 = arith.addi %arg1, %mul3A_35 : i32
      %lt3A = arith.constant 125 : i32
      %lt3A_37 = arith.cmpi slt, %add3A_36, %lt3A : i32
      %convert_element_type3A = arith.extui %lt3A_37 : i1 to i32
      %cond3A = arith.constant 0 : i32
      %cond3A_38 = arith.cmpi ne, %convert_element_type3A, %cond3A : i32
      scf.if %cond3A_38 {
        %mul3A_39 = arith.constant 80 : i32
        %mul3A_40 = arith.muli %add3A_36, %mul3A_39 : i32
        "tpu.region"() ({
          %run_scoped3A = tpu.sem_alloc : memref<!tpu.dma_semaphore, #tpu.memory_space<semaphore_mem>>
          %dma_start3A = arith.constant 0 : i32
          %dma_start3A_41 = tpu.memref_slice %arg17[%mul3A_40, %dma_start3A] : memref<10000x128xf32, #tpu.memory_space<vmem_shared>> -> memref<80x128xf32, #tpu.memory_space<vmem_shared>>
          %dma_start3A_42 = arith.constant 0 : i32
          %dma_start3A_43 = tpu.memref_slice %arg17[%mul3A_40, %dma_start3A_42] : memref<10000x128xf32, #tpu.memory_space<vmem_shared>> -> memref<80x128xf32, #tpu.memory_space<vmem_shared>>
          tpu.enqueue_dma source(%dma_start3A_43 : memref<80x128xf32, #tpu.memory_space<vmem_shared>>) target(%arg13 : memref<80x128xf32, #tpu.memory_space<vmem>>) target_semaphore(%run_scoped3A : memref<!tpu.dma_semaphore, #tpu.memory_space<semaphore_mem>>)
          %dma_wait3A = arith.constant 0 : i32
          %dma_wait3A_44 = tpu.memref_slice %arg17[%mul3A_40, %dma_wait3A] : memref<10000x128xf32, #tpu.memory_space<vmem_shared>> -> memref<80x128xf32, #tpu.memory_space<vmem_shared>>
          %dma_wait3A_45 = arith.constant 0 : i32
          %dma_wait3A_46 = tpu.memref_slice %arg17[%mul3A_40, %dma_wait3A_45] : memref<10000x128xf32, #tpu.memory_space<vmem_shared>> -> memref<80x128xf32, #tpu.memory_space<vmem_shared>>
          tpu.wait_dma2 semaphore(%run_scoped3A : memref<!tpu.dma_semaphore, #tpu.memory_space<semaphore_mem>>) src(%dma_wait3A_46 : memref<80x128xf32, #tpu.memory_space<vmem_shared>>) dst(%arg13 : memref<80x128xf32, #tpu.memory_space<vmem>>)
          tpu.yield
        }) : () -> ()
        "tpu.region"() ({
          %run_scoped3A = tpu.sem_alloc : memref<!tpu.dma_semaphore, #tpu.memory_space<semaphore_mem>>
          %dma_start3A = arith.constant 0 : i32
          %dma_start3A_41 = arith.constant 0 : i32
          %dma_start3A_42 = tpu.memref_slice %arg8[%arg0, %dma_start3A, %dma_start3A_41] : memref<2x10000x128xf32, #tpu.memory_space<hbm>> -> memref<1x10000x128xf32, #tpu.memory_space<hbm>>
          %dma_start3A_43 = tpu.memref_squeeze %dma_start3A_42 : memref<1x10000x128xf32, #tpu.memory_space<hbm>> -> memref<10000x128xf32, #tpu.memory_space<hbm>>
          %dma_start3A_44 = arith.constant 0 : i32
          %dma_start3A_45 = tpu.memref_slice %dma_start3A_43[%mul3A_40, %dma_start3A_44] : memref<10000x128xf32, #tpu.memory_space<hbm>> -> memref<80x128xf32, #tpu.memory_space<hbm>>
          %dma_start3A_46 = arith.constant 0 : i32
          %dma_start3A_47 = arith.constant 0 : i32
          %dma_start3A_48 = tpu.memref_slice %arg8[%arg0, %dma_start3A_46, %dma_start3A_47] : memref<2x10000x128xf32, #tpu.memory_space<hbm>> -> memref<1x10000x128xf32, #tpu.memory_space<hbm>>
          %dma_start3A_49 = tpu.memref_squeeze %dma_start3A_48 : memref<1x10000x128xf32, #tpu.memory_space<hbm>> -> memref<10000x128xf32, #tpu.memory_space<hbm>>
          %dma_start3A_50 = arith.constant 0 : i32
          %dma_start3A_51 = tpu.memref_slice %dma_start3A_49[%mul3A_40, %dma_start3A_50] : memref<10000x128xf32, #tpu.memory_space<hbm>> -> memref<80x128xf32, #tpu.memory_space<hbm>>
          tpu.enqueue_dma source(%arg13 : memref<80x128xf32, #tpu.memory_space<vmem>>) target(%dma_start3A_51 : memref<80x128xf32, #tpu.memory_space<hbm>>) target_semaphore(%run_scoped3A : memref<!tpu.dma_semaphore, #tpu.memory_space<semaphore_mem>>)
          %dma_wait3A = arith.constant 0 : i32
          %dma_wait3A_52 = arith.constant 0 : i32
          %dma_wait3A_53 = tpu.memref_slice %arg8[%arg0, %dma_wait3A, %dma_wait3A_52] : memref<2x10000x128xf32, #tpu.memory_space<hbm>> -> memref<1x10000x128xf32, #tpu.memory_space<hbm>>
          %dma_wait3A_54 = tpu.memref_squeeze %dma_wait3A_53 : memref<1x10000x128xf32, #tpu.memory_space<hbm>> -> memref<10000x128xf32, #tpu.memory_space<hbm>>
          %dma_wait3A_55 = arith.constant 0 : i32
          %dma_wait3A_56 = tpu.memref_slice %dma_wait3A_54[%mul3A_40, %dma_wait3A_55] : memref<10000x128xf32, #tpu.memory_space<hbm>> -> memref<80x128xf32, #tpu.memory_space<hbm>>
          %dma_wait3A_57 = arith.constant 0 : i32
          %dma_wait3A_58 = arith.constant 0 : i32
          %dma_wait3A_59 = tpu.memref_slice %arg8[%arg0, %dma_wait3A_57, %dma_wait3A_58] : memref<2x10000x128xf32, #tpu.memory_space<hbm>> -> memref<1x10000x128xf32, #tpu.memory_space<hbm>>
          %dma_wait3A_60 = tpu.memref_squeeze %dma_wait3A_59 : memref<1x10000x128xf32, #tpu.memory_space<hbm>> -> memref<10000x128xf32, #tpu.memory_space<hbm>>
          %dma_wait3A_61 = arith.constant 0 : i32
          %dma_wait3A_62 = tpu.memref_slice %dma_wait3A_60[%mul3A_40, %dma_wait3A_61] : memref<10000x128xf32, #tpu.memory_space<hbm>> -> memref<80x128xf32, #tpu.memory_space<hbm>>
          tpu.wait_dma2 semaphore(%run_scoped3A : memref<!tpu.dma_semaphore, #tpu.memory_space<semaphore_mem>>) src(%arg13 : memref<80x128xf32, #tpu.memory_space<vmem>>) dst(%dma_wait3A_62 : memref<80x128xf32, #tpu.memory_space<hbm>>)
          tpu.yield
        }) : () -> ()
      } else {
      }
    }
    %scan3A_26 = arith.constant 8 : i32
    %scan3A_27 = arith.constant 0 : i32
    %scan3A_28 = arith.constant 0 : i32
    %scan3A_29 = arith.constant 5 : i32
    %scan3A_30 = arith.addi %scan3A_28, %scan3A_29 : i32
    %scan3A_31 = arith.constant 1 : i32
    scf.for %scan3A_33 = %scan3A_28 to %scan3A_30 step %scan3A_31  : i32 {
      %mul3A_34 = arith.constant 16 : i32
      %mul3A_35 = arith.muli %scan3A_33, %mul3A_34 : i32
      %add3A_36 = arith.addi %arg1, %mul3A_35 : i32
      %mul3A_37 = arith.constant 128 : i32
      %mul3A_38 = arith.muli %add3A_36, %mul3A_37 : i32
      %run_scoped3A = arith.constant 0 : i32
      "tpu.region"() ({
        %run_scoped3A_39 = tpu.sem_alloc : memref<!tpu.dma_semaphore, #tpu.memory_space<semaphore_mem>>
        %dma_start3A = arith.constant 0 : i32
        %dma_start3A_40 = tpu.memref_slice %arg15[%run_scoped3A, %dma_start3A] : memref<1x128xf32, #tpu.memory_space<vmem>> -> memref<1x128xf32, #tpu.memory_space<vmem>>
        %dma_start3A_41 = tpu.memref_squeeze %dma_start3A_40 : memref<1x128xf32, #tpu.memory_space<vmem>> -> memref<128xf32, #tpu.memory_space<vmem>>
        %dma_start3A_42 = tpu.memref_slice %arg18[%mul3A_38] : memref<10240xf32, #tpu.memory_space<vmem_shared>> -> memref<128xf32, #tpu.memory_space<vmem_shared>>
        %dma_start3A_43 = arith.constant 0 : i32
        %dma_start3A_44 = tpu.memref_slice %arg15[%run_scoped3A, %dma_start3A_43] : memref<1x128xf32, #tpu.memory_space<vmem>> -> memref<1x128xf32, #tpu.memory_space<vmem>>
        %dma_start3A_45 = tpu.memref_squeeze %dma_start3A_44 : memref<1x128xf32, #tpu.memory_space<vmem>> -> memref<128xf32, #tpu.memory_space<vmem>>
        %dma_start3A_46 = tpu.memref_slice %arg18[%mul3A_38] : memref<10240xf32, #tpu.memory_space<vmem_shared>> -> memref<128xf32, #tpu.memory_space<vmem_shared>>
        tpu.enqueue_dma source(%dma_start3A_46 : memref<128xf32, #tpu.memory_space<vmem_shared>>) target(%dma_start3A_45 : memref<128xf32, #tpu.memory_space<vmem>>) target_semaphore(%run_scoped3A_39 : memref<!tpu.dma_semaphore, #tpu.memory_space<semaphore_mem>>)
        %dma_wait3A = arith.constant 0 : i32
        %dma_wait3A_47 = tpu.memref_slice %arg15[%run_scoped3A, %dma_wait3A] : memref<1x128xf32, #tpu.memory_space<vmem>> -> memref<1x128xf32, #tpu.memory_space<vmem>>
        %dma_wait3A_48 = tpu.memref_squeeze %dma_wait3A_47 : memref<1x128xf32, #tpu.memory_space<vmem>> -> memref<128xf32, #tpu.memory_space<vmem>>
        %dma_wait3A_49 = tpu.memref_slice %arg18[%mul3A_38] : memref<10240xf32, #tpu.memory_space<vmem_shared>> -> memref<128xf32, #tpu.memory_space<vmem_shared>>
        %dma_wait3A_50 = arith.constant 0 : i32
        %dma_wait3A_51 = tpu.memref_slice %arg15[%run_scoped3A, %dma_wait3A_50] : memref<1x128xf32, #tpu.memory_space<vmem>> -> memref<1x128xf32, #tpu.memory_space<vmem>>
        %dma_wait3A_52 = tpu.memref_squeeze %dma_wait3A_51 : memref<1x128xf32, #tpu.memory_space<vmem>> -> memref<128xf32, #tpu.memory_space<vmem>>
        %dma_wait3A_53 = tpu.memref_slice %arg18[%mul3A_38] : memref<10240xf32, #tpu.memory_space<vmem_shared>> -> memref<128xf32, #tpu.memory_space<vmem_shared>>
        tpu.wait_dma2 semaphore(%run_scoped3A_39 : memref<!tpu.dma_semaphore, #tpu.memory_space<semaphore_mem>>) src(%dma_wait3A_53 : memref<128xf32, #tpu.memory_space<vmem_shared>>) dst(%dma_wait3A_52 : memref<128xf32, #tpu.memory_space<vmem>>)
        tpu.yield
      }) : () -> ()
      "tpu.region"() ({
        %run_scoped3A_39 = tpu.sem_alloc : memref<!tpu.dma_semaphore, #tpu.memory_space<semaphore_mem>>
        %dma_start3A = arith.constant 0 : i32
        %dma_start3A_40 = arith.constant 0 : i32
        %dma_start3A_41 = tpu.memref_slice %arg9[%arg0, %dma_start3A, %dma_start3A_40] : memref<2x80x128xf32, #tpu.memory_space<hbm>> -> memref<1x80x128xf32, #tpu.memory_space<hbm>>
        %dma_start3A_42 = tpu.memref_squeeze %dma_start3A_41 : memref<1x80x128xf32, #tpu.memory_space<hbm>> -> memref<80x128xf32, #tpu.memory_space<hbm>>
        %dma_start3A_43 = arith.constant 0 : i32
        %dma_start3A_44 = tpu.memref_slice %dma_start3A_42[%add3A_36, %dma_start3A_43] : memref<80x128xf32, #tpu.memory_space<hbm>> -> memref<1x128xf32, #tpu.memory_space<hbm>>
        %dma_start3A_45 = arith.constant 0 : i32
        %dma_start3A_46 = arith.constant 0 : i32
        %dma_start3A_47 = tpu.memref_slice %arg9[%arg0, %dma_start3A_45, %dma_start3A_46] : memref<2x80x128xf32, #tpu.memory_space<hbm>> -> memref<1x80x128xf32, #tpu.memory_space<hbm>>
        %dma_start3A_48 = tpu.memref_squeeze %dma_start3A_47 : memref<1x80x128xf32, #tpu.memory_space<hbm>> -> memref<80x128xf32, #tpu.memory_space<hbm>>
        %dma_start3A_49 = arith.constant 0 : i32
        %dma_start3A_50 = tpu.memref_slice %dma_start3A_48[%add3A_36, %dma_start3A_49] : memref<80x128xf32, #tpu.memory_space<hbm>> -> memref<1x128xf32, #tpu.memory_space<hbm>>
        tpu.enqueue_dma source(%arg15 : memref<1x128xf32, #tpu.memory_space<vmem>>) target(%dma_start3A_50 : memref<1x128xf32, #tpu.memory_space<hbm>>) target_semaphore(%run_scoped3A_39 : memref<!tpu.dma_semaphore, #tpu.memory_space<semaphore_mem>>)
        %dma_wait3A = arith.constant 0 : i32
        %dma_wait3A_51 = arith.constant 0 : i32
        %dma_wait3A_52 = tpu.memref_slice %arg9[%arg0, %dma_wait3A, %dma_wait3A_51] : memref<2x80x128xf32, #tpu.memory_space<hbm>> -> memref<1x80x128xf32, #tpu.memory_space<hbm>>
        %dma_wait3A_53 = tpu.memref_squeeze %dma_wait3A_52 : memref<1x80x128xf32, #tpu.memory_space<hbm>> -> memref<80x128xf32, #tpu.memory_space<hbm>>
        %dma_wait3A_54 = arith.constant 0 : i32
        %dma_wait3A_55 = tpu.memref_slice %dma_wait3A_53[%add3A_36, %dma_wait3A_54] : memref<80x128xf32, #tpu.memory_space<hbm>> -> memref<1x128xf32, #tpu.memory_space<hbm>>
        %dma_wait3A_56 = arith.constant 0 : i32
        %dma_wait3A_57 = arith.constant 0 : i32
        %dma_wait3A_58 = tpu.memref_slice %arg9[%arg0, %dma_wait3A_56, %dma_wait3A_57] : memref<2x80x128xf32, #tpu.memory_space<hbm>> -> memref<1x80x128xf32, #tpu.memory_space<hbm>>
        %dma_wait3A_59 = tpu.memref_squeeze %dma_wait3A_58 : memref<1x80x128xf32, #tpu.memory_space<hbm>> -> memref<80x128xf32, #tpu.memory_space<hbm>>
        %dma_wait3A_60 = arith.constant 0 : i32
        %dma_wait3A_61 = tpu.memref_slice %dma_wait3A_59[%add3A_36, %dma_wait3A_60] : memref<80x128xf32, #tpu.memory_space<hbm>> -> memref<1x128xf32, #tpu.memory_space<hbm>>
        tpu.wait_dma2 semaphore(%run_scoped3A_39 : memref<!tpu.dma_semaphore, #tpu.memory_space<semaphore_mem>>) src(%arg15 : memref<1x128xf32, #tpu.memory_space<vmem>>) dst(%dma_wait3A_61 : memref<1x128xf32, #tpu.memory_space<hbm>>)
        tpu.yield
      }) : () -> ()
    }
    %scan3A_32 = arith.constant 5 : i32
    return
  }
}

#map = affine_map<(d0, d1) -> (0, 0)>
#map1 = affine_map<(d0, d1) -> (0)>
#map2 = affine_map<(d0, d1) -> (0, 0, 0)>
module attributes {stable_mosaic.version = 14 : i64} {
  func.func @seg(%arg0: i32, %arg1: i32, %arg2: memref<10000x128xf32, #tpu.memory_space<hbm>>, %arg3: memref<320000xi32, #tpu.memory_space<hbm>>, %arg4: memref<320000xi32, #tpu.memory_space<hbm>>, %arg5: memref<80x128xf32, #tpu.memory_space<hbm>>, %arg6: memref<80xf32, #tpu.memory_space<hbm>>, %arg7: memref<128xf32, #tpu.memory_space<hbm>>, %arg8: memref<2x10000x128xf32, #tpu.memory_space<hbm>>, %arg9: memref<2x80x128xf32, #tpu.memory_space<hbm>>, %arg10: memref<80xi32, #tpu.memory_space<vmem>>, %arg11: memref<80xi32, #tpu.memory_space<vmem>>, %arg12: memref<80x128xf32, #tpu.memory_space<vmem>>, %arg13: memref<80x128xf32, #tpu.memory_space<vmem>>, %arg14: memref<80xf32, #tpu.memory_space<vmem>>, %arg15: memref<1x128xf32, #tpu.memory_space<vmem>>, %arg16: memref<128xf32, #tpu.memory_space<vmem>>, %arg17: memref<10000x128xf32, #tpu.memory_space<vmem_shared>>, %arg18: memref<10240xf32, #tpu.memory_space<vmem_shared>>, %arg19: memref<!tpu.dma_semaphore, #tpu.memory_space<semaphore_mem>>) attributes {dimension_semantics = [#tpu.dimension_semantics<core_parallel>, #tpu.dimension_semantics<subcore_parallel>], iteration_bounds = array<i64: 2, 16>, scalar_prefetch = 0 : i64, scratch_operands = 10 : i64, tpu.core_type = #tpu.core_type<sc_vector_subcore>, window_params = [{transform_indices = #map}, {transform_indices = #map1}, {transform_indices = #map1}, {transform_indices = #map}, {transform_indices = #map1}, {transform_indices = #map1}, {transform_indices = #map2}, {transform_indices = #map2}]} {
    %mul3A = arith.constant 2 : i32
    %mul3A_0 = arith.muli %arg1, %mul3A : i32
    %add3A = arith.addi %mul3A_0, %arg0 : i32
    "tpu.region"() ({
      %run_scoped3A = tpu.sem_alloc : memref<!tpu.dma_semaphore, #tpu.memory_space<semaphore_mem>>
      tpu.enqueue_dma source(%arg5 : memref<80x128xf32, #tpu.memory_space<hbm>>) target(%arg13 : memref<80x128xf32, #tpu.memory_space<vmem>>) target_semaphore(%run_scoped3A : memref<!tpu.dma_semaphore, #tpu.memory_space<semaphore_mem>>)
      tpu.wait_dma2 semaphore(%run_scoped3A : memref<!tpu.dma_semaphore, #tpu.memory_space<semaphore_mem>>) src(%arg5 : memref<80x128xf32, #tpu.memory_space<hbm>>) dst(%arg13 : memref<80x128xf32, #tpu.memory_space<vmem>>)
      tpu.yield
    }) : () -> ()
    "tpu.region"() ({
      %run_scoped3A = tpu.sem_alloc : memref<!tpu.dma_semaphore, #tpu.memory_space<semaphore_mem>>
      tpu.enqueue_dma source(%arg7 : memref<128xf32, #tpu.memory_space<hbm>>) target(%arg16 : memref<128xf32, #tpu.memory_space<vmem>>) target_semaphore(%run_scoped3A : memref<!tpu.dma_semaphore, #tpu.memory_space<semaphore_mem>>)
      tpu.wait_dma2 semaphore(%run_scoped3A : memref<!tpu.dma_semaphore, #tpu.memory_space<semaphore_mem>>) src(%arg7 : memref<128xf32, #tpu.memory_space<hbm>>) dst(%arg16 : memref<128xf32, #tpu.memory_space<vmem>>)
      tpu.yield
    }) : () -> ()
    "tpu.region"() ({
      %run_scoped3A = tpu.sem_alloc : memref<!tpu.dma_semaphore, #tpu.memory_space<semaphore_mem>>
      tpu.enqueue_dma source(%arg6 : memref<80xf32, #tpu.memory_space<hbm>>) target(%arg14 : memref<80xf32, #tpu.memory_space<vmem>>) target_semaphore(%run_scoped3A : memref<!tpu.dma_semaphore, #tpu.memory_space<semaphore_mem>>)
      tpu.wait_dma2 semaphore(%run_scoped3A : memref<!tpu.dma_semaphore, #tpu.memory_space<semaphore_mem>>) src(%arg6 : memref<80xf32, #tpu.memory_space<hbm>>) dst(%arg14 : memref<80xf32, #tpu.memory_space<vmem>>)
      tpu.yield
    }) : () -> ()
    %scan3A = arith.constant 0 : i32
    %scan3A_1 = arith.constant 0 : i32
    %scan3A_2 = arith.constant 8 : i32
    %scan3A_3 = arith.addi %scan3A_1, %scan3A_2 : i32
    %scan3A_4 = arith.constant 1 : i32
    scf.for %scan3A_33 = %scan3A_1 to %scan3A_3 step %scan3A_4  : i32 {
      %mul3A_34 = arith.constant 16 : i32
      %mul3A_35 = arith.muli %scan3A_33, %mul3A_34 : i32
      %add3A_36 = arith.addi %arg1, %mul3A_35 : i32
      %lt3A = arith.constant 125 : i32
      %lt3A_37 = arith.cmpi slt, %add3A_36, %lt3A : i32
      %convert_element_type3A = arith.extui %lt3A_37 : i1 to i32
      %cond3A = arith.constant 0 : i32
      %cond3A_38 = arith.cmpi ne, %convert_element_type3A, %cond3A : i32
      scf.if %cond3A_38 {
        %mul3A_39 = arith.constant 80 : i32
        %mul3A_40 = arith.muli %add3A_36, %mul3A_39 : i32
        "tpu.region"() ({
          %run_scoped3A = tpu.sem_alloc : memref<!tpu.dma_semaphore, #tpu.memory_space<semaphore_mem>>
          %dma_start3A = arith.constant 0 : i32
          %dma_start3A_41 = tpu.memref_slice %arg17[%mul3A_40, %dma_start3A] : memref<10000x128xf32, #tpu.memory_space<vmem_shared>> -> memref<80x128xf32, #tpu.memory_space<vmem_shared>>
          %dma_start3A_42 = arith.constant 0 : i32
          %dma_start3A_43 = tpu.memref_slice %arg17[%mul3A_40, %dma_start3A_42] : memref<10000x128xf32, #tpu.memory_space<vmem_shared>> -> memref<80x128xf32, #tpu.memory_space<vmem_shared>>
          tpu.enqueue_dma source(%arg13 : memref<80x128xf32, #tpu.memory_space<vmem>>) target(%dma_start3A_43 : memref<80x128xf32, #tpu.memory_space<vmem_shared>>) target_semaphore(%run_scoped3A : memref<!tpu.dma_semaphore, #tpu.memory_space<semaphore_mem>>)
          %dma_wait3A = arith.constant 0 : i32
          %dma_wait3A_44 = tpu.memref_slice %arg17[%mul3A_40, %dma_wait3A] : memref<10000x128xf32, #tpu.memory_space<vmem_shared>> -> memref<80x128xf32, #tpu.memory_space<vmem_shared>>
          %dma_wait3A_45 = arith.constant 0 : i32
          %dma_wait3A_46 = tpu.memref_slice %arg17[%mul3A_40, %dma_wait3A_45] : memref<10000x128xf32, #tpu.memory_space<vmem_shared>> -> memref<80x128xf32, #tpu.memory_space<vmem_shared>>
          tpu.wait_dma2 semaphore(%run_scoped3A : memref<!tpu.dma_semaphore, #tpu.memory_space<semaphore_mem>>) src(%arg13 : memref<80x128xf32, #tpu.memory_space<vmem>>) dst(%dma_wait3A_46 : memref<80x128xf32, #tpu.memory_space<vmem_shared>>)
          tpu.yield
        }) : () -> ()
      } else {
      }
    }
    %scan3A_5 = arith.constant 8 : i32
    %scan3A_6 = arith.constant 0 : i32
    %scan3A_7 = arith.constant 0 : i32
    %scan3A_8 = arith.constant 5 : i32
    %scan3A_9 = arith.addi %scan3A_7, %scan3A_8 : i32
    %scan3A_10 = arith.constant 1 : i32
    scf.for %scan3A_33 = %scan3A_7 to %scan3A_9 step %scan3A_10  : i32 {
      %mul3A_34 = arith.constant 16 : i32
      %mul3A_35 = arith.muli %scan3A_33, %mul3A_34 : i32
      %add3A_36 = arith.addi %arg1, %mul3A_35 : i32
      %mul3A_37 = arith.constant 128 : i32
      %mul3A_38 = arith.muli %add3A_36, %mul3A_37 : i32
      "tpu.region"() ({
        %run_scoped3A = tpu.sem_alloc : memref<!tpu.dma_semaphore, #tpu.memory_space<semaphore_mem>>
        %dma_start3A = tpu.memref_slice %arg18[%mul3A_38] : memref<10240xf32, #tpu.memory_space<vmem_shared>> -> memref<128xf32, #tpu.memory_space<vmem_shared>>
        %dma_start3A_39 = tpu.memref_slice %arg18[%mul3A_38] : memref<10240xf32, #tpu.memory_space<vmem_shared>> -> memref<128xf32, #tpu.memory_space<vmem_shared>>
        tpu.enqueue_dma source(%arg16 : memref<128xf32, #tpu.memory_space<vmem>>) target(%dma_start3A_39 : memref<128xf32, #tpu.memory_space<vmem_shared>>) target_semaphore(%run_scoped3A : memref<!tpu.dma_semaphore, #tpu.memory_space<semaphore_mem>>)
        %dma_wait3A = tpu.memref_slice %arg18[%mul3A_38] : memref<10240xf32, #tpu.memory_space<vmem_shared>> -> memref<128xf32, #tpu.memory_space<vmem_shared>>
        %dma_wait3A_40 = tpu.memref_slice %arg18[%mul3A_38] : memref<10240xf32, #tpu.memory_space<vmem_shared>> -> memref<128xf32, #tpu.memory_space<vmem_shared>>
        tpu.wait_dma2 semaphore(%run_scoped3A : memref<!tpu.dma_semaphore, #tpu.memory_space<semaphore_mem>>) src(%arg16 : memref<128xf32, #tpu.memory_space<vmem>>) dst(%dma_wait3A_40 : memref<128xf32, #tpu.memory_space<vmem_shared>>)
        tpu.yield
      }) : () -> ()
    }
    %scan3A_11 = arith.constant 5 : i32
    %barrier3A = arith.constant 0 : index
    tpu.barrier barrier_id(%barrier3A)
    %mul3A_12 = arith.constant 10000 : i32
    %mul3A_13 = arith.muli %add3A, %mul3A_12 : i32
    %scan3A_14 = arith.constant 0 : i32
    %scan3A_15 = arith.constant 0 : i32
    %scan3A_16 = arith.constant 125 : i32
    %scan3A_17 = arith.addi %scan3A_15, %scan3A_16 : i32
    %scan3A_18 = arith.constant 1 : i32
    scf.for %scan3A_33 = %scan3A_15 to %scan3A_17 step %scan3A_18  : i32 {
      %mul3A_34 = arith.constant 80 : i32
      %mul3A_35 = arith.muli %scan3A_33, %mul3A_34 : i32
      %add3A_36 = arith.addi %mul3A_13, %mul3A_35 : i32
      "tpu.region"() ({
        %run_scoped3A = tpu.sem_alloc : memref<!tpu.dma_semaphore, #tpu.memory_space<semaphore_mem>>
        %dma_start3A_41 = tpu.memref_slice %arg3[%add3A_36] : memref<320000xi32, #tpu.memory_space<hbm>> -> memref<80xi32, #tpu.memory_space<hbm>>
        %dma_start3A_42 = tpu.memref_slice %arg3[%add3A_36] : memref<320000xi32, #tpu.memory_space<hbm>> -> memref<80xi32, #tpu.memory_space<hbm>>
        tpu.enqueue_dma source(%dma_start3A_42 : memref<80xi32, #tpu.memory_space<hbm>>) target(%arg10 : memref<80xi32, #tpu.memory_space<vmem>>) target_semaphore(%run_scoped3A : memref<!tpu.dma_semaphore, #tpu.memory_space<semaphore_mem>>)
        %dma_wait3A_43 = tpu.memref_slice %arg3[%add3A_36] : memref<320000xi32, #tpu.memory_space<hbm>> -> memref<80xi32, #tpu.memory_space<hbm>>
        %dma_wait3A_44 = tpu.memref_slice %arg3[%add3A_36] : memref<320000xi32, #tpu.memory_space<hbm>> -> memref<80xi32, #tpu.memory_space<hbm>>
        tpu.wait_dma2 semaphore(%run_scoped3A : memref<!tpu.dma_semaphore, #tpu.memory_space<semaphore_mem>>) src(%dma_wait3A_44 : memref<80xi32, #tpu.memory_space<hbm>>) dst(%arg10 : memref<80xi32, #tpu.memory_space<vmem>>)
        tpu.yield
      }) : () -> ()
      "tpu.region"() ({
        %run_scoped3A = tpu.sem_alloc : memref<!tpu.dma_semaphore, #tpu.memory_space<semaphore_mem>>
        %dma_start3A_41 = tpu.memref_slice %arg4[%add3A_36] : memref<320000xi32, #tpu.memory_space<hbm>> -> memref<80xi32, #tpu.memory_space<hbm>>
        %dma_start3A_42 = tpu.memref_slice %arg4[%add3A_36] : memref<320000xi32, #tpu.memory_space<hbm>> -> memref<80xi32, #tpu.memory_space<hbm>>
        tpu.enqueue_dma source(%dma_start3A_42 : memref<80xi32, #tpu.memory_space<hbm>>) target(%arg11 : memref<80xi32, #tpu.memory_space<vmem>>) target_semaphore(%run_scoped3A : memref<!tpu.dma_semaphore, #tpu.memory_space<semaphore_mem>>)
        %dma_wait3A_43 = tpu.memref_slice %arg4[%add3A_36] : memref<320000xi32, #tpu.memory_space<hbm>> -> memref<80xi32, #tpu.memory_space<hbm>>
        %dma_wait3A_44 = tpu.memref_slice %arg4[%add3A_36] : memref<320000xi32, #tpu.memory_space<hbm>> -> memref<80xi32, #tpu.memory_space<hbm>>
        tpu.wait_dma2 semaphore(%run_scoped3A : memref<!tpu.dma_semaphore, #tpu.memory_space<semaphore_mem>>) src(%dma_wait3A_44 : memref<80xi32, #tpu.memory_space<hbm>>) dst(%arg11 : memref<80xi32, #tpu.memory_space<vmem>>)
        tpu.yield
      }) : () -> ()
      %dma_start3A = arith.constant 0 : i32
      %dma_start3A_37 = arith.constant 0 : i32
      %dma_start3A_38 = tpu.memref_slice %arg2[%dma_start3A, %dma_start3A_37] : memref<10000x128xf32, #tpu.memory_space<hbm>> -> memref<10000x128xf32, #tpu.memory_space<hbm>>
      tpu.enqueue_indirect_dma source(%dma_start3A_38 : memref<10000x128xf32, #tpu.memory_space<hbm>>) target(%arg12 : memref<80x128xf32, #tpu.memory_space<vmem>>) offsets(%arg10 : memref<80xi32, #tpu.memory_space<vmem>>) semaphore(%arg19 : memref<!tpu.dma_semaphore, #tpu.memory_space<semaphore_mem>>)
      %dma_wait3A = arith.constant 0 : i32
      %dma_wait3A_39 = arith.constant 0 : i32
      %dma_wait3A_40 = tpu.memref_slice %arg2[%dma_wait3A, %dma_wait3A_39] : memref<10000x128xf32, #tpu.memory_space<hbm>> -> memref<10000x128xf32, #tpu.memory_space<hbm>>
      tpu.wait_indirect_dma semaphore(%arg19 : memref<!tpu.dma_semaphore, #tpu.memory_space<semaphore_mem>>) src(%dma_wait3A_40 : memref<10000x128xf32, #tpu.memory_space<hbm>>) dst(%arg12 : memref<80x128xf32, #tpu.memory_space<vmem>>)
      "tpu.region"() ({
        %run_scoped3A = tpu.sem_alloc : memref<!tpu.dma_semaphore, #tpu.memory_space<semaphore_mem>>
        %dma_start3A_41 = arith.constant 0 : i32
        %dma_start3A_42 = arith.constant 0 : i32
        %dma_start3A_43 = tpu.memref_slice %arg17[%dma_start3A_41, %dma_start3A_42] : memref<10000x128xf32, #tpu.memory_space<vmem_shared>> -> memref<10000x128xf32, #tpu.memory_space<vmem_shared>>
        tpu.enqueue_indirect_dma source(%arg12 : memref<80x128xf32, #tpu.memory_space<vmem>>) target(%dma_start3A_43 : memref<10000x128xf32, #tpu.memory_space<vmem_shared>>) offsets(%arg11 : memref<80xi32, #tpu.memory_space<vmem>>) semaphore(%run_scoped3A : memref<!tpu.dma_semaphore, #tpu.memory_space<semaphore_mem>>) {add = true}
        %dma_wait3A_44 = arith.constant 0 : i32
        %dma_wait3A_45 = arith.constant 0 : i32
        %dma_wait3A_46 = tpu.memref_slice %arg17[%dma_wait3A_44, %dma_wait3A_45] : memref<10000x128xf32, #tpu.memory_space<vmem_shared>> -> memref<10000x128xf32, #tpu.memory_space<vmem_shared>>
        tpu.wait_indirect_dma semaphore(%run_scoped3A : memref<!tpu.dma_semaphore, #tpu.memory_space<semaphore_mem>>) src(%arg12 : memref<80x128xf32, #tpu.memory_space<vmem>>) dst(%dma_wait3A_46 : memref<10000x128xf32, #tpu.memory_space<vmem_shared>>)
        tpu.yield
      }) : () -> ()
      "tpu.region"() ({
        %run_scoped3A = tpu.sem_alloc : memref<!tpu.dma_semaphore, #tpu.memory_space<semaphore_mem>>
        %dma_start3A_41 = arith.constant 0 : i32
        %dma_start3A_42 = tpu.memref_slice %arg18[%dma_start3A_41] : memref<10240xf32, #tpu.memory_space<vmem_shared>> -> memref<10240xf32, #tpu.memory_space<vmem_shared>>
        tpu.enqueue_indirect_dma source(%arg14 : memref<80xf32, #tpu.memory_space<vmem>>) target(%dma_start3A_42 : memref<10240xf32, #tpu.memory_space<vmem_shared>>) offsets(%arg11 : memref<80xi32, #tpu.memory_space<vmem>>) semaphore(%run_scoped3A : memref<!tpu.dma_semaphore, #tpu.memory_space<semaphore_mem>>) {add = true}
        %dma_wait3A_43 = arith.constant 0 : i32
        %dma_wait3A_44 = tpu.memref_slice %arg18[%dma_wait3A_43] : memref<10240xf32, #tpu.memory_space<vmem_shared>> -> memref<10240xf32, #tpu.memory_space<vmem_shared>>
        tpu.wait_indirect_dma semaphore(%run_scoped3A : memref<!tpu.dma_semaphore, #tpu.memory_space<semaphore_mem>>) src(%arg14 : memref<80xf32, #tpu.memory_space<vmem>>) dst(%dma_wait3A_44 : memref<10240xf32, #tpu.memory_space<vmem_shared>>)
        tpu.yield
      }) : () -> ()
    }
    %scan3A_19 = arith.constant 125 : i32
    %barrier3A_20 = arith.constant 0 : index
    tpu.barrier barrier_id(%barrier3A_20)
    %scan3A_21 = arith.constant 0 : i32
    %scan3A_22 = arith.constant 0 : i32
    %scan3A_23 = arith.constant 8 : i32
    %scan3A_24 = arith.addi %scan3A_22, %scan3A_23 : i32
    %scan3A_25 = arith.constant 1 : i32
    scf.for %scan3A_33 = %scan3A_22 to %scan3A_24 step %scan3A_25  : i32 {
      %mul3A_34 = arith.constant 16 : i32
      %mul3A_35 = arith.muli %scan3A_33, %mul3A_34 : i32
      %add3A_36 = arith.addi %arg1, %mul3A_35 : i32
      %lt3A = arith.constant 125 : i32
      %lt3A_37 = arith.cmpi slt, %add3A_36, %lt3A : i32
      %convert_element_type3A = arith.extui %lt3A_37 : i1 to i32
      %cond3A = arith.constant 0 : i32
      %cond3A_38 = arith.cmpi ne, %convert_element_type3A, %cond3A : i32
      scf.if %cond3A_38 {
        %mul3A_39 = arith.constant 80 : i32
        %mul3A_40 = arith.muli %add3A_36, %mul3A_39 : i32
        "tpu.region"() ({
          %run_scoped3A = tpu.sem_alloc : memref<!tpu.dma_semaphore, #tpu.memory_space<semaphore_mem>>
          %dma_start3A = arith.constant 0 : i32
          %dma_start3A_41 = tpu.memref_slice %arg17[%mul3A_40, %dma_start3A] : memref<10000x128xf32, #tpu.memory_space<vmem_shared>> -> memref<80x128xf32, #tpu.memory_space<vmem_shared>>
          %dma_start3A_42 = arith.constant 0 : i32
          %dma_start3A_43 = tpu.memref_slice %arg17[%mul3A_40, %dma_start3A_42] : memref<10000x128xf32, #tpu.memory_space<vmem_shared>> -> memref<80x128xf32, #tpu.memory_space<vmem_shared>>
          tpu.enqueue_dma source(%dma_start3A_43 : memref<80x128xf32, #tpu.memory_space<vmem_shared>>) target(%arg13 : memref<80x128xf32, #tpu.memory_space<vmem>>) target_semaphore(%run_scoped3A : memref<!tpu.dma_semaphore, #tpu.memory_space<semaphore_mem>>)
          %dma_wait3A = arith.constant 0 : i32
          %dma_wait3A_44 = tpu.memref_slice %arg17[%mul3A_40, %dma_wait3A] : memref<10000x128xf32, #tpu.memory_space<vmem_shared>> -> memref<80x128xf32, #tpu.memory_space<vmem_shared>>
          %dma_wait3A_45 = arith.constant 0 : i32
          %dma_wait3A_46 = tpu.memref_slice %arg17[%mul3A_40, %dma_wait3A_45] : memref<10000x128xf32, #tpu.memory_space<vmem_shared>> -> memref<80x128xf32, #tpu.memory_space<vmem_shared>>
          tpu.wait_dma2 semaphore(%run_scoped3A : memref<!tpu.dma_semaphore, #tpu.memory_space<semaphore_mem>>) src(%dma_wait3A_46 : memref<80x128xf32, #tpu.memory_space<vmem_shared>>) dst(%arg13 : memref<80x128xf32, #tpu.memory_space<vmem>>)
          tpu.yield
        }) : () -> ()
        "tpu.region"() ({
          %run_scoped3A = tpu.sem_alloc : memref<!tpu.dma_semaphore, #tpu.memory_space<semaphore_mem>>
          %dma_start3A = arith.constant 0 : i32
          %dma_start3A_41 = arith.constant 0 : i32
          %dma_start3A_42 = tpu.memref_slice %arg8[%arg0, %dma_start3A, %dma_start3A_41] : memref<2x10000x128xf32, #tpu.memory_space<hbm>> -> memref<1x10000x128xf32, #tpu.memory_space<hbm>>
          %dma_start3A_43 = tpu.memref_squeeze %dma_start3A_42 : memref<1x10000x128xf32, #tpu.memory_space<hbm>> -> memref<10000x128xf32, #tpu.memory_space<hbm>>
          %dma_start3A_44 = arith.constant 0 : i32
          %dma_start3A_45 = tpu.memref_slice %dma_start3A_43[%mul3A_40, %dma_start3A_44] : memref<10000x128xf32, #tpu.memory_space<hbm>> -> memref<80x128xf32, #tpu.memory_space<hbm>>
          %dma_start3A_46 = arith.constant 0 : i32
          %dma_start3A_47 = arith.constant 0 : i32
          %dma_start3A_48 = tpu.memref_slice %arg8[%arg0, %dma_start3A_46, %dma_start3A_47] : memref<2x10000x128xf32, #tpu.memory_space<hbm>> -> memref<1x10000x128xf32, #tpu.memory_space<hbm>>
          %dma_start3A_49 = tpu.memref_squeeze %dma_start3A_48 : memref<1x10000x128xf32, #tpu.memory_space<hbm>> -> memref<10000x128xf32, #tpu.memory_space<hbm>>
          %dma_start3A_50 = arith.constant 0 : i32
          %dma_start3A_51 = tpu.memref_slice %dma_start3A_49[%mul3A_40, %dma_start3A_50] : memref<10000x128xf32, #tpu.memory_space<hbm>> -> memref<80x128xf32, #tpu.memory_space<hbm>>
          tpu.enqueue_dma source(%arg13 : memref<80x128xf32, #tpu.memory_space<vmem>>) target(%dma_start3A_51 : memref<80x128xf32, #tpu.memory_space<hbm>>) target_semaphore(%run_scoped3A : memref<!tpu.dma_semaphore, #tpu.memory_space<semaphore_mem>>)
          %dma_wait3A = arith.constant 0 : i32
          %dma_wait3A_52 = arith.constant 0 : i32
          %dma_wait3A_53 = tpu.memref_slice %arg8[%arg0, %dma_wait3A, %dma_wait3A_52] : memref<2x10000x128xf32, #tpu.memory_space<hbm>> -> memref<1x10000x128xf32, #tpu.memory_space<hbm>>
          %dma_wait3A_54 = tpu.memref_squeeze %dma_wait3A_53 : memref<1x10000x128xf32, #tpu.memory_space<hbm>> -> memref<10000x128xf32, #tpu.memory_space<hbm>>
          %dma_wait3A_55 = arith.constant 0 : i32
          %dma_wait3A_56 = tpu.memref_slice %dma_wait3A_54[%mul3A_40, %dma_wait3A_55] : memref<10000x128xf32, #tpu.memory_space<hbm>> -> memref<80x128xf32, #tpu.memory_space<hbm>>
          %dma_wait3A_57 = arith.constant 0 : i32
          %dma_wait3A_58 = arith.constant 0 : i32
          %dma_wait3A_59 = tpu.memref_slice %arg8[%arg0, %dma_wait3A_57, %dma_wait3A_58] : memref<2x10000x128xf32, #tpu.memory_space<hbm>> -> memref<1x10000x128xf32, #tpu.memory_space<hbm>>
          %dma_wait3A_60 = tpu.memref_squeeze %dma_wait3A_59 : memref<1x10000x128xf32, #tpu.memory_space<hbm>> -> memref<10000x128xf32, #tpu.memory_space<hbm>>
          %dma_wait3A_61 = arith.constant 0 : i32
          %dma_wait3A_62 = tpu.memref_slice %dma_wait3A_60[%mul3A_40, %dma_wait3A_61] : memref<10000x128xf32, #tpu.memory_space<hbm>> -> memref<80x128xf32, #tpu.memory_space<hbm>>
          tpu.wait_dma2 semaphore(%run_scoped3A : memref<!tpu.dma_semaphore, #tpu.memory_space<semaphore_mem>>) src(%arg13 : memref<80x128xf32, #tpu.memory_space<vmem>>) dst(%dma_wait3A_62 : memref<80x128xf32, #tpu.memory_space<hbm>>)
          tpu.yield
        }) : () -> ()
      } else {
      }
    }
    %scan3A_26 = arith.constant 8 : i32
    %scan3A_27 = arith.constant 0 : i32
    %scan3A_28 = arith.constant 0 : i32
    %scan3A_29 = arith.constant 5 : i32
    %scan3A_30 = arith.addi %scan3A_28, %scan3A_29 : i32
    %scan3A_31 = arith.constant 1 : i32
    scf.for %scan3A_33 = %scan3A_28 to %scan3A_30 step %scan3A_31  : i32 {
      %mul3A_34 = arith.constant 16 : i32
      %mul3A_35 = arith.muli %scan3A_33, %mul3A_34 : i32
      %add3A_36 = arith.addi %arg1, %mul3A_35 : i32
      %mul3A_37 = arith.constant 128 : i32
      %mul3A_38 = arith.muli %add3A_36, %mul3A_37 : i32
      %run_scoped3A = arith.constant 0 : i32
      "tpu.region"() ({
        %run_scoped3A_39 = tpu.sem_alloc : memref<!tpu.dma_semaphore, #tpu.memory_space<semaphore_mem>>
        %dma_start3A = arith.constant 0 : i32
        %dma_start3A_40 = tpu.memref_slice %arg15[%run_scoped3A, %dma_start3A] : memref<1x128xf32, #tpu.memory_space<vmem>> -> memref<1x128xf32, #tpu.memory_space<vmem>>
        %dma_start3A_41 = tpu.memref_squeeze %dma_start3A_40 : memref<1x128xf32, #tpu.memory_space<vmem>> -> memref<128xf32, #tpu.memory_space<vmem>>
        %dma_start3A_42 = tpu.memref_slice %arg18[%mul3A_38] : memref<10240xf32, #tpu.memory_space<vmem_shared>> -> memref<128xf32, #tpu.memory_space<vmem_shared>>
        %dma_start3A_43 = arith.constant 0 : i32
        %dma_start3A_44 = tpu.memref_slice %arg15[%run_scoped3A, %dma_start3A_43] : memref<1x128xf32, #tpu.memory_space<vmem>> -> memref<1x128xf32, #tpu.memory_space<vmem>>
        %dma_start3A_45 = tpu.memref_squeeze %dma_start3A_44 : memref<1x128xf32, #tpu.memory_space<vmem>> -> memref<128xf32, #tpu.memory_space<vmem>>
        %dma_start3A_46 = tpu.memref_slice %arg18[%mul3A_38] : memref<10240xf32, #tpu.memory_space<vmem_shared>> -> memref<128xf32, #tpu.memory_space<vmem_shared>>
        tpu.enqueue_dma source(%dma_start3A_46 : memref<128xf32, #tpu.memory_space<vmem_shared>>) target(%dma_start3A_45 : memref<128xf32, #tpu.memory_space<vmem>>) target_semaphore(%run_scoped3A_39 : memref<!tpu.dma_semaphore, #tpu.memory_space<semaphore_mem>>)
        %dma_wait3A = arith.constant 0 : i32
        %dma_wait3A_47 = tpu.memref_slice %arg15[%run_scoped3A, %dma_wait3A] : memref<1x128xf32, #tpu.memory_space<vmem>> -> memref<1x128xf32, #tpu.memory_space<vmem>>
        %dma_wait3A_48 = tpu.memref_squeeze %dma_wait3A_47 : memref<1x128xf32, #tpu.memory_space<vmem>> -> memref<128xf32, #tpu.memory_space<vmem>>
        %dma_wait3A_49 = tpu.memref_slice %arg18[%mul3A_38] : memref<10240xf32, #tpu.memory_space<vmem_shared>> -> memref<128xf32, #tpu.memory_space<vmem_shared>>
        %dma_wait3A_50 = arith.constant 0 : i32
        %dma_wait3A_51 = tpu.memref_slice %arg15[%run_scoped3A, %dma_wait3A_50] : memref<1x128xf32, #tpu.memory_space<vmem>> -> memref<1x128xf32, #tpu.memory_space<vmem>>
        %dma_wait3A_52 = tpu.memref_squeeze %dma_wait3A_51 : memref<1x128xf32, #tpu.memory_space<vmem>> -> memref<128xf32, #tpu.memory_space<vmem>>
        %dma_wait3A_53 = tpu.memref_slice %arg18[%mul3A_38] : memref<10240xf32, #tpu.memory_space<vmem_shared>> -> memref<128xf32, #tpu.memory_space<vmem_shared>>
        tpu.wait_dma2 semaphore(%run_scoped3A_39 : memref<!tpu.dma_semaphore, #tpu.memory_space<semaphore_mem>>) src(%dma_wait3A_53 : memref<128xf32, #tpu.memory_space<vmem_shared>>) dst(%dma_wait3A_52 : memref<128xf32, #tpu.memory_space<vmem>>)
        tpu.yield
      }) : () -> ()
      "tpu.region"() ({
        %run_scoped3A_39 = tpu.sem_alloc : memref<!tpu.dma_semaphore, #tpu.memory_space<semaphore_mem>>
        %dma_start3A = arith.constant 0 : i32
        %dma_start3A_40 = arith.constant 0 : i32
        %dma_start3A_41 = tpu.memref_slice %arg9[%arg0, %dma_start3A, %dma_start3A_40] : memref<2x80x128xf32, #tpu.memory_space<hbm>> -> memref<1x80x128xf32, #tpu.memory_space<hbm>>
        %dma_start3A_42 = tpu.memref_squeeze %dma_start3A_41 : memref<1x80x128xf32, #tpu.memory_space<hbm>> -> memref<80x128xf32, #tpu.memory_space<hbm>>
        %dma_start3A_43 = arith.constant 0 : i32
        %dma_start3A_44 = tpu.memref_slice %dma_start3A_42[%add3A_36, %dma_start3A_43] : memref<80x128xf32, #tpu.memory_space<hbm>> -> memref<1x128xf32, #tpu.memory_space<hbm>>
        %dma_start3A_45 = arith.constant 0 : i32
        %dma_start3A_46 = arith.constant 0 : i32
        %dma_start3A_47 = tpu.memref_slice %arg9[%arg0, %dma_start3A_45, %dma_start3A_46] : memref<2x80x128xf32, #tpu.memory_space<hbm>> -> memref<1x80x128xf32, #tpu.memory_space<hbm>>
        %dma_start3A_48 = tpu.memref_squeeze %dma_start3A_47 : memref<1x80x128xf32, #tpu.memory_space<hbm>> -> memref<80x128xf32, #tpu.memory_space<hbm>>
        %dma_start3A_49 = arith.constant 0 : i32
        %dma_start3A_50 = tpu.memref_slice %dma_start3A_48[%add3A_36, %dma_start3A_49] : memref<80x128xf32, #tpu.memory_space<hbm>> -> memref<1x128xf32, #tpu.memory_space<hbm>>
        tpu.enqueue_dma source(%arg15 : memref<1x128xf32, #tpu.memory_space<vmem>>) target(%dma_start3A_50 : memref<1x128xf32, #tpu.memory_space<hbm>>) target_semaphore(%run_scoped3A_39 : memref<!tpu.dma_semaphore, #tpu.memory_space<semaphore_mem>>)
        %dma_wait3A = arith.constant 0 : i32
        %dma_wait3A_51 = arith.constant 0 : i32
        %dma_wait3A_52 = tpu.memref_slice %arg9[%arg0, %dma_wait3A, %dma_wait3A_51] : memref<2x80x128xf32, #tpu.memory_space<hbm>> -> memref<1x80x128xf32, #tpu.memory_space<hbm>>
        %dma_wait3A_53 = tpu.memref_squeeze %dma_wait3A_52 : memref<1x80x128xf32, #tpu.memory_space<hbm>> -> memref<80x128xf32, #tpu.memory_space<hbm>>
        %dma_wait3A_54 = arith.constant 0 : i32
        %dma_wait3A_55 = tpu.memref_slice %dma_wait3A_53[%add3A_36, %dma_wait3A_54] : memref<80x128xf32, #tpu.memory_space<hbm>> -> memref<1x128xf32, #tpu.memory_space<hbm>>
        %dma_wait3A_56 = arith.constant 0 : i32
        %dma_wait3A_57 = arith.constant 0 : i32
        %dma_wait3A_58 = tpu.memref_slice %arg9[%arg0, %dma_wait3A_56, %dma_wait3A_57] : memref<2x80x128xf32, #tpu.memory_space<hbm>> -> memref<1x80x128xf32, #tpu.memory_space<hbm>>
        %dma_wait3A_59 = tpu.memref_squeeze %dma_wait3A_58 : memref<1x80x128xf32, #tpu.memory_space<hbm>> -> memref<80x128xf32, #tpu.memory_space<hbm>>
        %dma_wait3A_60 = arith.constant 0 : i32
        %dma_wait3A_61 = tpu.memref_slice %dma_wait3A_59[%add3A_36, %dma_wait3A_60] : memref<80x128xf32, #tpu.memory_space<hbm>> -> memref<1x128xf32, #tpu.memory_space<hbm>>
        tpu.wait_dma2 semaphore(%run_scoped3A_39 : memref<!tpu.dma_semaphore, #tpu.memory_space<semaphore_mem>>) src(%arg15 : memref<1x128xf32, #tpu.memory_space<vmem>>) dst(%dma_wait3A_61 : memref<1x128xf32, #tpu.memory_space<hbm>>)
        tpu.yield
      }) : () -> ()
    }
    %scan3A_32 = arith.constant 5 : i32
    return
  }
}

module attributes {stable_mosaic.version = 14 : i64} {
  func.func @_ph_pool_body(%arg0: i32, %arg1: memref<2560x8xf32, #tpu.memory_space<vmem>>, %arg2: memref<2560x8xf32, #tpu.memory_space<vmem>>, %arg3: memref<1x1x2560xi32, #tpu.memory_space<vmem>>, %arg4: memref<2x64xf32, #tpu.memory_space<vmem>>, %arg5: memref<1x64xf32, #tpu.memory_space<vmem>>, %arg6: memref<16x64xf32, #tpu.memory_space<vmem>>) attributes {dimension_semantics = [#tpu.dimension_semantics<arbitrary>], iteration_bounds = array<i64: 125>, scalar_prefetch = 0 : i64, scratch_operands = 0 : i64, tpu.core_type = #tpu.core_type<tc>, window_params = [{transform_indices = @transform_0, window_bounds = array<i64: 2560, 8>}, {transform_indices = @transform_1, window_bounds = array<i64: 2560, 8>}, {transform_indices = @transform_2, window_bounds = array<i64: 1, 1, 2560>}, {pipeline_mode = #tpu.pipeline_mode<synchronous>, transform_indices = @transform_3, window_bounds = array<i64: 2, 64>}, {pipeline_mode = #tpu.pipeline_mode<synchronous>, transform_indices = @transform_4, window_bounds = array<i64: 1, 64>}, {pipeline_mode = #tpu.pipeline_mode<synchronous>, transform_indices = @transform_5, window_bounds = array<i64: 16, 64>}]} {
    %broadcast_in_dim3A = arith.constant 0.000000e+00 : f32
    %broadcast_in_dim3A_0 = vector.broadcast %broadcast_in_dim3A : f32 to vector<2560x64xf32>
    %get3A = arith.constant 0 : index
    %get3A_1 = arith.constant 0 : index
    %get3A_2 = vector.load %arg4[%get3A, %get3A_1] : memref<2x64xf32, #tpu.memory_space<vmem>>, vector<1x64xf32>
    %get3A_3 = arith.constant 1 : index
    %get3A_4 = arith.constant 0 : index
    %get3A_5 = vector.load %arg4[%get3A_3, %get3A_4] : memref<2x64xf32, #tpu.memory_space<vmem>>, vector<1x64xf32>
    %get3A_6 = arith.constant 0 : index
    %get3A_7 = arith.constant 0 : index
    %get3A_8 = vector.load %arg5[%get3A_6, %get3A_7] : memref<1x64xf32, #tpu.memory_space<vmem>>, vector<1x64xf32>
    %get3A_9 = arith.constant 0 : index
    %get3A_10 = arith.constant 0 : index
    %get3A_11 = vector.load %arg1[%get3A_9, %get3A_10] : memref<2560x8xf32, #tpu.memory_space<vmem>>, vector<2560x1xf32>
    %mul3A = vector.broadcast %get3A_11 : vector<2560x1xf32> to vector<2560x64xf32>
    %mul3A_12 = vector.broadcast %get3A_2 : vector<1x64xf32> to vector<2560x64xf32>
    %mul3A_13 = arith.mulf %mul3A, %mul3A_12 : vector<2560x64xf32>
    %get3A_14 = arith.constant 0 : index
    %get3A_15 = arith.constant 0 : index
    %get3A_16 = vector.load %arg2[%get3A_14, %get3A_15] : memref<2560x8xf32, #tpu.memory_space<vmem>>, vector<2560x1xf32>
    %mul3A_17 = vector.broadcast %get3A_16 : vector<2560x1xf32> to vector<2560x64xf32>
    %mul3A_18 = vector.broadcast %get3A_5 : vector<1x64xf32> to vector<2560x64xf32>
    %mul3A_19 = arith.mulf %mul3A_17, %mul3A_18 : vector<2560x64xf32>
    %add3A = arith.addf %mul3A_13, %mul3A_19 : vector<2560x64xf32>
    %add3A_20 = vector.broadcast %get3A_8 : vector<1x64xf32> to vector<2560x64xf32>
    %add3A_21 = arith.addf %add3A, %add3A_20 : vector<2560x64xf32>
    %max3A = arith.constant 0.000000e+00 : f32
    %max3A_22 = vector.broadcast %max3A : f32 to vector<2560x64xf32>
    %max3A_23 = arith.maximumf %add3A_21, %max3A_22 : vector<2560x64xf32>
    %add3A_24 = arith.addf %broadcast_in_dim3A_0, %max3A_23 : vector<2560x64xf32>
    %get3A_25 = arith.constant 0 : index
    %get3A_26 = arith.constant 1 : index
    %get3A_27 = vector.load %arg1[%get3A_25, %get3A_26] : memref<2560x8xf32, #tpu.memory_space<vmem>>, vector<2560x1xf32>
    %mul3A_28 = vector.broadcast %get3A_27 : vector<2560x1xf32> to vector<2560x64xf32>
    %mul3A_29 = vector.broadcast %get3A_2 : vector<1x64xf32> to vector<2560x64xf32>
    %mul3A_30 = arith.mulf %mul3A_28, %mul3A_29 : vector<2560x64xf32>
    %get3A_31 = arith.constant 0 : index
    %get3A_32 = arith.constant 1 : index
    %get3A_33 = vector.load %arg2[%get3A_31, %get3A_32] : memref<2560x8xf32, #tpu.memory_space<vmem>>, vector<2560x1xf32>
    %mul3A_34 = vector.broadcast %get3A_33 : vector<2560x1xf32> to vector<2560x64xf32>
    %mul3A_35 = vector.broadcast %get3A_5 : vector<1x64xf32> to vector<2560x64xf32>
    %mul3A_36 = arith.mulf %mul3A_34, %mul3A_35 : vector<2560x64xf32>
    %add3A_37 = arith.addf %mul3A_30, %mul3A_36 : vector<2560x64xf32>
    %add3A_38 = vector.broadcast %get3A_8 : vector<1x64xf32> to vector<2560x64xf32>
    %add3A_39 = arith.addf %add3A_37, %add3A_38 : vector<2560x64xf32>
    %max3A_40 = arith.constant 0.000000e+00 : f32
    %max3A_41 = vector.broadcast %max3A_40 : f32 to vector<2560x64xf32>
    %max3A_42 = arith.maximumf %add3A_39, %max3A_41 : vector<2560x64xf32>
    %add3A_43 = arith.addf %add3A_24, %max3A_42 : vector<2560x64xf32>
    %get3A_44 = arith.constant 0 : index
    %get3A_45 = arith.constant 2 : index
    %get3A_46 = vector.load %arg1[%get3A_44, %get3A_45] : memref<2560x8xf32, #tpu.memory_space<vmem>>, vector<2560x1xf32>
    %mul3A_47 = vector.broadcast %get3A_46 : vector<2560x1xf32> to vector<2560x64xf32>
    %mul3A_48 = vector.broadcast %get3A_2 : vector<1x64xf32> to vector<2560x64xf32>
    %mul3A_49 = arith.mulf %mul3A_47, %mul3A_48 : vector<2560x64xf32>
    %get3A_50 = arith.constant 0 : index
    %get3A_51 = arith.constant 2 : index
    %get3A_52 = vector.load %arg2[%get3A_50, %get3A_51] : memref<2560x8xf32, #tpu.memory_space<vmem>>, vector<2560x1xf32>
    %mul3A_53 = vector.broadcast %get3A_52 : vector<2560x1xf32> to vector<2560x64xf32>
    %mul3A_54 = vector.broadcast %get3A_5 : vector<1x64xf32> to vector<2560x64xf32>
    %mul3A_55 = arith.mulf %mul3A_53, %mul3A_54 : vector<2560x64xf32>
    %add3A_56 = arith.addf %mul3A_49, %mul3A_55 : vector<2560x64xf32>
    %add3A_57 = vector.broadcast %get3A_8 : vector<1x64xf32> to vector<2560x64xf32>
    %add3A_58 = arith.addf %add3A_56, %add3A_57 : vector<2560x64xf32>
    %max3A_59 = arith.constant 0.000000e+00 : f32
    %max3A_60 = vector.broadcast %max3A_59 : f32 to vector<2560x64xf32>
    %max3A_61 = arith.maximumf %add3A_58, %max3A_60 : vector<2560x64xf32>
    %add3A_62 = arith.addf %add3A_43, %max3A_61 : vector<2560x64xf32>
    %get3A_63 = arith.constant 0 : index
    %get3A_64 = arith.constant 3 : index
    %get3A_65 = vector.load %arg1[%get3A_63, %get3A_64] : memref<2560x8xf32, #tpu.memory_space<vmem>>, vector<2560x1xf32>
    %mul3A_66 = vector.broadcast %get3A_65 : vector<2560x1xf32> to vector<2560x64xf32>
    %mul3A_67 = vector.broadcast %get3A_2 : vector<1x64xf32> to vector<2560x64xf32>
    %mul3A_68 = arith.mulf %mul3A_66, %mul3A_67 : vector<2560x64xf32>
    %get3A_69 = arith.constant 0 : index
    %get3A_70 = arith.constant 3 : index
    %get3A_71 = vector.load %arg2[%get3A_69, %get3A_70] : memref<2560x8xf32, #tpu.memory_space<vmem>>, vector<2560x1xf32>
    %mul3A_72 = vector.broadcast %get3A_71 : vector<2560x1xf32> to vector<2560x64xf32>
    %mul3A_73 = vector.broadcast %get3A_5 : vector<1x64xf32> to vector<2560x64xf32>
    %mul3A_74 = arith.mulf %mul3A_72, %mul3A_73 : vector<2560x64xf32>
    %add3A_75 = arith.addf %mul3A_68, %mul3A_74 : vector<2560x64xf32>
    %add3A_76 = vector.broadcast %get3A_8 : vector<1x64xf32> to vector<2560x64xf32>
    %add3A_77 = arith.addf %add3A_75, %add3A_76 : vector<2560x64xf32>
    %max3A_78 = arith.constant 0.000000e+00 : f32
    %max3A_79 = vector.broadcast %max3A_78 : f32 to vector<2560x64xf32>
    %max3A_80 = arith.maximumf %add3A_77, %max3A_79 : vector<2560x64xf32>
    %add3A_81 = arith.addf %add3A_62, %max3A_80 : vector<2560x64xf32>
    %get3A_82 = arith.constant 0 : index
    %get3A_83 = arith.constant 4 : index
    %get3A_84 = vector.load %arg1[%get3A_82, %get3A_83] : memref<2560x8xf32, #tpu.memory_space<vmem>>, vector<2560x1xf32>
    %mul3A_85 = vector.broadcast %get3A_84 : vector<2560x1xf32> to vector<2560x64xf32>
    %mul3A_86 = vector.broadcast %get3A_2 : vector<1x64xf32> to vector<2560x64xf32>
    %mul3A_87 = arith.mulf %mul3A_85, %mul3A_86 : vector<2560x64xf32>
    %get3A_88 = arith.constant 0 : index
    %get3A_89 = arith.constant 4 : index
    %get3A_90 = vector.load %arg2[%get3A_88, %get3A_89] : memref<2560x8xf32, #tpu.memory_space<vmem>>, vector<2560x1xf32>
    %mul3A_91 = vector.broadcast %get3A_90 : vector<2560x1xf32> to vector<2560x64xf32>
    %mul3A_92 = vector.broadcast %get3A_5 : vector<1x64xf32> to vector<2560x64xf32>
    %mul3A_93 = arith.mulf %mul3A_91, %mul3A_92 : vector<2560x64xf32>
    %add3A_94 = arith.addf %mul3A_87, %mul3A_93 : vector<2560x64xf32>
    %add3A_95 = vector.broadcast %get3A_8 : vector<1x64xf32> to vector<2560x64xf32>
    %add3A_96 = arith.addf %add3A_94, %add3A_95 : vector<2560x64xf32>
    %max3A_97 = arith.constant 0.000000e+00 : f32
    %max3A_98 = vector.broadcast %max3A_97 : f32 to vector<2560x64xf32>
    %max3A_99 = arith.maximumf %add3A_96, %max3A_98 : vector<2560x64xf32>
    %add3A_100 = arith.addf %add3A_81, %max3A_99 : vector<2560x64xf32>
    %get3A_101 = arith.constant 0 : index
    %get3A_102 = arith.constant 5 : index
    %get3A_103 = vector.load %arg1[%get3A_101, %get3A_102] : memref<2560x8xf32, #tpu.memory_space<vmem>>, vector<2560x1xf32>
    %mul3A_104 = vector.broadcast %get3A_103 : vector<2560x1xf32> to vector<2560x64xf32>
    %mul3A_105 = vector.broadcast %get3A_2 : vector<1x64xf32> to vector<2560x64xf32>
    %mul3A_106 = arith.mulf %mul3A_104, %mul3A_105 : vector<2560x64xf32>
    %get3A_107 = arith.constant 0 : index
    %get3A_108 = arith.constant 5 : index
    %get3A_109 = vector.load %arg2[%get3A_107, %get3A_108] : memref<2560x8xf32, #tpu.memory_space<vmem>>, vector<2560x1xf32>
    %mul3A_110 = vector.broadcast %get3A_109 : vector<2560x1xf32> to vector<2560x64xf32>
    %mul3A_111 = vector.broadcast %get3A_5 : vector<1x64xf32> to vector<2560x64xf32>
    %mul3A_112 = arith.mulf %mul3A_110, %mul3A_111 : vector<2560x64xf32>
    %add3A_113 = arith.addf %mul3A_106, %mul3A_112 : vector<2560x64xf32>
    %add3A_114 = vector.broadcast %get3A_8 : vector<1x64xf32> to vector<2560x64xf32>
    %add3A_115 = arith.addf %add3A_113, %add3A_114 : vector<2560x64xf32>
    %max3A_116 = arith.constant 0.000000e+00 : f32
    %max3A_117 = vector.broadcast %max3A_116 : f32 to vector<2560x64xf32>
    %max3A_118 = arith.maximumf %add3A_115, %max3A_117 : vector<2560x64xf32>
    %add3A_119 = arith.addf %add3A_100, %max3A_118 : vector<2560x64xf32>
    %get3A_120 = arith.constant 0 : index
    %get3A_121 = arith.constant 6 : index
    %get3A_122 = vector.load %arg1[%get3A_120, %get3A_121] : memref<2560x8xf32, #tpu.memory_space<vmem>>, vector<2560x1xf32>
    %mul3A_123 = vector.broadcast %get3A_122 : vector<2560x1xf32> to vector<2560x64xf32>
    %mul3A_124 = vector.broadcast %get3A_2 : vector<1x64xf32> to vector<2560x64xf32>
    %mul3A_125 = arith.mulf %mul3A_123, %mul3A_124 : vector<2560x64xf32>
    %get3A_126 = arith.constant 0 : index
    %get3A_127 = arith.constant 6 : index
    %get3A_128 = vector.load %arg2[%get3A_126, %get3A_127] : memref<2560x8xf32, #tpu.memory_space<vmem>>, vector<2560x1xf32>
    %mul3A_129 = vector.broadcast %get3A_128 : vector<2560x1xf32> to vector<2560x64xf32>
    %mul3A_130 = vector.broadcast %get3A_5 : vector<1x64xf32> to vector<2560x64xf32>
    %mul3A_131 = arith.mulf %mul3A_129, %mul3A_130 : vector<2560x64xf32>
    %add3A_132 = arith.addf %mul3A_125, %mul3A_131 : vector<2560x64xf32>
    %add3A_133 = vector.broadcast %get3A_8 : vector<1x64xf32> to vector<2560x64xf32>
    %add3A_134 = arith.addf %add3A_132, %add3A_133 : vector<2560x64xf32>
    %max3A_135 = arith.constant 0.000000e+00 : f32
    %max3A_136 = vector.broadcast %max3A_135 : f32 to vector<2560x64xf32>
    %max3A_137 = arith.maximumf %add3A_134, %max3A_136 : vector<2560x64xf32>
    %add3A_138 = arith.addf %add3A_119, %max3A_137 : vector<2560x64xf32>
    %get3A_139 = arith.constant 0 : index
    %get3A_140 = arith.constant 7 : index
    %get3A_141 = vector.load %arg1[%get3A_139, %get3A_140] : memref<2560x8xf32, #tpu.memory_space<vmem>>, vector<2560x1xf32>
    %mul3A_142 = vector.broadcast %get3A_141 : vector<2560x1xf32> to vector<2560x64xf32>
    %mul3A_143 = vector.broadcast %get3A_2 : vector<1x64xf32> to vector<2560x64xf32>
    %mul3A_144 = arith.mulf %mul3A_142, %mul3A_143 : vector<2560x64xf32>
    %get3A_145 = arith.constant 0 : index
    %get3A_146 = arith.constant 7 : index
    %get3A_147 = vector.load %arg2[%get3A_145, %get3A_146] : memref<2560x8xf32, #tpu.memory_space<vmem>>, vector<2560x1xf32>
    %mul3A_148 = vector.broadcast %get3A_147 : vector<2560x1xf32> to vector<2560x64xf32>
    %mul3A_149 = vector.broadcast %get3A_5 : vector<1x64xf32> to vector<2560x64xf32>
    %mul3A_150 = arith.mulf %mul3A_148, %mul3A_149 : vector<2560x64xf32>
    %add3A_151 = arith.addf %mul3A_144, %mul3A_150 : vector<2560x64xf32>
    %add3A_152 = vector.broadcast %get3A_8 : vector<1x64xf32> to vector<2560x64xf32>
    %add3A_153 = arith.addf %add3A_151, %add3A_152 : vector<2560x64xf32>
    %max3A_154 = arith.constant 0.000000e+00 : f32
    %max3A_155 = vector.broadcast %max3A_154 : f32 to vector<2560x64xf32>
    %max3A_156 = arith.maximumf %add3A_153, %max3A_155 : vector<2560x64xf32>
    %add3A_157 = arith.addf %add3A_138, %max3A_156 : vector<2560x64xf32>
    %mul3A_158 = arith.constant 1.250000e-01 : f32
    %mul3A_159 = vector.broadcast %mul3A_158 : f32 to vector<2560x64xf32>
    %mul3A_160 = arith.mulf %add3A_157, %mul3A_159 : vector<2560x64xf32>
    %get3A_161 = arith.constant 0 : index
    %get3A_162 = arith.constant 0 : index
    %get3A_163 = arith.constant 0 : index
    %get3A_164 = vector.load %arg3[%get3A_161, %get3A_162, %get3A_163] : memref<1x1x2560xi32, #tpu.memory_space<vmem>>, vector<1x1x2560xi32>
    %get3A_165 = vector.shape_cast %get3A_164 : vector<1x1x2560xi32> to vector<2560xi32>
    %iota3A = tpu.iota {dimensions = array<i32: 0>} : vector<16x2560xi32>
    %broadcast_in_dim3A_166 = vector.shape_cast %get3A_165 : vector<2560xi32> to vector<1x2560xi32>
    %eq3A = vector.broadcast %broadcast_in_dim3A_166 : vector<1x2560xi32> to vector<16x2560xi32>
    %eq3A_167 = arith.cmpi eq, %iota3A, %eq3A : vector<16x2560xi32>
    %convert_element_type3A = arith.extui %eq3A_167 : vector<16x2560xi1> to vector<16x2560xi32>
    %convert_element_type3A_168 = arith.sitofp %convert_element_type3A : vector<16x2560xi32> to vector<16x2560xf32>
    %dot_general3A = arith.constant dense<0.000000e+00> : vector<16x64xf32>
    %dot_general3A_169 = tpu.matmul %convert_element_type3A_168, %mul3A_160, %dot_general3A {dimension_numbers = #tpu.dot_dimension_numbers<[1], [0], [0], [1], [0, 0, 1, 1], [], []>, transpose_lhs_hint = false} : vector<16x2560xf32>, vector<2560x64xf32>, vector<16x64xf32> -> vector<16x64xf32>
    %eq3A_170 = arith.constant 0 : i32
    %eq3A_171 = arith.cmpi eq, %arg0, %eq3A_170 : i32
    %convert_element_type3A_172 = arith.extui %eq3A_171 : i1 to i32
    %cond3A = arith.constant 0 : i32
    %cond3A_173 = arith.cmpi ne, %convert_element_type3A_172, %cond3A : i32
    scf.if %cond3A_173 {
      %broadcast_in_dim3A_180 = arith.constant 0.000000e+00 : f32
      %broadcast_in_dim3A_181 = vector.broadcast %broadcast_in_dim3A_180 : f32 to vector<16x64xf32>
      %swap3A_182 = arith.constant 0 : index
      %swap3A_183 = arith.constant 0 : index
      %swap3A_184 = vector.load %arg6[%swap3A_182, %swap3A_183] : memref<16x64xf32, #tpu.memory_space<vmem>>, vector<16x64xf32>
      tpu.vector_store %arg6[%swap3A_182, %swap3A_183], %broadcast_in_dim3A_181 {strides = array<i32>} : memref<16x64xf32, #tpu.memory_space<vmem>>, vector<16x64xf32>,
    } else {
    }
    %get3A_174 = arith.constant 0 : index
    %get3A_175 = arith.constant 0 : index
    %get3A_176 = vector.load %arg6[%get3A_174, %get3A_175] : memref<16x64xf32, #tpu.memory_space<vmem>>, vector<16x64xf32>
    %add3A_177 = arith.addf %get3A_176, %dot_general3A_169 : vector<16x64xf32>
    %swap3A = arith.constant 0 : index
    %swap3A_178 = arith.constant 0 : index
    %swap3A_179 = vector.load %arg6[%swap3A, %swap3A_178] : memref<16x64xf32, #tpu.memory_space<vmem>>, vector<16x64xf32>
    tpu.vector_store %arg6[%swap3A, %swap3A_178], %add3A_177 {strides = array<i32>} : memref<16x64xf32, #tpu.memory_space<vmem>>, vector<16x64xf32>,
    return
  }
  func.func @transform_0(%arg0: i32) -> (i32, i32) {
    %c0_i32 = arith.constant 0 : i32
    %c0_i32_0 = arith.constant 0 : i32
    return %arg0, %c0_i32 : i32, i32
  }
  func.func @transform_1(%arg0: i32) -> (i32, i32) {
    %c0_i32 = arith.constant 0 : i32
    %c0_i32_0 = arith.constant 0 : i32
    return %arg0, %c0_i32 : i32, i32
  }
  func.func @transform_2(%arg0: i32) -> (i32, i32, i32) {
    %c0_i32 = arith.constant 0 : i32
    %c0_i32_0 = arith.constant 0 : i32
    %c0_i32_1 = arith.constant 0 : i32
    return %arg0, %c0_i32, %c0_i32_0 : i32, i32, i32
  }
  func.func @transform_3(%arg0: i32) -> (i32, i32) {
    %c0_i32 = arith.constant 0 : i32
    %c0_i32_0 = arith.constant 0 : i32
    %c0_i32_1 = arith.constant 0 : i32
    return %c0_i32, %c0_i32_0 : i32, i32
  }
  func.func @transform_4(%arg0: i32) -> (i32, i32) {
    %c0_i32 = arith.constant 0 : i32
    %c0_i32_0 = arith.constant 0 : i32
    %c0_i32_1 = arith.constant 0 : i32
    return %c0_i32, %c0_i32_0 : i32, i32
  }
  func.func @transform_5(%arg0: i32) -> (i32, i32) {
    %c0_i32 = arith.constant 0 : i32
    %c0_i32_0 = arith.constant 0 : i32
    %c0_i32_1 = arith.constant 0 : i32
    return %c0_i32, %c0_i32_0 : i32, i32
  }
}

module attributes {stable_mosaic.version = 14 : i64} {
  func.func @_ph_pool_body(%arg0: i32, %arg1: memref<2000x8xf32, #tpu.memory_space<vmem>>, %arg2: memref<2000x8xf32, #tpu.memory_space<vmem>>, %arg3: memref<1x1x2000xi32, #tpu.memory_space<vmem>>, %arg4: memref<2x64xf32, #tpu.memory_space<vmem>>, %arg5: memref<1x64xf32, #tpu.memory_space<vmem>>, %arg6: memref<16x64xf32, #tpu.memory_space<vmem>>) attributes {dimension_semantics = [#tpu.dimension_semantics<arbitrary>], iteration_bounds = array<i64: 5>, scalar_prefetch = 0 : i64, scratch_operands = 0 : i64, tpu.core_type = #tpu.core_type<tc>, window_params = [{transform_indices = @transform_0, window_bounds = array<i64: 2000, 8>}, {transform_indices = @transform_1, window_bounds = array<i64: 2000, 8>}, {transform_indices = @transform_2, window_bounds = array<i64: 1, 1, 2000>}, {pipeline_mode = #tpu.pipeline_mode<synchronous>, transform_indices = @transform_3, window_bounds = array<i64: 2, 64>}, {pipeline_mode = #tpu.pipeline_mode<synchronous>, transform_indices = @transform_4, window_bounds = array<i64: 1, 64>}, {pipeline_mode = #tpu.pipeline_mode<synchronous>, transform_indices = @transform_5, window_bounds = array<i64: 16, 64>}]} {
    %broadcast_in_dim3A = arith.constant 0.000000e+00 : f32
    %broadcast_in_dim3A_0 = vector.broadcast %broadcast_in_dim3A : f32 to vector<2000x64xf32>
    %get3A = arith.constant 0 : index
    %get3A_1 = arith.constant 0 : index
    %get3A_2 = vector.load %arg4[%get3A, %get3A_1] : memref<2x64xf32, #tpu.memory_space<vmem>>, vector<1x64xf32>
    %get3A_3 = arith.constant 1 : index
    %get3A_4 = arith.constant 0 : index
    %get3A_5 = vector.load %arg4[%get3A_3, %get3A_4] : memref<2x64xf32, #tpu.memory_space<vmem>>, vector<1x64xf32>
    %get3A_6 = arith.constant 0 : index
    %get3A_7 = arith.constant 0 : index
    %get3A_8 = vector.load %arg5[%get3A_6, %get3A_7] : memref<1x64xf32, #tpu.memory_space<vmem>>, vector<1x64xf32>
    %get3A_9 = arith.constant 0 : index
    %get3A_10 = arith.constant 0 : index
    %get3A_11 = vector.load %arg1[%get3A_9, %get3A_10] : memref<2000x8xf32, #tpu.memory_space<vmem>>, vector<2000x1xf32>
    %mul3A = vector.broadcast %get3A_11 : vector<2000x1xf32> to vector<2000x64xf32>
    %mul3A_12 = vector.broadcast %get3A_2 : vector<1x64xf32> to vector<2000x64xf32>
    %mul3A_13 = arith.mulf %mul3A, %mul3A_12 : vector<2000x64xf32>
    %get3A_14 = arith.constant 0 : index
    %get3A_15 = arith.constant 0 : index
    %get3A_16 = vector.load %arg2[%get3A_14, %get3A_15] : memref<2000x8xf32, #tpu.memory_space<vmem>>, vector<2000x1xf32>
    %mul3A_17 = vector.broadcast %get3A_16 : vector<2000x1xf32> to vector<2000x64xf32>
    %mul3A_18 = vector.broadcast %get3A_5 : vector<1x64xf32> to vector<2000x64xf32>
    %mul3A_19 = arith.mulf %mul3A_17, %mul3A_18 : vector<2000x64xf32>
    %add3A = arith.addf %mul3A_13, %mul3A_19 : vector<2000x64xf32>
    %add3A_20 = vector.broadcast %get3A_8 : vector<1x64xf32> to vector<2000x64xf32>
    %add3A_21 = arith.addf %add3A, %add3A_20 : vector<2000x64xf32>
    %max3A = arith.constant 0.000000e+00 : f32
    %max3A_22 = vector.broadcast %max3A : f32 to vector<2000x64xf32>
    %max3A_23 = arith.maximumf %add3A_21, %max3A_22 : vector<2000x64xf32>
    %add3A_24 = arith.addf %broadcast_in_dim3A_0, %max3A_23 : vector<2000x64xf32>
    %get3A_25 = arith.constant 0 : index
    %get3A_26 = arith.constant 1 : index
    %get3A_27 = vector.load %arg1[%get3A_25, %get3A_26] : memref<2000x8xf32, #tpu.memory_space<vmem>>, vector<2000x1xf32>
    %mul3A_28 = vector.broadcast %get3A_27 : vector<2000x1xf32> to vector<2000x64xf32>
    %mul3A_29 = vector.broadcast %get3A_2 : vector<1x64xf32> to vector<2000x64xf32>
    %mul3A_30 = arith.mulf %mul3A_28, %mul3A_29 : vector<2000x64xf32>
    %get3A_31 = arith.constant 0 : index
    %get3A_32 = arith.constant 1 : index
    %get3A_33 = vector.load %arg2[%get3A_31, %get3A_32] : memref<2000x8xf32, #tpu.memory_space<vmem>>, vector<2000x1xf32>
    %mul3A_34 = vector.broadcast %get3A_33 : vector<2000x1xf32> to vector<2000x64xf32>
    %mul3A_35 = vector.broadcast %get3A_5 : vector<1x64xf32> to vector<2000x64xf32>
    %mul3A_36 = arith.mulf %mul3A_34, %mul3A_35 : vector<2000x64xf32>
    %add3A_37 = arith.addf %mul3A_30, %mul3A_36 : vector<2000x64xf32>
    %add3A_38 = vector.broadcast %get3A_8 : vector<1x64xf32> to vector<2000x64xf32>
    %add3A_39 = arith.addf %add3A_37, %add3A_38 : vector<2000x64xf32>
    %max3A_40 = arith.constant 0.000000e+00 : f32
    %max3A_41 = vector.broadcast %max3A_40 : f32 to vector<2000x64xf32>
    %max3A_42 = arith.maximumf %add3A_39, %max3A_41 : vector<2000x64xf32>
    %add3A_43 = arith.addf %add3A_24, %max3A_42 : vector<2000x64xf32>
    %get3A_44 = arith.constant 0 : index
    %get3A_45 = arith.constant 2 : index
    %get3A_46 = vector.load %arg1[%get3A_44, %get3A_45] : memref<2000x8xf32, #tpu.memory_space<vmem>>, vector<2000x1xf32>
    %mul3A_47 = vector.broadcast %get3A_46 : vector<2000x1xf32> to vector<2000x64xf32>
    %mul3A_48 = vector.broadcast %get3A_2 : vector<1x64xf32> to vector<2000x64xf32>
    %mul3A_49 = arith.mulf %mul3A_47, %mul3A_48 : vector<2000x64xf32>
    %get3A_50 = arith.constant 0 : index
    %get3A_51 = arith.constant 2 : index
    %get3A_52 = vector.load %arg2[%get3A_50, %get3A_51] : memref<2000x8xf32, #tpu.memory_space<vmem>>, vector<2000x1xf32>
    %mul3A_53 = vector.broadcast %get3A_52 : vector<2000x1xf32> to vector<2000x64xf32>
    %mul3A_54 = vector.broadcast %get3A_5 : vector<1x64xf32> to vector<2000x64xf32>
    %mul3A_55 = arith.mulf %mul3A_53, %mul3A_54 : vector<2000x64xf32>
    %add3A_56 = arith.addf %mul3A_49, %mul3A_55 : vector<2000x64xf32>
    %add3A_57 = vector.broadcast %get3A_8 : vector<1x64xf32> to vector<2000x64xf32>
    %add3A_58 = arith.addf %add3A_56, %add3A_57 : vector<2000x64xf32>
    %max3A_59 = arith.constant 0.000000e+00 : f32
    %max3A_60 = vector.broadcast %max3A_59 : f32 to vector<2000x64xf32>
    %max3A_61 = arith.maximumf %add3A_58, %max3A_60 : vector<2000x64xf32>
    %add3A_62 = arith.addf %add3A_43, %max3A_61 : vector<2000x64xf32>
    %get3A_63 = arith.constant 0 : index
    %get3A_64 = arith.constant 3 : index
    %get3A_65 = vector.load %arg1[%get3A_63, %get3A_64] : memref<2000x8xf32, #tpu.memory_space<vmem>>, vector<2000x1xf32>
    %mul3A_66 = vector.broadcast %get3A_65 : vector<2000x1xf32> to vector<2000x64xf32>
    %mul3A_67 = vector.broadcast %get3A_2 : vector<1x64xf32> to vector<2000x64xf32>
    %mul3A_68 = arith.mulf %mul3A_66, %mul3A_67 : vector<2000x64xf32>
    %get3A_69 = arith.constant 0 : index
    %get3A_70 = arith.constant 3 : index
    %get3A_71 = vector.load %arg2[%get3A_69, %get3A_70] : memref<2000x8xf32, #tpu.memory_space<vmem>>, vector<2000x1xf32>
    %mul3A_72 = vector.broadcast %get3A_71 : vector<2000x1xf32> to vector<2000x64xf32>
    %mul3A_73 = vector.broadcast %get3A_5 : vector<1x64xf32> to vector<2000x64xf32>
    %mul3A_74 = arith.mulf %mul3A_72, %mul3A_73 : vector<2000x64xf32>
    %add3A_75 = arith.addf %mul3A_68, %mul3A_74 : vector<2000x64xf32>
    %add3A_76 = vector.broadcast %get3A_8 : vector<1x64xf32> to vector<2000x64xf32>
    %add3A_77 = arith.addf %add3A_75, %add3A_76 : vector<2000x64xf32>
    %max3A_78 = arith.constant 0.000000e+00 : f32
    %max3A_79 = vector.broadcast %max3A_78 : f32 to vector<2000x64xf32>
    %max3A_80 = arith.maximumf %add3A_77, %max3A_79 : vector<2000x64xf32>
    %add3A_81 = arith.addf %add3A_62, %max3A_80 : vector<2000x64xf32>
    %get3A_82 = arith.constant 0 : index
    %get3A_83 = arith.constant 4 : index
    %get3A_84 = vector.load %arg1[%get3A_82, %get3A_83] : memref<2000x8xf32, #tpu.memory_space<vmem>>, vector<2000x1xf32>
    %mul3A_85 = vector.broadcast %get3A_84 : vector<2000x1xf32> to vector<2000x64xf32>
    %mul3A_86 = vector.broadcast %get3A_2 : vector<1x64xf32> to vector<2000x64xf32>
    %mul3A_87 = arith.mulf %mul3A_85, %mul3A_86 : vector<2000x64xf32>
    %get3A_88 = arith.constant 0 : index
    %get3A_89 = arith.constant 4 : index
    %get3A_90 = vector.load %arg2[%get3A_88, %get3A_89] : memref<2000x8xf32, #tpu.memory_space<vmem>>, vector<2000x1xf32>
    %mul3A_91 = vector.broadcast %get3A_90 : vector<2000x1xf32> to vector<2000x64xf32>
    %mul3A_92 = vector.broadcast %get3A_5 : vector<1x64xf32> to vector<2000x64xf32>
    %mul3A_93 = arith.mulf %mul3A_91, %mul3A_92 : vector<2000x64xf32>
    %add3A_94 = arith.addf %mul3A_87, %mul3A_93 : vector<2000x64xf32>
    %add3A_95 = vector.broadcast %get3A_8 : vector<1x64xf32> to vector<2000x64xf32>
    %add3A_96 = arith.addf %add3A_94, %add3A_95 : vector<2000x64xf32>
    %max3A_97 = arith.constant 0.000000e+00 : f32
    %max3A_98 = vector.broadcast %max3A_97 : f32 to vector<2000x64xf32>
    %max3A_99 = arith.maximumf %add3A_96, %max3A_98 : vector<2000x64xf32>
    %add3A_100 = arith.addf %add3A_81, %max3A_99 : vector<2000x64xf32>
    %get3A_101 = arith.constant 0 : index
    %get3A_102 = arith.constant 5 : index
    %get3A_103 = vector.load %arg1[%get3A_101, %get3A_102] : memref<2000x8xf32, #tpu.memory_space<vmem>>, vector<2000x1xf32>
    %mul3A_104 = vector.broadcast %get3A_103 : vector<2000x1xf32> to vector<2000x64xf32>
    %mul3A_105 = vector.broadcast %get3A_2 : vector<1x64xf32> to vector<2000x64xf32>
    %mul3A_106 = arith.mulf %mul3A_104, %mul3A_105 : vector<2000x64xf32>
    %get3A_107 = arith.constant 0 : index
    %get3A_108 = arith.constant 5 : index
    %get3A_109 = vector.load %arg2[%get3A_107, %get3A_108] : memref<2000x8xf32, #tpu.memory_space<vmem>>, vector<2000x1xf32>
    %mul3A_110 = vector.broadcast %get3A_109 : vector<2000x1xf32> to vector<2000x64xf32>
    %mul3A_111 = vector.broadcast %get3A_5 : vector<1x64xf32> to vector<2000x64xf32>
    %mul3A_112 = arith.mulf %mul3A_110, %mul3A_111 : vector<2000x64xf32>
    %add3A_113 = arith.addf %mul3A_106, %mul3A_112 : vector<2000x64xf32>
    %add3A_114 = vector.broadcast %get3A_8 : vector<1x64xf32> to vector<2000x64xf32>
    %add3A_115 = arith.addf %add3A_113, %add3A_114 : vector<2000x64xf32>
    %max3A_116 = arith.constant 0.000000e+00 : f32
    %max3A_117 = vector.broadcast %max3A_116 : f32 to vector<2000x64xf32>
    %max3A_118 = arith.maximumf %add3A_115, %max3A_117 : vector<2000x64xf32>
    %add3A_119 = arith.addf %add3A_100, %max3A_118 : vector<2000x64xf32>
    %get3A_120 = arith.constant 0 : index
    %get3A_121 = arith.constant 6 : index
    %get3A_122 = vector.load %arg1[%get3A_120, %get3A_121] : memref<2000x8xf32, #tpu.memory_space<vmem>>, vector<2000x1xf32>
    %mul3A_123 = vector.broadcast %get3A_122 : vector<2000x1xf32> to vector<2000x64xf32>
    %mul3A_124 = vector.broadcast %get3A_2 : vector<1x64xf32> to vector<2000x64xf32>
    %mul3A_125 = arith.mulf %mul3A_123, %mul3A_124 : vector<2000x64xf32>
    %get3A_126 = arith.constant 0 : index
    %get3A_127 = arith.constant 6 : index
    %get3A_128 = vector.load %arg2[%get3A_126, %get3A_127] : memref<2000x8xf32, #tpu.memory_space<vmem>>, vector<2000x1xf32>
    %mul3A_129 = vector.broadcast %get3A_128 : vector<2000x1xf32> to vector<2000x64xf32>
    %mul3A_130 = vector.broadcast %get3A_5 : vector<1x64xf32> to vector<2000x64xf32>
    %mul3A_131 = arith.mulf %mul3A_129, %mul3A_130 : vector<2000x64xf32>
    %add3A_132 = arith.addf %mul3A_125, %mul3A_131 : vector<2000x64xf32>
    %add3A_133 = vector.broadcast %get3A_8 : vector<1x64xf32> to vector<2000x64xf32>
    %add3A_134 = arith.addf %add3A_132, %add3A_133 : vector<2000x64xf32>
    %max3A_135 = arith.constant 0.000000e+00 : f32
    %max3A_136 = vector.broadcast %max3A_135 : f32 to vector<2000x64xf32>
    %max3A_137 = arith.maximumf %add3A_134, %max3A_136 : vector<2000x64xf32>
    %add3A_138 = arith.addf %add3A_119, %max3A_137 : vector<2000x64xf32>
    %get3A_139 = arith.constant 0 : index
    %get3A_140 = arith.constant 7 : index
    %get3A_141 = vector.load %arg1[%get3A_139, %get3A_140] : memref<2000x8xf32, #tpu.memory_space<vmem>>, vector<2000x1xf32>
    %mul3A_142 = vector.broadcast %get3A_141 : vector<2000x1xf32> to vector<2000x64xf32>
    %mul3A_143 = vector.broadcast %get3A_2 : vector<1x64xf32> to vector<2000x64xf32>
    %mul3A_144 = arith.mulf %mul3A_142, %mul3A_143 : vector<2000x64xf32>
    %get3A_145 = arith.constant 0 : index
    %get3A_146 = arith.constant 7 : index
    %get3A_147 = vector.load %arg2[%get3A_145, %get3A_146] : memref<2000x8xf32, #tpu.memory_space<vmem>>, vector<2000x1xf32>
    %mul3A_148 = vector.broadcast %get3A_147 : vector<2000x1xf32> to vector<2000x64xf32>
    %mul3A_149 = vector.broadcast %get3A_5 : vector<1x64xf32> to vector<2000x64xf32>
    %mul3A_150 = arith.mulf %mul3A_148, %mul3A_149 : vector<2000x64xf32>
    %add3A_151 = arith.addf %mul3A_144, %mul3A_150 : vector<2000x64xf32>
    %add3A_152 = vector.broadcast %get3A_8 : vector<1x64xf32> to vector<2000x64xf32>
    %add3A_153 = arith.addf %add3A_151, %add3A_152 : vector<2000x64xf32>
    %max3A_154 = arith.constant 0.000000e+00 : f32
    %max3A_155 = vector.broadcast %max3A_154 : f32 to vector<2000x64xf32>
    %max3A_156 = arith.maximumf %add3A_153, %max3A_155 : vector<2000x64xf32>
    %add3A_157 = arith.addf %add3A_138, %max3A_156 : vector<2000x64xf32>
    %mul3A_158 = arith.constant 1.250000e-01 : f32
    %mul3A_159 = vector.broadcast %mul3A_158 : f32 to vector<2000x64xf32>
    %mul3A_160 = arith.mulf %add3A_157, %mul3A_159 : vector<2000x64xf32>
    %get3A_161 = arith.constant 0 : index
    %get3A_162 = arith.constant 0 : index
    %get3A_163 = arith.constant 0 : index
    %get3A_164 = vector.load %arg3[%get3A_161, %get3A_162, %get3A_163] : memref<1x1x2000xi32, #tpu.memory_space<vmem>>, vector<1x1x2000xi32>
    %get3A_165 = vector.shape_cast %get3A_164 : vector<1x1x2000xi32> to vector<2000xi32>
    %iota3A = tpu.iota {dimensions = array<i32: 0>} : vector<16x2000xi32>
    %broadcast_in_dim3A_166 = vector.shape_cast %get3A_165 : vector<2000xi32> to vector<1x2000xi32>
    %eq3A = vector.broadcast %broadcast_in_dim3A_166 : vector<1x2000xi32> to vector<16x2000xi32>
    %eq3A_167 = arith.cmpi eq, %iota3A, %eq3A : vector<16x2000xi32>
    %convert_element_type3A = arith.extui %eq3A_167 : vector<16x2000xi1> to vector<16x2000xi32>
    %convert_element_type3A_168 = arith.sitofp %convert_element_type3A : vector<16x2000xi32> to vector<16x2000xf32>
    %dot_general3A = arith.constant dense<0.000000e+00> : vector<16x64xf32>
    %dot_general3A_169 = tpu.matmul %convert_element_type3A_168, %mul3A_160, %dot_general3A {dimension_numbers = #tpu.dot_dimension_numbers<[1], [0], [0], [1], [0, 0, 1, 1], [], []>, transpose_lhs_hint = false} : vector<16x2000xf32>, vector<2000x64xf32>, vector<16x64xf32> -> vector<16x64xf32>
    %eq3A_170 = arith.constant 0 : i32
    %eq3A_171 = arith.cmpi eq, %arg0, %eq3A_170 : i32
    %convert_element_type3A_172 = arith.extui %eq3A_171 : i1 to i32
    %cond3A = arith.constant 0 : i32
    %cond3A_173 = arith.cmpi ne, %convert_element_type3A_172, %cond3A : i32
    scf.if %cond3A_173 {
      %broadcast_in_dim3A_180 = arith.constant 0.000000e+00 : f32
      %broadcast_in_dim3A_181 = vector.broadcast %broadcast_in_dim3A_180 : f32 to vector<16x64xf32>
      %swap3A_182 = arith.constant 0 : index
      %swap3A_183 = arith.constant 0 : index
      %swap3A_184 = vector.load %arg6[%swap3A_182, %swap3A_183] : memref<16x64xf32, #tpu.memory_space<vmem>>, vector<16x64xf32>
      tpu.vector_store %arg6[%swap3A_182, %swap3A_183], %broadcast_in_dim3A_181 {strides = array<i32>} : memref<16x64xf32, #tpu.memory_space<vmem>>, vector<16x64xf32>,
    } else {
    }
    %get3A_174 = arith.constant 0 : index
    %get3A_175 = arith.constant 0 : index
    %get3A_176 = vector.load %arg6[%get3A_174, %get3A_175] : memref<16x64xf32, #tpu.memory_space<vmem>>, vector<16x64xf32>
    %add3A_177 = arith.addf %get3A_176, %dot_general3A_169 : vector<16x64xf32>
    %swap3A = arith.constant 0 : index
    %swap3A_178 = arith.constant 0 : index
    %swap3A_179 = vector.load %arg6[%swap3A, %swap3A_178] : memref<16x64xf32, #tpu.memory_space<vmem>>, vector<16x64xf32>
    tpu.vector_store %arg6[%swap3A, %swap3A_178], %add3A_177 {strides = array<i32>} : memref<16x64xf32, #tpu.memory_space<vmem>>, vector<16x64xf32>,
    return
  }
  func.func @transform_0(%arg0: i32) -> (i32, i32) {
    %c0_i32 = arith.constant 0 : i32
    %c0_i32_0 = arith.constant 0 : i32
    return %arg0, %c0_i32 : i32, i32
  }
  func.func @transform_1(%arg0: i32) -> (i32, i32) {
    %c0_i32 = arith.constant 0 : i32
    %c0_i32_0 = arith.constant 0 : i32
    return %arg0, %c0_i32 : i32, i32
  }
  func.func @transform_2(%arg0: i32) -> (i32, i32, i32) {
    %c0_i32 = arith.constant 0 : i32
    %c0_i32_0 = arith.constant 0 : i32
    %c0_i32_1 = arith.constant 0 : i32
    return %arg0, %c0_i32, %c0_i32_0 : i32, i32, i32
  }
  func.func @transform_3(%arg0: i32) -> (i32, i32) {
    %c0_i32 = arith.constant 0 : i32
    %c0_i32_0 = arith.constant 0 : i32
    %c0_i32_1 = arith.constant 0 : i32
    return %c0_i32, %c0_i32_0 : i32, i32
  }
  func.func @transform_4(%arg0: i32) -> (i32, i32) {
    %c0_i32 = arith.constant 0 : i32
    %c0_i32_0 = arith.constant 0 : i32
    %c0_i32_1 = arith.constant 0 : i32
    return %c0_i32, %c0_i32_0 : i32, i32
  }
  func.func @transform_5(%arg0: i32) -> (i32, i32) {
    %c0_i32 = arith.constant 0 : i32
    %c0_i32_0 = arith.constant 0 : i32
    %c0_i32_1 = arith.constant 0 : i32
    return %c0_i32, %c0_i32_0 : i32, i32
  }
}

module attributes {stable_mosaic.version = 14 : i64} {
  func.func @_sum_pool_body(%arg0: i32, %arg1: memref<2000x128xf32, #tpu.memory_space<vmem>>, %arg2: memref<1x1x2000xi32, #tpu.memory_space<vmem>>, %arg3: memref<16x128xf32, #tpu.memory_space<vmem>>) attributes {dimension_semantics = [#tpu.dimension_semantics<arbitrary>], iteration_bounds = array<i64: 5>, scalar_prefetch = 0 : i64, scratch_operands = 0 : i64, tpu.core_type = #tpu.core_type<tc>, window_params = [{transform_indices = @transform_0, window_bounds = array<i64: 2000, 128>}, {transform_indices = @transform_1, window_bounds = array<i64: 1, 1, 2000>}, {pipeline_mode = #tpu.pipeline_mode<synchronous>, transform_indices = @transform_2, window_bounds = array<i64: 16, 128>}]} {
    %get3A = arith.constant 0 : index
    %get3A_0 = arith.constant 0 : index
    %get3A_1 = arith.constant 0 : index
    %get3A_2 = vector.load %arg2[%get3A, %get3A_0, %get3A_1] : memref<1x1x2000xi32, #tpu.memory_space<vmem>>, vector<1x1x2000xi32>
    %get3A_3 = vector.shape_cast %get3A_2 : vector<1x1x2000xi32> to vector<2000xi32>
    %iota3A = tpu.iota {dimensions = array<i32: 0>} : vector<16x2000xi32>
    %broadcast_in_dim3A = vector.shape_cast %get3A_3 : vector<2000xi32> to vector<1x2000xi32>
    %eq3A = vector.broadcast %broadcast_in_dim3A : vector<1x2000xi32> to vector<16x2000xi32>
    %eq3A_4 = arith.cmpi eq, %iota3A, %eq3A : vector<16x2000xi32>
    %convert_element_type3A = arith.extui %eq3A_4 : vector<16x2000xi1> to vector<16x2000xi32>
    %convert_element_type3A_5 = arith.sitofp %convert_element_type3A : vector<16x2000xi32> to vector<16x2000xf32>
    %get3A_6 = arith.constant 0 : index
    %get3A_7 = arith.constant 0 : index
    %get3A_8 = vector.load %arg1[%get3A_6, %get3A_7] : memref<2000x128xf32, #tpu.memory_space<vmem>>, vector<2000x128xf32>
    %dot_general3A = arith.constant dense<0.000000e+00> : vector<16x128xf32>
    %dot_general3A_9 = tpu.matmul %convert_element_type3A_5, %get3A_8, %dot_general3A {dimension_numbers = #tpu.dot_dimension_numbers<[1], [0], [0], [1], [0, 0, 1, 1], [], []>, transpose_lhs_hint = false} : vector<16x2000xf32>, vector<2000x128xf32>, vector<16x128xf32> -> vector<16x128xf32>
    %eq3A_10 = arith.constant 0 : i32
    %eq3A_11 = arith.cmpi eq, %arg0, %eq3A_10 : i32
    %convert_element_type3A_12 = arith.extui %eq3A_11 : i1 to i32
    %cond3A = arith.constant 0 : i32
    %cond3A_13 = arith.cmpi ne, %convert_element_type3A_12, %cond3A : i32
    scf.if %cond3A_13 {
      %broadcast_in_dim3A_19 = arith.constant 0.000000e+00 : f32
      %broadcast_in_dim3A_20 = vector.broadcast %broadcast_in_dim3A_19 : f32 to vector<16x128xf32>
      %swap3A_21 = arith.constant 0 : index
      %swap3A_22 = arith.constant 0 : index
      %swap3A_23 = vector.load %arg3[%swap3A_21, %swap3A_22] : memref<16x128xf32, #tpu.memory_space<vmem>>, vector<16x128xf32>
      tpu.vector_store %arg3[%swap3A_21, %swap3A_22], %broadcast_in_dim3A_20 {strides = array<i32>} : memref<16x128xf32, #tpu.memory_space<vmem>>, vector<16x128xf32>,
    } else {
    }
    %get3A_14 = arith.constant 0 : index
    %get3A_15 = arith.constant 0 : index
    %get3A_16 = vector.load %arg3[%get3A_14, %get3A_15] : memref<16x128xf32, #tpu.memory_space<vmem>>, vector<16x128xf32>
    %add3A = arith.addf %get3A_16, %dot_general3A_9 : vector<16x128xf32>
    %swap3A = arith.constant 0 : index
    %swap3A_17 = arith.constant 0 : index
    %swap3A_18 = vector.load %arg3[%swap3A, %swap3A_17] : memref<16x128xf32, #tpu.memory_space<vmem>>, vector<16x128xf32>
    tpu.vector_store %arg3[%swap3A, %swap3A_17], %add3A {strides = array<i32>} : memref<16x128xf32, #tpu.memory_space<vmem>>, vector<16x128xf32>,
    return
  }
  func.func @transform_0(%arg0: i32) -> (i32, i32) {
    %c0_i32 = arith.constant 0 : i32
    %c0_i32_0 = arith.constant 0 : i32
    return %arg0, %c0_i32 : i32, i32
  }
  func.func @transform_1(%arg0: i32) -> (i32, i32, i32) {
    %c0_i32 = arith.constant 0 : i32
    %c0_i32_0 = arith.constant 0 : i32
    %c0_i32_1 = arith.constant 0 : i32
    return %arg0, %c0_i32, %c0_i32_0 : i32, i32, i32
  }
  func.func @transform_2(%arg0: i32) -> (i32, i32) {
    %c0_i32 = arith.constant 0 : i32
    %c0_i32_0 = arith.constant 0 : i32
    %c0_i32_1 = arith.constant 0 : i32
    return %c0_i32, %c0_i32_0 : i32, i32
  }
}

module attributes {stable_mosaic.version = 14 : i64} {
  func.func @_head_kernel(%arg0: memref<16x192xf32, #tpu.memory_space<vmem>>, %arg1: memref<192x64xf32, #tpu.memory_space<vmem>>, %arg2: memref<64xf32, #tpu.memory_space<vmem>>, %arg3: memref<64x32xf32, #tpu.memory_space<vmem>>, %arg4: memref<32xf32, #tpu.memory_space<vmem>>, %arg5: memref<32x10xf32, #tpu.memory_space<vmem>>, %arg6: memref<10xf32, #tpu.memory_space<vmem>>, %arg7: memref<16x10xf32, #tpu.memory_space<vmem>>) attributes {dimension_semantics = [], scalar_prefetch = 0 : i64, scratch_operands = 0 : i64, tpu.core_type = #tpu.core_type<tc>} {
    %get3A = arith.constant 0 : index
    %get3A_0 = arith.constant 0 : index
    %get3A_1 = vector.load %arg0[%get3A, %get3A_0] : memref<16x192xf32, #tpu.memory_space<vmem>>, vector<16x192xf32>
    %get3A_2 = arith.constant 0 : index
    %get3A_3 = arith.constant 0 : index
    %get3A_4 = vector.load %arg1[%get3A_2, %get3A_3] : memref<192x64xf32, #tpu.memory_space<vmem>>, vector<192x64xf32>
    %dot_general3A = arith.constant dense<0.000000e+00> : vector<16x64xf32>
    %dot_general3A_5 = tpu.matmul %get3A_1, %get3A_4, %dot_general3A {dimension_numbers = #tpu.dot_dimension_numbers<[1], [0], [0], [1], [0, 0, 1, 1], [], []>, transpose_lhs_hint = false} : vector<16x192xf32>, vector<192x64xf32>, vector<16x64xf32> -> vector<16x64xf32>
    %get3A_6 = arith.constant 0 : index
    %get3A_7 = vector.load %arg2[%get3A_6] : memref<64xf32, #tpu.memory_space<vmem>>, vector<64xf32>
    %broadcast_in_dim3A = vector.shape_cast %get3A_7 : vector<64xf32> to vector<1x64xf32>
    %add3A = vector.broadcast %broadcast_in_dim3A : vector<1x64xf32> to vector<16x64xf32>
    %add3A_8 = arith.addf %dot_general3A_5, %add3A : vector<16x64xf32>
    %max3A = arith.constant 0.000000e+00 : f32
    %max3A_9 = vector.broadcast %max3A : f32 to vector<16x64xf32>
    %max3A_10 = arith.maximumf %add3A_8, %max3A_9 : vector<16x64xf32>
    %get3A_11 = arith.constant 0 : index
    %get3A_12 = arith.constant 0 : index
    %get3A_13 = vector.load %arg3[%get3A_11, %get3A_12] : memref<64x32xf32, #tpu.memory_space<vmem>>, vector<64x32xf32>
    %dot_general3A_14 = arith.constant dense<0.000000e+00> : vector<16x32xf32>
    %dot_general3A_15 = tpu.matmul %max3A_10, %get3A_13, %dot_general3A_14 {dimension_numbers = #tpu.dot_dimension_numbers<[1], [0], [0], [1], [0, 0, 1, 1], [], []>, transpose_lhs_hint = false} : vector<16x64xf32>, vector<64x32xf32>, vector<16x32xf32> -> vector<16x32xf32>
    %get3A_16 = arith.constant 0 : index
    %get3A_17 = vector.load %arg4[%get3A_16] : memref<32xf32, #tpu.memory_space<vmem>>, vector<32xf32>
    %broadcast_in_dim3A_18 = vector.shape_cast %get3A_17 : vector<32xf32> to vector<1x32xf32>
    %add3A_19 = vector.broadcast %broadcast_in_dim3A_18 : vector<1x32xf32> to vector<16x32xf32>
    %add3A_20 = arith.addf %dot_general3A_15, %add3A_19 : vector<16x32xf32>
    %max3A_21 = arith.constant 0.000000e+00 : f32
    %max3A_22 = vector.broadcast %max3A_21 : f32 to vector<16x32xf32>
    %max3A_23 = arith.maximumf %add3A_20, %max3A_22 : vector<16x32xf32>
    %get3A_24 = arith.constant 0 : index
    %get3A_25 = arith.constant 0 : index
    %get3A_26 = vector.load %arg5[%get3A_24, %get3A_25] : memref<32x10xf32, #tpu.memory_space<vmem>>, vector<32x10xf32>
    %dot_general3A_27 = arith.constant dense<0.000000e+00> : vector<16x10xf32>
    %dot_general3A_28 = tpu.matmul %max3A_23, %get3A_26, %dot_general3A_27 {dimension_numbers = #tpu.dot_dimension_numbers<[1], [0], [0], [1], [0, 0, 1, 1], [], []>, transpose_lhs_hint = false} : vector<16x32xf32>, vector<32x10xf32>, vector<16x10xf32> -> vector<16x10xf32>
    %get3A_29 = arith.constant 0 : index
    %get3A_30 = vector.load %arg6[%get3A_29] : memref<10xf32, #tpu.memory_space<vmem>>, vector<10xf32>
    %broadcast_in_dim3A_31 = vector.shape_cast %get3A_30 : vector<10xf32> to vector<1x10xf32>
    %add3A_32 = vector.broadcast %broadcast_in_dim3A_31 : vector<1x10xf32> to vector<16x10xf32>
    %add3A_33 = arith.addf %dot_general3A_28, %add3A_32 : vector<16x10xf32>
    %swap3A = arith.constant 0 : index
    %swap3A_34 = arith.constant 0 : index
    %swap3A_35 = vector.load %arg7[%swap3A, %swap3A_34] : memref<16x10xf32, #tpu.memory_space<vmem>>, vector<16x10xf32>
    tpu.vector_store %arg7[%swap3A, %swap3A_34], %add3A_33 {strides = array<i32>} : memref<16x10xf32, #tpu.memory_space<vmem>>, vector<16x10xf32>,
    return
  }
}

</mosaic_0001>

<sc_bundles>
// kernel: kernel.10.cloned.1.call-start
scs
__scs_entry_jumppad:
0x0: {  	(pc) =	sbr.rel $0x88, $3  }
0x1: {  	(tag) =	ssettag $0x0;
	lr =	simm.s32 $0x1  }
0x2: {  	[smem:$0x3F88] =	sst lr;
	_ =	strace $0xD0000000  }
0x3: {  	_ = 	snop  }
0x4: {  	_ = 	snop  }
0x5: {  	_ = 	snop  }
0x6: {  	_ = 	snop  }
0x7: {  	_ = 	snop  }
__scs_overlays_trampoline_lowered:
0x8: {  	[smem:$0x3F97] =	sst s0  }
0x9: {  	[smem:$0x3F98] =	sst s1  }
0xa: {  	[smem:$0x3F99] =	sst s2  }
0xb: {  	[smem:$0x3F9A] =	sst s3  }
0xc: {  	[smem:$0x3F9B] =	sst s4  }
0xd: {  	[smem:$0x3F9C] =	sst s5  }
0xe: {  	[smem:$0x3F9D] =	sst s6  }
0xf: {  	[smem:$0x3F9E] =	sst s7  }
0x10: {  	[smem:$0x3F9F] =	sst s8  }
0x11: {  	[smem:$0x3FA0] =	sst s9;
	s0 =	simm.s32 @!p0 $0x0  }
0x12: {  	s1 =	sld [smem:$0x3F86];
	s0 =	simm.s32 @p0 $0x1  }
0x13: {  	[smem:$0x3FA1] =	sst s0;
	s0 =	simm.s32 @!p1 $0x0  }
0x14: {  	s2 =	sld [smem:$0x3F85];
	s0 =	simm.s32 @p1 $0x1  }
0x15: {  	[smem:$0x3FA2] =	sst s0;
	s0 =	simm.s32 @!p2 $0x0  }
0x16: {  	s3 =	sld [smem:$0x3FDB];
	s0 =	simm.s32 @p2 $0x1  }
0x17: {  	s4 =	simm.s32 $0x1BF5;
	[smem:$0x3FA4] =	sst s0  }
0x18: {  	s0 =	sld [smem:$0x3F87];
	_ =	swait.ge [sflag:s4], $0x0  }
0x19: {  	s7 =	sld [smem:$0x3F88]  }
0x1a: {  	s8 =	sadd.s32 $0xFFFFE003, lr  }
0x1b: {  	s9 =	sadd.s32 $0xFFFFFEF7, lr;
	s5 =	simm.s32 $0xFFFFFFFF;
	p2 =	slt.u32 s8, $0xFFFFF086  }
0x1c: {  	p1 =	slt.u32 s9, $0xF7A;
	s5 =	simm.s32 @!p2 $0x0  }
0x1d: {  	s5 =	simm.s32 @p1 $0x1;
	p0 =	seq.s32 s7, s2  }
0x1e: {  	s7 =	smul.u32 @!p0 $0xF7A, s2;
	p2 =	seq.s32 @!p0 s5, $0x0  }
0x1f: {  	s9 =	smul.u32 $0xF7A, s1;
	s8 =	simm.s32 @!p0 $0x1BF5;
	p2 =	por !p2, p0  }
0x20: {  	[sflag:s8] =	ssyncset.s32 @!p0 $0xFFFFF086;
	s6 =	sadd.s32 @!p0 s3, s7;
	s7 =	simm.s32 @!p0 $0x108  }
0x21: {  	s3 =	sadd.s32 s3, s9;
	s6 =	sadd.s32 @!p0 $0x88, s6;
	s7 =	simm.s32 @p2 $0x1082  }
0x22: {  	[simem:s7], [sflag:s8] =	dma.local @!p0 [hbm:s6], $0xF7A  }
0x23: {  	s9 =	sor.u32 $0xD0000000, s2;
	s6 =	simm.s32 $0x108;
	_ =	swait.ge @!p0 [sflag:s8], $0x0  }
0x24: {  	s3 =	sadd.s32 $0x88, s3;
	s6 =	simm.s32 @!p1 $0x1082;
	[sflag:s4] =	ssyncset.s32 $0xFFFFF086  }
0x25: {  	[simem:s6], [sflag:s4] =	dma.local [hbm:s3], $0xF7A  }
0x26: {  	[smem:$0x3F88] =	sst s1;
	(tag) =	ssettag s2;
	_ =	strace s9  }
0x27: {  	s1 =	sld [smem:$0x3F98]  }
0x28: {  	s2 =	sld [smem:$0x3F99]  }
0x29: {  	s4 =	sld [smem:$0x3F9B]  }
0x2a: {  	p0 =	seq.s32 s5, $0x0;
	s5 =	sld [smem:$0x3F9C]  }
0x2b: {  	s6 =	sld [smem:$0x3F9D]  }
0x2c: {  	s7 =	sld [smem:$0x3F9E]  }
0x2d: {  	s3 =	simm.s32 $0x108;
	s8 =	sld [smem:$0x3F9F]  }
0x2e: {  	s3 =	simm.s32 @!p0 $0x1082;
	s9 =	sld [smem:$0x3FA0]  }
0x2f: {  	lr =	sadd.s32 s0, s3;
	s0 =	sld [smem:$0x3F97]  }
0x30: {  	s3 =	sld [smem:$0x3F9A]  }
0x31: {  	[smem:$0x3FA3] =	sst s10  }
0x32: {  	s10 =	sld [smem:$0x3FA1];
	_ =	sdelay $0x3  }
0x33: {  	p0 =	seq.s32 s10, $0x1;
	s10 =	sld [smem:$0x3FA3];
	_ =	sdelay $0x3  }
0x34: {  	[smem:$0x3FA3] =	sst s10  }
0x35: {  	s10 =	sld [smem:$0x3FA2];
	_ =	sdelay $0x3  }
0x36: {  	p1 =	seq.s32 s10, $0x1;
	s10 =	sld [smem:$0x3FA3];
	_ =	sdelay $0x3  }
0x37: {  	[smem:$0x3FA3] =	sst s10  }
0x38: {  	s10 =	sld [smem:$0x3FA4]  }
0x39: {  	_ = 	snop;
	(pc) =	sbr.ind lr, $3  }
0x3a: {  	_ = 	snop  }
0x3b: {  	_ = 	snop  }
0x3c: {  	p2 =	seq.s32 s10, $0x1;
	s10 =	sld [smem:$0x3FA3]  }
0x3d: {  	_ =	shalt  }
0x3e: {  	_ =	shalt  }
0x3f: {  	_ =	shalt  }
0x40: {  	_ =	shalt  }
0x41: {  	_ =	shalt  }
0x42: {  	_ =	shalt  }
0x43: {  	_ =	shalt  }
0x44: {  	_ =	shalt  }
0x45: {  	_ =	shalt  }
0x46: {  	_ =	shalt  }
0x47: {  	_ =	shalt  }
0x48: {  	_ =	shalt  }
0x49: {  	_ =	shalt  }
0x4a: {  	_ =	shalt  }
0x4b: {  	_ =	shalt  }
0x4c: {  	_ =	shalt  }
0x4d: {  	_ =	shalt  }
0x4e: {  	_ =	shalt  }
0x4f: {  	_ =	shalt  }
0x50: {  	_ =	shalt  }
0x51: {  	_ =	shalt  }
0x52: {  	_ =	shalt  }
0x53: {  	_ =	shalt  }
0x54: {  	_ =	shalt  }
0x55: {  	_ =	shalt  }
0x56: {  	_ =	shalt  }
0x57: {  	_ =	shalt  }
0x58: {  	_ =	shalt  }
0x59: {  	_ =	shalt  }
0x5a: {  	_ =	shalt  }
0x5b: {  	_ =	shalt  }
0x5c: {  	_ =	shalt  }
0x5d: {  	_ =	shalt  }
0x5e: {  	_ =	shalt  }
0x5f: {  	_ =	shalt  }
0x60: {  	_ =	shalt  }
0x61: {  	_ =	shalt  }
0x62: {  	_ =	shalt  }
0x63: {  	_ =	shalt  }
0x64: {  	_ =	shalt  }
0x65: {  	_ =	shalt  }
0x66: {  	_ =	shalt  }
0x67: {  	_ =	shalt  }
0x68: {  	_ =	shalt  }
0x69: {  	_ =	shalt  }
0x6a: {  	_ =	shalt  }
0x6b: {  	_ =	shalt  }
0x6c: {  	_ =	shalt  }
0x6d: {  	_ =	shalt  }
0x6e: {  	_ =	shalt  }
0x6f: {  	_ =	shalt  }
0x70: {  	_ =	shalt  }
0x71: {  	_ =	shalt  }
0x72: {  	_ =	shalt  }
0x73: {  	_ =	shalt  }
0x74: {  	_ =	shalt  }
0x75: {  	_ =	shalt  }
0x76: {  	_ =	shalt  }
0x77: {  	_ =	shalt  }
0x78: {  	_ =	shalt  }
0x79: {  	_ =	shalt  }
0x7a: {  	_ =	shalt  }
0x7b: {  	_ =	shalt  }
0x7c: {  	_ =	shalt  }
0x7d: {  	_ =	shalt  }
0x7e: {  	_ =	shalt  }
0x7f: {  	_ =	shalt  }
0x80: {  	_ =	shalt  }
0x81: {  	_ =	shalt  }
0x82: {  	_ =	shalt  }
0x83: {  	_ =	shalt  }
0x84: {  	_ =	shalt  }
0x85: {  	_ =	shalt  }
0x86: {  	_ =	shalt  }
0x87: {  	_ =	shalt  }
.Lfunc_end0:
.L_simem_size_0:
called_computation.2_lowered:
.L_overlay_start_0:
0x88: {  	s2 =	sld [smem:$0x3FD9]  }
0x89: {  	s3 =	sld [smem:$0x3FFE];
	_ =	sdelay $0x1  }
0x8a: {  	s1 =	srdreg.scid  }
0x8b: {  	s0 =	sand.u32 $0x1, s1  }
0x8c: {  	s16 =	sshll.u32 s0, $0xA;
	s2 =	sadd.s32 s3, s2  }
0x8d: {  	s2 =	sadd.s32 s2, s16  }
0x8e: {  	[smem:$0x3FAF] =	sst s2  }
0x8f: {  	_ = 	snop  }
0x90: {  	(tm) =	ssettm $0x1  }
0x91: {  	s17 =	sld [smem:$0x3FFB];
	_ =	sdelay $0x3  }
0x92: {  	_ =	strace s17  }
0x93: {  	s2 =	sld [smem:$0x3FFC];
	_ =	sdelay $0x3  }
0x94: {  	_ =	strace s2  }
0x95: {  	s2 =	sld [smem:$0x3FFD];
	_ =	sdelay $0x3  }
0x96: {  	_ =	strace s2  }
0x97: {  	_ =	strace $0x8FFFFFFF  }
0x98: {  	s18 =	sld [smem:$0x3FDB];
	_ =	sdelay $0x1  }
0x99: {  	s19 =	simm.s32 $_scs_section_size  }
0x9a: {  	s4 =	simm.s32 $_size__tile_overlayer_lowered;
	s5 =	simm.s32 $_tile_overlayer_lowered  }
0x9b: {  	s22 =	simm.s32 $0x1BFF;
	s21 =	sshll.u32 s5, $0x1;
	s2 =	sadd.s32 s19, s18  }
0x9c: {  	s6 =	simm.s32 $0x0;
	s20 =	sshll.u32 s4, $0x1;
	s4 =	sadd.s32 s21, s2  }
0x9d: {  	[timem:s6], [sflag:s22] =	dma.local [hbm:s4], s20  }
0x9e: {  	_ =	swait.ge [sflag:s22], s20  }
0x9f: {  	s3 =	ssub.s32 $0x0, s20;
	[sflag:s22] =	ssyncset.done $0x0  }
0xa0: {  	[sflag:s22] =	ssyncadd.s32 s3;
	_ =	sdelay $0x1  }
0xa1: {  	s23 =	simm.s32 $0x1B8B  }
0xa2: {  	_ =	swait.ge [sflag:s23], $0x1  }
0xa3: {  	[sflag:s23] =	ssyncset.done $0x0  }
0xa4: {  	s25 =	simm.s32 $0x1B8E;
	s24 =	sld [smem:$0x3FFE];
	[sflag:s23] =	ssyncadd.s32 $0xFFFFFFFF  }
0xa5: {  	s26 =	simm.s32 $execute0_lowered;
	[smem:$0x3FD2] =	sst s25  }
0xa6: {  	s4 =	sshll.u32 s26, $0x1;
	_ =	strace $0x80000046;
	[dreg:$0x1] =	wrdreg $0xFFFFFFFF  }
0xa7: {  	s28 =	simm.s32 $_size_execute0_lowered;
	s2 =	sadd.s32 s2, s4;
	[dreg:$0x0] =	wrdreg $0x0  }
0xa8: {  	s4 =	sshll.u32 s28, $0x1;
	[dreg:$0x2] =	wrdreg s2  }
0xa9: {  	[dreg:$0x3] =	wrdreg s4  }
0xaa: {  	[dreg:$0x4] =	wrdreg $0xC0  }
0xab: {  	_ =	task [dreg:s6], $0x5FFFF  }
0xac: {  	[dreg:$0x1] =	wrdreg $0xFFFFFFFF  }
0xad: {  	[dreg:$0x0] =	wrdreg $0x60  }
0xae: {  	[dreg:$0x2] =	wrdreg s24  }
0xaf: {  	[dreg:$0x3] =	wrdreg $0x52800  }
0xb0: {  	[dreg:$0x4] =	wrdreg $0x18B000  }
0xb1: {  	[dreg:$0x5] =	wrdreg $0x9  }
0xb2: {  	_ =	task.clear_ibuf [dreg:s6], $0x6FFFF;
	_ =	strace $0x90000046  }
0xb3: {  	s29 =	simm.s32 $0x9;
	_ =	strace $0x80000048  }
0xb4: {  	_ =	swait.ge [sflag:s29], $0x1  }
0xb5: {  	[sflag:s29] =	ssyncadd.s32 $0xFFFFFFFF  }
0xb6: {  	_ =	strace $0x90000048  }
0xb7: {  	_ =	sfence  }
0xb8: {  	s30 =	sld [smem:$0x0];
	_ =	sdelay $0x2  }
0xb9: {  	s31 =	sshll.u32 s1, $0xD;
	s1 =	sshrl.u32 s1, $0x2  }
0xba: {  	s3 =	sand.u32 $0x4000, s31;
	s1 =	sadd.s32 s1, s30  }
0xbb: {  	s0 =	sor.u32 s3, s0;
	s1 =	sshll.u32 s1, $0x11  }
0xbc: {  	s0 =	sor.u32 s1, s0  }
0xbd: {  	s0 =	sadd.s32 $0x8F2B, s0  }
0xbe: {  	[sflag:s0] =	ssyncadd.remote.s32 $0x1  }
0xbf: {  	_ =	sfence.sel $0xFFFF  }
0xc0: {  	[dreg:$0x0] =	wrdreg $0xFFFFFFFF;
	(pc) =	sbr.abs _section_cstart, $3  }
0xc1: {  	[dreg:$0x1] =	wrdreg $0xFFFFFFFF  }
0xc2: {  	_ =	task.clear_ibuf [dreg:s6], $0x2FFFF;
	_ =	strace $0x9FFFFFFF  }
0xc3: {  	(tm) =	ssettm $0x7FFFFFFF  }
tec
execute0_lowered:
.L_overlay_start_1:
0x0: {  	(tag) =	ssettag $0x1  }
0x1: {  	s0 =	srdreg.scid  }
0x2: {  	s24 =	stileid.u32;
	s11 =	rddreg [dreg:$0x0]  }
0x3: {  	s1 =	rddreg [dreg:$0x1];
	s2 =	simm.s32 $0x0;
	s3 =	smul.u32 $0x4E20, s24  }
0x4: {  	s31 =	simm.s32 $0x80;
	s0 =	sand.u32 $0x1, s0;
	s10 =	smul.u32 $0x500, s24  }
0x5: {  	[smem:$0x7FF] =	sst s2;
	s23 =	sshll.u32 s24, $0x4;
	s4 =	smul.u32 $0x2710, s0  }
0x6: {  	s16 =	sor.u32 $0x50, s24;
	s19 =	sor.u32 $0x60, s24;
	s5 =	smul.u32 $0x27100, s0  }
0x7: {  	s20 =	sor.u32 $0x70, s24;
	s6 =	ssub.s32 $0x2, s0;
	s13 =	smul.u32 $0x500, s0  }
0x8: {  	[dreg:$0x4] =	wrdreg s23;
	s9 =	sand.u32 $0x70, s23;
	s26 =	smul.u32 $0x500, s16  }
0x9: {  	s0 =	sor.u32 $0x20, s24;
	p0 =	sgt.u32 s20, $0x7C;
	s16 =	smul.u32 $0xA000, s16  }
0xa: {  	s22 =	sshrl.u32 s6, $0x1;
	s18 =	smul.u32 $0x500, s0;
	s7 =	sshll.u32 s0, $0x4  }
0xb: {  	s12 =	sadd.s32 s4, s3;
	s21 =	sadd.s32 s5, s11;
	s15 =	ssub.s32 s6, s22  }
0xc: {  	s5 =	sor.u32 $0x10, s24;
	s3 =	sor.u32 $0x30, s24;
	s4 =	sor.u32 $0x40, s24  }
0xd: {  	s7 =	sand.u32 $0x280, s7;
	s13 =	sadd.s32 s13, s11;
	s17 =	smul.u32 $0x500, s5  }
0xe: {  	s16 =	sshrl.u32 s16, $0x2;
	s14 =	sadd.s32 $0x43400, s21;
	s21 =	smul.u32 $0x500, s3  }
0xf: {  	s25 =	sshll.u32 s5, $0x4;
	s22 =	smul.u32 $0x500, s4;
	s8 =	sshll.u32 s3, $0x4  }
0x10: {  	s23 =	sshll.u32 s4, $0x4;
	s7 =	sor.u32 s9, s7;
	s12 =	sshrl.u32 s12, $0x3  }
0x11: {  	s30 =	sadd.s32 $0x42A00, s13;
	s6 =	sand.u32 $0x180, s25;
	s8 =	sand.u32 $0x380, s8  }
0x12: {  	s23 =	sand.u32 $0x480, s23;
	s10 =	sadd.s32 s10, s14;
	s18 =	sadd.s32 s18, s14  }
0x13: {  	s26 =	sadd.s32 s26, s14;
	s12 =	sadd.s32 s12, s11;
	s6 =	sor.u32 s9, s6  }
0x14: {  	s8 =	sor.u32 s9, s8;
	s9 =	sor.u32 s9, s23;
	[dreg:$0x5] =	wrdreg s10  }
0x15: {  	s17 =	sadd.s32 s17, s14;
	[dreg:$0x7] =	wrdreg s18;
	s18 =	smul.u32 $0x500, s20  }
0x16: {  	s21 =	sadd.s32 s21, s14;
	[dreg:$0xa] =	wrdreg s26;
	s26 =	smul.u32 $0xA000, s5  }
0x17: {  	s25 =	sadd.s32 s22, s14;
	s10 =	rddreg [dreg:$0x2];
	s20 =	smul.u32 $0xA000, s20  }
0x18: {  	s22 =	sadd.s32 $0x42800, s11;
	[dreg:$0x6] =	wrdreg s17;
	s17 =	smul.u32 $0x500, s19  }
0x19: {  	s23 =	sshll.u32 s24, $0x7;
	[dreg:$0x9] =	wrdreg s25;
	s25 =	smul.u32 $0xA000, s24  }
0x1a: {  	s5 =	sshll.u32 s5, $0x7;
	[dreg:$0x8] =	wrdreg s21;
	s24 =	smul.u32 $0xA000, s3  }
0x1b: {  	s21 =	sadd.s32 $0x42000, s11;
	s19 =	smul.u32 $0xA000, s19;
	s5 =	sadd.s32 s5, s10  }
0x1c: {  	s3 =	sshll.u32 s3, $0x7;
	s13 =	sadd.s32 s30, s8;
	s8 =	simm.s32 $0x50  }
0x1d: {  	s20 =	sshrl.u32 s20, $0x2;
	s3 =	sadd.s32 s3, s10;
	s17 =	sadd.s32 s17, s14  }
0x1e: {  	s14 =	sadd.s32 @!p0 s18, s14;
	s18 =	sadd.s32 s23, s10;
	[dreg:$0xb] =	wrdreg s17  }
0x1f: {  	s23 =	smul.u32 $0xA000, s0;
	s19 =	sshrl.u32 s19, $0x2;
	[dreg:$0xc] =	wrdreg s14  }
0x20: {  	s29 =	sadd.s32 s20, s1;
	_ =	strace $0x80000047;
	[dreg:$0xd] =	wrdreg s21  }
0x21: {  	s14 =	sadd.s32 $0x1AE00, s11;
	s11 =	sadd.s32 $0x42600, s11;
	[dreg:$0xe] =	wrdreg s22  }
0x22: {  	s0 =	sshll.u32 s0, $0x7;
	s17 =	sshrl.u32 s24, $0x2;
	[dreg:$0xf] =	wrdreg s11  }
0x23: {  	s28 =	sadd.s32 s19, s1;
	s0 =	sadd.s32 s0, s10;
	[dreg:$0x12] =	wrdreg s5  }
0x24: {  	s19 =	sadd.s32 $0x1800, s18;
	s20 =	sadd.s32 $0x2000, s18;
	[dreg:$0x13] =	wrdreg s0  }
0x25: {  	s21 =	smax.u32 s15, $0x1;
	s22 =	sshrl.u32 s25, $0x2;
	[dreg:$0x14] =	wrdreg s3  }
0x26: {  	s11 =	sshrl.u32 s26, $0x2;
	s25 =	sshrl.u32 s23, $0x2;
	[dreg:$0x18] =	wrdreg s13  }
0x27: {  	s26 =	smul.u32 $0xA000, s4;
	s24 =	sadd.s32 s17, s1;
	[dreg:$0x10] =	wrdreg s30  }
0x28: {  	s4 =	sshll.u32 s4, $0x7;
	s3 =	sadd.s32 $0x7200, s12;
	[dreg:$0x1c] =	wrdreg s19  }
0x29: {  	s17 =	sadd.s32 $0x1000, s18;
	[dreg:$0x1d] =	wrdreg s20;
	s20 =	simm.s32 $0x5200  }
0x2a: {  	s0 =	simm.s32 $0x100;
	[dreg:$0x11] =	wrdreg s21;
	s21 =	sadd.s32 s22, s1  }
0x2b: {  	s22 =	sadd.s32 s11, s1;
	s23 =	sadd.s32 s25, s1;
	s5 =	sadd.s32 s4, s10  }
0x2c: {  	s4 =	sadd.s32 $0x11000, s12;
	s11 =	sadd.s32 s30, s6;
	[dreg:$0x1b] =	wrdreg s17  }
0x2d: {  	s12 =	sadd.s32 s30, s7;
	s17 =	simm.s32 $0x2;
	[dreg:$0x15] =	wrdreg s5  }
0x2e: {  	s6 =	simm.s32 $0x3;
	s7 =	simm.s32 $0x5180;
	[dreg:$0x16] =	wrdreg s11  }
0x2f: {  	s15 =	sshrl.u32 s26, $0x2;
	s26 =	sadd.s32 s16, s1;
	[dreg:$0x17] =	wrdreg s12  }
0x30: {  	s16 =	sadd.s32 $0x800, s18;
	s5 =	simm.s32 $0x1;
	s25 =	sadd.s32 s15, s1  }
0x31: {  	s15 =	sadd.s32 s30, s9;
	[dreg:$0x1a] =	wrdreg s16;
	s16 =	simm.s32 $0x2900  }
0x32: {  	s30 =	simm.s32 $0x5100;
	s9 =	simm.s32 $0x0;
	[dreg:$0x19] =	wrdreg s15  }
.LBB2_1:
0x33: {  	s11 =	rddreg [dreg:$0xd]  }
0x34: {  	[tilespmem:s16], [sflag:$0x2] =	stream.linear.gather [hbm4b:s11+s2], $0x2800, $0x38;
	[tilespmem:$0x18D80] =	vst v63  }
0x35: {  	_ =	swait.ge [sflag:s17], $0x2800  }
0x36: {  	[sflag:s17] =	ssyncset.done $0x0  }
0x37: {  	s12 =	rddreg [dreg:$0xf];
	[sflag:s17] =	ssyncadd.s32 $0xFFFFD800  }
0x38: {  	[tilespmem:s20], [sflag:$0x2] =	stream.linear.gather [hbm4b:s12+s2], $0x80, $0x38;
	[tilespmem:$0x18D80] =	vst v63  }
0x39: {  	_ =	swait.ge [sflag:s17], $0x80  }
0x3a: {  	[sflag:s17] =	ssyncset.done $0x0  }
0x3b: {  	s13 =	rddreg [dreg:$0xe];
	[sflag:s17] =	ssyncadd.s32 $0xFFFFFF80  }
0x3c: {  	[tilespmem:s30], [sflag:$0x2] =	stream.linear.gather [hbm4b:s13+s2], $0x80, $0x38;
	[tilespmem:$0x18D80] =	vst v63  }
0x3d: {  	_ =	swait.ge [sflag:s17], $0x80  }
0x3e: {  	[sflag:s17] =	ssyncset.done $0x0  }
0x3f: {  	[sflag:s17] =	ssyncadd.s32 $0xFFFFFF80  }
0x40: {  	[spmem:s21] =	stream.linear.scatter [tilespmem:s16], [sflag:$0x2], $0x2800, $0x38;
	[tilespmem:$0x18D80] =	vst v63  }
0x41: {  	_ =	swait.ge [sflag:s17], $0x2800  }
0x42: {  	[sflag:s17] =	ssyncset.done $0x0  }
0x43: {  	[sflag:s17] =	ssyncadd.s32 $0xFFFFD800  }
0x44: {  	[spmem:s22] =	stream.linear.scatter [tilespmem:s16], [sflag:$0x2], $0x2800, $0x38;
	[tilespmem:$0x18D80] =	vst v63  }
0x45: {  	_ =	swait.ge [sflag:s17], $0x2800  }
0x46: {  	[sflag:s17] =	ssyncset.done $0x0  }
0x47: {  	[sflag:s17] =	ssyncadd.s32 $0xFFFFD800  }
0x48: {  	[spmem:s23] =	stream.linear.scatter [tilespmem:s16], [sflag:$0x2], $0x2800, $0x38;
	[tilespmem:$0x18D80] =	vst v63  }
0x49: {  	_ =	swait.ge [sflag:s17], $0x2800  }
0x4a: {  	[sflag:s17] =	ssyncset.done $0x0  }
0x4b: {  	[sflag:s17] =	ssyncadd.s32 $0xFFFFD800  }
0x4c: {  	[spmem:s24] =	stream.linear.scatter [tilespmem:s16], [sflag:$0x2], $0x2800, $0x38;
	[tilespmem:$0x18D80] =	vst v63  }
0x4d: {  	_ =	swait.ge [sflag:s17], $0x2800  }
0x4e: {  	[sflag:s17] =	ssyncset.done $0x0  }
0x4f: {  	[sflag:s17] =	ssyncadd.s32 $0xFFFFD800  }
0x50: {  	[spmem:s25] =	stream.linear.scatter [tilespmem:s16], [sflag:$0x2], $0x2800, $0x38;
	[tilespmem:$0x18D80] =	vst v63  }
0x51: {  	_ =	swait.ge [sflag:s17], $0x2800  }
0x52: {  	[sflag:s17] =	ssyncset.done $0x0  }
0x53: {  	[sflag:s17] =	ssyncadd.s32 $0xFFFFD800  }
0x54: {  	[spmem:s26] =	stream.linear.scatter [tilespmem:s16], [sflag:$0x2], $0x2800, $0x38;
	[tilespmem:$0x18D80] =	vst v63  }
0x55: {  	_ =	swait.ge [sflag:s17], $0x2800  }
0x56: {  	[sflag:s17] =	ssyncset.done $0x0  }
0x57: {  	[sflag:s17] =	ssyncadd.s32 $0xFFFFD800  }
0x58: {  	[spmem:s28] =	stream.linear.scatter [tilespmem:s16], [sflag:$0x2], $0x2800, $0x38;
	[tilespmem:$0x18D80] =	vst v63  }
0x59: {  	_ =	swait.ge [sflag:s17], $0x2800  }
0x5a: {  	[sflag:s17] =	ssyncset.done $0x0  }
0x5b: {  	s11 =	simm.s32 @!p0 $0x2900;
	[sflag:s17] =	ssyncadd.s32 $0xFFFFD800  }
0x5c: {  	[spmem:s29] =	stream.linear.scatter @!p0 [tilespmem:s11], [sflag:$0x2], $0x2800, $0x38;
	[tilespmem:$0x18D80] =	vst v63  }
0x5d: {  	s11 =	simm.s32 @!p0 $0x2  }
0x5e: {  	_ =	swait.ge @!p0 [sflag:s11], $0x2800  }
0x5f: {  	[sflag:s11] =	ssyncset.done @!p0 $0x0  }
0x60: {  	[sflag:s11] =	ssyncadd.s32 @!p0 $0xFFFFD800  }
0x61: {  	[spmem:s18] =	stream.linear.scatter [tilespmem:s20], [sflag:$0x2], $0x80, $0x38;
	[tilespmem:$0x18D80] =	vst v63  }
0x62: {  	_ =	swait.ge [sflag:s17], $0x80  }
0x63: {  	[sflag:s17] =	ssyncset.done $0x0  }
0x64: {  	s15 =	rddreg [dreg:$0x1a];
	[sflag:s17] =	ssyncadd.s32 $0xFFFFFF80  }
0x65: {  	[spmem:s15] =	stream.linear.scatter [tilespmem:s20], [sflag:$0x2], $0x80, $0x38;
	[tilespmem:$0x18D80] =	vst v63  }
0x66: {  	_ =	swait.ge [sflag:s17], $0x80  }
0x67: {  	[sflag:s17] =	ssyncset.done $0x0  }
0x68: {  	s19 =	rddreg [dreg:$0x1b];
	[sflag:s17] =	ssyncadd.s32 $0xFFFFFF80  }
0x69: {  	[spmem:s19] =	stream.linear.scatter [tilespmem:s20], [sflag:$0x2], $0x80, $0x38;
	[tilespmem:$0x18D80] =	vst v63  }
0x6a: {  	_ =	swait.ge [sflag:s17], $0x80  }
0x6b: {  	[sflag:s17] =	ssyncset.done $0x0  }
0x6c: {  	s12 =	rddreg [dreg:$0x1c];
	[sflag:s17] =	ssyncadd.s32 $0xFFFFFF80  }
0x6d: {  	[spmem:s12] =	stream.linear.scatter [tilespmem:s20], [sflag:$0x2], $0x80, $0x38;
	[tilespmem:$0x18D80] =	vst v63  }
0x6e: {  	_ =	swait.ge [sflag:s17], $0x80  }
0x6f: {  	[sflag:s17] =	ssyncset.done $0x0  }
0x70: {  	s13 =	rddreg [dreg:$0x1d];
	[sflag:s17] =	ssyncadd.s32 $0xFFFFFF80  }
0x71: {  	[spmem:s13] =	stream.linear.scatter [tilespmem:s20], [sflag:$0x2], $0x80, $0x38;
	[tilespmem:$0x18D80] =	vst v63  }
0x72: {  	_ =	swait.ge [sflag:s17], $0x80  }
0x73: {  	[sflag:s17] =	ssyncset.done $0x0  }
0x74: {  	[sflag:s17] =	ssyncadd.s32 $0xFFFFFF80  }
0x75: {  	s15 =	sadd.s32 $0x0, s4;
	[bflag:$0x0] =	sbarrier.arrive $0xFFFF  }
0x76: {  	[tilespmem:s2], [sflag:$0x2] =	stream.linear.gather [hbm4b:s15+s2], $0x50, $0x38;
	[tilespmem:$0x18D80] =	vst v63  }
0x77: {  	_ =	swait.ge [sflag:s17], $0x50  }
0x78: {  	[sflag:s17] =	ssyncset.done $0x0  }
0x79: {  	s19 =	sadd.s32 $0x0, s3;
	[sflag:s17] =	ssyncadd.s32 $0xFFFFFFB0  }
0x7a: {  	[tilespmem:s31], [sflag:$0x2] =	stream.linear.gather [hbm4b:s19+s2], $0x50, $0x38;
	[tilespmem:$0x18D80] =	vst v63  }
0x7b: {  	_ =	swait.ge [sflag:s17], $0x50  }
0x7c: {  	[sflag:s17] =	ssyncset.done $0x0  }
0x7d: {  	[sflag:s17] =	ssyncadd.s32 $0xFFFFFFB0  }
0x7e: {  	[tilespmem:s0], [sflag:$0x1] =	stream.indirect.gather [hbm4b:s14+s8], $0x80, s2, s8, $0xb8;
	[tilespmem:$0x18D80] =	vst v63  }
0x7f: {  	_ =	swait.ge [sflag:s5], $0x2800  }
0x80: {  	[sflag:s5] =	ssyncset.done $0x0  }
0x81: {  	[sflag:s5] =	ssyncadd.s32 $0xFFFFD800  }
0x82: {  	[spmem:s1] =	stream.indirect.scatter.add.f32 [tilespmem:s0], [sflag:$0x2], $0x80, s31, s8, $0xb8;
	[tilespmem:$0x18D80] =	vst v63  }
0x83: {  	_ =	swait.ge [sflag:s17], $0x2800  }
0x84: {  	[sflag:s17] =	ssyncset.done $0x0  }
0x85: {  	[sflag:s17] =	ssyncadd.s32 $0xFFFFD800  }
0x86: {  	[spmem:s10] =	stream.indirect.scatter.add.f32 [tilespmem:s30], [sflag:$0x2], $0x1, s31, s8, $0xb8;
	[tilespmem:$0x18D80] =	vst v63  }
0x87: {  	_ =	swait.ge [sflag:s17], $0x50  }
0x88: {  	s11 =	simm.s32 $0xA;
	s19 =	simm.s32 $0x14;
	[sflag:s17] =	ssyncset.done $0x0  }
.LBB2_2:
0x89: {  	s12 =	sadd.s32 s11, s4  }
0x8a: {  	[sflag:s17] =	ssyncadd.s32 $0xFFFFFFB0;
	s13 =	smov.u32 s19;
	s15 =	sadd.s32 $0xA, s19  }
0x8b: {  	[tilespmem:s2], [sflag:$0x2] =	stream.linear.gather [hbm4b:s12+s2], $0x50, $0x38;
	[tilespmem:$0x18D80] =	vst v63  }
0x8c: {  	p1 =	sne.s32 s19, $0x4D8;
	_ =	swait.ge [sflag:s17], $0x50  }
0x8d: {  	[sflag:s17] =	ssyncset.done $0x0  }
0x8e: {  	s12 =	sadd.s32 s11, s3;
	s11 =	smov.u32 s13;
	[sflag:s17] =	ssyncadd.s32 $0xFFFFFFB0  }
0x8f: {  	[tilespmem:s31], [sflag:$0x2] =	stream.linear.gather [hbm4b:s12+s2], $0x50, $0x38;
	[tilespmem:$0x18D80] =	vst v63  }
0x90: {  	_ =	swait.ge [sflag:s17], $0x50  }
0x91: {  	[sflag:s17] =	ssyncset.done $0x0  }
0x92: {  	[sflag:s17] =	ssyncadd.s32 $0xFFFFFFB0  }
0x93: {  	[tilespmem:s0], [sflag:$0x1] =	stream.indirect.gather [hbm4b:s14+s8], $0x80, s2, s8, $0xb8;
	[tilespmem:$0x18D80] =	vst v63  }
0x94: {  	_ =	swait.ge [sflag:s5], $0x2800  }
0x95: {  	[sflag:s5] =	ssyncset.done $0x0  }
0x96: {  	[sflag:s5] =	ssyncadd.s32 $0xFFFFD800  }
0x97: {  	[spmem:s1] =	stream.indirect.scatter.add.f32 [tilespmem:s0], [sflag:$0x2], $0x80, s31, s8, $0xb8;
	[tilespmem:$0x18D80] =	vst v63  }
0x98: {  	_ =	swait.ge [sflag:s17], $0x2800  }
.Ltmp0:
0x99: {  	[sflag:s17] =	ssyncset.done $0x0;
	(pc) =	sbr.rel @p1 .LBB2_2-.Ltmp0, $4  }
0x9a: {  	[sflag:s17] =	ssyncadd.s32 $0xFFFFD800  }
0x9b: {  	[spmem:s10] =	stream.indirect.scatter.add.f32 [tilespmem:s30], [sflag:$0x2], $0x1, s31, s8, $0xb8;
	[tilespmem:$0x18D80] =	vst v63  }
0x9c: {  	_ =	swait.ge [sflag:s17], $0x50  }
0x9d: {  	s19 =	smov.u32 s15;
	[sflag:s17] =	ssyncset.done $0x0  }
0x9e: {  	s12 =	sadd.s32 s11, s4;
	[sflag:s17] =	ssyncadd.s32 $0xFFFFFFB0  }
0x9f: {  	[tilespmem:s2], [sflag:$0x2] =	stream.linear.gather [hbm4b:s12+s2], $0x50, $0x38;
	[tilespmem:$0x18D80] =	vst v63  }
0xa0: {  	_ =	swait.ge [sflag:s17], $0x50  }
0xa1: {  	[sflag:s17] =	ssyncset.done $0x0  }
0xa2: {  	s13 =	sadd.s32 s11, s3;
	[sflag:s17] =	ssyncadd.s32 $0xFFFFFFB0  }
0xa3: {  	[tilespmem:s31], [sflag:$0x2] =	stream.linear.gather [hbm4b:s13+s2], $0x50, $0x38;
	[tilespmem:$0x18D80] =	vst v63  }
0xa4: {  	_ =	swait.ge [sflag:s17], $0x50  }
0xa5: {  	[sflag:s17] =	ssyncset.done $0x0  }
0xa6: {  	[sflag:s17] =	ssyncadd.s32 $0xFFFFFFB0  }
0xa7: {  	[tilespmem:s0], [sflag:$0x1] =	stream.indirect.gather [hbm4b:s14+s8], $0x80, s2, s8, $0xb8;
	[tilespmem:$0x18D80] =	vst v63  }
0xa8: {  	_ =	swait.ge [sflag:s5], $0x2800  }
0xa9: {  	[sflag:s5] =	ssyncset.done $0x0  }
0xaa: {  	[sflag:s5] =	ssyncadd.s32 $0xFFFFD800  }
0xab: {  	[spmem:s1] =	stream.indirect.scatter.add.f32 [tilespmem:s0], [sflag:$0x2], $0x80, s31, s8, $0xb8;
	[tilespmem:$0x18D80] =	vst v63  }
0xac: {  	_ =	swait.ge [sflag:s17], $0x2800  }
0xad: {  	[sflag:s17] =	ssyncset.done $0x0  }
0xae: {  	[sflag:s17] =	ssyncadd.s32 $0xFFFFD800  }
0xaf: {  	[spmem:s10] =	stream.indirect.scatter.add.f32 [tilespmem:s30], [sflag:$0x2], $0x1, s31, s8, $0xb8;
	[tilespmem:$0x18D80] =	vst v63  }
0xb0: {  	_ =	swait.ge [sflag:s17], $0x50  }
0xb1: {  	[sflag:s17] =	ssyncset.done $0x0  }
0xb2: {  	[sflag:s17] =	ssyncadd.s32 $0xFFFFFFB0  }
0xb3: {  	[bflag:$0x0] =	sbarrier.arrive $0xFFFF  }
0xb4: {  	[tilespmem:s16], [sflag:$0x3] =	stream.linear.gather [spmem:s21], $0x2800, $0x38;
	[tilespmem:$0x18D80] =	vst v63  }
0xb5: {  	_ =	swait.ge [sflag:s6], $0x2800  }
0xb6: {  	[sflag:s6] =	ssyncset.done $0x0  }
0xb7: {  	s15 =	rddreg [dreg:$0x5];
	[sflag:s6] =	ssyncadd.s32 $0xFFFFD800  }
0xb8: {  	[hbm4b:s15+s2] =	stream.linear.scatter [tilespmem:s16], [sflag:$0x2], $0x2800, $0x38;
	[tilespmem:$0x18D80] =	vst v63  }
0xb9: {  	_ =	swait.ge [sflag:s17], $0x2800  }
0xba: {  	[sflag:s17] =	ssyncset.done $0x0  }
0xbb: {  	[sflag:s17] =	ssyncadd.s32 $0xFFFFD800  }
0xbc: {  	[tilespmem:s16], [sflag:$0x3] =	stream.linear.gather [spmem:s22], $0x2800, $0x38;
	[tilespmem:$0x18D80] =	vst v63  }
0xbd: {  	_ =	swait.ge [sflag:s6], $0x2800  }
0xbe: {  	[sflag:s6] =	ssyncset.done $0x0  }
0xbf: {  	s19 =	rddreg [dreg:$0x6];
	[sflag:s6] =	ssyncadd.s32 $0xFFFFD800  }
0xc0: {  	[hbm4b:s19+s2] =	stream.linear.scatter [tilespmem:s16], [sflag:$0x2], $0x2800, $0x38;
	[tilespmem:$0x18D80] =	vst v63  }
0xc1: {  	_ =	swait.ge [sflag:s17], $0x2800  }
0xc2: {  	[sflag:s17] =	ssyncset.done $0x0  }
0xc3: {  	[sflag:s17] =	ssyncadd.s32 $0xFFFFD800  }
0xc4: {  	[tilespmem:s16], [sflag:$0x3] =	stream.linear.gather [spmem:s23], $0x2800, $0x38;
	[tilespmem:$0x18D80] =	vst v63  }
0xc5: {  	_ =	swait.ge [sflag:s6], $0x2800  }
0xc6: {  	[sflag:s6] =	ssyncset.done $0x0  }
0xc7: {  	s12 =	rddreg [dreg:$0x7];
	[sflag:s6] =	ssyncadd.s32 $0xFFFFD800  }
0xc8: {  	[hbm4b:s12+s2] =	stream.linear.scatter [tilespmem:s16], [sflag:$0x2], $0x2800, $0x38;
	[tilespmem:$0x18D80] =	vst v63  }
0xc9: {  	_ =	swait.ge [sflag:s17], $0x2800  }
0xca: {  	[sflag:s17] =	ssyncset.done $0x0  }
0xcb: {  	[sflag:s17] =	ssyncadd.s32 $0xFFFFD800  }
0xcc: {  	[tilespmem:s16], [sflag:$0x3] =	stream.linear.gather [spmem:s24], $0x2800, $0x38;
	[tilespmem:$0x18D80] =	vst v63  }
0xcd: {  	_ =	swait.ge [sflag:s6], $0x2800  }
0xce: {  	[sflag:s6] =	ssyncset.done $0x0  }
0xcf: {  	s13 =	rddreg [dreg:$0x8];
	[sflag:s6] =	ssyncadd.s32 $0xFFFFD800  }
0xd0: {  	[hbm4b:s13+s2] =	stream.linear.scatter [tilespmem:s16], [sflag:$0x2], $0x2800, $0x38;
	[tilespmem:$0x18D80] =	vst v63  }
0xd1: {  	_ =	swait.ge [sflag:s17], $0x2800  }
0xd2: {  	[sflag:s17] =	ssyncset.done $0x0  }
0xd3: {  	[sflag:s17] =	ssyncadd.s32 $0xFFFFD800  }
0xd4: {  	[tilespmem:s16], [sflag:$0x3] =	stream.linear.gather [spmem:s25], $0x2800, $0x38;
	[tilespmem:$0x18D80] =	vst v63  }
0xd5: {  	_ =	swait.ge [sflag:s6], $0x2800  }
0xd6: {  	[sflag:s6] =	ssyncset.done $0x0  }
0xd7: {  	s15 =	rddreg [dreg:$0x9];
	[sflag:s6] =	ssyncadd.s32 $0xFFFFD800  }
0xd8: {  	[hbm4b:s15+s2] =	stream.linear.scatter [tilespmem:s16], [sflag:$0x2], $0x2800, $0x38;
	[tilespmem:$0x18D80] =	vst v63  }
0xd9: {  	_ =	swait.ge [sflag:s17], $0x2800  }
0xda: {  	[sflag:s17] =	ssyncset.done $0x0  }
0xdb: {  	[sflag:s17] =	ssyncadd.s32 $0xFFFFD800  }
0xdc: {  	[tilespmem:s16], [sflag:$0x3] =	stream.linear.gather [spmem:s26], $0x2800, $0x38;
	[tilespmem:$0x18D80] =	vst v63  }
0xdd: {  	_ =	swait.ge [sflag:s6], $0x2800  }
0xde: {  	[sflag:s6] =	ssyncset.done $0x0  }
0xdf: {  	s19 =	rddreg [dreg:$0xa];
	[sflag:s6] =	ssyncadd.s32 $0xFFFFD800  }
0xe0: {  	[hbm4b:s19+s2] =	stream.linear.scatter [tilespmem:s16], [sflag:$0x2], $0x2800, $0x38;
	[tilespmem:$0x18D80] =	vst v63  }
0xe1: {  	_ =	swait.ge [sflag:s17], $0x2800  }
0xe2: {  	[sflag:s17] =	ssyncset.done $0x0  }
0xe3: {  	[sflag:s17] =	ssyncadd.s32 $0xFFFFD800  }
0xe4: {  	[tilespmem:s16], [sflag:$0x3] =	stream.linear.gather [spmem:s28], $0x2800, $0x38;
	[tilespmem:$0x18D80] =	vst v63  }
0xe5: {  	_ =	swait.ge [sflag:s6], $0x2800  }
0xe6: {  	[sflag:s6] =	ssyncset.done $0x0  }
0xe7: {  	s12 =	rddreg [dreg:$0xb];
	[sflag:s6] =	ssyncadd.s32 $0xFFFFD800  }
0xe8: {  	[hbm4b:s12+s2] =	stream.linear.scatter [tilespmem:s16], [sflag:$0x2], $0x2800, $0x38;
	[tilespmem:$0x18D80] =	vst v63  }
0xe9: {  	_ =	swait.ge [sflag:s17], $0x2800  }
0xea: {  	[sflag:s17] =	ssyncset.done $0x0  }
0xeb: {  	s11 =	simm.s32 @!p0 $0x2900;
	s12 =	simm.s32 @!p0 $0x3;
	[sflag:s17] =	ssyncadd.s32 $0xFFFFD800  }
0xec: {  	[tilespmem:s11], [sflag:$0x3] =	stream.linear.gather @!p0 [spmem:s29], $0x2800, $0x38;
	[tilespmem:$0x18D80] =	vst v63  }
0xed: {  	_ =	swait.ge @!p0 [sflag:s12], $0x2800  }
0xee: {  	[sflag:s12] =	ssyncset.done @!p0 $0x0  }
0xef: {  	s13 =	rddreg [dreg:$0xc];
	[sflag:s12] =	ssyncadd.s32 @!p0 $0xFFFFD800;
	s12 =	simm.s32 @!p0 $0x0  }
0xf0: {  	[hbm4b:s13+s12] =	stream.linear.scatter @!p0 [tilespmem:s11], [sflag:$0x2], $0x2800, $0x38;
	[tilespmem:$0x18D80] =	vst v63  }
0xf1: {  	s11 =	simm.s32 @!p0 $0x2  }
0xf2: {  	_ =	swait.ge @!p0 [sflag:s11], $0x2800  }
0xf3: {  	[sflag:s11] =	ssyncset.done @!p0 $0x0  }
0xf4: {  	[sflag:s11] =	ssyncadd.s32 @!p0 $0xFFFFD800  }
0xf5: {  	[tilespmem:s7], [sflag:$0x2] =	stream.linear.gather [spmem:s18], $0x80, $0x38;
	[tilespmem:$0x18D80] =	vst v63  }
0xf6: {  	_ =	swait.ge [sflag:s17], $0x80  }
0xf7: {  	s13 =	rddreg [dreg:$0x4]  }
0xf8: {  	[sflag:s17] =	ssyncset.done $0x0;
	s15 =	rddreg [dreg:$0x10]  }
0xf9: {  	[sflag:s17] =	ssyncadd.s32 $0xFFFFFF80;
	s11 =	sadd.s32 s15, s13  }
0xfa: {  	[hbm4b:s11+s2] =	stream.linear.scatter [tilespmem:s7], [sflag:$0x2], $0x80, $0x38;
	[tilespmem:$0x18D80] =	vst v63  }
0xfb: {  	_ =	swait.ge [sflag:s17], $0x80  }
0xfc: {  	[sflag:s17] =	ssyncset.done $0x0  }
0xfd: {  	s19 =	rddreg [dreg:$0x12];
	[sflag:s17] =	ssyncadd.s32 $0xFFFFFF80  }
0xfe: {  	[tilespmem:s7], [sflag:$0x2] =	stream.linear.gather [spmem:s19], $0x80, $0x38;
	[tilespmem:$0x18D80] =	vst v63  }
0xff: {  	_ =	swait.ge [sflag:s17], $0x80  }
0x100: {  	[sflag:s17] =	ssyncset.done $0x0  }
0x101: {  	s12 =	rddreg [dreg:$0x16];
	[sflag:s17] =	ssyncadd.s32 $0xFFFFFF80  }
0x102: {  	[hbm4b:s12+s2] =	stream.linear.scatter [tilespmem:s7], [sflag:$0x2], $0x80, $0x38;
	[tilespmem:$0x18D80] =	vst v63  }
0x103: {  	_ =	swait.ge [sflag:s17], $0x80  }
0x104: {  	[sflag:s17] =	ssyncset.done $0x0  }
0x105: {  	s13 =	rddreg [dreg:$0x13];
	[sflag:s17] =	ssyncadd.s32 $0xFFFFFF80  }
0x106: {  	[tilespmem:s7], [sflag:$0x2] =	stream.linear.gather [spmem:s13], $0x80, $0x38;
	[tilespmem:$0x18D80] =	vst v63  }
0x107: {  	_ =	swait.ge [sflag:s17], $0x80  }
0x108: {  	[sflag:s17] =	ssyncset.done $0x0  }
0x109: {  	s15 =	rddreg [dreg:$0x17];
	[sflag:s17] =	ssyncadd.s32 $0xFFFFFF80  }
0x10a: {  	[hbm4b:s15+s2] =	stream.linear.scatter [tilespmem:s7], [sflag:$0x2], $0x80, $0x38;
	[tilespmem:$0x18D80] =	vst v63  }
0x10b: {  	_ =	swait.ge [sflag:s17], $0x80  }
0x10c: {  	[sflag:s17] =	ssyncset.done $0x0  }
0x10d: {  	s19 =	rddreg [dreg:$0x14];
	[sflag:s17] =	ssyncadd.s32 $0xFFFFFF80  }
0x10e: {  	[tilespmem:s7], [sflag:$0x2] =	stream.linear.gather [spmem:s19], $0x80, $0x38;
	[tilespmem:$0x18D80] =	vst v63  }
0x10f: {  	_ =	swait.ge [sflag:s17], $0x80  }
0x110: {  	[sflag:s17] =	ssyncset.done $0x0  }
0x111: {  	s12 =	rddreg [dreg:$0x18];
	[sflag:s17] =	ssyncadd.s32 $0xFFFFFF80  }
0x112: {  	[hbm4b:s12+s2] =	stream.linear.scatter [tilespmem:s7], [sflag:$0x2], $0x80, $0x38;
	[tilespmem:$0x18D80] =	vst v63  }
0x113: {  	_ =	swait.ge [sflag:s17], $0x80  }
0x114: {  	[sflag:s17] =	ssyncset.done $0x0  }
0x115: {  	s13 =	rddreg [dreg:$0x15];
	[sflag:s17] =	ssyncadd.s32 $0xFFFFFF80  }
0x116: {  	[tilespmem:s7], [sflag:$0x2] =	stream.linear.gather [spmem:s13], $0x80, $0x38;
	[tilespmem:$0x18D80] =	vst v63  }
0x117: {  	_ =	swait.ge [sflag:s17], $0x80  }
0x118: {  	[sflag:s17] =	ssyncset.done $0x0  }
0x119: {  	s15 =	rddreg [dreg:$0x19];
	[sflag:s17] =	ssyncadd.s32 $0xFFFFFF80  }
0x11a: {  	[hbm4b:s15+s2] =	stream.linear.scatter [tilespmem:s7], [sflag:$0x2], $0x80, $0x38;
	[tilespmem:$0x18D80] =	vst v63  }
0x11b: {  	_ =	swait.ge [sflag:s17], $0x80  }
0x11c: {  	s9 =	sadd.s32 $0x1, s9;
	s19 =	rddreg [dreg:$0x11]  }
0x11d: {  	p1 =	sne.s32 s9, s19  }
.Ltmp1:
0x11e: {  	_ = 	snop;
	(pc) =	sbr.rel @p1 .LBB2_1-.Ltmp1, $3  }
0x11f: {  	_ =	sdelay $0x1  }
0x120: {  	[sflag:s17] =	ssyncset.done $0x0  }
0x121: {  	[sflag:s17] =	ssyncadd.s32 $0xFFFFFF80  }
0x122: {  	_ =	sfence.sel $0x180000  }
0x123: {  	[bflag:$0x0] =	sbarrier.arrive $0xFFFF  }
0x124: {  	_ =	strace $0x90000047  }
0x125: {  	s0 =	stileid.u32;
	[bflag:$0x2] =	sbarrier.arrive $0xFFFF  }
0x126: {  	p0 =	sne.s32 s0, $0x0;
	s0 =	rddreg [dreg:$0x3]  }
0x127: {  	s0 =	sadd.s32 @!p0 $0x100000, s0  }
0x128: {  	[sflag:s0] =	ssyncadd.tile.s32 @!p0 $0x1;
	_ =	shalt  }
.Lfunc_end2:
_tile_overlayer_lowered:
.L_overlay_start_2:
0x129: {  	(tag) =	ssettag $0x2  }
0x12a: {  	s0 =	rddreg [dreg:$0x0];
	s2 =	stileid.u32  }
0x12b: {  	s1 =	rddreg [dreg:$0x1];
	p0 =	sne.s32 s2, $0x0  }
0x12c: {  	s3 =	rddreg [dreg:$0x2];
	[bflag:$0x3] =	sbarrier.arrive $0xFFFF;
	s2 =	simm.s32 @!p0 $0x1C02  }
0x12d: {  	[timem:s3], [sflag:s2] =	dma.local @!p0 [hbm:s0], s1  }
0x12e: {  	s0 =	simm.s32 @!p0 $0x2  }
0x12f: {  	_ =	swait.ge @!p0 [sflag:s0], s1  }
0x130: {  	s1 =	ssub.s32 @!p0 $0x0, s1;
	[sflag:s0] =	ssyncset.done @!p0 $0x0  }
0x131: {  	[sflag:s0] =	ssyncadd.s32 @!p0 s1  }
0x132: {  	[bflag:$0x3] =	sbarrier.arrive $0xFFFF  }
0x133: {  	_ =	shalt  }

// kernel: kernel.13.cloned.1.call-start
scs
__scs_entry_jumppad:
0x0: {  	(pc) =	sbr.rel $0x88, $3  }
0x1: {  	(tag) =	ssettag $0x0;
	lr =	simm.s32 $0x1  }
0x2: {  	[smem:$0x3F88] =	sst lr;
	_ =	strace $0xD0000000  }
0x3: {  	_ = 	snop  }
0x4: {  	_ = 	snop  }
0x5: {  	_ = 	snop  }
0x6: {  	_ = 	snop  }
0x7: {  	_ = 	snop  }
__scs_overlays_trampoline_lowered:
0x8: {  	[smem:$0x3F97] =	sst s0  }
0x9: {  	[smem:$0x3F98] =	sst s1  }
0xa: {  	[smem:$0x3F99] =	sst s2  }
0xb: {  	[smem:$0x3F9A] =	sst s3  }
0xc: {  	[smem:$0x3F9B] =	sst s4  }
0xd: {  	[smem:$0x3F9C] =	sst s5  }
0xe: {  	[smem:$0x3F9D] =	sst s6  }
0xf: {  	[smem:$0x3F9E] =	sst s7  }
0x10: {  	[smem:$0x3F9F] =	sst s8  }
0x11: {  	[smem:$0x3FA0] =	sst s9;
	s0 =	simm.s32 @!p0 $0x0  }
0x12: {  	s1 =	sld [smem:$0x3F86];
	s0 =	simm.s32 @p0 $0x1  }
0x13: {  	[smem:$0x3FA1] =	sst s0;
	s0 =	simm.s32 @!p1 $0x0  }
0x14: {  	s2 =	sld [smem:$0x3F85];
	s0 =	simm.s32 @p1 $0x1  }
0x15: {  	[smem:$0x3FA2] =	sst s0;
	s0 =	simm.s32 @!p2 $0x0  }
0x16: {  	s3 =	sld [smem:$0x3FDB];
	s0 =	simm.s32 @p2 $0x1  }
0x17: {  	s4 =	simm.s32 $0x1BF5;
	[smem:$0x3FA4] =	sst s0  }
0x18: {  	s0 =	sld [smem:$0x3F87];
	_ =	swait.ge [sflag:s4], $0x0  }
0x19: {  	s7 =	sld [smem:$0x3F88]  }
0x1a: {  	s8 =	sadd.s32 $0xFFFFE003, lr  }
0x1b: {  	s9 =	sadd.s32 $0xFFFFFEF7, lr;
	s5 =	simm.s32 $0xFFFFFFFF;
	p2 =	slt.u32 s8, $0xFFFFF086  }
0x1c: {  	p1 =	slt.u32 s9, $0xF7A;
	s5 =	simm.s32 @!p2 $0x0  }
0x1d: {  	s5 =	simm.s32 @p1 $0x1;
	p0 =	seq.s32 s7, s2  }
0x1e: {  	s7 =	smul.u32 @!p0 $0xF7A, s2;
	p2 =	seq.s32 @!p0 s5, $0x0  }
0x1f: {  	s9 =	smul.u32 $0xF7A, s1;
	s8 =	simm.s32 @!p0 $0x1BF5;
	p2 =	por !p2, p0  }
0x20: {  	[sflag:s8] =	ssyncset.s32 @!p0 $0xFFFFF086;
	s6 =	sadd.s32 @!p0 s3, s7;
	s7 =	simm.s32 @!p0 $0x108  }
0x21: {  	s3 =	sadd.s32 s3, s9;
	s6 =	sadd.s32 @!p0 $0x88, s6;
	s7 =	simm.s32 @p2 $0x1082  }
0x22: {  	[simem:s7], [sflag:s8] =	dma.local @!p0 [hbm:s6], $0xF7A  }
0x23: {  	s9 =	sor.u32 $0xD0000000, s2;
	s6 =	simm.s32 $0x108;
	_ =	swait.ge @!p0 [sflag:s8], $0x0  }
0x24: {  	s3 =	sadd.s32 $0x88, s3;
	s6 =	simm.s32 @!p1 $0x1082;
	[sflag:s4] =	ssyncset.s32 $0xFFFFF086  }
0x25: {  	[simem:s6], [sflag:s4] =	dma.local [hbm:s3], $0xF7A  }
0x26: {  	[smem:$0x3F88] =	sst s1;
	(tag) =	ssettag s2;
	_ =	strace s9  }
0x27: {  	s1 =	sld [smem:$0x3F98]  }
0x28: {  	s2 =	sld [smem:$0x3F99]  }
0x29: {  	s4 =	sld [smem:$0x3F9B]  }
0x2a: {  	p0 =	seq.s32 s5, $0x0;
	s5 =	sld [smem:$0x3F9C]  }
0x2b: {  	s6 =	sld [smem:$0x3F9D]  }
0x2c: {  	s7 =	sld [smem:$0x3F9E]  }
0x2d: {  	s3 =	simm.s32 $0x108;
	s8 =	sld [smem:$0x3F9F]  }
0x2e: {  	s3 =	simm.s32 @!p0 $0x1082;
	s9 =	sld [smem:$0x3FA0]  }
0x2f: {  	lr =	sadd.s32 s0, s3;
	s0 =	sld [smem:$0x3F97]  }
0x30: {  	s3 =	sld [smem:$0x3F9A]  }
0x31: {  	[smem:$0x3FA3] =	sst s10  }
0x32: {  	s10 =	sld [smem:$0x3FA1];
	_ =	sdelay $0x3  }
0x33: {  	p0 =	seq.s32 s10, $0x1;
	s10 =	sld [smem:$0x3FA3];
	_ =	sdelay $0x3  }
0x34: {  	[smem:$0x3FA3] =	sst s10  }
0x35: {  	s10 =	sld [smem:$0x3FA2];
	_ =	sdelay $0x3  }
0x36: {  	p1 =	seq.s32 s10, $0x1;
	s10 =	sld [smem:$0x3FA3];
	_ =	sdelay $0x3  }
0x37: {  	[smem:$0x3FA3] =	sst s10  }
0x38: {  	s10 =	sld [smem:$0x3FA4]  }
0x39: {  	_ = 	snop;
	(pc) =	sbr.ind lr, $3  }
0x3a: {  	_ = 	snop  }
0x3b: {  	_ = 	snop  }
0x3c: {  	p2 =	seq.s32 s10, $0x1;
	s10 =	sld [smem:$0x3FA3]  }
0x3d: {  	_ =	shalt  }
0x3e: {  	_ =	shalt  }
0x3f: {  	_ =	shalt  }
0x40: {  	_ =	shalt  }
0x41: {  	_ =	shalt  }
0x42: {  	_ =	shalt  }
0x43: {  	_ =	shalt  }
0x44: {  	_ =	shalt  }
0x45: {  	_ =	shalt  }
0x46: {  	_ =	shalt  }
0x47: {  	_ =	shalt  }
0x48: {  	_ =	shalt  }
0x49: {  	_ =	shalt  }
0x4a: {  	_ =	shalt  }
0x4b: {  	_ =	shalt  }
0x4c: {  	_ =	shalt  }
0x4d: {  	_ =	shalt  }
0x4e: {  	_ =	shalt  }
0x4f: {  	_ =	shalt  }
0x50: {  	_ =	shalt  }
0x51: {  	_ =	shalt  }
0x52: {  	_ =	shalt  }
0x53: {  	_ =	shalt  }
0x54: {  	_ =	shalt  }
0x55: {  	_ =	shalt  }
0x56: {  	_ =	shalt  }
0x57: {  	_ =	shalt  }
0x58: {  	_ =	shalt  }
0x59: {  	_ =	shalt  }
0x5a: {  	_ =	shalt  }
0x5b: {  	_ =	shalt  }
0x5c: {  	_ =	shalt  }
0x5d: {  	_ =	shalt  }
0x5e: {  	_ =	shalt  }
0x5f: {  	_ =	shalt  }
0x60: {  	_ =	shalt  }
0x61: {  	_ =	shalt  }
0x62: {  	_ =	shalt  }
0x63: {  	_ =	shalt  }
0x64: {  	_ =	shalt  }
0x65: {  	_ =	shalt  }
0x66: {  	_ =	shalt  }
0x67: {  	_ =	shalt  }
0x68: {  	_ =	shalt  }
0x69: {  	_ =	shalt  }
0x6a: {  	_ =	shalt  }
0x6b: {  	_ =	shalt  }
0x6c: {  	_ =	shalt  }
0x6d: {  	_ =	shalt  }
0x6e: {  	_ =	shalt  }
0x6f: {  	_ =	shalt  }
0x70: {  	_ =	shalt  }
0x71: {  	_ =	shalt  }
0x72: {  	_ =	shalt  }
0x73: {  	_ =	shalt  }
0x74: {  	_ =	shalt  }
0x75: {  	_ =	shalt  }
0x76: {  	_ =	shalt  }
0x77: {  	_ =	shalt  }
0x78: {  	_ =	shalt  }
0x79: {  	_ =	shalt  }
0x7a: {  	_ =	shalt  }
0x7b: {  	_ =	shalt  }
0x7c: {  	_ =	shalt  }
0x7d: {  	_ =	shalt  }
0x7e: {  	_ =	shalt  }
0x7f: {  	_ =	shalt  }
0x80: {  	_ =	shalt  }
0x81: {  	_ =	shalt  }
0x82: {  	_ =	shalt  }
0x83: {  	_ =	shalt  }
0x84: {  	_ =	shalt  }
0x85: {  	_ =	shalt  }
0x86: {  	_ =	shalt  }
0x87: {  	_ =	shalt  }
.Lfunc_end0:
.L_simem_size_0:
called_computation.3_lowered:
.L_overlay_start_0:
0x88: {  	s2 =	sld [smem:$0x3FD9]  }
0x89: {  	s3 =	sld [smem:$0x3FFE];
	_ =	sdelay $0x1  }
0x8a: {  	s1 =	srdreg.scid  }
0x8b: {  	s0 =	sand.u32 $0x1, s1  }
0x8c: {  	s16 =	sshll.u32 s0, $0xA;
	s2 =	sadd.s32 s3, s2  }
0x8d: {  	s2 =	sadd.s32 s2, s16  }
0x8e: {  	[smem:$0x3FAF] =	sst s2  }
0x8f: {  	_ = 	snop  }
0x90: {  	(tm) =	ssettm $0x1  }
0x91: {  	s17 =	sld [smem:$0x3FFB];
	_ =	sdelay $0x3  }
0x92: {  	_ =	strace s17  }
0x93: {  	s2 =	sld [smem:$0x3FFC];
	_ =	sdelay $0x3  }
0x94: {  	_ =	strace s2  }
0x95: {  	s2 =	sld [smem:$0x3FFD];
	_ =	sdelay $0x3  }
0x96: {  	_ =	strace s2  }
0x97: {  	_ =	strace $0x8FFFFFFF  }
0x98: {  	s18 =	sld [smem:$0x3FDB];
	_ =	sdelay $0x1  }
0x99: {  	s19 =	simm.s32 $_scs_section_size  }
0x9a: {  	s4 =	simm.s32 $_size__tile_overlayer_lowered;
	s5 =	simm.s32 $_tile_overlayer_lowered  }
0x9b: {  	s22 =	simm.s32 $0x1BFF;
	s21 =	sshll.u32 s5, $0x1;
	s2 =	sadd.s32 s19, s18  }
0x9c: {  	s6 =	simm.s32 $0x0;
	s20 =	sshll.u32 s4, $0x1;
	s4 =	sadd.s32 s21, s2  }
0x9d: {  	[timem:s6], [sflag:s22] =	dma.local [hbm:s4], s20  }
0x9e: {  	_ =	swait.ge [sflag:s22], s20  }
0x9f: {  	s3 =	ssub.s32 $0x0, s20;
	[sflag:s22] =	ssyncset.done $0x0  }
0xa0: {  	[sflag:s22] =	ssyncadd.s32 s3;
	_ =	sdelay $0x1  }
0xa1: {  	s23 =	simm.s32 $0x1B8B  }
0xa2: {  	_ =	swait.ge [sflag:s23], $0x1  }
0xa3: {  	[sflag:s23] =	ssyncset.done $0x0  }
0xa4: {  	s25 =	simm.s32 $0x1B8E;
	s24 =	sld [smem:$0x3FFE];
	[sflag:s23] =	ssyncadd.s32 $0xFFFFFFFF  }
0xa5: {  	s26 =	simm.s32 $execute0_lowered;
	[smem:$0x3FD2] =	sst s25  }
0xa6: {  	s4 =	sshll.u32 s26, $0x1;
	_ =	strace $0x80000049;
	[dreg:$0x1] =	wrdreg $0xFFFFFFFF  }
0xa7: {  	s28 =	simm.s32 $_size_execute0_lowered;
	s2 =	sadd.s32 s2, s4;
	[dreg:$0x0] =	wrdreg $0x0  }
0xa8: {  	s4 =	sshll.u32 s28, $0x1;
	[dreg:$0x2] =	wrdreg s2  }
0xa9: {  	[dreg:$0x3] =	wrdreg s4  }
0xaa: {  	[dreg:$0x4] =	wrdreg $0xC0  }
0xab: {  	_ =	task [dreg:s6], $0x5FFFF  }
0xac: {  	[dreg:$0x1] =	wrdreg $0xFFFFFFFF  }
0xad: {  	[dreg:$0x0] =	wrdreg $0x60  }
0xae: {  	[dreg:$0x2] =	wrdreg s24  }
0xaf: {  	[dreg:$0x3] =	wrdreg $0x52800  }
0xb0: {  	[dreg:$0x4] =	wrdreg $0x18B000  }
0xb1: {  	[dreg:$0x5] =	wrdreg $0x9  }
0xb2: {  	_ =	task.clear_ibuf [dreg:s6], $0x6FFFF;
	_ =	strace $0x90000049  }
0xb3: {  	s29 =	simm.s32 $0x9;
	_ =	strace $0x8000004B  }
0xb4: {  	_ =	swait.ge [sflag:s29], $0x1  }
0xb5: {  	[sflag:s29] =	ssyncadd.s32 $0xFFFFFFFF  }
0xb6: {  	_ =	strace $0x9000004B  }
0xb7: {  	_ =	sfence  }
0xb8: {  	s30 =	sld [smem:$0x0];
	_ =	sdelay $0x2  }
0xb9: {  	s31 =	sshll.u32 s1, $0xD;
	s1 =	sshrl.u32 s1, $0x2  }
0xba: {  	s3 =	sand.u32 $0x4000, s31;
	s1 =	sadd.s32 s1, s30  }
0xbb: {  	s0 =	sor.u32 s3, s0;
	s1 =	sshll.u32 s1, $0x11  }
0xbc: {  	s0 =	sor.u32 s1, s0  }
0xbd: {  	s0 =	sadd.s32 $0x8F2B, s0  }
0xbe: {  	[sflag:s0] =	ssyncadd.remote.s32 $0x1  }
0xbf: {  	_ =	sfence.sel $0xFFFF  }
0xc0: {  	[dreg:$0x0] =	wrdreg $0xFFFFFFFF;
	(pc) =	sbr.abs _section_cstart, $3  }
0xc1: {  	[dreg:$0x1] =	wrdreg $0xFFFFFFFF  }
0xc2: {  	_ =	task.clear_ibuf [dreg:s6], $0x2FFFF;
	_ =	strace $0x9FFFFFFF  }
0xc3: {  	(tm) =	ssettm $0x7FFFFFFF  }
tec
execute0_lowered:
.L_overlay_start_1:
0x0: {  	(tag) =	ssettag $0x1  }
0x1: {  	s0 =	srdreg.scid  }
0x2: {  	s24 =	stileid.u32;
	s11 =	rddreg [dreg:$0x0]  }
0x3: {  	s1 =	rddreg [dreg:$0x1];
	s2 =	simm.s32 $0x0;
	s3 =	smul.u32 $0x4E20, s24  }
0x4: {  	s31 =	simm.s32 $0x80;
	s0 =	sand.u32 $0x1, s0;
	s10 =	smul.u32 $0x500, s24  }
0x5: {  	[smem:$0x7FF] =	sst s2;
	s23 =	sshll.u32 s24, $0x4;
	s4 =	smul.u32 $0x2710, s0  }
0x6: {  	s16 =	sor.u32 $0x50, s24;
	s19 =	sor.u32 $0x60, s24;
	s5 =	smul.u32 $0x27100, s0  }
0x7: {  	s20 =	sor.u32 $0x70, s24;
	s6 =	ssub.s32 $0x2, s0;
	s13 =	smul.u32 $0x500, s0  }
0x8: {  	[dreg:$0x4] =	wrdreg s23;
	s9 =	sand.u32 $0x70, s23;
	s26 =	smul.u32 $0x500, s16  }
0x9: {  	s0 =	sor.u32 $0x20, s24;
	p0 =	sgt.u32 s20, $0x7C;
	s16 =	smul.u32 $0xA000, s16  }
0xa: {  	s22 =	sshrl.u32 s6, $0x1;
	s18 =	smul.u32 $0x500, s0;
	s7 =	sshll.u32 s0, $0x4  }
0xb: {  	s12 =	sadd.s32 s4, s3;
	s21 =	sadd.s32 s5, s11;
	s15 =	ssub.s32 s6, s22  }
0xc: {  	s5 =	sor.u32 $0x10, s24;
	s3 =	sor.u32 $0x30, s24;
	s4 =	sor.u32 $0x40, s24  }
0xd: {  	s7 =	sand.u32 $0x280, s7;
	s13 =	sadd.s32 s13, s11;
	s17 =	smul.u32 $0x500, s5  }
0xe: {  	s16 =	sshrl.u32 s16, $0x2;
	s14 =	sadd.s32 $0x43A00, s21;
	s21 =	smul.u32 $0x500, s3  }
0xf: {  	s25 =	sshll.u32 s5, $0x4;
	s22 =	smul.u32 $0x500, s4;
	s8 =	sshll.u32 s3, $0x4  }
0x10: {  	s23 =	sshll.u32 s4, $0x4;
	s7 =	sor.u32 s9, s7;
	s12 =	sshrl.u32 s12, $0x3  }
0x11: {  	s30 =	sadd.s32 $0x43000, s13;
	s6 =	sand.u32 $0x180, s25;
	s8 =	sand.u32 $0x380, s8  }
0x12: {  	s23 =	sand.u32 $0x480, s23;
	s10 =	sadd.s32 s10, s14;
	s18 =	sadd.s32 s18, s14  }
0x13: {  	s26 =	sadd.s32 s26, s14;
	s12 =	sadd.s32 s12, s11;
	s6 =	sor.u32 s9, s6  }
0x14: {  	s8 =	sor.u32 s9, s8;
	s9 =	sor.u32 s9, s23;
	[dreg:$0x5] =	wrdreg s10  }
0x15: {  	s17 =	sadd.s32 s17, s14;
	[dreg:$0x7] =	wrdreg s18;
	s18 =	smul.u32 $0x500, s20  }
0x16: {  	s21 =	sadd.s32 s21, s14;
	[dreg:$0xa] =	wrdreg s26;
	s26 =	smul.u32 $0xA000, s5  }
0x17: {  	s25 =	sadd.s32 s22, s14;
	s10 =	rddreg [dreg:$0x2];
	s20 =	smul.u32 $0xA000, s20  }
0x18: {  	s22 =	sadd.s32 $0x42800, s11;
	[dreg:$0x6] =	wrdreg s17;
	s17 =	smul.u32 $0x500, s19  }
0x19: {  	s23 =	sshll.u32 s24, $0x7;
	[dreg:$0x9] =	wrdreg s25;
	s25 =	smul.u32 $0xA000, s24  }
0x1a: {  	s5 =	sshll.u32 s5, $0x7;
	[dreg:$0x8] =	wrdreg s21;
	s24 =	smul.u32 $0xA000, s3  }
0x1b: {  	s21 =	sadd.s32 $0x42000, s11;
	s19 =	smul.u32 $0xA000, s19;
	s5 =	sadd.s32 s5, s10  }
0x1c: {  	s3 =	sshll.u32 s3, $0x7;
	s13 =	sadd.s32 s30, s8;
	s8 =	simm.s32 $0x50  }
0x1d: {  	s20 =	sshrl.u32 s20, $0x2;
	s3 =	sadd.s32 s3, s10;
	s17 =	sadd.s32 s17, s14  }
0x1e: {  	s14 =	sadd.s32 @!p0 s18, s14;
	s18 =	sadd.s32 s23, s10;
	[dreg:$0xb] =	wrdreg s17  }
0x1f: {  	s23 =	smul.u32 $0xA000, s0;
	s19 =	sshrl.u32 s19, $0x2;
	[dreg:$0xc] =	wrdreg s14  }
0x20: {  	s29 =	sadd.s32 s20, s1;
	_ =	strace $0x8000004A;
	[dreg:$0xd] =	wrdreg s21  }
0x21: {  	s14 =	sadd.s32 $0x1AE00, s11;
	s11 =	sadd.s32 $0x42600, s11;
	[dreg:$0xe] =	wrdreg s22  }
0x22: {  	s0 =	sshll.u32 s0, $0x7;
	s17 =	sshrl.u32 s24, $0x2;
	[dreg:$0xf] =	wrdreg s11  }
0x23: {  	s28 =	sadd.s32 s19, s1;
	s0 =	sadd.s32 s0, s10;
	[dreg:$0x12] =	wrdreg s5  }
0x24: {  	s19 =	sadd.s32 $0x1800, s18;
	s20 =	sadd.s32 $0x2000, s18;
	[dreg:$0x13] =	wrdreg s0  }
0x25: {  	s21 =	smax.u32 s15, $0x1;
	s22 =	sshrl.u32 s25, $0x2;
	[dreg:$0x14] =	wrdreg s3  }
0x26: {  	s11 =	sshrl.u32 s26, $0x2;
	s25 =	sshrl.u32 s23, $0x2;
	[dreg:$0x18] =	wrdreg s13  }
0x27: {  	s26 =	smul.u32 $0xA000, s4;
	s24 =	sadd.s32 s17, s1;
	[dreg:$0x10] =	wrdreg s30  }
0x28: {  	s4 =	sshll.u32 s4, $0x7;
	s3 =	sadd.s32 $0x7200, s12;
	[dreg:$0x1c] =	wrdreg s19  }
0x29: {  	s17 =	sadd.s32 $0x1000, s18;
	[dreg:$0x1d] =	wrdreg s20;
	s20 =	simm.s32 $0x5200  }
0x2a: {  	s0 =	simm.s32 $0x100;
	[dreg:$0x11] =	wrdreg s21;
	s21 =	sadd.s32 s22, s1  }
0x2b: {  	s22 =	sadd.s32 s11, s1;
	s23 =	sadd.s32 s25, s1;
	s5 =	sadd.s32 s4, s10  }
0x2c: {  	s4 =	sadd.s32 $0x11000, s12;
	s11 =	sadd.s32 s30, s6;
	[dreg:$0x1b] =	wrdreg s17  }
0x2d: {  	s12 =	sadd.s32 s30, s7;
	s17 =	simm.s32 $0x2;
	[dreg:$0x15] =	wrdreg s5  }
0x2e: {  	s6 =	simm.s32 $0x3;
	s7 =	simm.s32 $0x5180;
	[dreg:$0x16] =	wrdreg s11  }
0x2f: {  	s15 =	sshrl.u32 s26, $0x2;
	s26 =	sadd.s32 s16, s1;
	[dreg:$0x17] =	wrdreg s12  }
0x30: {  	s16 =	sadd.s32 $0x800, s18;
	s5 =	simm.s32 $0x1;
	s25 =	sadd.s32 s15, s1  }
0x31: {  	s15 =	sadd.s32 s30, s9;
	[dreg:$0x1a] =	wrdreg s16;
	s16 =	simm.s32 $0x2900  }
0x32: {  	s30 =	simm.s32 $0x5100;
	s9 =	simm.s32 $0x0;
	[dreg:$0x19] =	wrdreg s15  }
.LBB2_1:
0x33: {  	s11 =	rddreg [dreg:$0xd]  }
0x34: {  	[tilespmem:s16], [sflag:$0x2] =	stream.linear.gather [hbm4b:s11+s2], $0x2800, $0x38;
	[tilespmem:$0x18D80] =	vst v63  }
0x35: {  	_ =	swait.ge [sflag:s17], $0x2800  }
0x36: {  	[sflag:s17] =	ssyncset.done $0x0  }
0x37: {  	s12 =	rddreg [dreg:$0xf];
	[sflag:s17] =	ssyncadd.s32 $0xFFFFD800  }
0x38: {  	[tilespmem:s20], [sflag:$0x2] =	stream.linear.gather [hbm4b:s12+s2], $0x80, $0x38;
	[tilespmem:$0x18D80] =	vst v63  }
0x39: {  	_ =	swait.ge [sflag:s17], $0x80  }
0x3a: {  	[sflag:s17] =	ssyncset.done $0x0  }
0x3b: {  	s13 =	rddreg [dreg:$0xe];
	[sflag:s17] =	ssyncadd.s32 $0xFFFFFF80  }
0x3c: {  	[tilespmem:s30], [sflag:$0x2] =	stream.linear.gather [hbm4b:s13+s2], $0x80, $0x38;
	[tilespmem:$0x18D80] =	vst v63  }
0x3d: {  	_ =	swait.ge [sflag:s17], $0x80  }
0x3e: {  	[sflag:s17] =	ssyncset.done $0x0  }
0x3f: {  	[sflag:s17] =	ssyncadd.s32 $0xFFFFFF80  }
0x40: {  	[spmem:s21] =	stream.linear.scatter [tilespmem:s16], [sflag:$0x2], $0x2800, $0x38;
	[tilespmem:$0x18D80] =	vst v63  }
0x41: {  	_ =	swait.ge [sflag:s17], $0x2800  }
0x42: {  	[sflag:s17] =	ssyncset.done $0x0  }
0x43: {  	[sflag:s17] =	ssyncadd.s32 $0xFFFFD800  }
0x44: {  	[spmem:s22] =	stream.linear.scatter [tilespmem:s16], [sflag:$0x2], $0x2800, $0x38;
	[tilespmem:$0x18D80] =	vst v63  }
0x45: {  	_ =	swait.ge [sflag:s17], $0x2800  }
0x46: {  	[sflag:s17] =	ssyncset.done $0x0  }
0x47: {  	[sflag:s17] =	ssyncadd.s32 $0xFFFFD800  }
0x48: {  	[spmem:s23] =	stream.linear.scatter [tilespmem:s16], [sflag:$0x2], $0x2800, $0x38;
	[tilespmem:$0x18D80] =	vst v63  }
0x49: {  	_ =	swait.ge [sflag:s17], $0x2800  }
0x4a: {  	[sflag:s17] =	ssyncset.done $0x0  }
0x4b: {  	[sflag:s17] =	ssyncadd.s32 $0xFFFFD800  }
0x4c: {  	[spmem:s24] =	stream.linear.scatter [tilespmem:s16], [sflag:$0x2], $0x2800, $0x38;
	[tilespmem:$0x18D80] =	vst v63  }
0x4d: {  	_ =	swait.ge [sflag:s17], $0x2800  }
0x4e: {  	[sflag:s17] =	ssyncset.done $0x0  }
0x4f: {  	[sflag:s17] =	ssyncadd.s32 $0xFFFFD800  }
0x50: {  	[spmem:s25] =	stream.linear.scatter [tilespmem:s16], [sflag:$0x2], $0x2800, $0x38;
	[tilespmem:$0x18D80] =	vst v63  }
0x51: {  	_ =	swait.ge [sflag:s17], $0x2800  }
0x52: {  	[sflag:s17] =	ssyncset.done $0x0  }
0x53: {  	[sflag:s17] =	ssyncadd.s32 $0xFFFFD800  }
0x54: {  	[spmem:s26] =	stream.linear.scatter [tilespmem:s16], [sflag:$0x2], $0x2800, $0x38;
	[tilespmem:$0x18D80] =	vst v63  }
0x55: {  	_ =	swait.ge [sflag:s17], $0x2800  }
0x56: {  	[sflag:s17] =	ssyncset.done $0x0  }
0x57: {  	[sflag:s17] =	ssyncadd.s32 $0xFFFFD800  }
0x58: {  	[spmem:s28] =	stream.linear.scatter [tilespmem:s16], [sflag:$0x2], $0x2800, $0x38;
	[tilespmem:$0x18D80] =	vst v63  }
0x59: {  	_ =	swait.ge [sflag:s17], $0x2800  }
0x5a: {  	[sflag:s17] =	ssyncset.done $0x0  }
0x5b: {  	s11 =	simm.s32 @!p0 $0x2900;
	[sflag:s17] =	ssyncadd.s32 $0xFFFFD800  }
0x5c: {  	[spmem:s29] =	stream.linear.scatter @!p0 [tilespmem:s11], [sflag:$0x2], $0x2800, $0x38;
	[tilespmem:$0x18D80] =	vst v63  }
0x5d: {  	s11 =	simm.s32 @!p0 $0x2  }
0x5e: {  	_ =	swait.ge @!p0 [sflag:s11], $0x2800  }
0x5f: {  	[sflag:s11] =	ssyncset.done @!p0 $0x0  }
0x60: {  	[sflag:s11] =	ssyncadd.s32 @!p0 $0xFFFFD800  }
0x61: {  	[spmem:s18] =	stream.linear.scatter [tilespmem:s20], [sflag:$0x2], $0x80, $0x38;
	[tilespmem:$0x18D80] =	vst v63  }
0x62: {  	_ =	swait.ge [sflag:s17], $0x80  }
0x63: {  	[sflag:s17] =	ssyncset.done $0x0  }
0x64: {  	s15 =	rddreg [dreg:$0x1a];
	[sflag:s17] =	ssyncadd.s32 $0xFFFFFF80  }
0x65: {  	[spmem:s15] =	stream.linear.scatter [tilespmem:s20], [sflag:$0x2], $0x80, $0x38;
	[tilespmem:$0x18D80] =	vst v63  }
0x66: {  	_ =	swait.ge [sflag:s17], $0x80  }
0x67: {  	[sflag:s17] =	ssyncset.done $0x0  }
0x68: {  	s19 =	rddreg [dreg:$0x1b];
	[sflag:s17] =	ssyncadd.s32 $0xFFFFFF80  }
0x69: {  	[spmem:s19] =	stream.linear.scatter [tilespmem:s20], [sflag:$0x2], $0x80, $0x38;
	[tilespmem:$0x18D80] =	vst v63  }
0x6a: {  	_ =	swait.ge [sflag:s17], $0x80  }
0x6b: {  	[sflag:s17] =	ssyncset.done $0x0  }
0x6c: {  	s12 =	rddreg [dreg:$0x1c];
	[sflag:s17] =	ssyncadd.s32 $0xFFFFFF80  }
0x6d: {  	[spmem:s12] =	stream.linear.scatter [tilespmem:s20], [sflag:$0x2], $0x80, $0x38;
	[tilespmem:$0x18D80] =	vst v63  }
0x6e: {  	_ =	swait.ge [sflag:s17], $0x80  }
0x6f: {  	[sflag:s17] =	ssyncset.done $0x0  }
0x70: {  	s13 =	rddreg [dreg:$0x1d];
	[sflag:s17] =	ssyncadd.s32 $0xFFFFFF80  }
0x71: {  	[spmem:s13] =	stream.linear.scatter [tilespmem:s20], [sflag:$0x2], $0x80, $0x38;
	[tilespmem:$0x18D80] =	vst v63  }
0x72: {  	_ =	swait.ge [sflag:s17], $0x80  }
0x73: {  	[sflag:s17] =	ssyncset.done $0x0  }
0x74: {  	[sflag:s17] =	ssyncadd.s32 $0xFFFFFF80  }
0x75: {  	s15 =	sadd.s32 $0x0, s4;
	[bflag:$0x0] =	sbarrier.arrive $0xFFFF  }
0x76: {  	[tilespmem:s2], [sflag:$0x2] =	stream.linear.gather [hbm4b:s15+s2], $0x50, $0x38;
	[tilespmem:$0x18D80] =	vst v63  }
0x77: {  	_ =	swait.ge [sflag:s17], $0x50  }
0x78: {  	[sflag:s17] =	ssyncset.done $0x0  }
0x79: {  	s19 =	sadd.s32 $0x0, s3;
	[sflag:s17] =	ssyncadd.s32 $0xFFFFFFB0  }
0x7a: {  	[tilespmem:s31], [sflag:$0x2] =	stream.linear.gather [hbm4b:s19+s2], $0x50, $0x38;
	[tilespmem:$0x18D80] =	vst v63  }
0x7b: {  	_ =	swait.ge [sflag:s17], $0x50  }
0x7c: {  	[sflag:s17] =	ssyncset.done $0x0  }
0x7d: {  	[sflag:s17] =	ssyncadd.s32 $0xFFFFFFB0  }
0x7e: {  	[tilespmem:s0], [sflag:$0x1] =	stream.indirect.gather [hbm4b:s14+s8], $0x80, s2, s8, $0xb8;
	[tilespmem:$0x18D80] =	vst v63  }
0x7f: {  	_ =	swait.ge [sflag:s5], $0x2800  }
0x80: {  	[sflag:s5] =	ssyncset.done $0x0  }
0x81: {  	[sflag:s5] =	ssyncadd.s32 $0xFFFFD800  }
0x82: {  	[spmem:s1] =	stream.indirect.scatter.add.f32 [tilespmem:s0], [sflag:$0x2], $0x80, s31, s8, $0xb8;
	[tilespmem:$0x18D80] =	vst v63  }
0x83: {  	_ =	swait.ge [sflag:s17], $0x2800  }
0x84: {  	[sflag:s17] =	ssyncset.done $0x0  }
0x85: {  	[sflag:s17] =	ssyncadd.s32 $0xFFFFD800  }
0x86: {  	[spmem:s10] =	stream.indirect.scatter.add.f32 [tilespmem:s30], [sflag:$0x2], $0x1, s31, s8, $0xb8;
	[tilespmem:$0x18D80] =	vst v63  }
0x87: {  	_ =	swait.ge [sflag:s17], $0x50  }
0x88: {  	s11 =	simm.s32 $0xA;
	s19 =	simm.s32 $0x14;
	[sflag:s17] =	ssyncset.done $0x0  }
.LBB2_2:
0x89: {  	s12 =	sadd.s32 s11, s4  }
0x8a: {  	[sflag:s17] =	ssyncadd.s32 $0xFFFFFFB0;
	s13 =	smov.u32 s19;
	s15 =	sadd.s32 $0xA, s19  }
0x8b: {  	[tilespmem:s2], [sflag:$0x2] =	stream.linear.gather [hbm4b:s12+s2], $0x50, $0x38;
	[tilespmem:$0x18D80] =	vst v63  }
0x8c: {  	p1 =	sne.s32 s19, $0x4D8;
	_ =	swait.ge [sflag:s17], $0x50  }
0x8d: {  	[sflag:s17] =	ssyncset.done $0x0  }
0x8e: {  	s12 =	sadd.s32 s11, s3;
	s11 =	smov.u32 s13;
	[sflag:s17] =	ssyncadd.s32 $0xFFFFFFB0  }
0x8f: {  	[tilespmem:s31], [sflag:$0x2] =	stream.linear.gather [hbm4b:s12+s2], $0x50, $0x38;
	[tilespmem:$0x18D80] =	vst v63  }
0x90: {  	_ =	swait.ge [sflag:s17], $0x50  }
0x91: {  	[sflag:s17] =	ssyncset.done $0x0  }
0x92: {  	[sflag:s17] =	ssyncadd.s32 $0xFFFFFFB0  }
0x93: {  	[tilespmem:s0], [sflag:$0x1] =	stream.indirect.gather [hbm4b:s14+s8], $0x80, s2, s8, $0xb8;
	[tilespmem:$0x18D80] =	vst v63  }
0x94: {  	_ =	swait.ge [sflag:s5], $0x2800  }
0x95: {  	[sflag:s5] =	ssyncset.done $0x0  }
0x96: {  	[sflag:s5] =	ssyncadd.s32 $0xFFFFD800  }
0x97: {  	[spmem:s1] =	stream.indirect.scatter.add.f32 [tilespmem:s0], [sflag:$0x2], $0x80, s31, s8, $0xb8;
	[tilespmem:$0x18D80] =	vst v63  }
0x98: {  	_ =	swait.ge [sflag:s17], $0x2800  }
.Ltmp0:
0x99: {  	[sflag:s17] =	ssyncset.done $0x0;
	(pc) =	sbr.rel @p1 .LBB2_2-.Ltmp0, $4  }
0x9a: {  	[sflag:s17] =	ssyncadd.s32 $0xFFFFD800  }
0x9b: {  	[spmem:s10] =	stream.indirect.scatter.add.f32 [tilespmem:s30], [sflag:$0x2], $0x1, s31, s8, $0xb8;
	[tilespmem:$0x18D80] =	vst v63  }
0x9c: {  	_ =	swait.ge [sflag:s17], $0x50  }
0x9d: {  	s19 =	smov.u32 s15;
	[sflag:s17] =	ssyncset.done $0x0  }
0x9e: {  	s12 =	sadd.s32 s11, s4;
	[sflag:s17] =	ssyncadd.s32 $0xFFFFFFB0  }
0x9f: {  	[tilespmem:s2], [sflag:$0x2] =	stream.linear.gather [hbm4b:s12+s2], $0x50, $0x38;
	[tilespmem:$0x18D80] =	vst v63  }
0xa0: {  	_ =	swait.ge [sflag:s17], $0x50  }
0xa1: {  	[sflag:s17] =	ssyncset.done $0x0  }
0xa2: {  	s13 =	sadd.s32 s11, s3;
	[sflag:s17] =	ssyncadd.s32 $0xFFFFFFB0  }
0xa3: {  	[tilespmem:s31], [sflag:$0x2] =	stream.linear.gather [hbm4b:s13+s2], $0x50, $0x38;
	[tilespmem:$0x18D80] =	vst v63  }
0xa4: {  	_ =	swait.ge [sflag:s17], $0x50  }
0xa5: {  	[sflag:s17] =	ssyncset.done $0x0  }
0xa6: {  	[sflag:s17] =	ssyncadd.s32 $0xFFFFFFB0  }
0xa7: {  	[tilespmem:s0], [sflag:$0x1] =	stream.indirect.gather [hbm4b:s14+s8], $0x80, s2, s8, $0xb8;
	[tilespmem:$0x18D80] =	vst v63  }
0xa8: {  	_ =	swait.ge [sflag:s5], $0x2800  }
0xa9: {  	[sflag:s5] =	ssyncset.done $0x0  }
0xaa: {  	[sflag:s5] =	ssyncadd.s32 $0xFFFFD800  }
0xab: {  	[spmem:s1] =	stream.indirect.scatter.add.f32 [tilespmem:s0], [sflag:$0x2], $0x80, s31, s8, $0xb8;
	[tilespmem:$0x18D80] =	vst v63  }
0xac: {  	_ =	swait.ge [sflag:s17], $0x2800  }
0xad: {  	[sflag:s17] =	ssyncset.done $0x0  }
0xae: {  	[sflag:s17] =	ssyncadd.s32 $0xFFFFD800  }
0xaf: {  	[spmem:s10] =	stream.indirect.scatter.add.f32 [tilespmem:s30], [sflag:$0x2], $0x1, s31, s8, $0xb8;
	[tilespmem:$0x18D80] =	vst v63  }
0xb0: {  	_ =	swait.ge [sflag:s17], $0x50  }
0xb1: {  	[sflag:s17] =	ssyncset.done $0x0  }
0xb2: {  	[sflag:s17] =	ssyncadd.s32 $0xFFFFFFB0  }
0xb3: {  	[bflag:$0x0] =	sbarrier.arrive $0xFFFF  }
0xb4: {  	[tilespmem:s16], [sflag:$0x3] =	stream.linear.gather [spmem:s21], $0x2800, $0x38;
	[tilespmem:$0x18D80] =	vst v63  }
0xb5: {  	_ =	swait.ge [sflag:s6], $0x2800  }
0xb6: {  	[sflag:s6] =	ssyncset.done $0x0  }
0xb7: {  	s15 =	rddreg [dreg:$0x5];
	[sflag:s6] =	ssyncadd.s32 $0xFFFFD800  }
0xb8: {  	[hbm4b:s15+s2] =	stream.linear.scatter [tilespmem:s16], [sflag:$0x2], $0x2800, $0x38;
	[tilespmem:$0x18D80] =	vst v63  }
0xb9: {  	_ =	swait.ge [sflag:s17], $0x2800  }
0xba: {  	[sflag:s17] =	ssyncset.done $0x0  }
0xbb: {  	[sflag:s17] =	ssyncadd.s32 $0xFFFFD800  }
0xbc: {  	[tilespmem:s16], [sflag:$0x3] =	stream.linear.gather [spmem:s22], $0x2800, $0x38;
	[tilespmem:$0x18D80] =	vst v63  }
0xbd: {  	_ =	swait.ge [sflag:s6], $0x2800  }
0xbe: {  	[sflag:s6] =	ssyncset.done $0x0  }
0xbf: {  	s19 =	rddreg [dreg:$0x6];
	[sflag:s6] =	ssyncadd.s32 $0xFFFFD800  }
0xc0: {  	[hbm4b:s19+s2] =	stream.linear.scatter [tilespmem:s16], [sflag:$0x2], $0x2800, $0x38;
	[tilespmem:$0x18D80] =	vst v63  }
0xc1: {  	_ =	swait.ge [sflag:s17], $0x2800  }
0xc2: {  	[sflag:s17] =	ssyncset.done $0x0  }
0xc3: {  	[sflag:s17] =	ssyncadd.s32 $0xFFFFD800  }
0xc4: {  	[tilespmem:s16], [sflag:$0x3] =	stream.linear.gather [spmem:s23], $0x2800, $0x38;
	[tilespmem:$0x18D80] =	vst v63  }
0xc5: {  	_ =	swait.ge [sflag:s6], $0x2800  }
0xc6: {  	[sflag:s6] =	ssyncset.done $0x0  }
0xc7: {  	s12 =	rddreg [dreg:$0x7];
	[sflag:s6] =	ssyncadd.s32 $0xFFFFD800  }
0xc8: {  	[hbm4b:s12+s2] =	stream.linear.scatter [tilespmem:s16], [sflag:$0x2], $0x2800, $0x38;
	[tilespmem:$0x18D80] =	vst v63  }
0xc9: {  	_ =	swait.ge [sflag:s17], $0x2800  }
0xca: {  	[sflag:s17] =	ssyncset.done $0x0  }
0xcb: {  	[sflag:s17] =	ssyncadd.s32 $0xFFFFD800  }
0xcc: {  	[tilespmem:s16], [sflag:$0x3] =	stream.linear.gather [spmem:s24], $0x2800, $0x38;
	[tilespmem:$0x18D80] =	vst v63  }
0xcd: {  	_ =	swait.ge [sflag:s6], $0x2800  }
0xce: {  	[sflag:s6] =	ssyncset.done $0x0  }
0xcf: {  	s13 =	rddreg [dreg:$0x8];
	[sflag:s6] =	ssyncadd.s32 $0xFFFFD800  }
0xd0: {  	[hbm4b:s13+s2] =	stream.linear.scatter [tilespmem:s16], [sflag:$0x2], $0x2800, $0x38;
	[tilespmem:$0x18D80] =	vst v63  }
0xd1: {  	_ =	swait.ge [sflag:s17], $0x2800  }
0xd2: {  	[sflag:s17] =	ssyncset.done $0x0  }
0xd3: {  	[sflag:s17] =	ssyncadd.s32 $0xFFFFD800  }
0xd4: {  	[tilespmem:s16], [sflag:$0x3] =	stream.linear.gather [spmem:s25], $0x2800, $0x38;
	[tilespmem:$0x18D80] =	vst v63  }
0xd5: {  	_ =	swait.ge [sflag:s6], $0x2800  }
0xd6: {  	[sflag:s6] =	ssyncset.done $0x0  }
0xd7: {  	s15 =	rddreg [dreg:$0x9];
	[sflag:s6] =	ssyncadd.s32 $0xFFFFD800  }
0xd8: {  	[hbm4b:s15+s2] =	stream.linear.scatter [tilespmem:s16], [sflag:$0x2], $0x2800, $0x38;
	[tilespmem:$0x18D80] =	vst v63  }
0xd9: {  	_ =	swait.ge [sflag:s17], $0x2800  }
0xda: {  	[sflag:s17] =	ssyncset.done $0x0  }
0xdb: {  	[sflag:s17] =	ssyncadd.s32 $0xFFFFD800  }
0xdc: {  	[tilespmem:s16], [sflag:$0x3] =	stream.linear.gather [spmem:s26], $0x2800, $0x38;
	[tilespmem:$0x18D80] =	vst v63  }
0xdd: {  	_ =	swait.ge [sflag:s6], $0x2800  }
0xde: {  	[sflag:s6] =	ssyncset.done $0x0  }
0xdf: {  	s19 =	rddreg [dreg:$0xa];
	[sflag:s6] =	ssyncadd.s32 $0xFFFFD800  }
0xe0: {  	[hbm4b:s19+s2] =	stream.linear.scatter [tilespmem:s16], [sflag:$0x2], $0x2800, $0x38;
	[tilespmem:$0x18D80] =	vst v63  }
0xe1: {  	_ =	swait.ge [sflag:s17], $0x2800  }
0xe2: {  	[sflag:s17] =	ssyncset.done $0x0  }
0xe3: {  	[sflag:s17] =	ssyncadd.s32 $0xFFFFD800  }
0xe4: {  	[tilespmem:s16], [sflag:$0x3] =	stream.linear.gather [spmem:s28], $0x2800, $0x38;
	[tilespmem:$0x18D80] =	vst v63  }
0xe5: {  	_ =	swait.ge [sflag:s6], $0x2800  }
0xe6: {  	[sflag:s6] =	ssyncset.done $0x0  }
0xe7: {  	s12 =	rddreg [dreg:$0xb];
	[sflag:s6] =	ssyncadd.s32 $0xFFFFD800  }
0xe8: {  	[hbm4b:s12+s2] =	stream.linear.scatter [tilespmem:s16], [sflag:$0x2], $0x2800, $0x38;
	[tilespmem:$0x18D80] =	vst v63  }
0xe9: {  	_ =	swait.ge [sflag:s17], $0x2800  }
0xea: {  	[sflag:s17] =	ssyncset.done $0x0  }
0xeb: {  	s11 =	simm.s32 @!p0 $0x2900;
	s12 =	simm.s32 @!p0 $0x3;
	[sflag:s17] =	ssyncadd.s32 $0xFFFFD800  }
0xec: {  	[tilespmem:s11], [sflag:$0x3] =	stream.linear.gather @!p0 [spmem:s29], $0x2800, $0x38;
	[tilespmem:$0x18D80] =	vst v63  }
0xed: {  	_ =	swait.ge @!p0 [sflag:s12], $0x2800  }
0xee: {  	[sflag:s12] =	ssyncset.done @!p0 $0x0  }
0xef: {  	s13 =	rddreg [dreg:$0xc];
	[sflag:s12] =	ssyncadd.s32 @!p0 $0xFFFFD800;
	s12 =	simm.s32 @!p0 $0x0  }
0xf0: {  	[hbm4b:s13+s12] =	stream.linear.scatter @!p0 [tilespmem:s11], [sflag:$0x2], $0x2800, $0x38;
	[tilespmem:$0x18D80] =	vst v63  }
0xf1: {  	s11 =	simm.s32 @!p0 $0x2  }
0xf2: {  	_ =	swait.ge @!p0 [sflag:s11], $0x2800  }
0xf3: {  	[sflag:s11] =	ssyncset.done @!p0 $0x0  }
0xf4: {  	[sflag:s11] =	ssyncadd.s32 @!p0 $0xFFFFD800  }
0xf5: {  	[tilespmem:s7], [sflag:$0x2] =	stream.linear.gather [spmem:s18], $0x80, $0x38;
	[tilespmem:$0x18D80] =	vst v63  }
0xf6: {  	_ =	swait.ge [sflag:s17], $0x80  }
0xf7: {  	s13 =	rddreg [dreg:$0x4]  }
0xf8: {  	[sflag:s17] =	ssyncset.done $0x0;
	s15 =	rddreg [dreg:$0x10]  }
0xf9: {  	[sflag:s17] =	ssyncadd.s32 $0xFFFFFF80;
	s11 =	sadd.s32 s15, s13  }
0xfa: {  	[hbm4b:s11+s2] =	stream.linear.scatter [tilespmem:s7], [sflag:$0x2], $0x80, $0x38;
	[tilespmem:$0x18D80] =	vst v63  }
0xfb: {  	_ =	swait.ge [sflag:s17], $0x80  }
0xfc: {  	[sflag:s17] =	ssyncset.done $0x0  }
0xfd: {  	s19 =	rddreg [dreg:$0x12];
	[sflag:s17] =	ssyncadd.s32 $0xFFFFFF80  }
0xfe: {  	[tilespmem:s7], [sflag:$0x2] =	stream.linear.gather [spmem:s19], $0x80, $0x38;
	[tilespmem:$0x18D80] =	vst v63  }
0xff: {  	_ =	swait.ge [sflag:s17], $0x80  }
0x100: {  	[sflag:s17] =	ssyncset.done $0x0  }
0x101: {  	s12 =	rddreg [dreg:$0x16];
	[sflag:s17] =	ssyncadd.s32 $0xFFFFFF80  }
0x102: {  	[hbm4b:s12+s2] =	stream.linear.scatter [tilespmem:s7], [sflag:$0x2], $0x80, $0x38;
	[tilespmem:$0x18D80] =	vst v63  }
0x103: {  	_ =	swait.ge [sflag:s17], $0x80  }
0x104: {  	[sflag:s17] =	ssyncset.done $0x0  }
0x105: {  	s13 =	rddreg [dreg:$0x13];
	[sflag:s17] =	ssyncadd.s32 $0xFFFFFF80  }
0x106: {  	[tilespmem:s7], [sflag:$0x2] =	stream.linear.gather [spmem:s13], $0x80, $0x38;
	[tilespmem:$0x18D80] =	vst v63  }
0x107: {  	_ =	swait.ge [sflag:s17], $0x80  }
0x108: {  	[sflag:s17] =	ssyncset.done $0x0  }
0x109: {  	s15 =	rddreg [dreg:$0x17];
	[sflag:s17] =	ssyncadd.s32 $0xFFFFFF80  }
0x10a: {  	[hbm4b:s15+s2] =	stream.linear.scatter [tilespmem:s7], [sflag:$0x2], $0x80, $0x38;
	[tilespmem:$0x18D80] =	vst v63  }
0x10b: {  	_ =	swait.ge [sflag:s17], $0x80  }
0x10c: {  	[sflag:s17] =	ssyncset.done $0x0  }
0x10d: {  	s19 =	rddreg [dreg:$0x14];
	[sflag:s17] =	ssyncadd.s32 $0xFFFFFF80  }
0x10e: {  	[tilespmem:s7], [sflag:$0x2] =	stream.linear.gather [spmem:s19], $0x80, $0x38;
	[tilespmem:$0x18D80] =	vst v63  }
0x10f: {  	_ =	swait.ge [sflag:s17], $0x80  }
0x110: {  	[sflag:s17] =	ssyncset.done $0x0  }
0x111: {  	s12 =	rddreg [dreg:$0x18];
	[sflag:s17] =	ssyncadd.s32 $0xFFFFFF80  }
0x112: {  	[hbm4b:s12+s2] =	stream.linear.scatter [tilespmem:s7], [sflag:$0x2], $0x80, $0x38;
	[tilespmem:$0x18D80] =	vst v63  }
0x113: {  	_ =	swait.ge [sflag:s17], $0x80  }
0x114: {  	[sflag:s17] =	ssyncset.done $0x0  }
0x115: {  	s13 =	rddreg [dreg:$0x15];
	[sflag:s17] =	ssyncadd.s32 $0xFFFFFF80  }
0x116: {  	[tilespmem:s7], [sflag:$0x2] =	stream.linear.gather [spmem:s13], $0x80, $0x38;
	[tilespmem:$0x18D80] =	vst v63  }
0x117: {  	_ =	swait.ge [sflag:s17], $0x80  }
0x118: {  	[sflag:s17] =	ssyncset.done $0x0  }
0x119: {  	s15 =	rddreg [dreg:$0x19];
	[sflag:s17] =	ssyncadd.s32 $0xFFFFFF80  }
0x11a: {  	[hbm4b:s15+s2] =	stream.linear.scatter [tilespmem:s7], [sflag:$0x2], $0x80, $0x38;
	[tilespmem:$0x18D80] =	vst v63  }
0x11b: {  	_ =	swait.ge [sflag:s17], $0x80  }
0x11c: {  	s9 =	sadd.s32 $0x1, s9;
	s19 =	rddreg [dreg:$0x11]  }
0x11d: {  	p1 =	sne.s32 s9, s19  }
.Ltmp1:
0x11e: {  	_ = 	snop;
	(pc) =	sbr.rel @p1 .LBB2_1-.Ltmp1, $3  }
0x11f: {  	_ =	sdelay $0x1  }
0x120: {  	[sflag:s17] =	ssyncset.done $0x0  }
0x121: {  	[sflag:s17] =	ssyncadd.s32 $0xFFFFFF80  }
0x122: {  	_ =	sfence.sel $0x180000  }
0x123: {  	[bflag:$0x0] =	sbarrier.arrive $0xFFFF  }
0x124: {  	_ =	strace $0x9000004A  }
0x125: {  	s0 =	stileid.u32;
	[bflag:$0x2] =	sbarrier.arrive $0xFFFF  }
0x126: {  	p0 =	sne.s32 s0, $0x0;
	s0 =	rddreg [dreg:$0x3]  }
0x127: {  	s0 =	sadd.s32 @!p0 $0x100000, s0  }
0x128: {  	[sflag:s0] =	ssyncadd.tile.s32 @!p0 $0x1;
	_ =	shalt  }
.Lfunc_end2:
_tile_overlayer_lowered:
.L_overlay_start_2:
0x129: {  	(tag) =	ssettag $0x2  }
0x12a: {  	s0 =	rddreg [dreg:$0x0];
	s2 =	stileid.u32  }
0x12b: {  	s1 =	rddreg [dreg:$0x1];
	p0 =	sne.s32 s2, $0x0  }
0x12c: {  	s3 =	rddreg [dreg:$0x2];
	[bflag:$0x3] =	sbarrier.arrive $0xFFFF;
	s2 =	simm.s32 @!p0 $0x1C02  }
0x12d: {  	[timem:s3], [sflag:s2] =	dma.local @!p0 [hbm:s0], s1  }
0x12e: {  	s0 =	simm.s32 @!p0 $0x2  }
0x12f: {  	_ =	swait.ge @!p0 [sflag:s0], s1  }
0x130: {  	s1 =	ssub.s32 @!p0 $0x0, s1;
	[sflag:s0] =	ssyncset.done @!p0 $0x0  }
0x131: {  	[sflag:s0] =	ssyncadd.s32 @!p0 s1  }
0x132: {  	[bflag:$0x3] =	sbarrier.arrive $0xFFFF  }
0x133: {  	_ =	shalt  }

// kernel: scatter_offload_async_start.1
scs
__scs_entry_jumppad:
0x0: {  	(pc) =	sbr.rel $0x88, $3  }
0x1: {  	(tag) =	ssettag $0x0;
	lr =	simm.s32 $0x1  }
0x2: {  	[smem:$0x3F88] =	sst lr;
	_ =	strace $0xD0000000  }
0x3: {  	_ = 	snop  }
0x4: {  	_ = 	snop  }
0x5: {  	_ = 	snop  }
0x6: {  	_ = 	snop  }
0x7: {  	_ = 	snop  }
__scs_overlays_trampoline_lowered:
0x8: {  	[smem:$0x3F97] =	sst s0  }
0x9: {  	[smem:$0x3F98] =	sst s1  }
0xa: {  	[smem:$0x3F99] =	sst s2  }
0xb: {  	[smem:$0x3F9A] =	sst s3  }
0xc: {  	[smem:$0x3F9B] =	sst s4  }
0xd: {  	[smem:$0x3F9C] =	sst s5  }
0xe: {  	[smem:$0x3F9D] =	sst s6  }
0xf: {  	[smem:$0x3F9E] =	sst s7  }
0x10: {  	[smem:$0x3F9F] =	sst s8  }
0x11: {  	[smem:$0x3FA0] =	sst s9;
	s0 =	simm.s32 @!p0 $0x0  }
0x12: {  	s1 =	sld [smem:$0x3F86];
	s0 =	simm.s32 @p0 $0x1  }
0x13: {  	[smem:$0x3FA1] =	sst s0;
	s0 =	simm.s32 @!p1 $0x0  }
0x14: {  	s2 =	sld [smem:$0x3F85];
	s0 =	simm.s32 @p1 $0x1  }
0x15: {  	[smem:$0x3FA2] =	sst s0;
	s0 =	simm.s32 @!p2 $0x0  }
0x16: {  	s3 =	sld [smem:$0x3FDB];
	s0 =	simm.s32 @p2 $0x1  }
0x17: {  	s4 =	simm.s32 $0x1BF5;
	[smem:$0x3FA4] =	sst s0  }
0x18: {  	s0 =	sld [smem:$0x3F87];
	_ =	swait.ge [sflag:s4], $0x0  }
0x19: {  	s7 =	sld [smem:$0x3F88]  }
0x1a: {  	s8 =	sadd.s32 $0xFFFFE003, lr  }
0x1b: {  	s9 =	sadd.s32 $0xFFFFFEF7, lr;
	s5 =	simm.s32 $0xFFFFFFFF;
	p2 =	slt.u32 s8, $0xFFFFF086  }
0x1c: {  	p1 =	slt.u32 s9, $0xF7A;
	s5 =	simm.s32 @!p2 $0x0  }
0x1d: {  	s5 =	simm.s32 @p1 $0x1;
	p0 =	seq.s32 s7, s2  }
0x1e: {  	s7 =	smul.u32 @!p0 $0xF7A, s2;
	p2 =	seq.s32 @!p0 s5, $0x0  }
0x1f: {  	s9 =	smul.u32 $0xF7A, s1;
	s8 =	simm.s32 @!p0 $0x1BF5;
	p2 =	por !p2, p0  }
0x20: {  	[sflag:s8] =	ssyncset.s32 @!p0 $0xFFFFF086;
	s6 =	sadd.s32 @!p0 s3, s7;
	s7 =	simm.s32 @!p0 $0x108  }
0x21: {  	s3 =	sadd.s32 s3, s9;
	s6 =	sadd.s32 @!p0 $0x88, s6;
	s7 =	simm.s32 @p2 $0x1082  }
0x22: {  	[simem:s7], [sflag:s8] =	dma.local @!p0 [hbm:s6], $0xF7A  }
0x23: {  	s9 =	sor.u32 $0xD0000000, s2;
	s6 =	simm.s32 $0x108;
	_ =	swait.ge @!p0 [sflag:s8], $0x0  }
0x24: {  	s3 =	sadd.s32 $0x88, s3;
	s6 =	simm.s32 @!p1 $0x1082;
	[sflag:s4] =	ssyncset.s32 $0xFFFFF086  }
0x25: {  	[simem:s6], [sflag:s4] =	dma.local [hbm:s3], $0xF7A  }
0x26: {  	[smem:$0x3F88] =	sst s1;
	(tag) =	ssettag s2;
	_ =	strace s9  }
0x27: {  	s1 =	sld [smem:$0x3F98]  }
0x28: {  	s2 =	sld [smem:$0x3F99]  }
0x29: {  	s4 =	sld [smem:$0x3F9B]  }
0x2a: {  	p0 =	seq.s32 s5, $0x0;
	s5 =	sld [smem:$0x3F9C]  }
0x2b: {  	s6 =	sld [smem:$0x3F9D]  }
0x2c: {  	s7 =	sld [smem:$0x3F9E]  }
0x2d: {  	s3 =	simm.s32 $0x108;
	s8 =	sld [smem:$0x3F9F]  }
0x2e: {  	s3 =	simm.s32 @!p0 $0x1082;
	s9 =	sld [smem:$0x3FA0]  }
0x2f: {  	lr =	sadd.s32 s0, s3;
	s0 =	sld [smem:$0x3F97]  }
0x30: {  	s3 =	sld [smem:$0x3F9A]  }
0x31: {  	[smem:$0x3FA3] =	sst s10  }
0x32: {  	s10 =	sld [smem:$0x3FA1];
	_ =	sdelay $0x3  }
0x33: {  	p0 =	seq.s32 s10, $0x1;
	s10 =	sld [smem:$0x3FA3];
	_ =	sdelay $0x3  }
0x34: {  	[smem:$0x3FA3] =	sst s10  }
0x35: {  	s10 =	sld [smem:$0x3FA2];
	_ =	sdelay $0x3  }
0x36: {  	p1 =	seq.s32 s10, $0x1;
	s10 =	sld [smem:$0x3FA3];
	_ =	sdelay $0x3  }
0x37: {  	[smem:$0x3FA3] =	sst s10  }
0x38: {  	s10 =	sld [smem:$0x3FA4]  }
0x39: {  	_ = 	snop;
	(pc) =	sbr.ind lr, $3  }
0x3a: {  	_ = 	snop  }
0x3b: {  	_ = 	snop  }
0x3c: {  	p2 =	seq.s32 s10, $0x1;
	s10 =	sld [smem:$0x3FA3]  }
0x3d: {  	_ =	shalt  }
0x3e: {  	_ =	shalt  }
0x3f: {  	_ =	shalt  }
0x40: {  	_ =	shalt  }
0x41: {  	_ =	shalt  }
0x42: {  	_ =	shalt  }
0x43: {  	_ =	shalt  }
0x44: {  	_ =	shalt  }
0x45: {  	_ =	shalt  }
0x46: {  	_ =	shalt  }
0x47: {  	_ =	shalt  }
0x48: {  	_ =	shalt  }
0x49: {  	_ =	shalt  }
0x4a: {  	_ =	shalt  }
0x4b: {  	_ =	shalt  }
0x4c: {  	_ =	shalt  }
0x4d: {  	_ =	shalt  }
0x4e: {  	_ =	shalt  }
0x4f: {  	_ =	shalt  }
0x50: {  	_ =	shalt  }
0x51: {  	_ =	shalt  }
0x52: {  	_ =	shalt  }
0x53: {  	_ =	shalt  }
0x54: {  	_ =	shalt  }
0x55: {  	_ =	shalt  }
0x56: {  	_ =	shalt  }
0x57: {  	_ =	shalt  }
0x58: {  	_ =	shalt  }
0x59: {  	_ =	shalt  }
0x5a: {  	_ =	shalt  }
0x5b: {  	_ =	shalt  }
0x5c: {  	_ =	shalt  }
0x5d: {  	_ =	shalt  }
0x5e: {  	_ =	shalt  }
0x5f: {  	_ =	shalt  }
0x60: {  	_ =	shalt  }
0x61: {  	_ =	shalt  }
0x62: {  	_ =	shalt  }
0x63: {  	_ =	shalt  }
0x64: {  	_ =	shalt  }
0x65: {  	_ =	shalt  }
0x66: {  	_ =	shalt  }
0x67: {  	_ =	shalt  }
0x68: {  	_ =	shalt  }
0x69: {  	_ =	shalt  }
0x6a: {  	_ =	shalt  }
0x6b: {  	_ =	shalt  }
0x6c: {  	_ =	shalt  }
0x6d: {  	_ =	shalt  }
0x6e: {  	_ =	shalt  }
0x6f: {  	_ =	shalt  }
0x70: {  	_ =	shalt  }
0x71: {  	_ =	shalt  }
0x72: {  	_ =	shalt  }
0x73: {  	_ =	shalt  }
0x74: {  	_ =	shalt  }
0x75: {  	_ =	shalt  }
0x76: {  	_ =	shalt  }
0x77: {  	_ =	shalt  }
0x78: {  	_ =	shalt  }
0x79: {  	_ =	shalt  }
0x7a: {  	_ =	shalt  }
0x7b: {  	_ =	shalt  }
0x7c: {  	_ =	shalt  }
0x7d: {  	_ =	shalt  }
0x7e: {  	_ =	shalt  }
0x7f: {  	_ =	shalt  }
0x80: {  	_ =	shalt  }
0x81: {  	_ =	shalt  }
0x82: {  	_ =	shalt  }
0x83: {  	_ =	shalt  }
0x84: {  	_ =	shalt  }
0x85: {  	_ =	shalt  }
0x86: {  	_ =	shalt  }
0x87: {  	_ =	shalt  }
.Lfunc_end0:
.L_simem_size_0:
called_computation.1_lowered:
.L_overlay_start_0:
0x88: {  	s2 =	sld [smem:$0x3FD9]  }
0x89: {  	s3 =	sld [smem:$0x3FFE];
	_ =	sdelay $0x1  }
0x8a: {  	s1 =	srdreg.scid  }
0x8b: {  	s0 =	sand.u32 $0x1, s1  }
0x8c: {  	s12 =	sshll.u32 s0, $0xA;
	s2 =	sadd.s32 s3, s2  }
0x8d: {  	s2 =	sadd.s32 s2, s12  }
0x8e: {  	[smem:$0x3FAF] =	sst s2  }
0x8f: {  	_ = 	snop  }
0x90: {  	(tm) =	ssettm $0x1  }
0x91: {  	s13 =	sld [smem:$0x3FFB];
	_ =	sdelay $0x3  }
0x92: {  	_ =	strace s13  }
0x93: {  	s2 =	sld [smem:$0x3FFC];
	_ =	sdelay $0x3  }
0x94: {  	_ =	strace s2  }
0x95: {  	s2 =	sld [smem:$0x3FFD];
	_ =	sdelay $0x3  }
0x96: {  	_ =	strace s2  }
0x97: {  	_ =	strace $0x8FFFFFFF  }
0x98: {  	s14 =	sld [smem:$0x3FDB];
	_ =	sdelay $0x1  }
0x99: {  	s15 =	simm.s32 $_scs_section_size  }
0x9a: {  	s4 =	simm.s32 $_size__tile_overlayer_lowered;
	s5 =	simm.s32 $_tile_overlayer_lowered  }
0x9b: {  	s19 =	simm.s32 $0x1BFF;
	s17 =	sshll.u32 s5, $0x1;
	s6 =	sadd.s32 s15, s14  }
0x9c: {  	s20 =	simm.s32 $0x0;
	s16 =	sshll.u32 s4, $0x1;
	s18 =	sadd.s32 s17, s6  }
0x9d: {  	[timem:s20], [sflag:s19] =	dma.local [hbm:s18], s16  }
0x9e: {  	_ =	swait.ge [sflag:s19], s16  }
0x9f: {  	s3 =	ssub.s32 $0x0, s16;
	[sflag:s19] =	ssyncset.done $0x0  }
0xa0: {  	[sflag:s19] =	ssyncadd.s32 s3;
	_ =	sdelay $0x1  }
0xa1: {  	s21 =	simm.s32 $0x1B8B  }
0xa2: {  	_ =	swait.ge [sflag:s21], $0x1  }
0xa3: {  	[sflag:s21] =	ssyncset.done $0x0  }
0xa4: {  	[sflag:s21] =	ssyncadd.s32 $0xFFFFFFFF  }
0xa5: {  	s3 =	sld [smem:$0x0]  }
0xa6: {  	s4 =	sand.u32 $0xFFFFFFFE, s1  }
0xa7: {  	p0 =	sne.s32 s1, s4  }
0xa8: {  	s4 =	sshll.u32 @p0 s4, $0xE  }
0xa9: {  	s5 =	sadd.s32 @p0 $0x11B8D, s4;
	s7 =	sshll.u32 @p0 s3, $0x11  }
0xaa: {  	s5 =	sor.u32 @p0 s7, s5  }
0xab: {  	[sflag:s5] =	ssyncadd.remote.s32 @p0 $0x1;
	_ =	sdelay $0x1  }
0xac: {  	s5 =	simm.s32 @p0 $0x1B8D  }
0xad: {  	_ =	swait.eq @p0 [sflag:s5], $0x1  }
0xae: {  	[sflag:s5] =	ssyncadd.s32 @p0 $0xFFFFFFFF  }
0xaf: {  	s7 =	sshll.u32 @!p0 s1, $0xE  }
0xb0: {  	s7 =	sor.u32 @!p0 $0x4000, s7;
	s5 =	simm.s32 @!p0 $0x1B8D  }
0xb1: {  	s9 =	sshll.u32 @!p0 s3, $0x11;
	s8 =	sadd.s32 @!p0 $0x11B8D, s7;
	_ =	swait.eq @!p0 [sflag:s5], $0x1  }
0xb2: {  	[sflag:s5] =	ssyncadd.s32 @!p0 $0xFFFFFFFF;
	s5 =	sor.u32 @!p0 s9, s8  }
0xb3: {  	s23 =	simm.s32 $0x1B8E;
	s22 =	sld [smem:$0x3FFE];
	[sflag:s5] =	ssyncadd.remote.s32 @!p0 $0x1  }
0xb4: {  	s24 =	simm.s32 $execute0_lowered;
	[smem:$0x3FD2] =	sst s23  }
0xb5: {  	s8 =	sshll.u32 s24, $0x1;
	_ =	strace $0x80000052;
	[dreg:$0x1] =	wrdreg $0xFFFFFFFF  }
0xb6: {  	s25 =	simm.s32 $_size_execute0_lowered;
	s8 =	sadd.s32 s6, s8;
	[dreg:$0x0] =	wrdreg $0x0  }
0xb7: {  	s9 =	sshll.u32 s25, $0x1;
	[dreg:$0x2] =	wrdreg s8  }
0xb8: {  	[dreg:$0x3] =	wrdreg s9  }
0xb9: {  	[dreg:$0x4] =	wrdreg $0xC0  }
0xba: {  	s26 =	simm.s32 $execute1_lowered;
	_ =	task [dreg:s20], $0x5FFFF  }
0xbb: {  	s8 =	sshll.u32 s26, $0x1;
	[dreg:$0x1] =	wrdreg $0xFFFFFFFF  }
0xbc: {  	s6 =	sadd.s32 s6, s8;
	[dreg:$0x0] =	wrdreg $0x60  }
0xbd: {  	[dreg:$0x2] =	wrdreg s6  }
0xbe: {  	[dreg:$0x3] =	wrdreg s22  }
0xbf: {  	[dreg:$0x4] =	wrdreg $0xB  }
0xc0: {  	_ =	task.clear_ibuf [dreg:s20], $0x5FFFF;
	_ =	strace $0x90000052  }
0xc1: {  	s28 =	simm.s32 $0xB;
	_ =	strace $0x80000054  }
0xc2: {  	_ =	swait.ge [sflag:s28], $0x1  }
0xc3: {  	[sflag:s28] =	ssyncadd.s32 $0xFFFFFFFF  }
0xc4: {  	_ =	strace $0x90000054  }
0xc5: {  	s6 =	sld [smem:$0x0];
	_ =	sdelay $0x3  }
0xc6: {  	s4 =	sadd.s32 @p0 $0x11BF3, s4;
	s8 =	sshll.u32 @p0 s6, $0x11  }
0xc7: {  	s4 =	sor.u32 @p0 s8, s4  }
0xc8: {  	[sflag:s4] =	ssyncadd.remote.s32 @p0 $0x1;
	_ =	sdelay $0x1  }
0xc9: {  	s4 =	simm.s32 @p0 $0x1BF3  }
0xca: {  	_ =	swait.eq @p0 [sflag:s4], $0x1  }
0xcb: {  	[sflag:s4] =	ssyncadd.s32 @p0 $0xFFFFFFFF;
	_ =	sdelay $0x1  }
0xcc: {  	s4 =	simm.s32 @!p0 $0x1BF3  }
0xcd: {  	s7 =	sadd.s32 @!p0 $0x11BF3, s7;
	s6 =	sshll.u32 @!p0 s6, $0x11;
	_ =	swait.eq @!p0 [sflag:s4], $0x1  }
0xce: {  	[sflag:s4] =	ssyncadd.s32 @!p0 $0xFFFFFFFF;
	s4 =	sor.u32 @!p0 s6, s7  }
0xcf: {  	[sflag:s4] =	ssyncadd.remote.s32 @!p0 $0x1  }
0xd0: {  	_ =	strace $0x80000055;
	[dreg:$0x1] =	wrdreg $0xFFFFFFFF  }
0xd1: {  	[dreg:$0x0] =	wrdreg $0x2030  }
0xd2: {  	[dreg:$0x2] =	wrdreg s22  }
0xd3: {  	[dreg:$0x3] =	wrdreg s1  }
0xd4: {  	[dreg:$0x4] =	wrdreg s3  }
0xd5: {  	[dreg:$0x5] =	wrdreg $0xC  }
0xd6: {  	_ =	task.clear_ibuf [dreg:s20], $0x6FFFF;
	_ =	strace $0x90000055  }
0xd7: {  	s29 =	simm.s32 $0xC;
	_ =	strace $0x80000057  }
0xd8: {  	_ =	swait.ge [sflag:s29], $0x1  }
0xd9: {  	[sflag:s29] =	ssyncadd.s32 $0xFFFFFFFF  }
0xda: {  	_ =	strace $0x90000057  }
0xdb: {  	_ =	sfence  }
0xdc: {  	s30 =	sld [smem:$0x0];
	_ =	sdelay $0x2  }
0xdd: {  	s31 =	sshll.u32 s1, $0xD;
	s1 =	sshrl.u32 s1, $0x2  }
0xde: {  	s4 =	sand.u32 $0x4000, s31;
	s1 =	sadd.s32 s1, s30  }
0xdf: {  	s0 =	sor.u32 s4, s0;
	s1 =	sshll.u32 s1, $0x11  }
0xe0: {  	s0 =	sor.u32 s1, s0  }
0xe1: {  	s0 =	sadd.s32 $0x8F2B, s0  }
0xe2: {  	[sflag:s0] =	ssyncadd.remote.s32 $0x1  }
0xe3: {  	_ =	sfence.sel $0xFFFF  }
0xe4: {  	[dreg:$0x0] =	wrdreg $0xFFFFFFFF;
	(pc) =	sbr.abs _section_cstart, $3  }
0xe5: {  	[dreg:$0x1] =	wrdreg $0xFFFFFFFF  }
0xe6: {  	_ =	task.clear_ibuf [dreg:s20], $0x2FFFF;
	_ =	strace $0x9FFFFFFF  }
0xe7: {  	(tm) =	ssettm $0x7FFFFFFF  }
tec
execute0_lowered:
.L_overlay_start_1:
0x0: {  	(tag) =	ssettag $0x1  }
0x1: {  	s2 =	rddreg [dreg:$0x0]  }
0x2: {  	s7 =	rddreg [dreg:$0x1]  }
0x3: {  	s0 =	rddreg [dreg:$0x2]  }
0x4: {  	s3 =	stileid.u32;
	[bflag:$0x3] =	sbarrier.arrive $0xFFFF;
	s1 =	simm.s32 $_size_execute1_lowered  }
0x5: {  	s29 =	srdreg.scid;
	s9 =	simm.s32 $0x2;
	p0 =	sne.s32 s3, $0x0  }
0x6: {  	s1 =	sshll.u32 s1, $0x1;
	s4 =	simm.s32 @!p0 $0x1C3F;
	s5 =	simm.s32 @!p0 $0x4060  }
0x7: {  	[timem:s5], [sflag:s4] =	dma.local @!p0 [hbm:s2], s1  }
0x8: {  	s13 =	simm.s32 $0x0;
	s10 =	simm.s32 $0x80;
	s2 =	sshll.u32 s29, $0x9  }
0x9: {  	s12 =	simm.s32 $0x0;
	s3 =	sshll.u32 s3, $0xA;
	s2 =	sand.u32 $0x200, s2  }
0xa: {  	s11 =	simm.s32 $0x0;
	_ =	strace $0x80000053;
	s2 =	sor.u32 s3, s2  }
0xb: {  	s3 =	sshll.u32 s2, $0x4;
	p1 =	slt.u32 s2, $0x2710;
	s31 =	smax.u32 s2, $0x2510  }
0xc: {  	s5 =	ssub.s32 $0x2710, s2;
	s4 =	sadd.s32 $0xFFFD8F00, s3;
	s6 =	sshll.u32 s31, $0x7  }
0xd: {  	s4 =	smov.u32 @p1 s3;
	s3 =	simm.s32 $0x1;
	p1 =	sgt.s32 s5, $0x0  }
0xe: {  	s6 =	ssub.s32 $0x138800, s6;
	s8 =	sadd.s32 s4, s7;
	[sflag:s3] =	ssyncpa.u1 $0x0  }
.Ltmp0:
0xf: {  	s5 =	simm.s32 @!p1 $0x0;
	s4 =	simm.s32 $0x1;
	(pc) =	sbr.rel .LBB2_1-.Ltmp0, $4  }
0x10: {  	s6 =	sshrl.u32 s6, $0x2;
	s7 =	sadd.s32 $0x1468800, s7;
	s30 =	sand.u32 $0x3F10, s5  }
0x11: {  	s5 =	simm.s32 $0x3;
	[sflag:s9] =	ssyncpa.u1 $0x0;
	p1 =	sne.s32 s30, $0x0  }
0x12: {  	s4 =	simm.s32 @!p1 $0x0;
	s5 =	simm.s32 @!p1 $0x2;
	p1 =	sgt.u32 s2, $0x270F  }
0x13: {  	s8 =	sadd.s32 $0x41E00, s8;
	s9 =	simm.s32 $0x20;
	s6 =	simm.s32 @p1 $0x0  }
.LBB2_5:
0x14: {  	_ =	sdelay $0x3  }
0x15: {  	[tilespmem:v1+s16+$0x0 ss:$0x1] =	vst.idx.msk $0xffff, v2  }
.LBB2_6:
0x16: {  	s16 =	smulhi.u32 $0xD1B71759, s12;
	_ =	sdelay $0x1  }
0x17: {  	s16 =	sshrl.u32 s16, $0xD  }
0x18: {  	s16 =	smul.u32 $0x2710, s16;
	_ =	sdelay $0x1  }
0x19: {  	s16 =	ssub.s32 s12, s16  }
0x1a: {  	s16 =	sshll.u32 s16, $0x4  }
0x1b: {  	s16 =	sadd.s32 s7, s16  }
0x1c: {  	[hbm4b:s16+s9] =	stream.strided.scatter [tilespmem:s15], [sflag:$0x2], s14, s10, s9, $0x38;
	[tilespmem:$0x10000] =	vst v63  }
.LBB2_7:
0x1d: {  	p1 =	slt.u32 s11, $0x2  }
0x1e: {  	p2 =	sgt.s32 @!p1 s13, $0x2510  }
0x1f: {  	p2 =	por !p2, p1  }
0x20: {  	p3 =	sgt.s32 @!p1 s13, $0x270F;
	s13 =	simm.s32 @p2 $0x2510  }
0x21: {  	s13 =	sshll.u32 @!p1 s13, $0x7  }
0x22: {  	s13 =	ssub.s32 @!p1 $0x138800, s13  }
0x23: {  	s11 =	sadd.s32 $0x1, s11;
	p2 =	por !p3, p1;
	s13 =	sshrl.u32 @!p1 s13, $0x2  }
0x24: {  	s13 =	simm.s32 @!p2 $0x0;
	p2 =	sne.s32 s11, s5  }
.Ltmp1:
0x25: {  	_ = 	snop;
	(pc) =	sbr.rel @!p2 .LBB2_8-.Ltmp1, $4  }
0x26: {  	s14 =	simm.s32 @!p1 $0x2  }
0x27: {  	_ =	swait.ge @!p1 [sflag:s14], s13  }
0x28: {  	s15 =	ssub.s32 @!p1 $0x0, s13;
	[sflag:s14] =	ssyncset.done @!p1 $0x0  }
0x29: {  	s13 =	smov.u32 s12;
	s12 =	smov.u32 s2;
	[sflag:s14] =	ssyncadd.s32 @!p1 s15  }
.LBB2_1:
0x2a: {  	p1 =	sge.u32 s11, s4;
	s31 =	sadd.s32 $0xFFFFFFFF, s11  }
0x2b: {  	s14 =	simm.s32 @!p1 $0x20;
	s15 =	simm.s32 @!p1 $0x80;
	s16 =	simm.s32 @!p1 $0x4000  }
0x2c: {  	[tilespmem:s16], [sflag:$0x1] =	stream.strided.gather @!p1 [hbm4b:s8+s14], s6, s15, s14, $0x38;
	[tilespmem:$0x10000] =	vst v63  }
0x2d: {  	p1 =	sge.u32 s31, s4  }
.Ltmp2:
0x2e: {  	_ = 	snop;
	(pc) =	sbr.rel @p1 .LBB2_7-.Ltmp2, $1  }
0x2f: {  	_ =	sdelay $0x3  }
0x30: {  	p1 =	sgt.s32 s12, $0x2510;
	s14 =	smov.u32 s12  }
0x31: {  	s14 =	simm.s32 @!p1 $0x2510  }
0x32: {  	s14 =	sshll.u32 s14, $0x7  }
0x33: {  	s14 =	ssub.s32 $0x138800, s14  }
0x34: {  	p1 =	sgt.u32 s12, $0x270F;
	s14 =	sshrl.u32 s14, $0x2  }
0x35: {  	s15 =	smov.u32 s12;
	s14 =	simm.s32 @p1 $0x0;
	p1 =	slt.s32 s12, $0x2510  }
0x36: {  	s15 =	simm.s32 @!p1 $0x2510  }
0x37: {  	s16 =	ssub.s32 s15, s12  }
0x38: {  	p1 =	slt.s32 s16, $0xFFFFFE01  }
.Ltmp3:
0x39: {  	_ = 	snop;
	(pc) =	sbr.rel @p1 .LBB2_6-.Ltmp3, $4  }
0x3a: {  	_ = 	snop  }
0x3b: {  	s17 =	sshll.u32 s11, $0xE;
	_ =	swait.ge [sflag:s3], s14  }
0x3c: {  	s17 =	sand.u32 $0x4000, s17;
	s18 =	ssub.s32 $0x0, s14;
	[sflag:s3] =	ssyncset.done $0x0  }
0x3d: {  	s15 =	sor.u32 $0x8000, s17;
	[sflag:s3] =	ssyncadd.s32 s18  }
0x3e: {  	v0 =	vmov s17;
	_ =	sdelay $0x1  }
0x3f: {  	s30 =	sadd.s32 $0x200, s16  }
0x40: {  	s31 =	simm.s32 $0x0;
	p1 =	sne.s32 s30, $0x1  }
.Ltmp4:
0x41: {  	s16 =	sand.u32 $0x3FE0, s31;
	(pc) =	sbr.rel @!p1 .LBB2_5-.Ltmp4, $2  }
0x42: {  	v1 =	vmov s15;
	v2 =	vld.idx.msk [tilespmem:v0+s16+$0x0 ss:$0x1], $0xffff;
	_ =	sdelay $0x2  }
0x43: {  	s18 =	simm.s32 $0x20;
	s17 =	sadd.s32 $0xFFFFFFFF, s30  }
.LBB2_4:
0x44: {  	s19 =	sand.u32 $0x3FE0, s18;
	p1 =	sne.s32 s17, $0x1;
	s17 =	sadd.s32 $0xFFFFFFFF, s17  }
.Ltmp5:
0x45: {  	[tilespmem:v1+s16+$0x0 ss:$0x1] =	vst.idx.msk $0xffff, v2;
	v2 =	vld.idx.msk [tilespmem:v0+s19+$0x0 ss:$0x1], $0xffff;
	s16 =	smov.u32 s19;
	(pc) =	sbr.rel @p1 .LBB2_4-.Ltmp5, $2  }
0x46: {  	_ =	sdelay $0x2  }
0x47: {  	s18 =	sadd.s32 $0x20, s18  }
.Ltmp6:
0x48: {  	_ = 	snop;
	(pc) =	sbr.rel .LBB2_5-.Ltmp6, $1  }
0x49: {  	_ =	sdelay $0x3  }
.LBB2_8:
0x4a: {  	_ =	sfence.sel $0x180000  }
0x4b: {  	s2 =	simm.s32 $0x1;
	[bflag:$0x0] =	sbarrier.arrive $0xFFFF  }
0x4c: {  	s31 =	simm.s32 $0x2;
	[sflag:s2] =	ssyncpa.u1 $0x1  }
0x4d: {  	[sflag:s31] =	ssyncpa.u1 $0x1  }
0x4e: {  	_ =	strace $0x90000053  }
0x4f: {  	s0 =	sadd.s32 @!p0 $0x100000, s0;
	[bflag:$0x2] =	sbarrier.arrive $0xFFFF  }
0x50: {  	[sflag:s0] =	ssyncadd.tile.s32 @!p0 $0x1;
	s0 =	simm.s32 @!p0 $0x3F  }
0x51: {  	_ =	swait.ge @!p0 [sflag:s0], s1  }
0x52: {  	s1 =	ssub.s32 @!p0 $0x0, s1;
	[sflag:s0] =	ssyncset.done @!p0 $0x0  }
0x53: {  	[sflag:s0] =	ssyncadd.s32 @!p0 s1  }
0x54: {  	[bflag:$0x3] =	sbarrier.arrive $0xFFFF  }
0x55: {  	_ =	shalt  }
.Lfunc_end2:
execute1_lowered:
.L_overlay_start_2:
0x56: {  	(tag) =	ssettag $0x2  }
0x57: {  	s11 =	rddreg [dreg:$0x0]  }
0x58: {  	s2 =	rddreg [dreg:$0x1];
	_ =	strace $0x80000056;
	s12 =	simm.s32 $0x1  }
0x59: {  	v0 =	vimm.s32 $0x0;
	[sflag:s12] =	ssyncpa.u1 $0x0  }
0x5a: {  	[tilespmem:$0x28] =	vst v0  }
0x5b: {  	[tilespmem:$0x38] =	vst v0  }
0x5c: {  	[tilespmem:$0x48] =	vst v0  }
0x5d: {  	[tilespmem:$0x58] =	vst v0  }
0x5e: {  	[tilespmem:$0x68] =	vst v0  }
0x5f: {  	[tilespmem:$0x78] =	vst v0  }
0x60: {  	[tilespmem:$0x88] =	vst v0  }
0x61: {  	[tilespmem:$0x98] =	vst v0  }
0x62: {  	[tilespmem:$0xA8] =	vst v0  }
0x63: {  	[tilespmem:$0xB8] =	vst v0  }
0x64: {  	[tilespmem:$0xC8] =	vst v0  }
0x65: {  	[tilespmem:$0xD8] =	vst v0  }
0x66: {  	[tilespmem:$0xE8] =	vst v0  }
0x67: {  	[tilespmem:$0xF8] =	vst v0  }
0x68: {  	[tilespmem:$0x108] =	vst v0  }
0x69: {  	[tilespmem:$0x118] =	vst v0  }
0x6a: {  	[tilespmem:$0x128] =	vst v0  }
0x6b: {  	[tilespmem:$0x138] =	vst v0  }
0x6c: {  	[tilespmem:$0x148] =	vst v0  }
0x6d: {  	[tilespmem:$0x158] =	vst v0  }
0x6e: {  	[tilespmem:$0x168] =	vst v0  }
0x6f: {  	[tilespmem:$0x178] =	vst v0  }
0x70: {  	[tilespmem:$0x188] =	vst v0  }
0x71: {  	[tilespmem:$0x198] =	vst v0  }
0x72: {  	[tilespmem:$0x1A8] =	vst v0  }
0x73: {  	[tilespmem:$0x1B8] =	vst v0  }
0x74: {  	[tilespmem:$0x1C8] =	vst v0  }
0x75: {  	[tilespmem:$0x1D8] =	vst v0  }
0x76: {  	[tilespmem:$0x1E8] =	vst v0  }
0x77: {  	[tilespmem:$0x1F8] =	vst v0  }
0x78: {  	[tilespmem:$0x208] =	vst v0  }
0x79: {  	[tilespmem:$0x218] =	vst v0  }
0x7a: {  	[tilespmem:$0x228] =	vst v0  }
0x7b: {  	[tilespmem:$0x238] =	vst v0  }
0x7c: {  	[tilespmem:$0x248] =	vst v0  }
0x7d: {  	[tilespmem:$0x258] =	vst v0  }
0x7e: {  	[tilespmem:$0x268] =	vst v0  }
0x7f: {  	[tilespmem:$0x278] =	vst v0  }
0x80: {  	[tilespmem:$0x288] =	vst v0  }
0x81: {  	[tilespmem:$0x298] =	vst v0  }
0x82: {  	[tilespmem:$0x2A8] =	vst v0  }
0x83: {  	[tilespmem:$0x2B8] =	vst v0  }
0x84: {  	[tilespmem:$0x2C8] =	vst v0  }
0x85: {  	[tilespmem:$0x2D8] =	vst v0  }
0x86: {  	[tilespmem:$0x2E8] =	vst v0  }
0x87: {  	[tilespmem:$0x2F8] =	vst v0  }
0x88: {  	[tilespmem:$0x308] =	vst v0  }
0x89: {  	[tilespmem:$0x318] =	vst v0  }
0x8a: {  	[tilespmem:$0x328] =	vst v0  }
0x8b: {  	[tilespmem:$0x338] =	vst v0  }
0x8c: {  	[tilespmem:$0x348] =	vst v0  }
0x8d: {  	[tilespmem:$0x358] =	vst v0  }
0x8e: {  	[tilespmem:$0x368] =	vst v0  }
0x8f: {  	[tilespmem:$0x378] =	vst v0  }
0x90: {  	[tilespmem:$0x388] =	vst v0  }
0x91: {  	[tilespmem:$0x398] =	vst v0  }
0x92: {  	[tilespmem:$0x3A8] =	vst v0  }
0x93: {  	[tilespmem:$0x3B8] =	vst v0  }
0x94: {  	[tilespmem:$0x3C8] =	vst v0  }
0x95: {  	[tilespmem:$0x3D8] =	vst v0  }
0x96: {  	[tilespmem:$0x3E8] =	vst v0  }
0x97: {  	[tilespmem:$0x3F8] =	vst v0  }
0x98: {  	[tilespmem:$0x408] =	vst v0  }
0x99: {  	[tilespmem:$0x418] =	vst v0  }
0x9a: {  	[tilespmem:$0x428] =	vst v0  }
0x9b: {  	[tilespmem:$0x438] =	vst v0  }
0x9c: {  	[tilespmem:$0x448] =	vst v0  }
0x9d: {  	[tilespmem:$0x458] =	vst v0  }
0x9e: {  	[tilespmem:$0x468] =	vst v0  }
0x9f: {  	[tilespmem:$0x478] =	vst v0  }
0xa0: {  	[tilespmem:$0x488] =	vst v0  }
0xa1: {  	[tilespmem:$0x498] =	vst v0  }
0xa2: {  	[tilespmem:$0x4A8] =	vst v0  }
0xa3: {  	[tilespmem:$0x4B8] =	vst v0  }
0xa4: {  	[tilespmem:$0x4C8] =	vst v0  }
0xa5: {  	[tilespmem:$0x4D8] =	vst v0  }
0xa6: {  	[tilespmem:$0x4E8] =	vst v0  }
0xa7: {  	[tilespmem:$0x4F8] =	vst v0  }
0xa8: {  	[tilespmem:$0x508] =	vst v0  }
0xa9: {  	[tilespmem:$0x518] =	vst v0  }
0xaa: {  	[tilespmem:$0x528] =	vst v0  }
0xab: {  	[tilespmem:$0x538] =	vst v0  }
0xac: {  	[tilespmem:$0x548] =	vst v0  }
0xad: {  	[tilespmem:$0x558] =	vst v0  }
0xae: {  	[tilespmem:$0x568] =	vst v0  }
0xaf: {  	[tilespmem:$0x578] =	vst v0  }
0xb0: {  	[tilespmem:$0x588] =	vst v0  }
0xb1: {  	[tilespmem:$0x598] =	vst v0  }
0xb2: {  	[tilespmem:$0x5A8] =	vst v0  }
0xb3: {  	[tilespmem:$0x5B8] =	vst v0  }
0xb4: {  	[tilespmem:$0x5C8] =	vst v0  }
0xb5: {  	[tilespmem:$0x5D8] =	vst v0  }
0xb6: {  	[tilespmem:$0x5E8] =	vst v0  }
0xb7: {  	[tilespmem:$0x5F8] =	vst v0  }
0xb8: {  	[tilespmem:$0x608] =	vst v0  }
0xb9: {  	[tilespmem:$0x618] =	vst v0  }
0xba: {  	[tilespmem:$0x628] =	vst v0  }
0xbb: {  	[tilespmem:$0x638] =	vst v0  }
0xbc: {  	[tilespmem:$0x648] =	vst v0  }
0xbd: {  	[tilespmem:$0x658] =	vst v0  }
0xbe: {  	[tilespmem:$0x668] =	vst v0  }
0xbf: {  	[tilespmem:$0x678] =	vst v0  }
0xc0: {  	[tilespmem:$0x688] =	vst v0  }
0xc1: {  	[tilespmem:$0x698] =	vst v0  }
0xc2: {  	[tilespmem:$0x6A8] =	vst v0  }
0xc3: {  	[tilespmem:$0x6B8] =	vst v0  }
0xc4: {  	[tilespmem:$0x6C8] =	vst v0  }
0xc5: {  	[tilespmem:$0x6D8] =	vst v0  }
0xc6: {  	[tilespmem:$0x6E8] =	vst v0  }
0xc7: {  	[tilespmem:$0x6F8] =	vst v0  }
0xc8: {  	[tilespmem:$0x708] =	vst v0  }
0xc9: {  	[tilespmem:$0x718] =	vst v0  }
0xca: {  	[tilespmem:$0x728] =	vst v0  }
0xcb: {  	[tilespmem:$0x738] =	vst v0  }
0xcc: {  	[tilespmem:$0x748] =	vst v0  }
0xcd: {  	[tilespmem:$0x758] =	vst v0  }
0xce: {  	[tilespmem:$0x768] =	vst v0  }
0xcf: {  	[tilespmem:$0x778] =	vst v0  }
0xd0: {  	[tilespmem:$0x788] =	vst v0  }
0xd1: {  	[tilespmem:$0x798] =	vst v0  }
0xd2: {  	[tilespmem:$0x7A8] =	vst v0  }
0xd3: {  	[tilespmem:$0x7B8] =	vst v0  }
0xd4: {  	[tilespmem:$0x7C8] =	vst v0  }
0xd5: {  	[tilespmem:$0x7D8] =	vst v0  }
0xd6: {  	[tilespmem:$0x7E8] =	vst v0  }
0xd7: {  	[tilespmem:$0x7F8] =	vst v0  }
0xd8: {  	[tilespmem:$0x808] =	vst v0  }
0xd9: {  	[tilespmem:$0x818] =	vst v0  }
0xda: {  	[tilespmem:$0x828] =	vst v0  }
0xdb: {  	[tilespmem:$0x838] =	vst v0  }
0xdc: {  	[tilespmem:$0x848] =	vst v0  }
0xdd: {  	[tilespmem:$0x858] =	vst v0  }
0xde: {  	[tilespmem:$0x868] =	vst v0  }
0xdf: {  	[tilespmem:$0x878] =	vst v0  }
0xe0: {  	[tilespmem:$0x888] =	vst v0  }
0xe1: {  	[tilespmem:$0x898] =	vst v0  }
0xe2: {  	[tilespmem:$0x8A8] =	vst v0  }
0xe3: {  	[tilespmem:$0x8B8] =	vst v0  }
0xe4: {  	[tilespmem:$0x8C8] =	vst v0  }
0xe5: {  	[tilespmem:$0x8D8] =	vst v0  }
0xe6: {  	[tilespmem:$0x8E8] =	vst v0  }
0xe7: {  	[tilespmem:$0x8F8] =	vst v0  }
0xe8: {  	[tilespmem:$0x908] =	vst v0  }
0xe9: {  	[tilespmem:$0x918] =	vst v0  }
0xea: {  	[tilespmem:$0x928] =	vst v0  }
0xeb: {  	[tilespmem:$0x938] =	vst v0  }
0xec: {  	[tilespmem:$0x948] =	vst v0  }
0xed: {  	[tilespmem:$0x958] =	vst v0  }
0xee: {  	[tilespmem:$0x968] =	vst v0  }
0xef: {  	[tilespmem:$0x978] =	vst v0  }
0xf0: {  	[tilespmem:$0x988] =	vst v0  }
0xf1: {  	[tilespmem:$0x998] =	vst v0  }
0xf2: {  	[tilespmem:$0x9A8] =	vst v0  }
0xf3: {  	[tilespmem:$0x9B8] =	vst v0  }
0xf4: {  	[tilespmem:$0x9C8] =	vst v0  }
0xf5: {  	[tilespmem:$0x9D8] =	vst v0  }
0xf6: {  	[tilespmem:$0x9E8] =	vst v0  }
0xf7: {  	[tilespmem:$0x9F8] =	vst v0  }
0xf8: {  	[tilespmem:$0xA08] =	vst v0  }
0xf9: {  	[tilespmem:$0xA18] =	vst v0  }
0xfa: {  	[tilespmem:$0xA28] =	vst v0  }
0xfb: {  	[tilespmem:$0xA38] =	vst v0  }
0xfc: {  	[tilespmem:$0xA48] =	vst v0  }
0xfd: {  	[tilespmem:$0xA58] =	vst v0  }
0xfe: {  	[tilespmem:$0xA68] =	vst v0  }
0xff: {  	[tilespmem:$0xA78] =	vst v0  }
0x100: {  	[tilespmem:$0xA88] =	vst v0  }
0x101: {  	[tilespmem:$0xA98] =	vst v0  }
0x102: {  	[tilespmem:$0xAA8] =	vst v0  }
0x103: {  	[tilespmem:$0xAB8] =	vst v0  }
0x104: {  	[tilespmem:$0xAC8] =	vst v0  }
0x105: {  	[tilespmem:$0xAD8] =	vst v0  }
0x106: {  	[tilespmem:$0xAE8] =	vst v0  }
0x107: {  	[tilespmem:$0xAF8] =	vst v0  }
0x108: {  	[tilespmem:$0xB08] =	vst v0  }
0x109: {  	[tilespmem:$0xB18] =	vst v0  }
0x10a: {  	[tilespmem:$0xB28] =	vst v0  }
0x10b: {  	[tilespmem:$0xB38] =	vst v0  }
0x10c: {  	[tilespmem:$0xB48] =	vst v0  }
0x10d: {  	[tilespmem:$0xB58] =	vst v0  }
0x10e: {  	[tilespmem:$0xB68] =	vst v0  }
0x10f: {  	[tilespmem:$0xB78] =	vst v0  }
0x110: {  	[tilespmem:$0xB88] =	vst v0  }
0x111: {  	[tilespmem:$0xB98] =	vst v0  }
0x112: {  	[tilespmem:$0xBA8] =	vst v0  }
0x113: {  	[tilespmem:$0xBB8] =	vst v0  }
0x114: {  	[tilespmem:$0xBC8] =	vst v0  }
0x115: {  	[tilespmem:$0xBD8] =	vst v0  }
0x116: {  	[tilespmem:$0xBE8] =	vst v0  }
0x117: {  	[tilespmem:$0xBF8] =	vst v0  }
0x118: {  	[tilespmem:$0xC08] =	vst v0  }
0x119: {  	[tilespmem:$0xC18] =	vst v0  }
0x11a: {  	[tilespmem:$0xC28] =	vst v0  }
0x11b: {  	[tilespmem:$0xC38] =	vst v0  }
0x11c: {  	[tilespmem:$0xC48] =	vst v0  }
0x11d: {  	[tilespmem:$0xC58] =	vst v0  }
0x11e: {  	[tilespmem:$0xC68] =	vst v0  }
0x11f: {  	[tilespmem:$0xC78] =	vst v0  }
0x120: {  	[tilespmem:$0xC88] =	vst v0  }
0x121: {  	[tilespmem:$0xC98] =	vst v0  }
0x122: {  	[tilespmem:$0xCA8] =	vst v0  }
0x123: {  	[tilespmem:$0xCB8] =	vst v0  }
0x124: {  	[tilespmem:$0xCC8] =	vst v0  }
0x125: {  	[tilespmem:$0xCD8] =	vst v0  }
0x126: {  	[tilespmem:$0xCE8] =	vst v0  }
0x127: {  	[tilespmem:$0xCF8] =	vst v0  }
0x128: {  	[tilespmem:$0xD08] =	vst v0  }
0x129: {  	[tilespmem:$0xD18] =	vst v0  }
0x12a: {  	[tilespmem:$0xD28] =	vst v0  }
0x12b: {  	[tilespmem:$0xD38] =	vst v0  }
0x12c: {  	[tilespmem:$0xD48] =	vst v0  }
0x12d: {  	[tilespmem:$0xD58] =	vst v0  }
0x12e: {  	[tilespmem:$0xD68] =	vst v0  }
0x12f: {  	[tilespmem:$0xD78] =	vst v0  }
0x130: {  	[tilespmem:$0xD88] =	vst v0  }
0x131: {  	[tilespmem:$0xD98] =	vst v0  }
0x132: {  	[tilespmem:$0xDA8] =	vst v0  }
0x133: {  	[tilespmem:$0xDB8] =	vst v0  }
0x134: {  	[tilespmem:$0xDC8] =	vst v0  }
0x135: {  	[tilespmem:$0xDD8] =	vst v0  }
0x136: {  	[tilespmem:$0xDE8] =	vst v0  }
0x137: {  	[tilespmem:$0xDF8] =	vst v0  }
0x138: {  	[tilespmem:$0xE08] =	vst v0  }
0x139: {  	[tilespmem:$0xE18] =	vst v0  }
0x13a: {  	[tilespmem:$0xE28] =	vst v0  }
0x13b: {  	[tilespmem:$0xE38] =	vst v0  }
0x13c: {  	[tilespmem:$0xE48] =	vst v0  }
0x13d: {  	[tilespmem:$0xE58] =	vst v0  }
0x13e: {  	[tilespmem:$0xE68] =	vst v0  }
0x13f: {  	[tilespmem:$0xE78] =	vst v0  }
0x140: {  	[tilespmem:$0xE88] =	vst v0  }
0x141: {  	[tilespmem:$0xE98] =	vst v0  }
0x142: {  	[tilespmem:$0xEA8] =	vst v0  }
0x143: {  	[tilespmem:$0xEB8] =	vst v0  }
0x144: {  	[tilespmem:$0xEC8] =	vst v0  }
0x145: {  	[tilespmem:$0xED8] =	vst v0  }
0x146: {  	[tilespmem:$0xEE8] =	vst v0  }
0x147: {  	[tilespmem:$0xEF8] =	vst v0  }
0x148: {  	[tilespmem:$0xF08] =	vst v0  }
0x149: {  	[tilespmem:$0xF18] =	vst v0  }
0x14a: {  	[tilespmem:$0xF28] =	vst v0  }
0x14b: {  	[tilespmem:$0xF38] =	vst v0  }
0x14c: {  	[tilespmem:$0xF48] =	vst v0  }
0x14d: {  	[tilespmem:$0xF58] =	vst v0  }
0x14e: {  	[tilespmem:$0xF68] =	vst v0  }
0x14f: {  	[tilespmem:$0xF78] =	vst v0  }
0x150: {  	[tilespmem:$0xF88] =	vst v0  }
0x151: {  	[tilespmem:$0xF98] =	vst v0  }
0x152: {  	[tilespmem:$0xFA8] =	vst v0  }
0x153: {  	[tilespmem:$0xFB8] =	vst v0  }
0x154: {  	[tilespmem:$0xFC8] =	vst v0  }
0x155: {  	[tilespmem:$0xFD8] =	vst v0  }
0x156: {  	[tilespmem:$0xFE8] =	vst v0  }
0x157: {  	[tilespmem:$0xFF8] =	vst v0  }
0x158: {  	[tilespmem:$0x1028] =	vst v0  }
0x159: {  	[tilespmem:$0x10E8] =	vst v0  }
0x15a: {  	[tilespmem:$0x1048] =	vst v0  }
0x15b: {  	[tilespmem:$0x1068] =	vst v0  }
0x15c: {  	[tilespmem:$0x1B28] =	vst v0  }
0x15d: {  	[tilespmem:$0x1B18] =	vst v0  }
0x15e: {  	[tilespmem:$0x1B08] =	vst v0  }
0x15f: {  	[tilespmem:$0x1AF8] =	vst v0  }
0x160: {  	[tilespmem:$0x1AE8] =	vst v0  }
0x161: {  	[tilespmem:$0x1AD8] =	vst v0  }
0x162: {  	[tilespmem:$0x1AC8] =	vst v0  }
0x163: {  	[tilespmem:$0x1AB8] =	vst v0  }
0x164: {  	[tilespmem:$0x1AA8] =	vst v0  }
0x165: {  	[tilespmem:$0x1A98] =	vst v0  }
0x166: {  	[tilespmem:$0x1A88] =	vst v0  }
0x167: {  	[tilespmem:$0x1A78] =	vst v0  }
0x168: {  	[tilespmem:$0x1A68] =	vst v0  }
0x169: {  	[tilespmem:$0x1A58] =	vst v0  }
0x16a: {  	[tilespmem:$0x1A48] =	vst v0  }
0x16b: {  	[tilespmem:$0x1A38] =	vst v0  }
0x16c: {  	[tilespmem:$0x1A28] =	vst v0  }
0x16d: {  	[tilespmem:$0x1A18] =	vst v0  }
0x16e: {  	[tilespmem:$0x1A08] =	vst v0  }
0x16f: {  	[tilespmem:$0x19F8] =	vst v0  }
0x170: {  	[tilespmem:$0x19E8] =	vst v0  }
0x171: {  	[tilespmem:$0x19D8] =	vst v0  }
0x172: {  	[tilespmem:$0x19C8] =	vst v0  }
0x173: {  	[tilespmem:$0x19B8] =	vst v0  }
0x174: {  	[tilespmem:$0x19A8] =	vst v0  }
0x175: {  	[tilespmem:$0x1998] =	vst v0  }
0x176: {  	[tilespmem:$0x1988] =	vst v0  }
0x177: {  	[tilespmem:$0x1978] =	vst v0  }
0x178: {  	[tilespmem:$0x1968] =	vst v0  }
0x179: {  	[tilespmem:$0x1958] =	vst v0  }
0x17a: {  	[tilespmem:$0x1948] =	vst v0  }
0x17b: {  	[tilespmem:$0x1938] =	vst v0  }
0x17c: {  	[tilespmem:$0x1928] =	vst v0  }
0x17d: {  	[tilespmem:$0x1918] =	vst v0  }
0x17e: {  	[tilespmem:$0x1908] =	vst v0  }
0x17f: {  	[tilespmem:$0x18F8] =	vst v0  }
0x180: {  	[tilespmem:$0x18E8] =	vst v0  }
0x181: {  	[tilespmem:$0x18D8] =	vst v0  }
0x182: {  	[tilespmem:$0x18C8] =	vst v0  }
0x183: {  	[tilespmem:$0x18B8] =	vst v0  }
0x184: {  	[tilespmem:$0x18A8] =	vst v0  }
0x185: {  	[tilespmem:$0x1898] =	vst v0  }
0x186: {  	[tilespmem:$0x1888] =	vst v0  }
0x187: {  	[tilespmem:$0x1878] =	vst v0  }
0x188: {  	[tilespmem:$0x1868] =	vst v0  }
0x189: {  	[tilespmem:$0x1858] =	vst v0  }
0x18a: {  	[tilespmem:$0x1848] =	vst v0  }
0x18b: {  	[tilespmem:$0x1838] =	vst v0  }
0x18c: {  	[tilespmem:$0x1828] =	vst v0  }
0x18d: {  	[tilespmem:$0x1818] =	vst v0  }
0x18e: {  	[tilespmem:$0x1808] =	vst v0  }
0x18f: {  	[tilespmem:$0x17F8] =	vst v0  }
0x190: {  	[tilespmem:$0x17E8] =	vst v0  }
0x191: {  	[tilespmem:$0x17D8] =	vst v0  }
0x192: {  	[tilespmem:$0x17C8] =	vst v0  }
0x193: {  	[tilespmem:$0x17B8] =	vst v0  }
0x194: {  	[tilespmem:$0x17A8] =	vst v0  }
0x195: {  	[tilespmem:$0x1798] =	vst v0  }
0x196: {  	[tilespmem:$0x1788] =	vst v0  }
0x197: {  	[tilespmem:$0x1778] =	vst v0  }
0x198: {  	[tilespmem:$0x1768] =	vst v0  }
0x199: {  	[tilespmem:$0x1758] =	vst v0  }
0x19a: {  	[tilespmem:$0x1748] =	vst v0  }
0x19b: {  	[tilespmem:$0x1738] =	vst v0  }
0x19c: {  	[tilespmem:$0x1728] =	vst v0  }
0x19d: {  	[tilespmem:$0x1718] =	vst v0  }
0x19e: {  	[tilespmem:$0x1708] =	vst v0  }
0x19f: {  	[tilespmem:$0x16F8] =	vst v0  }
0x1a0: {  	[tilespmem:$0x16E8] =	vst v0  }
0x1a1: {  	[tilespmem:$0x16D8] =	vst v0  }
0x1a2: {  	[tilespmem:$0x16C8] =	vst v0  }
0x1a3: {  	[tilespmem:$0x16B8] =	vst v0  }
0x1a4: {  	[tilespmem:$0x16A8] =	vst v0  }
0x1a5: {  	[tilespmem:$0x1698] =	vst v0  }
0x1a6: {  	[tilespmem:$0x1688] =	vst v0  }
0x1a7: {  	[tilespmem:$0x1678] =	vst v0  }
0x1a8: {  	[tilespmem:$0x1668] =	vst v0  }
0x1a9: {  	[tilespmem:$0x1658] =	vst v0  }
0x1aa: {  	[tilespmem:$0x1648] =	vst v0  }
0x1ab: {  	[tilespmem:$0x1638] =	vst v0  }
0x1ac: {  	[tilespmem:$0x1628] =	vst v0  }
0x1ad: {  	[tilespmem:$0x1618] =	vst v0  }
0x1ae: {  	[tilespmem:$0x1608] =	vst v0  }
0x1af: {  	[tilespmem:$0x15F8] =	vst v0  }
0x1b0: {  	[tilespmem:$0x15E8] =	vst v0  }
0x1b1: {  	[tilespmem:$0x15D8] =	vst v0  }
0x1b2: {  	[tilespmem:$0x15C8] =	vst v0  }
0x1b3: {  	[tilespmem:$0x15B8] =	vst v0  }
0x1b4: {  	[tilespmem:$0x15A8] =	vst v0  }
0x1b5: {  	[tilespmem:$0x1598] =	vst v0  }
0x1b6: {  	[tilespmem:$0x1588] =	vst v0  }
0x1b7: {  	[tilespmem:$0x1578] =	vst v0  }
0x1b8: {  	[tilespmem:$0x1568] =	vst v0  }
0x1b9: {  	[tilespmem:$0x1558] =	vst v0  }
0x1ba: {  	[tilespmem:$0x1548] =	vst v0  }
0x1bb: {  	[tilespmem:$0x1538] =	vst v0  }
0x1bc: {  	[tilespmem:$0x1528] =	vst v0  }
0x1bd: {  	[tilespmem:$0x1518] =	vst v0  }
0x1be: {  	[tilespmem:$0x1508] =	vst v0  }
0x1bf: {  	[tilespmem:$0x14F8] =	vst v0  }
0x1c0: {  	[tilespmem:$0x14E8] =	vst v0  }
0x1c1: {  	[tilespmem:$0x14D8] =	vst v0  }
0x1c2: {  	[tilespmem:$0x14C8] =	vst v0  }
0x1c3: {  	[tilespmem:$0x14B8] =	vst v0  }
0x1c4: {  	[tilespmem:$0x14A8] =	vst v0  }
0x1c5: {  	[tilespmem:$0x1498] =	vst v0  }
0x1c6: {  	[tilespmem:$0x1488] =	vst v0  }
0x1c7: {  	[tilespmem:$0x1478] =	vst v0  }
0x1c8: {  	[tilespmem:$0x1468] =	vst v0  }
0x1c9: {  	[tilespmem:$0x1458] =	vst v0  }
0x1ca: {  	[tilespmem:$0x1448] =	vst v0  }
0x1cb: {  	[tilespmem:$0x1438] =	vst v0  }
0x1cc: {  	[tilespmem:$0x1428] =	vst v0  }
0x1cd: {  	[tilespmem:$0x1418] =	vst v0  }
0x1ce: {  	[tilespmem:$0x1408] =	vst v0  }
0x1cf: {  	[tilespmem:$0x13F8] =	vst v0  }
0x1d0: {  	[tilespmem:$0x13E8] =	vst v0  }
0x1d1: {  	[tilespmem:$0x13D8] =	vst v0  }
0x1d2: {  	[tilespmem:$0x13C8] =	vst v0  }
0x1d3: {  	[tilespmem:$0x13B8] =	vst v0  }
0x1d4: {  	[tilespmem:$0x13A8] =	vst v0  }
0x1d5: {  	[tilespmem:$0x1398] =	vst v0  }
0x1d6: {  	[tilespmem:$0x1388] =	vst v0  }
0x1d7: {  	[tilespmem:$0x1378] =	vst v0  }
0x1d8: {  	[tilespmem:$0x1368] =	vst v0  }
0x1d9: {  	[tilespmem:$0x1358] =	vst v0  }
0x1da: {  	[tilespmem:$0x1348] =	vst v0  }
0x1db: {  	[tilespmem:$0x1338] =	vst v0  }
0x1dc: {  	[tilespmem:$0x1328] =	vst v0  }
0x1dd: {  	[tilespmem:$0x1318] =	vst v0  }
0x1de: {  	[tilespmem:$0x1308] =	vst v0  }
0x1df: {  	[tilespmem:$0x12F8] =	vst v0  }
0x1e0: {  	[tilespmem:$0x12E8] =	vst v0  }
0x1e1: {  	[tilespmem:$0x12D8] =	vst v0  }
0x1e2: {  	[tilespmem:$0x12C8] =	vst v0  }
0x1e3: {  	[tilespmem:$0x12B8] =	vst v0  }
0x1e4: {  	[tilespmem:$0x12A8] =	vst v0  }
0x1e5: {  	[tilespmem:$0x1298] =	vst v0  }
0x1e6: {  	[tilespmem:$0x1288] =	vst v0  }
0x1e7: {  	[tilespmem:$0x1278] =	vst v0  }
0x1e8: {  	[tilespmem:$0x1268] =	vst v0  }
0x1e9: {  	[tilespmem:$0x1258] =	vst v0  }
0x1ea: {  	[tilespmem:$0x1248] =	vst v0  }
0x1eb: {  	[tilespmem:$0x1238] =	vst v0  }
0x1ec: {  	[tilespmem:$0x1228] =	vst v0  }
0x1ed: {  	[tilespmem:$0x1218] =	vst v0  }
0x1ee: {  	[tilespmem:$0x1208] =	vst v0  }
0x1ef: {  	[tilespmem:$0x11F8] =	vst v0  }
0x1f0: {  	[tilespmem:$0x11E8] =	vst v0  }
0x1f1: {  	[tilespmem:$0x11D8] =	vst v0  }
0x1f2: {  	[tilespmem:$0x11C8] =	vst v0  }
0x1f3: {  	[tilespmem:$0x11B8] =	vst v0  }
0x1f4: {  	[tilespmem:$0x11A8] =	vst v0  }
0x1f5: {  	[tilespmem:$0x1198] =	vst v0  }
0x1f6: {  	[tilespmem:$0x1188] =	vst v0  }
0x1f7: {  	[tilespmem:$0x1178] =	vst v0  }
0x1f8: {  	[tilespmem:$0x1168] =	vst v0  }
0x1f9: {  	[tilespmem:$0x1158] =	vst v0  }
0x1fa: {  	[tilespmem:$0x1148] =	vst v0  }
0x1fb: {  	[tilespmem:$0x1138] =	vst v0  }
0x1fc: {  	s4 =	stileid.u32;
	[tilespmem:$0x1128] =	vst v0  }
0x1fd: {  	s0 =	smul.u32 $0x17, s4;
	[tilespmem:$0x1118] =	vst v0  }
0x1fe: {  	s1 =	smin.u32 s4, $0x3;
	[tilespmem:$0x1108] =	vst v0  }
0x1ff: {  	[tilespmem:$0x10F8] =	vst v0;
	s0 =	sadd.s32 s1, s0  }
0x200: {  	p0 =	slt.u32 s4, $0x3;
	[tilespmem:$0x10C8] =	vst v0;
	s1 =	simm.s32 $0x2880;
	s6 =	smul.u32 $0x1B0, s0  }
0x201: {  	s1 =	simm.s32 @!p0 $0x26D0;
	[tilespmem:$0x10D8] =	vst v0  }
0x202: {  	[tilespmem:$0x10B8] =	vst v0;
	s0 =	sadd.s32 s1, s6  }
0x203: {  	s3 =	simm.s32 $0x2;
	[tilespmem:$0x1038] =	vst v0;
	s7 =	smin.u32 s0, $0x27100  }
0x204: {  	s8 =	simm.s32 $0x9;
	s10 =	simm.s32 $0xA;
	[tilespmem:$0x10A8] =	vst v0;
	s0 =	ssub.s32 s7, s6  }
0x205: {  	s30 =	simm.s32 $0xB;
	s16 =	simm.s32 $0x0;
	[tilespmem:$0x1098] =	vst v0;
	p0 =	sgt.s32 s0, $0x0  }
0x206: {  	p4 =	por $0x0, $0x0;
	s17 =	simm.s32 $0xC;
	[tilespmem:$0x1088] =	vst v0;
	s0 =	simm.s32 @!p0 $0x0  }
0x207: {  	s21 =	simm.s32 $0x0;
	s18 =	simm.s32 $0x0;
	[tilespmem:$0x1078] =	vst v0;
	s29 =	smulhi.u32 $0x4BDA12F7, s0  }
0x208: {  	s20 =	simm.s32 $0x0;
	s2 =	sand.u32 $0x1, s2;
	s31 =	sshll.u32 s4, $0x5;
	[tilespmem:$0x1058] =	vst v0  }
0x209: {  	[dreg:$0x5] =	wrdreg s2;
	s2 =	smul.u32 $0x4E20, s2;
	[tilespmem:$0x1018] =	vst v0;
	s1 =	sshrl.u32 s29, $0x7  }
0x20a: {  	[tilespmem:$0x1008] =	vst v0;
	[sflag:s3] =	ssyncpa.u1 $0x0;
	v0 =	vimm.s32 $0xFFFFFFFF;
	s3 =	sadd.s32 $0x1468800, s11;
	s5 =	smul.u32 $0x1B0, s1  }
.Ltmp7:
0x20b: {  	[dreg:$0x4] =	wrdreg s31;
	[tilespmem:$0x3648] =	vst v0;
	[sflag:s8] =	ssyncpa.u1 $0x0;
	(pc) =	sbr.rel .LBB3_1-.Ltmp7, $4  }
0x20c: {  	s2 =	sadd.s32 s2, s11;
	[sflag:s10] =	ssyncpa.u1 $0x0;
	p0 =	sne.s32 s0, s5  }
0x20d: {  	s11 =	sadd.s32 $0xAA4800, s11;
	[sflag:s30] =	ssyncpa.u1 $0x0;
	s12 =	simm.s32 @!p0 $0x0  }
0x20e: {  	s13 =	sadd.s32 $0x9BA00, s2;
	s14 =	sadd.s32 $0x91C00, s2;
	s12 =	sadd.s32 s12, s1  }
0x20f: {  	v0 =	vlaneseq.u32;
	s19 =	smov.u32 s6;
	p0 =	por $0x1, $0x1;
	s15 =	sadd.s32 $0x1, s12  }
.LBB3_18:
0x210: {  	s0 =	simm.s32 $0x2  }
0x211: {  	_ =	swait.ge [sflag:s0], $0x0  }
0x212: {  	[sflag:s0] =	ssyncset.done $0x0;
	s0 =	simm.s32 $0x0  }
.LBB3_19:
0x213: {  	_ =	swait.ge [sflag:s17], s0  }
0x214: {  	s31 =	ssub.s32 $0x0, s0;
	v1 =	vmov s23;
	vm0 =	veq.s32 v0, $0x0;
	[sflag:s17] =	ssyncset.done $0x0  }
0x215: {  	vm15 =	veq.s32 v0, $0x2;
	v1 =	vsel vm0, s28, v1;
	[sflag:s17] =	ssyncadd.s32 s31  }
0x216: {  	v1 =	vsel vm15, s21, v1;
	[sflag:s17] =	ssyncpa.u1 $0x1  }
0x217: {  	[tilespmem:$0x3648] =	vst v1  }
.LBB3_20:
0x218: {  	s0 =	sadd.s32 $0x1B0, s19  }
0x219: {  	s1 =	smov.u32 s6;
	p1 =	slt.s32 s0, s7  }
0x21a: {  	s1 =	smov.u32 @p1 s0;
	p1 =	sne.s32 s20, s15  }
.Ltmp8:
0x21b: {  	_ = 	snop;
	(pc) =	sbr.rel @!p1 .LBB3_21-.Ltmp8, $4  }
0x21c: {  	_ = 	snop  }
0x21d: {  	s21 =	smov.u32 s18  }
0x21e: {  	s31 =	sadd.s32 $0x1, s20;
	s18 =	smov.u32 s19;
	p0 =	por !p0, !p0  }
0x21f: {  	p4 =	por !p4, !p4;
	s20 =	smov.u32 s31;
	s19 =	smov.u32 s1  }
.LBB3_1:
0x220: {  	p2 =	sge.u32 s20, s12  }
0x221: {  	s0 =	smulhi.u32 @!p2 $0xAAAAAAAB, s20  }
0x222: {  	s1 =	smov.u32 s19;
	p3 =	sgt.s32 @!p2 s19, $0x26F50  }
0x223: {  	s2 =	sshra.s32 @!p2 s19, $0x1F;
	p3 =	por !p3, p2;
	s0 =	sshrl.u32 @!p2 s0, $0x1  }
0x224: {  	s2 =	sand.u32 @!p2 s2, s19;
	s1 =	simm.s32 @p3 $0x26F50;
	s0 =	smul.u32 @!p2 $0x3, s0  }
0x225: {  	s1 =	ssub.s32 @!p2 s1, s2  }
0x226: {  	s23 =	sadd.s32 $0xFFFFFFFF, s20;
	s1 =	sadd.s32 @!p2 $0xFFFD90B0, s1;
	s0 =	ssub.s32 @!p2 s20, s0  }
0x227: {  	s2 =	sshll.u32 @!p2 s1, $0x2;
	p3 =	sgt.s32 @!p2 s1, $0x1AF;
	s0 =	smul.u32 @!p2 $0x6C0, s0  }
0x228: {  	s5 =	sand.u32 @!p2 $0x7, s19;
	s1 =	ssub.s32 @!p2 $0x6C0, s2;
	p3 =	por !p3, p2  }
0x229: {  	s2 =	sshrl.u32 @!p2 s19, $0x3;
	s1 =	sshrl.u32 @!p2 s1, $0x2;
	s0 =	sshrl.u32 @!p2 s0, $0x2  }
0x22a: {  	s2 =	sadd.s32 @!p2 s2, s13;
	s1 =	simm.s32 @!p3 $0x0;
	s0 =	sadd.s32 @!p2 $0x3888, s0  }
0x22b: {  	[tilespmem:s0], [sflag:$0xA] =	stream.linear.gather @!p2 [hbm4b:s2+s5], s1, $0x38;
	[tilespmem:$0x1F0F8] =	vst v63  }
0x22c: {  	p2 =	sge.u32 s23, s12  }
0x22d: {  	p3 =	sgt.s32 @!p2 s18, $0x26F50  }
0x22e: {  	s0 =	smov.u32 s18;
	s1 =	sshra.s32 @!p2 s18, $0x1F;
	p3 =	por !p3, p2  }
0x22f: {  	s1 =	sand.u32 @!p2 s1, s18;
	s0 =	simm.s32 @p3 $0x26F50  }
0x230: {  	s0 =	ssub.s32 @!p2 s0, s1  }
0x231: {  	s0 =	sadd.s32 @!p2 $0xFFFD90B0, s0  }
0x232: {  	s1 =	sshll.u32 @!p2 s0, $0x2  }
0x233: {  	p3 =	sgt.s32 @!p2 s0, $0x1AF;
	s0 =	ssub.s32 @!p2 $0x6C0, s1  }
0x234: {  	s22 =	ssub.s32 @!p2 $0x27100, s18;
	p3 =	por !p3, p2;
	s0 =	sshrl.u32 @!p2 s0, $0x2  }
0x235: {  	s1 =	sand.u32 @!p2 $0x1, s23;
	s0 =	simm.s32 @!p3 $0x0;
	p3 =	slt.s32 @!p2 s22, $0x1  }
0x236: {  	s2 =	simm.s32 @!p2 $0xA;
	s1 =	smul.u32 @!p2 $0x6C0, s1;
	p3 =	por p2, p3  }
.Ltmp9:
0x237: {  	_ =	swait.ge @!p2 [sflag:s2], s0;
	(pc) =	sbr.rel @p3 .LBB3_7-.Ltmp9, $4  }
0x238: {  	s5 =	ssub.s32 @!p2 $0x0, s0;
	[sflag:s2] =	ssyncset.done @!p2 $0x0  }
0x239: {  	s1 =	sshrl.u32 @!p2 s1, $0x2;
	[sflag:s2] =	ssyncadd.s32 @!p2 s5;
	s2 =	sshrl.u32 @!p2 s18, $0x3  }
0x23a: {  	s1 =	sadd.s32 @!p2 $0x3D98, s1;
	s5 =	sand.u32 @!p2 $0x7, s18;
	s2 =	sadd.s32 @!p2 s2, s14  }
0x23b: {  	[tilespmem:s1], [sflag:$0xB] =	stream.linear.gather @!p2 [hbm4b:s2+s5], s0, $0x38;
	[tilespmem:$0x1F0F8] =	vst v63  }
0x23c: {  	s0 =	smulhi.u32 $0xAAAAAAAB, s23;
	_ =	sdelay $0x1  }
0x23d: {  	s0 =	sshrl.u32 s0, $0x1  }
0x23e: {  	s0 =	smul.u32 $0x3, s0;
	_ =	sdelay $0x1  }
0x23f: {  	s0 =	ssub.s32 s23, s0  }
0x240: {  	s1 =	simm.s32 $0x1;
	s0 =	smul.u32 $0x6C0, s0  }
.Ltmp10:
0x241: {  	s1 =	simm.s32 @!p0 $0x0;
	(pc) =	sbr.rel .LBB3_4-.Ltmp10, $4  }
0x242: {  	s1 =	smul.u32 $0x36000, s1  }
0x243: {  	p3 =	slt.s32 @!p2 s22, $0x1B0;
	s0 =	sshrl.u32 s0, $0x2  }
0x244: {  	p2 =	por !p3, p2;
	s1 =	sshrl.u32 s1, $0x2;
	s0 =	sadd.s32 $0x3888, s0  }
0x245: {  	s24 =	simm.s32 $0x0;
	s22 =	simm.s32 @p2 $0x1B0;
	s23 =	sadd.s32 $0x40F8, s1;
	v1 =	vmov s0  }
.LBB3_3:
0x246: {  	p2 =	sge.s32 s24, s22  }
.Ltmp11:
0x247: {  	_ = 	snop;
	(pc) =	sbr.rel @p2 .LBB3_7-.Ltmp11, $2  }
0x248: {  	_ =	sdelay $0x2  }
0x249: {  	s23 =	sadd.s32 $0x800, s23  }
.LBB3_4:
0x24a: {  	p2 =	sle.s32 s22, s24  }
.Ltmp12:
0x24b: {  	_ = 	snop;
	(pc) =	sbr.rel @p2 .LBB3_3-.Ltmp12, $2  }
0x24c: {  	_ =	sdelay $0x2  }
0x24d: {  	s0 =	smov.u32 s24;
	s24 =	sadd.s32 $0x10, s24  }
0x24e: {  	s1 =	ssub.s32 s22, s0  }
0x24f: {  	p2 =	slt.s32 s1, $0x10  }
0x250: {  	s1 =	simm.s32 @!p2 $0x10  }
0x251: {  	v2 =	vmov s1  }
0x252: {  	vm0 =	vgt.s32 v2, v0;
	_ =	sdelay $0x5  }
0x253: {  	v2 =	vld.idx.msk [tilespmem:v1+s0+$0x0 ss:$0x1], vm0;
	_ =	sdelay $0x2  }
0x254: {  	p2 =	slt.s32 s24, s22;
	s1 =	smov.u32 s22  }
0x255: {  	s2 =	smov.u32 s23;
	s25 =	simm.s32 $0x0;
	s1 =	smov.u32 @p2 s24  }
.LBB3_6:
0x256: {  	(v2sf) =	vpush v2, s25;
	_ =	sdelay $0xc  }
0x257: {  	s25 =	sadd.s32 $0x1, s25  }
0x258: {  	s31 =	sadd.s32 s25, s0  }
0x259: {  	p2 =	slt.s32 s31, s1;
	s5 =	spop (v2sf)  }
.Ltmp13:
0x25a: {  	s5 =	sshll.u32 s5, $0x4;
	(pc) =	sbr.rel @p2 .LBB3_6-.Ltmp13, $4  }
0x25b: {  	s5 =	sand.u32 $0x1FFFFFF0, s5  }
0x25c: {  	s5 =	sadd.s32 s11, s5  }
0x25d: {  	[tilespmem:s2], [sflag:$0x9] =	stream.linear.gather [hbm4b:s5+s16], $0x8, $0x38;
	[tilespmem:$0x1F0F8] =	vst v63  }
0x25e: {  	s2 =	sadd.s32 $0x80, s2  }
.Ltmp14:
0x25f: {  	_ = 	snop;
	(pc) =	sbr.rel .LBB3_3-.Ltmp14, $1  }
0x260: {  	_ =	sdelay $0x3  }
.LBB3_7:
0x261: {  	p2 =	slt.u32 s20, $0x2  }
.Ltmp15:
0x262: {  	_ = 	snop;
	(pc) =	sbr.rel @p2 .LBB3_20-.Ltmp15, $1  }
0x263: {  	_ =	sdelay $0x3  }
0x264: {  	p2 =	sgt.s32 s21, $0x26F50  }
0x265: {  	s0 =	smov.u32 s21;
	s1 =	sshra.s32 s21, $0x1F;
	s2 =	ssub.s32 $0x27100, s21  }
0x266: {  	s0 =	simm.s32 @!p2 $0x26F50;
	s1 =	sand.u32 s1, s21;
	p2 =	slt.s32 s2, $0x1B0  }
0x267: {  	s0 =	ssub.s32 s0, s1;
	s2 =	simm.s32 @!p2 $0x1B0  }
0x268: {  	s0 =	sadd.s32 $0xFFFD90B0, s0;
	s24 =	sshll.u32 s2, $0x3  }
0x269: {  	s28 =	simm.s32 $0x9;
	s25 =	sshll.u32 s0, $0x2;
	s1 =	sand.u32 $0x3FFFFFF8, s24  }
0x26a: {  	p2 =	sgt.s32 s0, $0x1AF;
	s26 =	ssub.s32 $0x6C0, s25;
	_ =	swait.ge [sflag:s28], s1  }
0x26b: {  	s1 =	ssub.s32 $0x0, s1;
	[sflag:s28] =	ssyncset.done $0x0;
	s0 =	sshrl.u32 s26, $0x2  }
0x26c: {  	s30 =	simm.s32 $0xB;
	[sflag:s28] =	ssyncadd.s32 s1;
	s0 =	simm.s32 @p2 $0x0  }
0x26d: {  	_ =	swait.ge [sflag:s30], s0  }
0x26e: {  	s0 =	ssub.s32 $0x0, s0;
	[sflag:s30] =	ssyncset.done $0x0  }
0x26f: {  	[sflag:s30] =	ssyncadd.s32 s0  }
0x270: {  	v1 =	vld [tilespmem:$0x3648];
	_ =	sdelay $0x4  }
0x271: {  	(v2sf) =	vpush v1, $0x0  }
0x272: {  	(v2sf) =	vpush v1, $0x1  }
0x273: {  	(v2sf) =	vpush v1, $0x2;
	_ =	sdelay $0x3  }
0x274: {  	s0 =	sadd.s32 $0x1B0, s21  }
0x275: {  	s1 =	ssub.s32 $0x4E200, s21;
	p2 =	slt.s32 s7, s0  }
0x276: {  	s0 =	smov.u32 @p2 s7;
	p2 =	sgt.s32 s1, $0x0  }
0x277: {  	s25 =	ssub.s32 s0, s21;
	s1 =	simm.s32 @!p2 $0x0  }
0x278: {  	p2 =	slt.s32 s1, s25  }
0x279: {  	s25 =	smov.u32 @p2 s1  }
0x27a: {  	s24 =	simm.s32 $0x1;
	p2 =	slt.s32 s25, $0x1  }
.Ltmp16:
0x27b: {  	s24 =	simm.s32 @!p4 $0x0;
	(pc) =	sbr.rel @p2 .LBB3_12-.Ltmp16, $4  }
0x27c: {  	s31 =	smul.u32 $0x6C0, s24  }
0x27d: {  	s26 =	spop (v2sf)  }
0x27e: {  	s0 =	sshrl.u32 s31, $0x2;
	s29 =	spop (v2sf)  }
0x27f: {  	s22 =	sadd.s32 $0x3D98, s0;
	s21 =	spop (v2sf)  }
0x280: {  	s0 =	smin.u32 s25, $0x10  }
0x281: {  	v1 =	vmov s0  }
0x282: {  	p3 =	sgt.s32 s25, $0x10;
	vm1 =	vgt.u32 v1, v0  }
.Ltmp17:
0x283: {  	_ = 	snop;
	(pc) =	sbr.rel @!p3 .LBB3_11-.Ltmp17, $2  }
0x284: {  	_ =	sdelay $0x2  }
0x285: {  	s23 =	simm.s32 $0x10;
	s28 =	sadd.s32 $0xFFFFFFF0, s25;
	s0 =	smov.u32 s22;
	vm0 =	vmmov vm1  }
.LBB3_10:
0x286: {  	s1 =	smin.u32 s28, $0x10;
	s23 =	sadd.s32 $0x10, s23;
	v1 =	vld.msk [tilespmem:s0+$0x0 ss:$0x1], vm1  }
0x287: {  	v2 =	vmov s1;
	p3 =	slt.s32 s23, s25  }
0x288: {  	vm1 =	vgt.u32 v2, v0  }
.Ltmp18:
0x289: {  	(pc) =	sbr.rel @p3 .LBB3_10-.Ltmp18, $3  }
0x28a: {  	_ =	sdelay $0x1  }
0x28b: {  	v1 =	vshll.u32 v1, $0x4  }
0x28c: {  	s28 =	sadd.s32 $0xFFFFFFF0, s28;
	[tilespmem:s0+$0x0] =	vst.msk vm0, v1;
	s0 =	sadd.s32 $0x10, s0;
	vm0 =	vmmov vm1  }
.LBB3_11:
0x28d: {  	_ =	sdelay $0x4  }
0x28e: {  	v1 =	vld.msk [tilespmem:s0+$0x0 ss:$0x1], vm1;
	_ =	sdelay $0x4  }
0x28f: {  	v1 =	vshll.u32 v1, $0x4  }
0x290: {  	[tilespmem:s0+$0x0] =	vst.msk vm0, v1  }
.LBB3_12:
0x291: {  	s0 =	sand.u32 $0x1, s20  }
0x292: {  	s1 =	smul.u32 $0x1B0, s0  }
0x293: {  	p3 =	sne.s32 s29, $0xFFFFFFFF  }
0x294: {  	v1 =	vld.msk @!p3 [tilespmem:s1+$0x3D98], $0x1;
	_ =	sdelay $0x4  }
0x295: {  	(v2sf) =	vpush @!p3 v1, $0x0;
	_ =	sdelay $0x9  }
0x296: {  	s0 =	smul.u32 $0xD800, s0;
	_ =	sdelay $0x1  }
0x297: {  	v1 =	vld.msk @!p3 [tilespmem:s0+$0x40F8], $0xff  }
.Ltmp19:
0x298: {  	_ = 	snop;
	(pc) =	sbr.rel @p2 .LBB3_18-.Ltmp19, $4  }
0x299: {  	_ = 	snop  }
0x29a: {  	s28 =	spop @!p3 (v2sf)  }
0x29b: {  	s21 =	simm.s32 @!p3 $0x0;
	s0 =	simm.s32 @!p3 $0x28;
	s23 =	smov.u32 s28  }
0x29c: {  	[tilespmem:s0+$0x0] =	vst.msk @!p3 $0xff, v1;
	[sflag:s17] =	ssyncpa.u1 $0x0;
	s28 =	smov.u32 @p3 s26;
	s23 =	smov.u32 @p3 s29  }
0x29d: {  	v1 =	vld.msk [tilespmem:s22+$0x0], $0x1;
	_ =	sdelay $0x4  }
0x29e: {  	(v2sf) =	vpush v1, $0x0;
	_ =	sdelay $0xe  }
0x29f: {  	s0 =	simm.s32 @!p4 $0x0;
	s26 =	smul.u32 $0x36000, s24;
	s31 =	spop (v2sf)  }
0x2a0: {  	s29 =	ssub.s32 $0x0, s25;
	s0 =	simm.s32 @p4 $0x1;
	p2 =	seq.s32 s28, s31  }
0x2a1: {  	s1 =	smov.u32 s28;
	[smem:$0x7FD] =	sst s0;
	p3 =	sgt.s32 @!p2 s28, $0x0  }
0x2a2: {  	s0 =	sshrl.u32 s26, $0x2;
	s26 =	sadd.s32 $0x1, s29;
	p3 =	por !p3, p2  }
0x2a3: {  	s1 =	simm.s32 @p3 $0x0;
	p3 =	seq.s32 s26, $0x0  }
.Ltmp20:
0x2a4: {  	_ = 	snop;
	(pc) =	sbr.rel @p3 .LBB3_15-.Ltmp20, $4  }
0x2a5: {  	s25 =	simm.s32 $0x0  }
0x2a6: {  	s24 =	sadd.s32 $0x40F8, s0;
	s0 =	simm.s32 @!p2 $0x1;
	s2 =	smin.u32 @!p2 s1, $0x270FF  }
0x2a7: {  	s30 =	sadd.s32 $0x1, s22;
	s0 =	smov.u32 @p2 s25;
	s5 =	sand.u32 @!p2 $0x3FFF8, s2  }
0x2a8: {  	s1 =	simm.s32 @!p2 $0x1B38;
	s2 =	sand.u32 @!p2 $0x7, s2;
	s5 =	sadd.s32 @!p2 s3, s5  }
.LBB3_14:
0x2a9: {  	s4 =	smov.u32 s0  }
0x2aa: {  	[tilespmem:s1], [sflag:$0x2] =	stream.linear.gather @!p2 [hbm4b:s5+s2], $0x8, $0x38;
	[tilespmem:$0x1F0F8] =	vst v63  }
0x2ab: {  	s26 =	sadd.s32 $0x1, s26;
	s2 =	smov.u32 s31;
	v1 =	vld.msk [tilespmem:s30+$0x0], $0x1  }
0x2ac: {  	p3 =	seq.s32 s26, $0x0;
	_ =	sdelay $0x3  }
0x2ad: {  	(v2sf) =	vpush v1, $0x0;
	_ =	sdelay $0xe  }
0x2ae: {  	s31 =	spop (v2sf)  }
0x2af: {  	p2 =	seq.s32 s2, s31  }
0x2b0: {  	p4 =	sgt.s32 @!p2 s2, $0x0;
	s1 =	sshll.u32 @!p2 s0, $0x6;
	s0 =	sadd.s32 @!p2 $0x1, s0  }
.Ltmp21:
0x2b1: {  	p4 =	por !p4, p2;
	s1 =	sshra.s32 @!p2 s1, $0x2;
	(pc) =	sbr.rel @!p3 .LBB3_14-.Ltmp21, $4  }
0x2b2: {  	s0 =	smov.u32 @p2 s4;
	s2 =	simm.s32 @p4 $0x0;
	s1 =	sadd.s32 @!p2 $0x1B38, s1  }
0x2b3: {  	s2 =	smin.u32 @!p2 s2, $0x270FF  }
0x2b4: {  	s4 =	sand.u32 @!p2 $0x3FFF8, s2;
	s2 =	sand.u32 @!p2 $0x7, s2  }
0x2b5: {  	s30 =	sadd.s32 $0x1, s30;
	s5 =	sadd.s32 @!p2 s3, s4  }
.LBB3_15:
0x2b6: {  	[tilespmem:s1], [sflag:$0x2] =	stream.linear.gather @!p2 [hbm4b:s5+s2], $0x8, $0x38;
	[tilespmem:$0x1F0F8] =	vst v63  }
0x2b7: {  	s0 =	sshll.u32 s0, $0x3  }
0x2b8: {  	s31 =	simm.s32 $0x2;
	s0 =	sand.u32 $0x3FFFFFF8, s0  }
0x2b9: {  	_ =	swait.ge [sflag:s31], s0  }
0x2ba: {  	s0 =	ssub.s32 $0x0, s0;
	[sflag:s31] =	ssyncset.done $0x0  }
0x2bb: {  	[sflag:s31] =	ssyncadd.s32 s0  }
0x2bc: {  	v1 =	vld.msk [tilespmem:s22+$0x0], $0x1;
	_ =	sdelay $0x4  }
0x2bd: {  	(v2sf) =	vpush v1, $0x0;
	_ =	sdelay $0xe  }
0x2be: {  	s26 =	spop (v2sf)  }
0x2bf: {  	p2 =	sne.s32 s28, s26  }
0x2c0: {  	p4 =	sne.s32 @p2 s28, s23  }
0x2c1: {  	p3 =	por !p4, !p2  }
0x2c2: {  	s0 =	sshll.u32 @!p3 s21, $0x6;
	s1 =	simm.s32 @!p3 $0x0  }
0x2c3: {  	s0 =	sshra.s32 @!p3 s0, $0x2;
	v1 =	vld.msk @!p3 [tilespmem:s1+$0x1B38], $0xff  }
0x2c4: {  	v2 =	vld.msk @!p3 [tilespmem:s0+$0x28], $0xff;
	_ =	sdelay $0x1  }
0x2c5: {  	p5 =	sgt.u32 @!p3 s28, $0x270FF  }
0x2c6: {  	p6 =	por @p2 p5, !p4  }
0x2c7: {  	p1 =	por p6, !p2;
	p6 =	por p4, !p2  }
0x2c8: {  	s2 =	sadd.s32 @!p3 $0x28, s0;
	s1 =	sand.u32 @!p1 $0x3FFF8, s28;
	s4 =	sshll.u32 @!p6 s21, $0x6;
	v1 =	vmax.f32 @!p3 v1, v2  }
0x2c9: {  	s28 =	sand.u32 @!p1 $0x7, s28;
	s1 =	sadd.s32 @!p1 s3, s1;
	[tilespmem:s0+$0x28] =	vst.msk @!p3 $0xff, v1;
	s0 =	sshra.s32 @!p6 s4, $0x2  }
0x2ca: {  	[hbm4b:s1+s28] =	stream.linear.scatter @!p1 [tilespmem:s2], [sflag:$0xC], $0x8, $0x38;
	[tilespmem:$0x1F0F8] =	vst v63  }
0x2cb: {  	s5 =	rddreg [dreg:$0x4];
	s0 =	sadd.s32 @!p6 $0x28, s0;
	s1 =	simm.s32 @!p6 $0x1  }
0x2cc: {  	[spmem:s5] =	stream.linear.scatter @!p6 [tilespmem:s0], [sflag:$0x1], $0x8, $0x38;
	[tilespmem:$0x1F0F8] =	vst v63  }
0x2cd: {  	s0 =	sadd.s32 @p2 $0x1, s21;
	_ =	swait.ge @!p6 [sflag:s1], $0x8  }
0x2ce: {  	s2 =	sshrl.u32 @p2 s0, $0x4;
	[sflag:s1] =	ssyncset.done @!p6 $0x0  }
0x2cf: {  	s2 =	smulhi.u32 @p2 $0x97B425F, s2;
	[sflag:s1] =	ssyncadd.s32 @!p6 $0xFFFFFFF8  }
0x2d0: {  	v1 =	vld.msk @p2 [tilespmem:s24+$0x0], $0xff  }
0x2d1: {  	s28 =	sadd.s32 $0x1, s29;
	p1 =	por @p2 !p5, !p4;
	s1 =	smul.u32 @p2 $0x1B0, s2  }
0x2d2: {  	p1 =	por !p1, !p2;
	p6 =	seq.s32 s28, $0x0  }
.Ltmp22:
0x2d3: {  	s2 =	simm.s32 @!p3 $0x0;
	s1 =	ssub.s32 @p2 s0, s1;
	(pc) =	sbr.rel @p6 .LBB3_17-.Ltmp22, $4  }
0x2d4: {  	s2 =	simm.s32 @!p1 $0x20;
	s4 =	sshll.u32 @p2 s1, $0x4  }
0x2d5: {  	s29 =	simm.s32 $0x0;
	s0 =	sshll.u32 @!p2 s21, $0x6;
	s2 =	sadd.s32 @!p3 $0x0, s2;
	[tilespmem:s4+$0x28] =	vst.msk @p2 $0xff, v1  }
0x2d6: {  	s5 =	simm.s32 @p2 $0x1;
	s2 =	smov.u32 @p3 s25;
	s0 =	sshra.s32 @!p2 s0, $0x2;
	v1 =	vld.msk @!p2 [tilespmem:s24+$0x0], $0xff  }
0x2d7: {  	s29 =	smov.u32 @p2 s5;
	s21 =	smov.u32 @p2 s1;
	s25 =	smov.u32 @p2 s2;
	v2 =	vld.msk @!p2 [tilespmem:s0+$0x28], $0xff  }
.LBB3_16:
0x2d8: {  	_ =	sdelay $0x3  }
0x2d9: {  	v1 =	vmax.f32 @!p2 v1, v2  }
0x2da: {  	s22 =	sadd.s32 $0x1, s22;
	[tilespmem:s0+$0x28] =	vst.msk @!p2 $0xff, v1  }
0x2db: {  	v1 =	vld.msk [tilespmem:s22+$0x0], $0x1;
	_ =	sdelay $0x4  }
0x2dc: {  	(v2sf) =	vpush v1, $0x0;
	_ =	sdelay $0xe  }
0x2dd: {  	s30 =	smov.u32 s26;
	s26 =	spop (v2sf)  }
0x2de: {  	p2 =	sne.s32 s30, s26  }
0x2df: {  	p5 =	sne.s32 @p2 s30, s23  }
0x2e0: {  	s0 =	sadd.s32 @p2 $0x1, s21;
	p4 =	por !p5, !p2  }
0x2e1: {  	s31 =	sshll.u32 @!p2 s21, $0x6;
	s2 =	sadd.s32 @p2 $0x1, s29;
	s4 =	sshll.u32 @!p4 s29, $0x6  }
0x2e2: {  	s1 =	sshrl.u32 @p2 s0, $0x4;
	s5 =	sshll.u32 @!p4 s21, $0x6;
	s4 =	sshra.s32 @!p4 s4, $0x2  }
0x2e3: {  	p1 =	sgt.u32 @!p4 s30, $0x270FF;
	s1 =	smulhi.u32 @p2 $0x97B425F, s1;
	s5 =	sshra.s32 @!p4 s5, $0x2;
	v1 =	vld.msk @!p4 [tilespmem:s4+$0x1B38], $0xff  }
0x2e4: {  	s8 =	simm.s32 @!p4 $0x0;
	s29 =	smov.u32 @p2 s2;
	p6 =	por @p2 p1, !p5;
	v2 =	vld.msk @!p4 [tilespmem:s5+$0x28], $0xff  }
0x2e5: {  	p1 =	por @p2 !p1, !p5;
	p5 =	por p5, !p2;
	s4 =	sadd.s32 @!p4 $0x28, s5  }
0x2e6: {  	p6 =	por p6, !p2;
	p1 =	por !p1, !p2;
	s1 =	smul.u32 @p2 $0x1B0, s1  }
0x2e7: {  	s10 =	sshll.u32 @!p5 s21, $0x6;
	s9 =	sand.u32 @!p6 $0x3FFF8, s30;
	s8 =	simm.s32 @!p1 $0x20  }
0x2e8: {  	s30 =	sand.u32 @!p6 $0x7, s30;
	s9 =	sadd.s32 @!p6 s3, s9;
	s2 =	sadd.s32 @!p4 s8, s25  }
0x2e9: {  	s8 =	rddreg [dreg:$0x4];
	s0 =	ssub.s32 @p2 s0, s1;
	s2 =	smov.u32 @p4 s25;
	v1 =	vmax.f32 @!p4 v1, v2  }
0x2ea: {  	s1 =	sshll.u32 @p2 s0, $0x4;
	s25 =	smov.u32 @p2 s2;
	s2 =	sshra.s32 @!p5 s10, $0x2;
	[tilespmem:s5+$0x28] =	vst.msk @!p4 $0xff, v1  }
0x2eb: {  	[hbm4b:s9+s30] =	stream.linear.scatter @!p6 [tilespmem:s4], [sflag:$0xC], $0x8, $0x38;
	[tilespmem:$0x1F0F8] =	vst v63  }
0x2ec: {  	s21 =	smov.u32 @p2 s0;
	s0 =	sadd.s32 @!p5 $0x28, s2;
	s2 =	simm.s32 @!p5 $0x1  }
0x2ed: {  	[spmem:s8] =	stream.linear.scatter @!p5 [tilespmem:s0], [sflag:$0x1], $0x8, $0x38;
	[tilespmem:$0x1F0F8] =	vst v63  }
0x2ee: {  	_ =	swait.ge @!p5 [sflag:s2], $0x8  }
0x2ef: {  	[sflag:s2] =	ssyncset.done @!p5 $0x0  }
0x2f0: {  	s24 =	sadd.s32 $0x80, s24;
	[sflag:s2] =	ssyncadd.s32 @!p5 $0xFFFFFFF8  }
0x2f1: {  	v1 =	vld.msk @p2 [tilespmem:s24+$0x0], $0xff  }
0x2f2: {  	s28 =	sadd.s32 $0x1, s28  }
0x2f3: {  	p3 =	seq.s32 s28, $0x0  }
.Ltmp23:
0x2f4: {  	_ = 	snop;
	(pc) =	sbr.rel @!p3 .LBB3_16-.Ltmp23, $4  }
0x2f5: {  	_ = 	snop  }
0x2f6: {  	[tilespmem:s1+$0x28] =	vst.msk @p2 $0xff, v1  }
0x2f7: {  	s0 =	sshra.s32 @!p2 s31, $0x2;
	v1 =	vld.msk @!p2 [tilespmem:s24+$0x0], $0xff  }
0x2f8: {  	v2 =	vld.msk @!p2 [tilespmem:s0+$0x28], $0xff  }
.LBB3_17:
0x2f9: {  	_ = 	snop  }
.Ltmp24:
0x2fa: {  	_ = 	snop;
	(pc) =	sbr.rel .LBB3_19-.Ltmp24, $3  }
0x2fb: {  	s1 =	sld [smem:$0x7FD];
	_ =	sdelay $0x1  }
0x2fc: {  	v1 =	vmax.f32 @!p2 v1, v2  }
0x2fd: {  	s28 =	smov.u32 s26;
	p4 =	seq.s32 s1, $0x1;
	[tilespmem:s0+$0x28] =	vst.msk @!p2 $0xff, v1;
	s0 =	sshrl.u32 s25, $0x2  }
.LBB3_21:
0x2fe: {  	_ =	sfence.sel $0x180000  }
0x2ff: {  	s0 =	simm.s32 $0x9;
	[bflag:$0x0] =	sbarrier.arrive $0xFFFF  }
0x300: {  	s24 =	simm.s32 $0xA;
	[sflag:s0] =	ssyncpa.u1 $0x1  }
0x301: {  	s25 =	simm.s32 $0xB;
	[sflag:s24] =	ssyncpa.u1 $0x1  }
0x302: {  	s26 =	simm.s32 $0x2;
	[sflag:s25] =	ssyncpa.u1 $0x1  }
0x303: {  	[sflag:s26] =	ssyncpa.u1 $0x1  }
0x304: {  	v0 =	vld [tilespmem:$0x3648];
	_ =	sdelay $0x4  }
0x305: {  	(v2sf) =	vpush v0, $0x0  }
0x306: {  	(v2sf) =	vpush v0, $0x1;
	_ =	sdelay $0x1  }
0x307: {  	(v2sf) =	vpush v0, $0x2;
	_ =	sdelay $0xb  }
0x308: {  	s0 =	spop (v2sf)  }
0x309: {  	s1 =	spop (v2sf)  }
0x30a: {  	s2 =	smov.u32 s0;
	p0 =	sne.s32 s0, s1  }
0x30b: {  	s4 =	spop (v2sf);
	s2 =	simm.s32 @!p0 $0xFFFFFFFF  }
0x30c: {  	v2 =	vimm.s32 $0x1;
	v3 =	vlaneseq.u32;
	p0 =	seq.s32 s4, $0xFFFFFFFF;
	v1 =	vmov s2  }
0x30d: {  	s16 =	stileid.u32;
	v0 =	vperm.xlane v0, v2;
	p1 =	sne.s32 @!p0 s0, s1;
	v1 =	vperm.xlane v1, v3  }
0x30e: {  	vm0 =	vcmask $0x3F04;
	s6 =	simm.s32 $0x3648;
	s0 =	simm.s32 @!p0 $0x1;
	p1 =	por !p1, p0  }
0x30f: {  	s2 =	sshll.u32 s16, $0x1;
	s1 =	sshll.u32 @!p0 s4, $0x6;
	s0 =	simm.s32 @p1 $0x0;
	v0 =	vsel vm0, v1, v0  }
0x310: {  	s5 =	sor.u32 $0x200, s2;
	s1 =	sshra.s32 @!p0 s1, $0x2;
	s0 =	sor.u32 @!p0 s0, s2;
	[tilespmem:$0x3648] =	vst v0  }
0x311: {  	[spmem:s5] =	stream.linear.scatter [tilespmem:s6], [sflag:$0x1], $0x2, $0x38;
	[tilespmem:$0x1F0F8] =	vst v63  }
0x312: {  	s1 =	sadd.s32 @!p0 $0x28, s1;
	s0 =	sshll.u32 @!p0 s0, $0x4  }
0x313: {  	[spmem:s0] =	stream.linear.scatter @!p0 [tilespmem:s1], [sflag:$0x1], $0x10, $0x38;
	[tilespmem:$0x1F0F8] =	vst v63  }
0x314: {  	s0 =	simm.s32 @!p0 $0x12  }
0x315: {  	s28 =	simm.s32 $0x1;
	s0 =	simm.s32 @p0 $0x2  }
0x316: {  	_ =	swait.ge [sflag:s28], s0  }
0x317: {  	s0 =	ssub.s32 $0x0, s0;
	[sflag:s28] =	ssyncset.done $0x0  }
0x318: {  	p0 =	sne.s32 s16, $0x0;
	[sflag:s28] =	ssyncadd.s32 s0  }
.Ltmp25:
0x319: {  	_ =	sfence.stream.spmem;
	(pc) =	sbr.rel @p0 .LBB3_38-.Ltmp25, $4  }
0x31a: {  	s29 =	simm.s32 $0x3;
	[bflag:$0x0] =	sbarrier.arrive $0xFFFF  }
0x31b: {  	s30 =	simm.s32 $0x4;
	[sflag:s29] =	ssyncpa.u1 $0x1  }
0x31c: {  	s31 =	simm.s32 $0x3C;
	[sflag:s30] =	ssyncpa.u1 $0x1  }
0x31d: {  	s17 =	rddreg [dreg:$0x5];
	[sflag:s31] =	ssyncpa.u1 $0x1  }
0x31e: {  	_ =	sfence.stream.spmem;
	s0 =	simm.s32 $0x5  }
0x31f: {  	s1 =	simm.s32 $0x200;
	s2 =	simm.s32 $0x3658;
	[sflag:s0] =	ssyncpa.u1 $0x0  }
0x320: {  	[tilespmem:s2], [sflag:$0x5] =	stream.linear.gather [spmem:s1], $0x20, $0x38;
	[tilespmem:$0x1F0F8] =	vst v63  }
0x321: {  	s26 =	simm.s32 $0x0;
	s28 =	simm.s32 $0x3678  }
0x322: {  	[tilespmem:s28], [sflag:$0x5] =	stream.linear.gather [spmem:s26], $0x200, $0x38;
	[tilespmem:$0x1F0F8] =	vst v63  }
0x323: {  	_ =	swait.ge [sflag:s0], $0x220  }
0x324: {  	[sflag:s0] =	ssyncset.done $0x0  }
0x325: {  	s29 =	simm.s32 $0x0;
	[sflag:s0] =	ssyncadd.s32 $0xFFFFFDE0  }
0x326: {  	v0 =	vld.msk [tilespmem:s29+$0x3658], $0x1;
	_ =	sdelay $0x1  }
0x327: {  	s30 =	simm.s32 $0x1  }
0x328: {  	v1 =	vld.msk [tilespmem:s30+$0x3658], $0x1;
	_ =	sdelay $0x1  }
0x329: {  	(v2sf) =	vpush v0, $0x0;
	_ =	sdelay $0x2  }
0x32a: {  	(v2sf) =	vpush v1, $0x0;
	_ =	sdelay $0x2  }
0x32b: {  	s31 =	simm.s32 $0x2  }
0x32c: {  	v0 =	vld.msk [tilespmem:s31+$0x3658], $0x1;
	_ =	sdelay $0x2  }
0x32d: {  	s6 =	simm.s32 $0xFFFFFFFF;
	s1 =	simm.s32 $0xFFFFFFFF;
	s0 =	simm.s32 $0xC  }
.LBB3_23:
0x32e: {  	s2 =	smov.u32 s6;
	s4 =	smov.u32 s1  }
0x32f: {  	s1 =	sshra.s32 s0, $0x2;
	p1 =	sne.s32 s0, $0x7C;
	s0 =	sadd.s32 $0x4, s0;
	(v2sf) =	vpush v0, $0x0  }
0x330: {  	v0 =	vld.msk [tilespmem:s1+$0x3658], $0x1  }
.Ltmp26:
0x331: {  	(pc) =	sbr.rel @p1 .LBB3_23-.Ltmp26, $4  }
0x332: {  	s6 =	spop (v2sf)  }
0x333: {  	p2 =	sne.s32 s4, $0xFFFFFFFF;
	s1 =	smov.u32 s6  }
0x334: {  	p3 =	seq.s32 s6, $0xFFFFFFFF;
	s1 =	smov.u32 @p2 s4  }
0x335: {  	s6 =	smov.u32 @p3 s2;
	s1 =	smov.u32 @p3 s4  }
0x336: {  	(v2sf) =	vpush v0, $0x0;
	_ =	sdelay $0x8  }
0x337: {  	s0 =	spop (v2sf)  }
0x338: {  	p1 =	sne.s32 s1, $0xFFFFFFFF;
	s2 =	smov.u32 s0  }
0x339: {  	s9 =	simm.s32 $0x6;
	p2 =	seq.s32 s0, $0xFFFFFFFF;
	s2 =	smov.u32 @p1 s1  }
0x33a: {  	s10 =	simm.s32 $0x3638;
	s2 =	smov.u32 @p2 s1;
	s1 =	spop (v2sf)  }
0x33b: {  	s0 =	smov.u32 @p2 s6;
	p1 =	sne.s32 s2, $0xFFFFFFFF;
	s4 =	smov.u32 s1  }
.Ltmp27:
0x33c: {  	p2 =	seq.s32 s1, $0xFFFFFFFF;
	s4 =	smov.u32 @p1 s2;
	(pc) =	sbr.rel .LBB3_25-.Ltmp27, $4  }
0x33d: {  	s11 =	simm.s32 $0x0;
	s4 =	smov.u32 @p2 s2;
	s7 =	spop (v2sf)  }
0x33e: {  	[sflag:s9] =	ssyncpa.u1 $0x0;
	p1 =	sne.s32 s4, $0xFFFFFFFF;
	s8 =	smov.u32 s7  }
0x33f: {  	s1 =	smov.u32 @p2 s0;
	p2 =	seq.s32 s7, $0xFFFFFFFF;
	s8 =	smov.u32 @p1 s4  }
0x340: {  	s6 =	simm.s32 $0x0;
	s7 =	smov.u32 @p2 s1;
	s8 =	smov.u32 @p2 s4  }
.LBB3_30:
0x341: {  	p1 =	sgt.u32 s12, $0x270FF  }
0x342: {  	p2 =	seq.s32 @!p1 s12, s8  }
0x343: {  	p1 =	por p1, p2  }
0x344: {  	p2 =	sne.s32 @!p1 s12, s7  }
0x345: {  	p1 =	por p1, !p2  }
0x346: {  	s0 =	sshll.u32 @p1 s11, $0x6  }
0x347: {  	s0 =	sand.u32 @!p1 $0x3FFF8, s12  }
0x348: {  	s1 =	sand.u32 @!p1 $0x7, s12;
	s0 =	sadd.s32 @!p1 s3, s0  }
0x349: {  	[tilespmem:s10], [sflag:$0x6] =	stream.linear.gather @!p1 [hbm4b:s0+s1], $0x8, $0x38;
	[tilespmem:$0x1F0F8] =	vst v63  }
0x34a: {  	_ =	swait.ge @!p1 [sflag:s9], $0x8  }
0x34b: {  	[sflag:s9] =	ssyncset.done @!p1 $0x0  }
0x34c: {  	s0 =	sshll.u32 @!p1 s11, $0x6;
	[sflag:s9] =	ssyncadd.s32 @!p1 $0xFFFFFFF8  }
0x34d: {  	s1 =	sshrl.u32 @!p1 s0, $0x2;
	v1 =	vld @!p1 [tilespmem:$0x3638]  }
0x34e: {  	v2 =	vld @!p1 [tilespmem:s1+$0x3678];
	_ =	sdelay $0x4  }
0x34f: {  	v1 =	vmax.f32 @!p1 v1, v2  }
0x350: {  	[tilespmem:s1+$0x3678] =	vst @!p1 v1  }
0x351: {  	s0 =	sshrl.u32 s0, $0x2;
	[tilespmem:s6+$0x3658] =	vst.msk $0x1, v0  }
0x352: {  	v0 =	vld [tilespmem:s0+$0x3678];
	_ =	sdelay $0x2  }
0x353: {  	s31 =	sshll.u32 s6, $0x6  }
0x354: {  	s0 =	sshra.s32 s31, $0x2  }
0x355: {  	s6 =	sadd.s32 $0x1, s6;
	[tilespmem:s0+$0x3678] =	vst v0  }
.LBB3_32:
0x356: {  	s11 =	sadd.s32 $0x1, s11  }
0x357: {  	p1 =	sne.s32 s11, $0x20  }
.Ltmp28:
0x358: {  	_ = 	snop;
	(pc) =	sbr.rel @!p1 .LBB3_33-.Ltmp28, $1  }
0x359: {  	_ =	sdelay $0x3  }
.LBB3_25:
0x35a: {  	v0 =	vld.msk [tilespmem:s11+$0x3658], $0x1;
	_ =	sdelay $0x4  }
0x35b: {  	(v2sf) =	vpush v0, $0x0;
	_ =	sdelay $0xe  }
0x35c: {  	s12 =	spop (v2sf)  }
0x35d: {  	p1 =	seq.s32 s12, $0xFFFFFFFF  }
.Ltmp29:
0x35e: {  	_ = 	snop;
	(pc) =	sbr.rel @p1 .LBB3_32-.Ltmp29, $1  }
0x35f: {  	_ =	sdelay $0x3  }
0x360: {  	p1 =	slt.s32 s6, $0x1  }
.Ltmp30:
0x361: {  	_ = 	snop;
	(pc) =	sbr.rel @p1 .LBB3_30-.Ltmp30, $1  }
0x362: {  	_ =	sdelay $0x3  }
0x363: {  	s13 =	simm.s32 $0x3658;
	p1 =	por $0x0, $0x0  }
0x364: {  	v1 =	vld.msk @!p1 [tilespmem:s13+$0x0], $0x1;
	_ =	sdelay $0x4  }
0x365: {  	(v2sf) =	vpush @!p1 v1, $0x0;
	_ =	sdelay $0xd  }
0x366: {  	p3 =	sne.s32 s6, $0x1  }
.Ltmp31:
0x367: {  	s0 =	spop @!p1 (v2sf);
	(pc) =	sbr.rel @!p3 .LBB3_29-.Ltmp31, $4  }
0x368: {  	p2 =	seq.s32 @!p1 s12, s0  }
0x369: {  	s14 =	simm.s32 $0x0;
	p2 =	por !p2, p1  }
0x36a: {  	s0 =	simm.s32 $0xFFFFFFFF;
	s14 =	simm.s32 @p2 $0xFFFFFFFF  }
0x36b: {  	s15 =	simm.s32 $0x1;
	s14 =	smov.u32 @p1 s0  }
.LBB3_28:
0x36c: {  	s0 =	smov.u32 s14;
	p1 =	sne.s32 s14, $0xFFFFFFFF  }
0x36d: {  	s13 =	sadd.s32 $0x1, s13;
	s14 =	smov.u32 s15;
	s15 =	sadd.s32 $0x1, s15  }
0x36e: {  	p2 =	sne.s32 s6, s15;
	v1 =	vld.msk @!p1 [tilespmem:s13+$0x0], $0x1;
	_ =	sdelay $0x4  }
0x36f: {  	(v2sf) =	vpush @!p1 v1, $0x0;
	_ =	sdelay $0xe  }
.Ltmp32:
0x370: {  	s1 =	spop @!p1 (v2sf);
	(pc) =	sbr.rel @p2 .LBB3_28-.Ltmp32, $4  }
0x371: {  	p3 =	seq.s32 @!p1 s12, s1  }
0x372: {  	p3 =	por !p3, p1  }
0x373: {  	s14 =	simm.s32 @p3 $0xFFFFFFFF  }
0x374: {  	s14 =	smov.u32 @p1 s0  }
.LBB3_29:
0x375: {  	p1 =	sne.s32 s14, $0xFFFFFFFF  }
.Ltmp33:
0x376: {  	_ = 	snop;
	(pc) =	sbr.rel @!p1 .LBB3_30-.Ltmp33, $1  }
0x377: {  	_ =	sdelay $0x3  }
0x378: {  	s0 =	sshll.u32 s11, $0x4  }
0x379: {  	s1 =	sshll.u32 s14, $0x6;
	s0 =	sand.u32 $0x3FFFFFF0, s0  }
0x37a: {  	s31 =	sshra.s32 s1, $0x2;
	v0 =	vld [tilespmem:s0+$0x3678]  }
0x37b: {  	v1 =	vld [tilespmem:s31+$0x3678];
	_ =	sdelay $0x1  }
.Ltmp34:
0x37c: {  	_ = 	snop;
	(pc) =	sbr.rel .LBB3_32-.Ltmp34, $3  }
0x37d: {  	_ =	sdelay $0x1  }
0x37e: {  	v0 =	vmax.f32 v0, v1  }
0x37f: {  	[tilespmem:s31+$0x3678] =	vst v0  }
.LBB3_33:
0x380: {  	s0 =	simm.s32 $0x6;
	p1 =	seq.s32 s6, $0x0  }
0x381: {  	[sflag:s0] =	ssyncpa.u1 $0x1;
	v0 =	vimm.s32 @p1 $0xFFFFFFFF  }
0x382: {  	s9 =	sadd.s32 $0xFFFFFFFF, s6;
	[tilespmem:$0x3878] =	vst @p1 v0  }
0x383: {  	v0 =	vld.msk @!p1 [tilespmem:s9+$0x3658], $0x1;
	_ =	sdelay $0x1  }
0x384: {  	v1 =	vld.msk @!p1 [tilespmem:$0x3658], $0x1;
	_ =	sdelay $0x2  }
0x385: {  	p2 =	seq.s32 @!p1 s9, $0x0;
	v0 =	vbroadcast @!p1 v0, $0x0  }
0x386: {  	vm0 =	vmmov @!p1 $0x1;
	p2 =	por !p2, p1  }
0x387: {  	v1 =	vnsel @!p1 vm0, $0xFFFFFFFF, v1;
	vm0 =	vcmask @!p1 $0x308;
	v0 =	vpsel !p2, $0xFFFFFFFF, v0  }
0x388: {  	p2 =	sne.s32 @!p1 s8, s7;
	v0 =	vsel @!p1 vm0, v1, v0  }
0x389: {  	s0 =	simm.s32 @!p1 $0x3678;
	s1 =	simm.s32 @!p1 $0x0;
	p3 =	por !p2, p1;
	[tilespmem:$0x3878] =	vst @!p1 v0  }
0x38a: {  	[spmem:s1] =	stream.linear.scatter @!p1 [tilespmem:s0], [sflag:$0x1], $0x10, $0x38;
	[tilespmem:$0x1F0F8] =	vst v63  }
0x38b: {  	s0 =	sshll.u32 @!p3 s9, $0x6  }
0x38c: {  	s0 =	sshra.s32 @!p3 s0, $0x2  }
0x38d: {  	s1 =	simm.s32 @!p3 $0x10;
	s0 =	sadd.s32 @!p3 $0x3678, s0  }
0x38e: {  	[spmem:s1] =	stream.linear.scatter @!p3 [tilespmem:s0], [sflag:$0x1], $0x10, $0x38;
	[tilespmem:$0x1F0F8] =	vst v63  }
0x38f: {  	s0 =	simm.s32 @!p3 $0x1  }
0x390: {  	_ =	swait.ge @!p3 [sflag:s0], $0x20  }
0x391: {  	p1 =	por p2, p1;
	[sflag:s0] =	ssyncset.done @!p3 $0x0  }
0x392: {  	[sflag:s0] =	ssyncadd.s32 @!p3 $0xFFFFFFE0;
	s0 =	simm.s32 @!p1 $0x1  }
0x393: {  	_ =	swait.ge @!p1 [sflag:s0], $0x10  }
0x394: {  	s29 =	simm.s32 $0x3878;
	[sflag:s0] =	ssyncset.done @!p1 $0x0  }
0x395: {  	s30 =	simm.s32 $0x200;
	s31 =	simm.s32 $0x1;
	[sflag:s0] =	ssyncadd.s32 @!p1 $0xFFFFFFF0  }
0x396: {  	[spmem:s30] =	stream.linear.scatter [tilespmem:s29], [sflag:$0x1], $0x10, $0x38;
	[tilespmem:$0x1F0F8] =	vst v63  }
0x397: {  	_ =	swait.ge [sflag:s31], $0x10  }
0x398: {  	[sflag:s31] =	ssyncset.done $0x0  }
0x399: {  	p1 =	seq.s32 s17, $0x0;
	s8 =	rddreg [dreg:$0x1];
	[sflag:s31] =	ssyncadd.s32 $0xFFFFFFF0  }
0x39a: {  	s1 =	sshll.u32 @p1 s8, $0xE;
	s7 =	rddreg [dreg:$0x2]  }
0x39b: {  	s0 =	sadd.s32 @p1 $0x15C3C, s1;
	s1 =	sshll.u32 @p1 s7, $0x11  }
0x39c: {  	_ =	sfence.stream.spmem;
	s0 =	sor.u32 @p1 s1, s0  }
0x39d: {  	[sflag:s0] =	ssyncadd.remote.s32 @p1 $0x1;
	s0 =	simm.s32 @p1 $0x4  }
0x39e: {  	s2 =	simm.s32 @!p1 $0x3C;
	s1 =	sand.u32 $0xFFFFFFFE, s8;
	_ =	swait.ge @p1 [sflag:s0], $0x6  }
0x39f: {  	s4 =	simm.s32 @!p1 $0x0;
	s1 =	sadd.s32 @!p1 $0x4, s1;
	[sflag:s0] =	ssyncset.done @p1 $0x0  }
0x3a0: {  	s5 =	simm.s32 @!p1 $0x20;
	[sflag:s0] =	ssyncadd.s32 @p1 $0xFFFFFFFA;
	s0 =	sshll.u32 @!p1 s1, $0x1A  }
0x3a1: {  	s1 =	sshll.u32 @!p1 s1, $0xD;
	s0 =	sor.u32 @!p1 s0, s7;
	_ =	swait.eq @!p1 [sflag:s2], $0x1  }
0x3a2: {  	s1 =	sor.u32 @!p1 $0x1C04, s1;
	s2 =	simm.s32 @!p1 $0x1C03;
	s0 =	sor.u32 @!p1 $0x80004000, s0  }
0x3a3: {  	[spmem:s5], [sflag:s1] =	dma.general @!p1 [spmem:s4], [sflag:s2], length:$0x4, [dreg:$0x0], stride_count:$0x0, ici_dest:s0, dma_misc:DstOpCode:WRITE  }
0x3a4: {  	p2 =	slt.s32 s9, $0x2;
	s4 =	simm.s32 @!p1 $0x40;
	s5 =	simm.s32 @!p1 $0x42  }
0x3a5: {  	[spmem:s5], [sflag:s1] =	dma.general @!p1 [spmem:s4], [sflag:s2], length:$0x2, [dreg:$0x0], stride_count:$0x0, ici_dest:s0, dma_misc:DstOpCode:WRITE  }
.Ltmp35:
0x3a6: {  	s0 =	simm.s32 @!p1 $0x3;
	(pc) =	sbr.rel @p2 .LBB3_37-.Ltmp35, $4  }
0x3a7: {  	s1 =	sshll.u32 @!p1 s8, $0xE;
	_ =	swait.ge @!p1 [sflag:s0], $0x6  }
0x3a8: {  	s2 =	sshll.u32 @!p1 s7, $0x11;
	s1 =	sadd.s32 @!p1 $0x11C3C, s1;
	[sflag:s0] =	ssyncset.done @!p1 $0x0  }
0x3a9: {  	[sflag:s0] =	ssyncadd.s32 @!p1 $0xFFFFFFFA;
	s0 =	sor.u32 @!p1 s2, s1  }
0x3aa: {  	[sflag:s0] =	ssyncadd.remote.s32 @!p1 $0xFFFFFFFF;
	s0 =	simm.s32 $0x0  }
0x3ab: {  	s0 =	simm.s32 $0x3659  }
0x3ac: {  	v0 =	vld.msk [tilespmem:s0+$0x0], $0x1;
	_ =	sdelay $0x4  }
0x3ad: {  	(v2sf) =	vpush v0, $0x0;
	_ =	sdelay $0xd  }
0x3ae: {  	s2 =	sadd.s32 $0xFFFFFFFE, s6  }
0x3af: {  	s2 =	sadd.s32 $0xFFFFFFFF, s2;
	s0 =	spop (v2sf)  }
0x3b0: {  	p2 =	sne.s32 s2, $0x0;
	p1 =	sgt.u32 s0, $0x270FF  }
.Ltmp36:
0x3b1: {  	s4 =	sand.u32 @!p1 $0x3FFF8, s0;
	(pc) =	sbr.rel @!p2 .LBB3_36-.Ltmp36, $4  }
0x3b2: {  	s1 =	simm.s32 $0x3688;
	s0 =	sand.u32 @!p1 $0x7, s0;
	s4 =	sadd.s32 @!p1 s3, s4  }
0x3b3: {  	[hbm4b:s4+s0] =	stream.linear.scatter @!p1 [tilespmem:s1], [sflag:$0x5], $0x8, $0x38;
	[tilespmem:$0x1F0F8] =	vst v63  }
0x3b4: {  	s0 =	simm.s32 $0x0  }
0x3b5: {  	s6 =	simm.s32 $0x0;
	s7 =	simm.s32 $0x365A;
	s0 =	simm.s32 @!p1 $0x20  }
.LBB3_35:
0x3b6: {  	v0 =	vld.msk [tilespmem:s7+$0x0], $0x1;
	s2 =	sadd.s32 $0xFFFFFFFF, s2;
	s6 =	sadd.s32 s6, s0  }
0x3b7: {  	p1 =	sne.s32 s2, $0x0;
	_ =	sdelay $0x3  }
0x3b8: {  	(v2sf) =	vpush v0, $0x0;
	_ =	sdelay $0xe  }
.Ltmp37:
0x3b9: {  	s4 =	spop (v2sf);
	(pc) =	sbr.rel @p1 .LBB3_35-.Ltmp37, $4  }
0x3ba: {  	s0 =	simm.s32 $0x0;
	p2 =	sgt.u32 s4, $0x270FF  }
0x3bb: {  	s1 =	sadd.s32 $0x10, s1;
	s0 =	simm.s32 @!p2 $0x20;
	s5 =	sand.u32 @!p2 $0x3FFF8, s4  }
0x3bc: {  	s7 =	sadd.s32 $0x1, s7;
	s4 =	sand.u32 @!p2 $0x7, s4;
	s5 =	sadd.s32 @!p2 s3, s5  }
0x3bd: {  	[hbm4b:s5+s4] =	stream.linear.scatter @!p2 [tilespmem:s1], [sflag:$0x5], $0x8, $0x38;
	[tilespmem:$0x1F0F8] =	vst v63  }
.LBB3_36:
0x3be: {  	s0 =	sadd.s32 s6, s0  }
0x3bf: {  	s0 =	sshrl.u32 s0, $0x2  }
.LBB3_37:
0x3c0: {  	s1 =	simm.s32 $0x5  }
0x3c1: {  	_ =	swait.ge [sflag:s1], s0  }
0x3c2: {  	s31 =	ssub.s32 $0x0, s0;
	[sflag:s1] =	ssyncset.done $0x0  }
0x3c3: {  	[sflag:s1] =	ssyncadd.s32 s31  }
0x3c4: {  	[sflag:s1] =	ssyncpa.u1 $0x1  }
.LBB3_38:
0x3c5: {  	s0 =	sor.u32 s17, s16  }
0x3c6: {  	p1 =	sne.s32 s0, $0x0  }
.Ltmp38:
0x3c7: {  	_ = 	snop;
	(pc) =	sbr.rel @p1 .LBB3_53-.Ltmp38, $3  }
0x3c8: {  	_ =	sdelay $0x1  }
0x3c9: {  	[bflag:$0x0] =	sbarrier.arrive $0xFFFF  }
0x3ca: {  	_ =	sfence  }
0x3cb: {  	s0 =	simm.s32 $0x7  }
0x3cc: {  	s1 =	simm.s32 $0x200;
	s2 =	simm.s32 $0x3658;
	[sflag:s0] =	ssyncpa.u1 $0x0  }
0x3cd: {  	[tilespmem:s2], [sflag:$0x7] =	stream.linear.gather [spmem:s1], $0x20, $0x38;
	[tilespmem:$0x1F0F8] =	vst v63  }
0x3ce: {  	s30 =	simm.s32 $0x3678;
	s1 =	simm.s32 $0x0  }
0x3cf: {  	[tilespmem:s30], [sflag:$0x7] =	stream.linear.gather [spmem:s1], $0x200, $0x38;
	[tilespmem:$0x1F0F8] =	vst v63  }
.Ltmp39:
0x3d0: {  	_ = 	snop;
	(pc) =	sbr.rel .LBB3_40-.Ltmp39, $4  }
0x3d1: {  	_ =	swait.ge [sflag:s0], $0x220  }
0x3d2: {  	[sflag:s0] =	ssyncset.done $0x0  }
0x3d3: {  	s31 =	simm.s32 $0x8;
	[sflag:s0] =	ssyncadd.s32 $0xFFFFFDE0  }
0x3d4: {  	s2 =	simm.s32 $0x0;
	[sflag:s31] =	ssyncpa.u1 $0x0  }
.LBB3_45:
0x3d5: {  	p1 =	slt.u32 s4, $0x27100  }
0x3d6: {  	s0 =	sand.u32 @p1 $0x3FFF8, s4  }
0x3d7: {  	s4 =	sand.u32 @p1 $0x7, s4;
	s5 =	simm.s32 @p1 $0x3638;
	s0 =	sadd.s32 @p1 s3, s0  }
0x3d8: {  	[tilespmem:s5], [sflag:$0x8] =	stream.linear.gather @p1 [hbm4b:s0+s4], $0x8, $0x38;
	[tilespmem:$0x1F0F8] =	vst v63  }
0x3d9: {  	s0 =	simm.s32 @p1 $0x8  }
0x3da: {  	_ =	swait.ge @p1 [sflag:s0], $0x8  }
0x3db: {  	[sflag:s0] =	ssyncset.done @p1 $0x0  }
0x3dc: {  	[sflag:s0] =	ssyncadd.s32 @p1 $0xFFFFFFF8;
	s0 =	sshll.u32 @p1 s2, $0x6  }
0x3dd: {  	v1 =	vld @p1 [tilespmem:$0x3638];
	s4 =	sshrl.u32 @p1 s0, $0x2  }
0x3de: {  	v2 =	vld @p1 [tilespmem:s4+$0x3678];
	_ =	sdelay $0x4  }
0x3df: {  	s5 =	sshll.u32 @!p1 s2, $0x6;
	v1 =	vmax.f32 @p1 v1, v2  }
0x3e0: {  	s5 =	smov.u32 @p1 s0;
	[tilespmem:s4+$0x3678] =	vst @p1 v1  }
0x3e1: {  	s0 =	sshrl.u32 s5, $0x2;
	[tilespmem:s1+$0x3658] =	vst.msk $0x1, v0  }
0x3e2: {  	v0 =	vld [tilespmem:s0+$0x3678];
	_ =	sdelay $0x2  }
0x3e3: {  	s31 =	sshll.u32 s1, $0x6  }
0x3e4: {  	s0 =	sshra.s32 s31, $0x2  }
0x3e5: {  	s1 =	sadd.s32 $0x1, s1;
	[tilespmem:s0+$0x3678] =	vst v0  }
.LBB3_47:
0x3e6: {  	s2 =	sadd.s32 $0x1, s2  }
0x3e7: {  	p1 =	sne.s32 s2, $0x20  }
.Ltmp40:
0x3e8: {  	_ = 	snop;
	(pc) =	sbr.rel @!p1 .LBB3_48-.Ltmp40, $1  }
0x3e9: {  	_ =	sdelay $0x3  }
.LBB3_40:
0x3ea: {  	v0 =	vld.msk [tilespmem:s2+$0x3658], $0x1;
	_ =	sdelay $0x4  }
0x3eb: {  	(v2sf) =	vpush v0, $0x0;
	_ =	sdelay $0xe  }
0x3ec: {  	s4 =	spop (v2sf)  }
0x3ed: {  	p1 =	seq.s32 s4, $0xFFFFFFFF  }
.Ltmp41:
0x3ee: {  	_ = 	snop;
	(pc) =	sbr.rel @p1 .LBB3_47-.Ltmp41, $1  }
0x3ef: {  	_ =	sdelay $0x3  }
0x3f0: {  	p1 =	slt.s32 s1, $0x1  }
.Ltmp42:
0x3f1: {  	_ = 	snop;
	(pc) =	sbr.rel @p1 .LBB3_45-.Ltmp42, $1  }
0x3f2: {  	_ =	sdelay $0x3  }
0x3f3: {  	s5 =	simm.s32 $0x3658;
	p1 =	por $0x0, $0x0  }
0x3f4: {  	v1 =	vld.msk @!p1 [tilespmem:s5+$0x0], $0x1;
	_ =	sdelay $0x4  }
0x3f5: {  	(v2sf) =	vpush @!p1 v1, $0x0;
	_ =	sdelay $0xd  }
0x3f6: {  	p3 =	sne.s32 s1, $0x1  }
.Ltmp43:
0x3f7: {  	s0 =	spop @!p1 (v2sf);
	(pc) =	sbr.rel @!p3 .LBB3_44-.Ltmp43, $4  }
0x3f8: {  	p2 =	seq.s32 @!p1 s4, s0  }
0x3f9: {  	s6 =	simm.s32 $0x0;
	p2 =	por !p2, p1  }
0x3fa: {  	s0 =	simm.s32 $0xFFFFFFFF;
	s6 =	simm.s32 @p2 $0xFFFFFFFF  }
0x3fb: {  	s7 =	simm.s32 $0x1;
	s6 =	smov.u32 @p1 s0  }
.LBB3_43:
0x3fc: {  	s0 =	smov.u32 s6;
	p1 =	sne.s32 s6, $0xFFFFFFFF  }
0x3fd: {  	s5 =	sadd.s32 $0x1, s5;
	s6 =	smov.u32 s7;
	s7 =	sadd.s32 $0x1, s7  }
0x3fe: {  	p2 =	sne.s32 s1, s7;
	v1 =	vld.msk @!p1 [tilespmem:s5+$0x0], $0x1;
	_ =	sdelay $0x4  }
0x3ff: {  	(v2sf) =	vpush @!p1 v1, $0x0;
	_ =	sdelay $0xe  }
.Ltmp44:
0x400: {  	s8 =	spop @!p1 (v2sf);
	(pc) =	sbr.rel @p2 .LBB3_43-.Ltmp44, $4  }
0x401: {  	p3 =	seq.s32 @!p1 s4, s8  }
0x402: {  	p3 =	por !p3, p1  }
0x403: {  	s6 =	simm.s32 @p3 $0xFFFFFFFF  }
0x404: {  	s6 =	smov.u32 @p1 s0  }
.LBB3_44:
0x405: {  	p1 =	sne.s32 s6, $0xFFFFFFFF  }
.Ltmp45:
0x406: {  	_ = 	snop;
	(pc) =	sbr.rel @!p1 .LBB3_45-.Ltmp45, $1  }
0x407: {  	_ =	sdelay $0x3  }
0x408: {  	s0 =	sshll.u32 s2, $0x4  }
0x409: {  	s4 =	sshll.u32 s6, $0x6;
	s0 =	sand.u32 $0x3FFFFFF0, s0  }
0x40a: {  	s31 =	sshra.s32 s4, $0x2;
	v0 =	vld [tilespmem:s0+$0x3678]  }
0x40b: {  	v1 =	vld [tilespmem:s31+$0x3678];
	_ =	sdelay $0x1  }
.Ltmp46:
0x40c: {  	_ = 	snop;
	(pc) =	sbr.rel .LBB3_47-.Ltmp46, $3  }
0x40d: {  	_ =	sdelay $0x1  }
0x40e: {  	v0 =	vmax.f32 v0, v1  }
0x40f: {  	[tilespmem:s31+$0x3678] =	vst v0  }
.LBB3_48:
0x410: {  	p1 =	slt.s32 s1, $0x1  }
.Ltmp47:
0x411: {  	_ = 	snop;
	(pc) =	sbr.rel @p1 .LBB3_52-.Ltmp47, $3  }
0x412: {  	_ =	sdelay $0x1  }
0x413: {  	s0 =	simm.s32 $0x8  }
0x414: {  	s2 =	simm.s32 $0x0;
	[sflag:s0] =	ssyncpa.u1 $0x1  }
0x415: {  	s0 =	simm.s32 $0x3658  }
0x416: {  	v0 =	vld.msk [tilespmem:s0+$0x0], $0x1;
	_ =	sdelay $0x4  }
0x417: {  	(v2sf) =	vpush v0, $0x0;
	_ =	sdelay $0xe  }
0x418: {  	s1 =	sadd.s32 $0xFFFFFFFF, s1;
	s0 =	spop (v2sf)  }
0x419: {  	p2 =	sne.s32 s1, $0x0;
	p1 =	sgt.u32 s0, $0x270FF  }
.Ltmp48:
0x41a: {  	s5 =	sand.u32 @!p1 $0x3FFF8, s0;
	(pc) =	sbr.rel @!p2 .LBB3_51-.Ltmp48, $4  }
0x41b: {  	s4 =	simm.s32 $0x3678;
	s0 =	sand.u32 @!p1 $0x7, s0;
	s5 =	sadd.s32 @!p1 s3, s5  }
0x41c: {  	[hbm4b:s5+s0] =	stream.linear.scatter @!p1 [tilespmem:s4], [sflag:$0x7], $0x8, $0x38;
	[tilespmem:$0x1F0F8] =	vst v63  }
0x41d: {  	s0 =	simm.s32 $0x0  }
0x41e: {  	s5 =	simm.s32 $0x3659;
	s0 =	simm.s32 @!p1 $0x20  }
.LBB3_50:
0x41f: {  	v0 =	vld.msk [tilespmem:s5+$0x0], $0x1;
	s1 =	sadd.s32 $0xFFFFFFFF, s1;
	s2 =	sadd.s32 s2, s0  }
0x420: {  	p1 =	sne.s32 s1, $0x0;
	_ =	sdelay $0x3  }
0x421: {  	(v2sf) =	vpush v0, $0x0;
	_ =	sdelay $0xe  }
.Ltmp49:
0x422: {  	s6 =	spop (v2sf);
	(pc) =	sbr.rel @p1 .LBB3_50-.Ltmp49, $4  }
0x423: {  	s0 =	simm.s32 $0x0;
	p2 =	sgt.u32 s6, $0x270FF  }
0x424: {  	s4 =	sadd.s32 $0x10, s4;
	s0 =	simm.s32 @!p2 $0x20;
	s7 =	sand.u32 @!p2 $0x3FFF8, s6  }
0x425: {  	s5 =	sadd.s32 $0x1, s5;
	s6 =	sand.u32 @!p2 $0x7, s6;
	s7 =	sadd.s32 @!p2 s3, s7  }
0x426: {  	[hbm4b:s7+s6] =	stream.linear.scatter @!p2 [tilespmem:s4], [sflag:$0x7], $0x8, $0x38;
	[tilespmem:$0x1F0F8] =	vst v63  }
.LBB3_51:
0x427: {  	s0 =	sadd.s32 s2, s0  }
0x428: {  	s2 =	sshrl.u32 s0, $0x2  }
.LBB3_52:
0x429: {  	s0 =	simm.s32 $0x7  }
0x42a: {  	_ =	swait.ge [sflag:s0], s2  }
0x42b: {  	s1 =	ssub.s32 $0x0, s2;
	[sflag:s0] =	ssyncset.done $0x0  }
0x42c: {  	[sflag:s0] =	ssyncadd.s32 s1  }
0x42d: {  	[sflag:s0] =	ssyncpa.u1 $0x1  }
.LBB3_53:
0x42e: {  	_ =	sfence;
	s0 =	simm.s32 $0x1  }
0x42f: {  	[sflag:s0] =	ssyncpa.u1 $0x1  }
0x430: {  	_ =	strace $0x90000056  }
0x431: {  	[bflag:$0x2] =	sbarrier.arrive $0xFFFF  }
0x432: {  	s0 =	rddreg [dreg:$0x3]  }
0x433: {  	s0 =	sadd.s32 @!p0 $0x100000, s0  }
0x434: {  	[sflag:s0] =	ssyncadd.tile.s32 @!p0 $0x1;
	_ =	shalt  }
.Lfunc_end3:
_tile_overlayer_lowered:
.L_overlay_start_3:
0x435: {  	(tag) =	ssettag $0x3  }
0x436: {  	s0 =	rddreg [dreg:$0x0];
	s2 =	stileid.u32  }
0x437: {  	s1 =	rddreg [dreg:$0x1];
	p0 =	sne.s32 s2, $0x0  }
0x438: {  	s3 =	rddreg [dreg:$0x2];
	[bflag:$0x3] =	sbarrier.arrive $0xFFFF;
	s2 =	simm.s32 @!p0 $0x1C01  }
0x439: {  	[timem:s3], [sflag:s2] =	dma.local @!p0 [hbm:s0], s1  }
0x43a: {  	s0 =	simm.s32 @!p0 $0x1  }
0x43b: {  	_ =	swait.ge @!p0 [sflag:s0], s1  }
0x43c: {  	s1 =	ssub.s32 @!p0 $0x0, s1;
	[sflag:s0] =	ssyncset.done @!p0 $0x0  }
0x43d: {  	[sflag:s0] =	ssyncadd.s32 @!p0 s1  }
0x43e: {  	[bflag:$0x3] =	sbarrier.arrive $0xFFFF  }
0x43f: {  	_ =	shalt  }

// kernel: scatter_offload_async_start
scs
__scs_entry_jumppad:
0x0: {  	(pc) =	sbr.rel $0x88, $3  }
0x1: {  	(tag) =	ssettag $0x0;
	lr =	simm.s32 $0x1  }
0x2: {  	[smem:$0x3F88] =	sst lr;
	_ =	strace $0xD0000000  }
0x3: {  	_ = 	snop  }
0x4: {  	_ = 	snop  }
0x5: {  	_ = 	snop  }
0x6: {  	_ = 	snop  }
0x7: {  	_ = 	snop  }
__scs_overlays_trampoline_lowered:
0x8: {  	[smem:$0x3F97] =	sst s0  }
0x9: {  	[smem:$0x3F98] =	sst s1  }
0xa: {  	[smem:$0x3F99] =	sst s2  }
0xb: {  	[smem:$0x3F9A] =	sst s3  }
0xc: {  	[smem:$0x3F9B] =	sst s4  }
0xd: {  	[smem:$0x3F9C] =	sst s5  }
0xe: {  	[smem:$0x3F9D] =	sst s6  }
0xf: {  	[smem:$0x3F9E] =	sst s7  }
0x10: {  	[smem:$0x3F9F] =	sst s8  }
0x11: {  	[smem:$0x3FA0] =	sst s9;
	s0 =	simm.s32 @!p0 $0x0  }
0x12: {  	s1 =	sld [smem:$0x3F86];
	s0 =	simm.s32 @p0 $0x1  }
0x13: {  	[smem:$0x3FA1] =	sst s0;
	s0 =	simm.s32 @!p1 $0x0  }
0x14: {  	s2 =	sld [smem:$0x3F85];
	s0 =	simm.s32 @p1 $0x1  }
0x15: {  	[smem:$0x3FA2] =	sst s0;
	s0 =	simm.s32 @!p2 $0x0  }
0x16: {  	s3 =	sld [smem:$0x3FDB];
	s0 =	simm.s32 @p2 $0x1  }
0x17: {  	s4 =	simm.s32 $0x1BF5;
	[smem:$0x3FA4] =	sst s0  }
0x18: {  	s0 =	sld [smem:$0x3F87];
	_ =	swait.ge [sflag:s4], $0x0  }
0x19: {  	s7 =	sld [smem:$0x3F88]  }
0x1a: {  	s8 =	sadd.s32 $0xFFFFE003, lr  }
0x1b: {  	s9 =	sadd.s32 $0xFFFFFEF7, lr;
	s5 =	simm.s32 $0xFFFFFFFF;
	p2 =	slt.u32 s8, $0xFFFFF086  }
0x1c: {  	p1 =	slt.u32 s9, $0xF7A;
	s5 =	simm.s32 @!p2 $0x0  }
0x1d: {  	s5 =	simm.s32 @p1 $0x1;
	p0 =	seq.s32 s7, s2  }
0x1e: {  	s7 =	smul.u32 @!p0 $0xF7A, s2;
	p2 =	seq.s32 @!p0 s5, $0x0  }
0x1f: {  	s9 =	smul.u32 $0xF7A, s1;
	s8 =	simm.s32 @!p0 $0x1BF5;
	p2 =	por !p2, p0  }
0x20: {  	[sflag:s8] =	ssyncset.s32 @!p0 $0xFFFFF086;
	s6 =	sadd.s32 @!p0 s3, s7;
	s7 =	simm.s32 @!p0 $0x108  }
0x21: {  	s3 =	sadd.s32 s3, s9;
	s6 =	sadd.s32 @!p0 $0x88, s6;
	s7 =	simm.s32 @p2 $0x1082  }
0x22: {  	[simem:s7], [sflag:s8] =	dma.local @!p0 [hbm:s6], $0xF7A  }
0x23: {  	s9 =	sor.u32 $0xD0000000, s2;
	s6 =	simm.s32 $0x108;
	_ =	swait.ge @!p0 [sflag:s8], $0x0  }
0x24: {  	s3 =	sadd.s32 $0x88, s3;
	s6 =	simm.s32 @!p1 $0x1082;
	[sflag:s4] =	ssyncset.s32 $0xFFFFF086  }
0x25: {  	[simem:s6], [sflag:s4] =	dma.local [hbm:s3], $0xF7A  }
0x26: {  	[smem:$0x3F88] =	sst s1;
	(tag) =	ssettag s2;
	_ =	strace s9  }
0x27: {  	s1 =	sld [smem:$0x3F98]  }
0x28: {  	s2 =	sld [smem:$0x3F99]  }
0x29: {  	s4 =	sld [smem:$0x3F9B]  }
0x2a: {  	p0 =	seq.s32 s5, $0x0;
	s5 =	sld [smem:$0x3F9C]  }
0x2b: {  	s6 =	sld [smem:$0x3F9D]  }
0x2c: {  	s7 =	sld [smem:$0x3F9E]  }
0x2d: {  	s3 =	simm.s32 $0x108;
	s8 =	sld [smem:$0x3F9F]  }
0x2e: {  	s3 =	simm.s32 @!p0 $0x1082;
	s9 =	sld [smem:$0x3FA0]  }
0x2f: {  	lr =	sadd.s32 s0, s3;
	s0 =	sld [smem:$0x3F97]  }
0x30: {  	s3 =	sld [smem:$0x3F9A]  }
0x31: {  	[smem:$0x3FA3] =	sst s10  }
0x32: {  	s10 =	sld [smem:$0x3FA1];
	_ =	sdelay $0x3  }
0x33: {  	p0 =	seq.s32 s10, $0x1;
	s10 =	sld [smem:$0x3FA3];
	_ =	sdelay $0x3  }
0x34: {  	[smem:$0x3FA3] =	sst s10  }
0x35: {  	s10 =	sld [smem:$0x3FA2];
	_ =	sdelay $0x3  }
0x36: {  	p1 =	seq.s32 s10, $0x1;
	s10 =	sld [smem:$0x3FA3];
	_ =	sdelay $0x3  }
0x37: {  	[smem:$0x3FA3] =	sst s10  }
0x38: {  	s10 =	sld [smem:$0x3FA4]  }
0x39: {  	_ = 	snop;
	(pc) =	sbr.ind lr, $3  }
0x3a: {  	_ = 	snop  }
0x3b: {  	_ = 	snop  }
0x3c: {  	p2 =	seq.s32 s10, $0x1;
	s10 =	sld [smem:$0x3FA3]  }
0x3d: {  	_ =	shalt  }
0x3e: {  	_ =	shalt  }
0x3f: {  	_ =	shalt  }
0x40: {  	_ =	shalt  }
0x41: {  	_ =	shalt  }
0x42: {  	_ =	shalt  }
0x43: {  	_ =	shalt  }
0x44: {  	_ =	shalt  }
0x45: {  	_ =	shalt  }
0x46: {  	_ =	shalt  }
0x47: {  	_ =	shalt  }
0x48: {  	_ =	shalt  }
0x49: {  	_ =	shalt  }
0x4a: {  	_ =	shalt  }
0x4b: {  	_ =	shalt  }
0x4c: {  	_ =	shalt  }
0x4d: {  	_ =	shalt  }
0x4e: {  	_ =	shalt  }
0x4f: {  	_ =	shalt  }
0x50: {  	_ =	shalt  }
0x51: {  	_ =	shalt  }
0x52: {  	_ =	shalt  }
0x53: {  	_ =	shalt  }
0x54: {  	_ =	shalt  }
0x55: {  	_ =	shalt  }
0x56: {  	_ =	shalt  }
0x57: {  	_ =	shalt  }
0x58: {  	_ =	shalt  }
0x59: {  	_ =	shalt  }
0x5a: {  	_ =	shalt  }
0x5b: {  	_ =	shalt  }
0x5c: {  	_ =	shalt  }
0x5d: {  	_ =	shalt  }
0x5e: {  	_ =	shalt  }
0x5f: {  	_ =	shalt  }
0x60: {  	_ =	shalt  }
0x61: {  	_ =	shalt  }
0x62: {  	_ =	shalt  }
0x63: {  	_ =	shalt  }
0x64: {  	_ =	shalt  }
0x65: {  	_ =	shalt  }
0x66: {  	_ =	shalt  }
0x67: {  	_ =	shalt  }
0x68: {  	_ =	shalt  }
0x69: {  	_ =	shalt  }
0x6a: {  	_ =	shalt  }
0x6b: {  	_ =	shalt  }
0x6c: {  	_ =	shalt  }
0x6d: {  	_ =	shalt  }
0x6e: {  	_ =	shalt  }
0x6f: {  	_ =	shalt  }
0x70: {  	_ =	shalt  }
0x71: {  	_ =	shalt  }
0x72: {  	_ =	shalt  }
0x73: {  	_ =	shalt  }
0x74: {  	_ =	shalt  }
0x75: {  	_ =	shalt  }
0x76: {  	_ =	shalt  }
0x77: {  	_ =	shalt  }
0x78: {  	_ =	shalt  }
0x79: {  	_ =	shalt  }
0x7a: {  	_ =	shalt  }
0x7b: {  	_ =	shalt  }
0x7c: {  	_ =	shalt  }
0x7d: {  	_ =	shalt  }
0x7e: {  	_ =	shalt  }
0x7f: {  	_ =	shalt  }
0x80: {  	_ =	shalt  }
0x81: {  	_ =	shalt  }
0x82: {  	_ =	shalt  }
0x83: {  	_ =	shalt  }
0x84: {  	_ =	shalt  }
0x85: {  	_ =	shalt  }
0x86: {  	_ =	shalt  }
0x87: {  	_ =	shalt  }
.Lfunc_end0:
.L_simem_size_0:
called_computation_lowered:
.L_overlay_start_0:
0x88: {  	s2 =	sld [smem:$0x3FD9]  }
0x89: {  	s3 =	sld [smem:$0x3FFE];
	_ =	sdelay $0x1  }
0x8a: {  	s1 =	srdreg.scid  }
0x8b: {  	s0 =	sand.u32 $0x1, s1  }
0x8c: {  	s15 =	sshll.u32 s0, $0xA;
	s2 =	sadd.s32 s3, s2  }
0x8d: {  	s2 =	sadd.s32 s2, s15  }
0x8e: {  	[smem:$0x3FAF] =	sst s2  }
0x8f: {  	_ = 	snop  }
0x90: {  	(tm) =	ssettm $0x1  }
0x91: {  	s16 =	sld [smem:$0x3FFB];
	_ =	sdelay $0x3  }
0x92: {  	_ =	strace s16  }
0x93: {  	s2 =	sld [smem:$0x3FFC];
	_ =	sdelay $0x3  }
0x94: {  	_ =	strace s2  }
0x95: {  	s2 =	sld [smem:$0x3FFD];
	_ =	sdelay $0x3  }
0x96: {  	_ =	strace s2  }
0x97: {  	_ =	strace $0x8FFFFFFF  }
0x98: {  	s17 =	sld [smem:$0x3FDB];
	_ =	sdelay $0x1  }
0x99: {  	s18 =	simm.s32 $_scs_section_size  }
0x9a: {  	s4 =	simm.s32 $_size__tile_overlayer_lowered;
	s5 =	simm.s32 $_tile_overlayer_lowered  }
0x9b: {  	s6 =	simm.s32 $0x1BFF;
	s19 =	sshll.u32 s5, $0x1;
	s3 =	sadd.s32 s18, s17  }
0x9c: {  	s20 =	simm.s32 $0x0;
	s4 =	sshll.u32 s4, $0x1;
	s5 =	sadd.s32 s19, s3  }
0x9d: {  	[timem:s20], [sflag:s6] =	dma.local [hbm:s5], s4  }
0x9e: {  	_ =	swait.ge [sflag:s6], s4  }
0x9f: {  	s4 =	ssub.s32 $0x0, s4;
	[sflag:s6] =	ssyncset.done $0x0  }
0xa0: {  	[sflag:s6] =	ssyncadd.s32 s4;
	_ =	sdelay $0x1  }
0xa1: {  	s21 =	simm.s32 $0x1B8B  }
0xa2: {  	_ =	swait.ge [sflag:s21], $0x1  }
0xa3: {  	[sflag:s21] =	ssyncset.done $0x0  }
0xa4: {  	s22 =	sld [smem:$0x3FFE];
	[sflag:s21] =	ssyncadd.s32 $0xFFFFFFFF  }
0xa5: {  	s24 =	simm.s32 $0x1B8E;
	s23 =	sld [smem:$0x0]  }
0xa6: {  	s25 =	simm.s32 $execute0_lowered;
	[smem:$0x3FD2] =	sst s24  }
0xa7: {  	s6 =	sshll.u32 s25, $0x1;
	_ =	strace $0x8000004C;
	[dreg:$0x1] =	wrdreg $0xFFFFFFFF  }
0xa8: {  	s7 =	simm.s32 $_size_execute0_lowered;
	s6 =	sadd.s32 s3, s6;
	[dreg:$0x0] =	wrdreg $0x0  }
0xa9: {  	s7 =	sshll.u32 s7, $0x1;
	[dreg:$0x2] =	wrdreg s6  }
0xaa: {  	[dreg:$0x3] =	wrdreg s7  }
0xab: {  	[dreg:$0x4] =	wrdreg $0xC0  }
0xac: {  	s26 =	simm.s32 $execute1_lowered;
	_ =	task [dreg:s20], $0x5FFFF  }
0xad: {  	s6 =	sshll.u32 s26, $0x1;
	[dreg:$0x1] =	wrdreg $0xFFFFFFFF  }
0xae: {  	s3 =	sadd.s32 s3, s6;
	[dreg:$0x0] =	wrdreg $0x60  }
0xaf: {  	[dreg:$0x2] =	wrdreg s3  }
0xb0: {  	[dreg:$0x3] =	wrdreg s22  }
0xb1: {  	[dreg:$0x4] =	wrdreg $0x9  }
0xb2: {  	_ =	task.clear_ibuf [dreg:s20], $0x5FFFF;
	_ =	strace $0x9000004C  }
0xb3: {  	s28 =	simm.s32 $0x9;
	_ =	strace $0x8000004E  }
0xb4: {  	_ =	swait.ge [sflag:s28], $0x1  }
0xb5: {  	[sflag:s28] =	ssyncadd.s32 $0xFFFFFFFF  }
0xb6: {  	_ =	strace $0x9000004E  }
0xb7: {  	s3 =	sld [smem:$0x0]  }
0xb8: {  	s6 =	sand.u32 $0xFFFFFFFE, s1  }
0xb9: {  	p0 =	sne.s32 s1, s6  }
0xba: {  	s6 =	sshll.u32 @p0 s6, $0xE  }
0xbb: {  	s6 =	sadd.s32 @p0 $0x11BF3, s6;
	s7 =	sshll.u32 @p0 s3, $0x11  }
0xbc: {  	s6 =	sor.u32 @p0 s7, s6  }
0xbd: {  	[sflag:s6] =	ssyncadd.remote.s32 @p0 $0x1;
	_ =	sdelay $0x1  }
0xbe: {  	s6 =	simm.s32 @p0 $0x1BF3  }
0xbf: {  	_ =	swait.eq @p0 [sflag:s6], $0x1  }
0xc0: {  	[sflag:s6] =	ssyncadd.s32 @p0 $0xFFFFFFFF  }
0xc1: {  	s7 =	sshll.u32 @!p0 s1, $0xE  }
0xc2: {  	s7 =	sor.u32 @!p0 $0x4000, s7;
	s6 =	simm.s32 @!p0 $0x1BF3  }
0xc3: {  	s3 =	sshll.u32 @!p0 s3, $0x11;
	s7 =	sadd.s32 @!p0 $0x11BF3, s7;
	_ =	swait.eq @!p0 [sflag:s6], $0x1  }
0xc4: {  	s3 =	sor.u32 @!p0 s3, s7;
	[sflag:s6] =	ssyncadd.s32 @!p0 $0xFFFFFFFF  }
0xc5: {  	[sflag:s3] =	ssyncadd.remote.s32 @!p0 $0x1  }
0xc6: {  	_ =	strace $0x8000004F;
	[dreg:$0x1] =	wrdreg $0xFFFFFFFF  }
0xc7: {  	[dreg:$0x0] =	wrdreg $0x2030  }
0xc8: {  	[dreg:$0x2] =	wrdreg s22  }
0xc9: {  	[dreg:$0x3] =	wrdreg s1  }
0xca: {  	[dreg:$0x4] =	wrdreg s23  }
0xcb: {  	[dreg:$0x5] =	wrdreg $0xA  }
0xcc: {  	_ =	task.clear_ibuf [dreg:s20], $0x6FFFF;
	_ =	strace $0x9000004F  }
0xcd: {  	s29 =	simm.s32 $0xA;
	_ =	strace $0x80000051  }
0xce: {  	_ =	swait.ge [sflag:s29], $0x1  }
0xcf: {  	[sflag:s29] =	ssyncadd.s32 $0xFFFFFFFF  }
0xd0: {  	_ =	strace $0x90000051  }
0xd1: {  	_ =	sfence  }
0xd2: {  	s30 =	sld [smem:$0x0];
	_ =	sdelay $0x2  }
0xd3: {  	s31 =	sshll.u32 s1, $0xD;
	s1 =	sshrl.u32 s1, $0x2  }
0xd4: {  	s4 =	sand.u32 $0x4000, s31;
	s1 =	sadd.s32 s1, s30  }
0xd5: {  	s0 =	sor.u32 s4, s0;
	s1 =	sshll.u32 s1, $0x11  }
0xd6: {  	s0 =	sor.u32 s1, s0  }
0xd7: {  	s0 =	sadd.s32 $0x8F2B, s0  }
0xd8: {  	[sflag:s0] =	ssyncadd.remote.s32 $0x1  }
0xd9: {  	_ =	sfence.sel $0xFFFF  }
0xda: {  	[dreg:$0x0] =	wrdreg $0xFFFFFFFF;
	(pc) =	sbr.abs _section_cstart, $3  }
0xdb: {  	[dreg:$0x1] =	wrdreg $0xFFFFFFFF  }
0xdc: {  	_ =	task.clear_ibuf [dreg:s20], $0x2FFFF;
	_ =	strace $0x9FFFFFFF  }
0xdd: {  	(tm) =	ssettm $0x7FFFFFFF  }
tec
execute0_lowered:
.L_overlay_start_1:
0x0: {  	(tag) =	ssettag $0x1  }
0x1: {  	s2 =	rddreg [dreg:$0x0]  }
0x2: {  	s7 =	rddreg [dreg:$0x1]  }
0x3: {  	s0 =	rddreg [dreg:$0x2]  }
0x4: {  	s3 =	stileid.u32;
	[bflag:$0x3] =	sbarrier.arrive $0xFFFF;
	s1 =	simm.s32 $_size_execute1_lowered  }
0x5: {  	s29 =	srdreg.scid;
	s9 =	simm.s32 $0x2;
	p0 =	sne.s32 s3, $0x0  }
0x6: {  	s1 =	sshll.u32 s1, $0x1;
	s4 =	simm.s32 @!p0 $0x1C3F;
	s5 =	simm.s32 @!p0 $0x4060  }
0x7: {  	[timem:s5], [sflag:s4] =	dma.local @!p0 [hbm:s2], s1  }
0x8: {  	s13 =	simm.s32 $0x0;
	s10 =	simm.s32 $0x80;
	s2 =	sshll.u32 s29, $0x9  }
0x9: {  	s12 =	simm.s32 $0x0;
	s3 =	sshll.u32 s3, $0xA;
	s2 =	sand.u32 $0x200, s2  }
0xa: {  	s11 =	simm.s32 $0x0;
	_ =	strace $0x8000004D;
	s2 =	sor.u32 s3, s2  }
0xb: {  	s3 =	sshll.u32 s2, $0x4;
	p1 =	slt.u32 s2, $0x2710;
	s31 =	smax.u32 s2, $0x2510  }
0xc: {  	s5 =	ssub.s32 $0x2710, s2;
	s4 =	sadd.s32 $0xFFFD8F00, s3;
	s6 =	sshll.u32 s31, $0x7  }
0xd: {  	s4 =	smov.u32 @p1 s3;
	s3 =	simm.s32 $0x1;
	p1 =	sgt.s32 s5, $0x0  }
0xe: {  	s6 =	ssub.s32 $0x138800, s6;
	s8 =	sadd.s32 s4, s7;
	[sflag:s3] =	ssyncpa.u1 $0x0  }
.Ltmp0:
0xf: {  	s5 =	simm.s32 @!p1 $0x0;
	s4 =	simm.s32 $0x1;
	(pc) =	sbr.rel .LBB2_1-.Ltmp0, $4  }
0x10: {  	s6 =	sshrl.u32 s6, $0x2;
	s7 =	sadd.s32 $0x69000, s7;
	s30 =	sand.u32 $0x3F10, s5  }
0x11: {  	s5 =	simm.s32 $0x3;
	[sflag:s9] =	ssyncpa.u1 $0x0;
	p1 =	sne.s32 s30, $0x0  }
0x12: {  	s4 =	simm.s32 @!p1 $0x0;
	s5 =	simm.s32 @!p1 $0x2;
	p1 =	sgt.u32 s2, $0x270F  }
0x13: {  	s8 =	sadd.s32 $0x41E00, s8;
	s9 =	simm.s32 $0x20;
	s6 =	simm.s32 @p1 $0x0  }
.LBB2_5:
0x14: {  	_ =	sdelay $0x3  }
0x15: {  	[tilespmem:v1+s16+$0x0 ss:$0x1] =	vst.idx.msk $0xffff, v2  }
.LBB2_6:
0x16: {  	s16 =	smulhi.u32 $0xD1B71759, s12;
	_ =	sdelay $0x1  }
0x17: {  	s16 =	sshrl.u32 s16, $0xD  }
0x18: {  	s16 =	smul.u32 $0x2710, s16;
	_ =	sdelay $0x1  }
0x19: {  	s16 =	ssub.s32 s12, s16  }
0x1a: {  	s16 =	sshll.u32 s16, $0x4  }
0x1b: {  	s16 =	sadd.s32 s7, s16  }
0x1c: {  	[hbm4b:s16+s9] =	stream.strided.scatter [tilespmem:s15], [sflag:$0x2], s14, s10, s9, $0x38;
	[tilespmem:$0x10000] =	vst v63  }
.LBB2_7:
0x1d: {  	p1 =	slt.u32 s11, $0x2  }
0x1e: {  	p2 =	sgt.s32 @!p1 s13, $0x2510  }
0x1f: {  	p2 =	por !p2, p1  }
0x20: {  	p3 =	sgt.s32 @!p1 s13, $0x270F;
	s13 =	simm.s32 @p2 $0x2510  }
0x21: {  	s13 =	sshll.u32 @!p1 s13, $0x7  }
0x22: {  	s13 =	ssub.s32 @!p1 $0x138800, s13  }
0x23: {  	s11 =	sadd.s32 $0x1, s11;
	p2 =	por !p3, p1;
	s13 =	sshrl.u32 @!p1 s13, $0x2  }
0x24: {  	s13 =	simm.s32 @!p2 $0x0;
	p2 =	sne.s32 s11, s5  }
.Ltmp1:
0x25: {  	_ = 	snop;
	(pc) =	sbr.rel @!p2 .LBB2_8-.Ltmp1, $4  }
0x26: {  	s14 =	simm.s32 @!p1 $0x2  }
0x27: {  	_ =	swait.ge @!p1 [sflag:s14], s13  }
0x28: {  	s15 =	ssub.s32 @!p1 $0x0, s13;
	[sflag:s14] =	ssyncset.done @!p1 $0x0  }
0x29: {  	s13 =	smov.u32 s12;
	s12 =	smov.u32 s2;
	[sflag:s14] =	ssyncadd.s32 @!p1 s15  }
.LBB2_1:
0x2a: {  	p1 =	sge.u32 s11, s4;
	s31 =	sadd.s32 $0xFFFFFFFF, s11  }
0x2b: {  	s14 =	simm.s32 @!p1 $0x20;
	s15 =	simm.s32 @!p1 $0x80;
	s16 =	simm.s32 @!p1 $0x4000  }
0x2c: {  	[tilespmem:s16], [sflag:$0x1] =	stream.strided.gather @!p1 [hbm4b:s8+s14], s6, s15, s14, $0x38;
	[tilespmem:$0x10000] =	vst v63  }
0x2d: {  	p1 =	sge.u32 s31, s4  }
.Ltmp2:
0x2e: {  	_ = 	snop;
	(pc) =	sbr.rel @p1 .LBB2_7-.Ltmp2, $1  }
0x2f: {  	_ =	sdelay $0x3  }
0x30: {  	p1 =	sgt.s32 s12, $0x2510;
	s14 =	smov.u32 s12  }
0x31: {  	s14 =	simm.s32 @!p1 $0x2510  }
0x32: {  	s14 =	sshll.u32 s14, $0x7  }
0x33: {  	s14 =	ssub.s32 $0x138800, s14  }
0x34: {  	p1 =	sgt.u32 s12, $0x270F;
	s14 =	sshrl.u32 s14, $0x2  }
0x35: {  	s15 =	smov.u32 s12;
	s14 =	simm.s32 @p1 $0x0;
	p1 =	slt.s32 s12, $0x2510  }
0x36: {  	s15 =	simm.s32 @!p1 $0x2510  }
0x37: {  	s16 =	ssub.s32 s15, s12  }
0x38: {  	p1 =	slt.s32 s16, $0xFFFFFE01  }
.Ltmp3:
0x39: {  	_ = 	snop;
	(pc) =	sbr.rel @p1 .LBB2_6-.Ltmp3, $4  }
0x3a: {  	_ = 	snop  }
0x3b: {  	s17 =	sshll.u32 s11, $0xE;
	_ =	swait.ge [sflag:s3], s14  }
0x3c: {  	s17 =	sand.u32 $0x4000, s17;
	s18 =	ssub.s32 $0x0, s14;
	[sflag:s3] =	ssyncset.done $0x0  }
0x3d: {  	s15 =	sor.u32 $0x8000, s17;
	[sflag:s3] =	ssyncadd.s32 s18  }
0x3e: {  	v0 =	vmov s17;
	_ =	sdelay $0x1  }
0x3f: {  	s30 =	sadd.s32 $0x200, s16  }
0x40: {  	s31 =	simm.s32 $0x0;
	p1 =	sne.s32 s30, $0x1  }
.Ltmp4:
0x41: {  	s16 =	sand.u32 $0x3FE0, s31;
	(pc) =	sbr.rel @!p1 .LBB2_5-.Ltmp4, $2  }
0x42: {  	v1 =	vmov s15;
	v2 =	vld.idx.msk [tilespmem:v0+s16+$0x0 ss:$0x1], $0xffff;
	_ =	sdelay $0x2  }
0x43: {  	s18 =	simm.s32 $0x20;
	s17 =	sadd.s32 $0xFFFFFFFF, s30  }
.LBB2_4:
0x44: {  	s19 =	sand.u32 $0x3FE0, s18;
	p1 =	sne.s32 s17, $0x1;
	s17 =	sadd.s32 $0xFFFFFFFF, s17  }
.Ltmp5:
0x45: {  	[tilespmem:v1+s16+$0x0 ss:$0x1] =	vst.idx.msk $0xffff, v2;
	v2 =	vld.idx.msk [tilespmem:v0+s19+$0x0 ss:$0x1], $0xffff;
	s16 =	smov.u32 s19;
	(pc) =	sbr.rel @p1 .LBB2_4-.Ltmp5, $2  }
0x46: {  	_ =	sdelay $0x2  }
0x47: {  	s18 =	sadd.s32 $0x20, s18  }
.Ltmp6:
0x48: {  	_ = 	snop;
	(pc) =	sbr.rel .LBB2_5-.Ltmp6, $1  }
0x49: {  	_ =	sdelay $0x3  }
.LBB2_8:
0x4a: {  	_ =	sfence.sel $0x180000  }
0x4b: {  	s2 =	simm.s32 $0x1;
	[bflag:$0x0] =	sbarrier.arrive $0xFFFF  }
0x4c: {  	s31 =	simm.s32 $0x2;
	[sflag:s2] =	ssyncpa.u1 $0x1  }
0x4d: {  	[sflag:s31] =	ssyncpa.u1 $0x1  }
0x4e: {  	_ =	strace $0x9000004D  }
0x4f: {  	s0 =	sadd.s32 @!p0 $0x100000, s0;
	[bflag:$0x2] =	sbarrier.arrive $0xFFFF  }
0x50: {  	[sflag:s0] =	ssyncadd.tile.s32 @!p0 $0x1;
	s0 =	simm.s32 @!p0 $0x3F  }
0x51: {  	_ =	swait.ge @!p0 [sflag:s0], s1  }
0x52: {  	s1 =	ssub.s32 @!p0 $0x0, s1;
	[sflag:s0] =	ssyncset.done @!p0 $0x0  }
0x53: {  	[sflag:s0] =	ssyncadd.s32 @!p0 s1  }
0x54: {  	[bflag:$0x3] =	sbarrier.arrive $0xFFFF  }
0x55: {  	_ =	shalt  }
.Lfunc_end2:
execute1_lowered:
.L_overlay_start_2:
0x56: {  	(tag) =	ssettag $0x2  }
0x57: {  	s11 =	rddreg [dreg:$0x0]  }
0x58: {  	s2 =	rddreg [dreg:$0x1];
	_ =	strace $0x80000050;
	s12 =	simm.s32 $0x1  }
0x59: {  	v0 =	vimm.s32 $0x0;
	[sflag:s12] =	ssyncpa.u1 $0x0  }
0x5a: {  	[tilespmem:$0x28] =	vst v0  }
0x5b: {  	[tilespmem:$0x38] =	vst v0  }
0x5c: {  	[tilespmem:$0x48] =	vst v0  }
0x5d: {  	[tilespmem:$0x58] =	vst v0  }
0x5e: {  	[tilespmem:$0x68] =	vst v0  }
0x5f: {  	[tilespmem:$0x78] =	vst v0  }
0x60: {  	[tilespmem:$0x88] =	vst v0  }
0x61: {  	[tilespmem:$0x98] =	vst v0  }
0x62: {  	[tilespmem:$0xA8] =	vst v0  }
0x63: {  	[tilespmem:$0xB8] =	vst v0  }
0x64: {  	[tilespmem:$0xC8] =	vst v0  }
0x65: {  	[tilespmem:$0xD8] =	vst v0  }
0x66: {  	[tilespmem:$0xE8] =	vst v0  }
0x67: {  	[tilespmem:$0xF8] =	vst v0  }
0x68: {  	[tilespmem:$0x108] =	vst v0  }
0x69: {  	[tilespmem:$0x118] =	vst v0  }
0x6a: {  	[tilespmem:$0x128] =	vst v0  }
0x6b: {  	[tilespmem:$0x138] =	vst v0  }
0x6c: {  	[tilespmem:$0x148] =	vst v0  }
0x6d: {  	[tilespmem:$0x158] =	vst v0  }
0x6e: {  	[tilespmem:$0x168] =	vst v0  }
0x6f: {  	[tilespmem:$0x178] =	vst v0  }
0x70: {  	[tilespmem:$0x188] =	vst v0  }
0x71: {  	[tilespmem:$0x198] =	vst v0  }
0x72: {  	[tilespmem:$0x1A8] =	vst v0  }
0x73: {  	[tilespmem:$0x1B8] =	vst v0  }
0x74: {  	[tilespmem:$0x1C8] =	vst v0  }
0x75: {  	[tilespmem:$0x1D8] =	vst v0  }
0x76: {  	[tilespmem:$0x1E8] =	vst v0  }
0x77: {  	[tilespmem:$0x1F8] =	vst v0  }
0x78: {  	[tilespmem:$0x208] =	vst v0  }
0x79: {  	[tilespmem:$0x218] =	vst v0  }
0x7a: {  	[tilespmem:$0x228] =	vst v0  }
0x7b: {  	[tilespmem:$0x238] =	vst v0  }
0x7c: {  	[tilespmem:$0x248] =	vst v0  }
0x7d: {  	[tilespmem:$0x258] =	vst v0  }
0x7e: {  	[tilespmem:$0x268] =	vst v0  }
0x7f: {  	[tilespmem:$0x278] =	vst v0  }
0x80: {  	[tilespmem:$0x288] =	vst v0  }
0x81: {  	[tilespmem:$0x298] =	vst v0  }
0x82: {  	[tilespmem:$0x2A8] =	vst v0  }
0x83: {  	[tilespmem:$0x2B8] =	vst v0  }
0x84: {  	[tilespmem:$0x2C8] =	vst v0  }
0x85: {  	[tilespmem:$0x2D8] =	vst v0  }
0x86: {  	[tilespmem:$0x2E8] =	vst v0  }
0x87: {  	[tilespmem:$0x2F8] =	vst v0  }
0x88: {  	[tilespmem:$0x308] =	vst v0  }
0x89: {  	[tilespmem:$0x318] =	vst v0  }
0x8a: {  	[tilespmem:$0x328] =	vst v0  }
0x8b: {  	[tilespmem:$0x338] =	vst v0  }
0x8c: {  	[tilespmem:$0x348] =	vst v0  }
0x8d: {  	[tilespmem:$0x358] =	vst v0  }
0x8e: {  	[tilespmem:$0x368] =	vst v0  }
0x8f: {  	[tilespmem:$0x378] =	vst v0  }
0x90: {  	[tilespmem:$0x388] =	vst v0  }
0x91: {  	[tilespmem:$0x398] =	vst v0  }
0x92: {  	[tilespmem:$0x3A8] =	vst v0  }
0x93: {  	[tilespmem:$0x3B8] =	vst v0  }
0x94: {  	[tilespmem:$0x3C8] =	vst v0  }
0x95: {  	[tilespmem:$0x3D8] =	vst v0  }
0x96: {  	[tilespmem:$0x3E8] =	vst v0  }
0x97: {  	[tilespmem:$0x3F8] =	vst v0  }
0x98: {  	[tilespmem:$0x408] =	vst v0  }
0x99: {  	[tilespmem:$0x418] =	vst v0  }
0x9a: {  	[tilespmem:$0x428] =	vst v0  }
0x9b: {  	[tilespmem:$0x438] =	vst v0  }
0x9c: {  	[tilespmem:$0x448] =	vst v0  }
0x9d: {  	[tilespmem:$0x458] =	vst v0  }
0x9e: {  	[tilespmem:$0x468] =	vst v0  }
0x9f: {  	[tilespmem:$0x478] =	vst v0  }
0xa0: {  	[tilespmem:$0x488] =	vst v0  }
0xa1: {  	[tilespmem:$0x498] =	vst v0  }
0xa2: {  	[tilespmem:$0x4A8] =	vst v0  }
0xa3: {  	[tilespmem:$0x4B8] =	vst v0  }
0xa4: {  	[tilespmem:$0x4C8] =	vst v0  }
0xa5: {  	[tilespmem:$0x4D8] =	vst v0  }
0xa6: {  	[tilespmem:$0x4E8] =	vst v0  }
0xa7: {  	[tilespmem:$0x4F8] =	vst v0  }
0xa8: {  	[tilespmem:$0x508] =	vst v0  }
0xa9: {  	[tilespmem:$0x518] =	vst v0  }
0xaa: {  	[tilespmem:$0x528] =	vst v0  }
0xab: {  	[tilespmem:$0x538] =	vst v0  }
0xac: {  	[tilespmem:$0x548] =	vst v0  }
0xad: {  	[tilespmem:$0x558] =	vst v0  }
0xae: {  	[tilespmem:$0x568] =	vst v0  }
0xaf: {  	[tilespmem:$0x578] =	vst v0  }
0xb0: {  	[tilespmem:$0x588] =	vst v0  }
0xb1: {  	[tilespmem:$0x598] =	vst v0  }
0xb2: {  	[tilespmem:$0x5A8] =	vst v0  }
0xb3: {  	[tilespmem:$0x5B8] =	vst v0  }
0xb4: {  	[tilespmem:$0x5C8] =	vst v0  }
0xb5: {  	[tilespmem:$0x5D8] =	vst v0  }
0xb6: {  	[tilespmem:$0x5E8] =	vst v0  }
0xb7: {  	[tilespmem:$0x5F8] =	vst v0  }
0xb8: {  	[tilespmem:$0x608] =	vst v0  }
0xb9: {  	[tilespmem:$0x618] =	vst v0  }
0xba: {  	[tilespmem:$0x628] =	vst v0  }
0xbb: {  	[tilespmem:$0x638] =	vst v0  }
0xbc: {  	[tilespmem:$0x648] =	vst v0  }
0xbd: {  	[tilespmem:$0x658] =	vst v0  }
0xbe: {  	[tilespmem:$0x668] =	vst v0  }
0xbf: {  	[tilespmem:$0x678] =	vst v0  }
0xc0: {  	[tilespmem:$0x688] =	vst v0  }
0xc1: {  	[tilespmem:$0x698] =	vst v0  }
0xc2: {  	[tilespmem:$0x6A8] =	vst v0  }
0xc3: {  	[tilespmem:$0x6B8] =	vst v0  }
0xc4: {  	[tilespmem:$0x6C8] =	vst v0  }
0xc5: {  	[tilespmem:$0x6D8] =	vst v0  }
0xc6: {  	[tilespmem:$0x6E8] =	vst v0  }
0xc7: {  	[tilespmem:$0x6F8] =	vst v0  }
0xc8: {  	[tilespmem:$0x708] =	vst v0  }
0xc9: {  	[tilespmem:$0x718] =	vst v0  }
0xca: {  	[tilespmem:$0x728] =	vst v0  }
0xcb: {  	[tilespmem:$0x738] =	vst v0  }
0xcc: {  	[tilespmem:$0x748] =	vst v0  }
0xcd: {  	[tilespmem:$0x758] =	vst v0  }
0xce: {  	[tilespmem:$0x768] =	vst v0  }
0xcf: {  	[tilespmem:$0x778] =	vst v0  }
0xd0: {  	[tilespmem:$0x788] =	vst v0  }
0xd1: {  	[tilespmem:$0x798] =	vst v0  }
0xd2: {  	[tilespmem:$0x7A8] =	vst v0  }
0xd3: {  	[tilespmem:$0x7B8] =	vst v0  }
0xd4: {  	[tilespmem:$0x7C8] =	vst v0  }
0xd5: {  	[tilespmem:$0x7D8] =	vst v0  }
0xd6: {  	[tilespmem:$0x7E8] =	vst v0  }
0xd7: {  	[tilespmem:$0x7F8] =	vst v0  }
0xd8: {  	[tilespmem:$0x808] =	vst v0  }
0xd9: {  	[tilespmem:$0x818] =	vst v0  }
0xda: {  	[tilespmem:$0x828] =	vst v0  }
0xdb: {  	[tilespmem:$0x838] =	vst v0  }
0xdc: {  	[tilespmem:$0x848] =	vst v0  }
0xdd: {  	[tilespmem:$0x858] =	vst v0  }
0xde: {  	[tilespmem:$0x868] =	vst v0  }
0xdf: {  	[tilespmem:$0x878] =	vst v0  }
0xe0: {  	[tilespmem:$0x888] =	vst v0  }
0xe1: {  	[tilespmem:$0x898] =	vst v0  }
0xe2: {  	[tilespmem:$0x8A8] =	vst v0  }
0xe3: {  	[tilespmem:$0x8B8] =	vst v0  }
0xe4: {  	[tilespmem:$0x8C8] =	vst v0  }
0xe5: {  	[tilespmem:$0x8D8] =	vst v0  }
0xe6: {  	[tilespmem:$0x8E8] =	vst v0  }
0xe7: {  	[tilespmem:$0x8F8] =	vst v0  }
0xe8: {  	[tilespmem:$0x908] =	vst v0  }
0xe9: {  	[tilespmem:$0x918] =	vst v0  }
0xea: {  	[tilespmem:$0x928] =	vst v0  }
0xeb: {  	[tilespmem:$0x938] =	vst v0  }
0xec: {  	[tilespmem:$0x948] =	vst v0  }
0xed: {  	[tilespmem:$0x958] =	vst v0  }
0xee: {  	[tilespmem:$0x968] =	vst v0  }
0xef: {  	[tilespmem:$0x978] =	vst v0  }
0xf0: {  	[tilespmem:$0x988] =	vst v0  }
0xf1: {  	[tilespmem:$0x998] =	vst v0  }
0xf2: {  	[tilespmem:$0x9A8] =	vst v0  }
0xf3: {  	[tilespmem:$0x9B8] =	vst v0  }
0xf4: {  	[tilespmem:$0x9C8] =	vst v0  }
0xf5: {  	[tilespmem:$0x9D8] =	vst v0  }
0xf6: {  	[tilespmem:$0x9E8] =	vst v0  }
0xf7: {  	[tilespmem:$0x9F8] =	vst v0  }
0xf8: {  	[tilespmem:$0xA08] =	vst v0  }
0xf9: {  	[tilespmem:$0xA18] =	vst v0  }
0xfa: {  	[tilespmem:$0xA28] =	vst v0  }
0xfb: {  	[tilespmem:$0xA38] =	vst v0  }
0xfc: {  	[tilespmem:$0xA48] =	vst v0  }
0xfd: {  	[tilespmem:$0xA58] =	vst v0  }
0xfe: {  	[tilespmem:$0xA68] =	vst v0  }
0xff: {  	[tilespmem:$0xA78] =	vst v0  }
0x100: {  	[tilespmem:$0xA88] =	vst v0  }
0x101: {  	[tilespmem:$0xA98] =	vst v0  }
0x102: {  	[tilespmem:$0xAA8] =	vst v0  }
0x103: {  	[tilespmem:$0xAB8] =	vst v0  }
0x104: {  	[tilespmem:$0xAC8] =	vst v0  }
0x105: {  	[tilespmem:$0xAD8] =	vst v0  }
0x106: {  	[tilespmem:$0xAE8] =	vst v0  }
0x107: {  	[tilespmem:$0xAF8] =	vst v0  }
0x108: {  	[tilespmem:$0xB08] =	vst v0  }
0x109: {  	[tilespmem:$0xB18] =	vst v0  }
0x10a: {  	[tilespmem:$0xB28] =	vst v0  }
0x10b: {  	[tilespmem:$0xB38] =	vst v0  }
0x10c: {  	[tilespmem:$0xB48] =	vst v0  }
0x10d: {  	[tilespmem:$0xB58] =	vst v0  }
0x10e: {  	[tilespmem:$0xB68] =	vst v0  }
0x10f: {  	[tilespmem:$0xB78] =	vst v0  }
0x110: {  	[tilespmem:$0xB88] =	vst v0  }
0x111: {  	[tilespmem:$0xB98] =	vst v0  }
0x112: {  	[tilespmem:$0xBA8] =	vst v0  }
0x113: {  	[tilespmem:$0xBB8] =	vst v0  }
0x114: {  	[tilespmem:$0xBC8] =	vst v0  }
0x115: {  	[tilespmem:$0xBD8] =	vst v0  }
0x116: {  	[tilespmem:$0xBE8] =	vst v0  }
0x117: {  	[tilespmem:$0xBF8] =	vst v0  }
0x118: {  	[tilespmem:$0xC08] =	vst v0  }
0x119: {  	[tilespmem:$0xC18] =	vst v0  }
0x11a: {  	[tilespmem:$0xC28] =	vst v0  }
0x11b: {  	[tilespmem:$0xC38] =	vst v0  }
0x11c: {  	[tilespmem:$0xC48] =	vst v0  }
0x11d: {  	[tilespmem:$0xC58] =	vst v0  }
0x11e: {  	[tilespmem:$0xC68] =	vst v0  }
0x11f: {  	[tilespmem:$0xC78] =	vst v0  }
0x120: {  	[tilespmem:$0xC88] =	vst v0  }
0x121: {  	[tilespmem:$0xC98] =	vst v0  }
0x122: {  	[tilespmem:$0xCA8] =	vst v0  }
0x123: {  	[tilespmem:$0xCB8] =	vst v0  }
0x124: {  	[tilespmem:$0xCC8] =	vst v0  }
0x125: {  	[tilespmem:$0xCD8] =	vst v0  }
0x126: {  	[tilespmem:$0xCE8] =	vst v0  }
0x127: {  	[tilespmem:$0xCF8] =	vst v0  }
0x128: {  	[tilespmem:$0xD08] =	vst v0  }
0x129: {  	[tilespmem:$0xD18] =	vst v0  }
0x12a: {  	[tilespmem:$0xD28] =	vst v0  }
0x12b: {  	[tilespmem:$0xD38] =	vst v0  }
0x12c: {  	[tilespmem:$0xD48] =	vst v0  }
0x12d: {  	[tilespmem:$0xD58] =	vst v0  }
0x12e: {  	[tilespmem:$0xD68] =	vst v0  }
0x12f: {  	[tilespmem:$0xD78] =	vst v0  }
0x130: {  	[tilespmem:$0xD88] =	vst v0  }
0x131: {  	[tilespmem:$0xD98] =	vst v0  }
0x132: {  	[tilespmem:$0xDA8] =	vst v0  }
0x133: {  	[tilespmem:$0xDB8] =	vst v0  }
0x134: {  	[tilespmem:$0xDC8] =	vst v0  }
0x135: {  	[tilespmem:$0xDD8] =	vst v0  }
0x136: {  	[tilespmem:$0xDE8] =	vst v0  }
0x137: {  	[tilespmem:$0xDF8] =	vst v0  }
0x138: {  	[tilespmem:$0xE08] =	vst v0  }
0x139: {  	[tilespmem:$0xE18] =	vst v0  }
0x13a: {  	[tilespmem:$0xE28] =	vst v0  }
0x13b: {  	[tilespmem:$0xE38] =	vst v0  }
0x13c: {  	[tilespmem:$0xE48] =	vst v0  }
0x13d: {  	[tilespmem:$0xE58] =	vst v0  }
0x13e: {  	[tilespmem:$0xE68] =	vst v0  }
0x13f: {  	[tilespmem:$0xE78] =	vst v0  }
0x140: {  	[tilespmem:$0xE88] =	vst v0  }
0x141: {  	[tilespmem:$0xE98] =	vst v0  }
0x142: {  	[tilespmem:$0xEA8] =	vst v0  }
0x143: {  	[tilespmem:$0xEB8] =	vst v0  }
0x144: {  	[tilespmem:$0xEC8] =	vst v0  }
0x145: {  	[tilespmem:$0xED8] =	vst v0  }
0x146: {  	[tilespmem:$0xEE8] =	vst v0  }
0x147: {  	[tilespmem:$0xEF8] =	vst v0  }
0x148: {  	[tilespmem:$0xF08] =	vst v0  }
0x149: {  	[tilespmem:$0xF18] =	vst v0  }
0x14a: {  	[tilespmem:$0xF28] =	vst v0  }
0x14b: {  	[tilespmem:$0xF38] =	vst v0  }
0x14c: {  	[tilespmem:$0xF48] =	vst v0  }
0x14d: {  	[tilespmem:$0xF58] =	vst v0  }
0x14e: {  	[tilespmem:$0xF68] =	vst v0  }
0x14f: {  	[tilespmem:$0xF78] =	vst v0  }
0x150: {  	[tilespmem:$0xF88] =	vst v0  }
0x151: {  	[tilespmem:$0xF98] =	vst v0  }
0x152: {  	[tilespmem:$0xFA8] =	vst v0  }
0x153: {  	[tilespmem:$0xFB8] =	vst v0  }
0x154: {  	[tilespmem:$0xFC8] =	vst v0  }
0x155: {  	[tilespmem:$0xFD8] =	vst v0  }
0x156: {  	[tilespmem:$0xFE8] =	vst v0  }
0x157: {  	[tilespmem:$0xFF8] =	vst v0  }
0x158: {  	[tilespmem:$0x1028] =	vst v0  }
0x159: {  	[tilespmem:$0x10E8] =	vst v0  }
0x15a: {  	[tilespmem:$0x1048] =	vst v0  }
0x15b: {  	[tilespmem:$0x1068] =	vst v0  }
0x15c: {  	[tilespmem:$0x1B28] =	vst v0  }
0x15d: {  	[tilespmem:$0x1B18] =	vst v0  }
0x15e: {  	[tilespmem:$0x1B08] =	vst v0  }
0x15f: {  	[tilespmem:$0x1AF8] =	vst v0  }
0x160: {  	[tilespmem:$0x1AE8] =	vst v0  }
0x161: {  	[tilespmem:$0x1AD8] =	vst v0  }
0x162: {  	[tilespmem:$0x1AC8] =	vst v0  }
0x163: {  	[tilespmem:$0x1AB8] =	vst v0  }
0x164: {  	[tilespmem:$0x1AA8] =	vst v0  }
0x165: {  	[tilespmem:$0x1A98] =	vst v0  }
0x166: {  	[tilespmem:$0x1A88] =	vst v0  }
0x167: {  	[tilespmem:$0x1A78] =	vst v0  }
0x168: {  	[tilespmem:$0x1A68] =	vst v0  }
0x169: {  	[tilespmem:$0x1A58] =	vst v0  }
0x16a: {  	[tilespmem:$0x1A48] =	vst v0  }
0x16b: {  	[tilespmem:$0x1A38] =	vst v0  }
0x16c: {  	[tilespmem:$0x1A28] =	vst v0  }
0x16d: {  	[tilespmem:$0x1A18] =	vst v0  }
0x16e: {  	[tilespmem:$0x1A08] =	vst v0  }
0x16f: {  	[tilespmem:$0x19F8] =	vst v0  }
0x170: {  	[tilespmem:$0x19E8] =	vst v0  }
0x171: {  	[tilespmem:$0x19D8] =	vst v0  }
0x172: {  	[tilespmem:$0x19C8] =	vst v0  }
0x173: {  	[tilespmem:$0x19B8] =	vst v0  }
0x174: {  	[tilespmem:$0x19A8] =	vst v0  }
0x175: {  	[tilespmem:$0x1998] =	vst v0  }
0x176: {  	[tilespmem:$0x1988] =	vst v0  }
0x177: {  	[tilespmem:$0x1978] =	vst v0  }
0x178: {  	[tilespmem:$0x1968] =	vst v0  }
0x179: {  	[tilespmem:$0x1958] =	vst v0  }
0x17a: {  	[tilespmem:$0x1948] =	vst v0  }
0x17b: {  	[tilespmem:$0x1938] =	vst v0  }
0x17c: {  	[tilespmem:$0x1928] =	vst v0  }
0x17d: {  	[tilespmem:$0x1918] =	vst v0  }
0x17e: {  	[tilespmem:$0x1908] =	vst v0  }
0x17f: {  	[tilespmem:$0x18F8] =	vst v0  }
0x180: {  	[tilespmem:$0x18E8] =	vst v0  }
0x181: {  	[tilespmem:$0x18D8] =	vst v0  }
0x182: {  	[tilespmem:$0x18C8] =	vst v0  }
0x183: {  	[tilespmem:$0x18B8] =	vst v0  }
0x184: {  	[tilespmem:$0x18A8] =	vst v0  }
0x185: {  	[tilespmem:$0x1898] =	vst v0  }
0x186: {  	[tilespmem:$0x1888] =	vst v0  }
0x187: {  	[tilespmem:$0x1878] =	vst v0  }
0x188: {  	[tilespmem:$0x1868] =	vst v0  }
0x189: {  	[tilespmem:$0x1858] =	vst v0  }
0x18a: {  	[tilespmem:$0x1848] =	vst v0  }
0x18b: {  	[tilespmem:$0x1838] =	vst v0  }
0x18c: {  	[tilespmem:$0x1828] =	vst v0  }
0x18d: {  	[tilespmem:$0x1818] =	vst v0  }
0x18e: {  	[tilespmem:$0x1808] =	vst v0  }
0x18f: {  	[tilespmem:$0x17F8] =	vst v0  }
0x190: {  	[tilespmem:$0x17E8] =	vst v0  }
0x191: {  	[tilespmem:$0x17D8] =	vst v0  }
0x192: {  	[tilespmem:$0x17C8] =	vst v0  }
0x193: {  	[tilespmem:$0x17B8] =	vst v0  }
0x194: {  	[tilespmem:$0x17A8] =	vst v0  }
0x195: {  	[tilespmem:$0x1798] =	vst v0  }
0x196: {  	[tilespmem:$0x1788] =	vst v0  }
0x197: {  	[tilespmem:$0x1778] =	vst v0  }
0x198: {  	[tilespmem:$0x1768] =	vst v0  }
0x199: {  	[tilespmem:$0x1758] =	vst v0  }
0x19a: {  	[tilespmem:$0x1748] =	vst v0  }
0x19b: {  	[tilespmem:$0x1738] =	vst v0  }
0x19c: {  	[tilespmem:$0x1728] =	vst v0  }
0x19d: {  	[tilespmem:$0x1718] =	vst v0  }
0x19e: {  	[tilespmem:$0x1708] =	vst v0  }
0x19f: {  	[tilespmem:$0x16F8] =	vst v0  }
0x1a0: {  	[tilespmem:$0x16E8] =	vst v0  }
0x1a1: {  	[tilespmem:$0x16D8] =	vst v0  }
0x1a2: {  	[tilespmem:$0x16C8] =	vst v0  }
0x1a3: {  	[tilespmem:$0x16B8] =	vst v0  }
0x1a4: {  	[tilespmem:$0x16A8] =	vst v0  }
0x1a5: {  	[tilespmem:$0x1698] =	vst v0  }
0x1a6: {  	[tilespmem:$0x1688] =	vst v0  }
0x1a7: {  	[tilespmem:$0x1678] =	vst v0  }
0x1a8: {  	[tilespmem:$0x1668] =	vst v0  }
0x1a9: {  	[tilespmem:$0x1658] =	vst v0  }
0x1aa: {  	[tilespmem:$0x1648] =	vst v0  }
0x1ab: {  	[tilespmem:$0x1638] =	vst v0  }
0x1ac: {  	[tilespmem:$0x1628] =	vst v0  }
0x1ad: {  	[tilespmem:$0x1618] =	vst v0  }
0x1ae: {  	[tilespmem:$0x1608] =	vst v0  }
0x1af: {  	[tilespmem:$0x15F8] =	vst v0  }
0x1b0: {  	[tilespmem:$0x15E8] =	vst v0  }
0x1b1: {  	[tilespmem:$0x15D8] =	vst v0  }
0x1b2: {  	[tilespmem:$0x15C8] =	vst v0  }
0x1b3: {  	[tilespmem:$0x15B8] =	vst v0  }
0x1b4: {  	[tilespmem:$0x15A8] =	vst v0  }
0x1b5: {  	[tilespmem:$0x1598] =	vst v0  }
0x1b6: {  	[tilespmem:$0x1588] =	vst v0  }
0x1b7: {  	[tilespmem:$0x1578] =	vst v0  }
0x1b8: {  	[tilespmem:$0x1568] =	vst v0  }
0x1b9: {  	[tilespmem:$0x1558] =	vst v0  }
0x1ba: {  	[tilespmem:$0x1548] =	vst v0  }
0x1bb: {  	[tilespmem:$0x1538] =	vst v0  }
0x1bc: {  	[tilespmem:$0x1528] =	vst v0  }
0x1bd: {  	[tilespmem:$0x1518] =	vst v0  }
0x1be: {  	[tilespmem:$0x1508] =	vst v0  }
0x1bf: {  	[tilespmem:$0x14F8] =	vst v0  }
0x1c0: {  	[tilespmem:$0x14E8] =	vst v0  }
0x1c1: {  	[tilespmem:$0x14D8] =	vst v0  }
0x1c2: {  	[tilespmem:$0x14C8] =	vst v0  }
0x1c3: {  	[tilespmem:$0x14B8] =	vst v0  }
0x1c4: {  	[tilespmem:$0x14A8] =	vst v0  }
0x1c5: {  	[tilespmem:$0x1498] =	vst v0  }
0x1c6: {  	[tilespmem:$0x1488] =	vst v0  }
0x1c7: {  	[tilespmem:$0x1478] =	vst v0  }
0x1c8: {  	[tilespmem:$0x1468] =	vst v0  }
0x1c9: {  	[tilespmem:$0x1458] =	vst v0  }
0x1ca: {  	[tilespmem:$0x1448] =	vst v0  }
0x1cb: {  	[tilespmem:$0x1438] =	vst v0  }
0x1cc: {  	[tilespmem:$0x1428] =	vst v0  }
0x1cd: {  	[tilespmem:$0x1418] =	vst v0  }
0x1ce: {  	[tilespmem:$0x1408] =	vst v0  }
0x1cf: {  	[tilespmem:$0x13F8] =	vst v0  }
0x1d0: {  	[tilespmem:$0x13E8] =	vst v0  }
0x1d1: {  	[tilespmem:$0x13D8] =	vst v0  }
0x1d2: {  	[tilespmem:$0x13C8] =	vst v0  }
0x1d3: {  	[tilespmem:$0x13B8] =	vst v0  }
0x1d4: {  	[tilespmem:$0x13A8] =	vst v0  }
0x1d5: {  	[tilespmem:$0x1398] =	vst v0  }
0x1d6: {  	[tilespmem:$0x1388] =	vst v0  }
0x1d7: {  	[tilespmem:$0x1378] =	vst v0  }
0x1d8: {  	[tilespmem:$0x1368] =	vst v0  }
0x1d9: {  	[tilespmem:$0x1358] =	vst v0  }
0x1da: {  	[tilespmem:$0x1348] =	vst v0  }
0x1db: {  	[tilespmem:$0x1338] =	vst v0  }
0x1dc: {  	[tilespmem:$0x1328] =	vst v0  }
0x1dd: {  	[tilespmem:$0x1318] =	vst v0  }
0x1de: {  	[tilespmem:$0x1308] =	vst v0  }
0x1df: {  	[tilespmem:$0x12F8] =	vst v0  }
0x1e0: {  	[tilespmem:$0x12E8] =	vst v0  }
0x1e1: {  	[tilespmem:$0x12D8] =	vst v0  }
0x1e2: {  	[tilespmem:$0x12C8] =	vst v0  }
0x1e3: {  	[tilespmem:$0x12B8] =	vst v0  }
0x1e4: {  	[tilespmem:$0x12A8] =	vst v0  }
0x1e5: {  	[tilespmem:$0x1298] =	vst v0  }
0x1e6: {  	[tilespmem:$0x1288] =	vst v0  }
0x1e7: {  	[tilespmem:$0x1278] =	vst v0  }
0x1e8: {  	[tilespmem:$0x1268] =	vst v0  }
0x1e9: {  	[tilespmem:$0x1258] =	vst v0  }
0x1ea: {  	[tilespmem:$0x1248] =	vst v0  }
0x1eb: {  	[tilespmem:$0x1238] =	vst v0  }
0x1ec: {  	[tilespmem:$0x1228] =	vst v0  }
0x1ed: {  	[tilespmem:$0x1218] =	vst v0  }
0x1ee: {  	[tilespmem:$0x1208] =	vst v0  }
0x1ef: {  	[tilespmem:$0x11F8] =	vst v0  }
0x1f0: {  	[tilespmem:$0x11E8] =	vst v0  }
0x1f1: {  	[tilespmem:$0x11D8] =	vst v0  }
0x1f2: {  	[tilespmem:$0x11C8] =	vst v0  }
0x1f3: {  	[tilespmem:$0x11B8] =	vst v0  }
0x1f4: {  	[tilespmem:$0x11A8] =	vst v0  }
0x1f5: {  	[tilespmem:$0x1198] =	vst v0  }
0x1f6: {  	[tilespmem:$0x1188] =	vst v0  }
0x1f7: {  	[tilespmem:$0x1178] =	vst v0  }
0x1f8: {  	[tilespmem:$0x1168] =	vst v0  }
0x1f9: {  	[tilespmem:$0x1158] =	vst v0  }
0x1fa: {  	[tilespmem:$0x1148] =	vst v0  }
0x1fb: {  	[tilespmem:$0x1138] =	vst v0  }
0x1fc: {  	s4 =	stileid.u32;
	[tilespmem:$0x1128] =	vst v0  }
0x1fd: {  	s0 =	smul.u32 $0x17, s4;
	[tilespmem:$0x1118] =	vst v0  }
0x1fe: {  	s1 =	smin.u32 s4, $0x3;
	[tilespmem:$0x1108] =	vst v0  }
0x1ff: {  	[tilespmem:$0x10F8] =	vst v0;
	s0 =	sadd.s32 s1, s0  }
0x200: {  	p0 =	slt.u32 s4, $0x3;
	[tilespmem:$0x10C8] =	vst v0;
	s1 =	simm.s32 $0x2880;
	s6 =	smul.u32 $0x1B0, s0  }
0x201: {  	s1 =	simm.s32 @!p0 $0x26D0;
	[tilespmem:$0x10D8] =	vst v0  }
0x202: {  	[tilespmem:$0x10B8] =	vst v0;
	s0 =	sadd.s32 s1, s6  }
0x203: {  	s3 =	simm.s32 $0x2;
	[tilespmem:$0x1038] =	vst v0;
	s7 =	smin.u32 s0, $0x27100  }
0x204: {  	s8 =	simm.s32 $0x9;
	s10 =	simm.s32 $0xA;
	[tilespmem:$0x10A8] =	vst v0;
	s0 =	ssub.s32 s7, s6  }
0x205: {  	s30 =	simm.s32 $0xB;
	s16 =	simm.s32 $0x0;
	[tilespmem:$0x1098] =	vst v0;
	p0 =	sgt.s32 s0, $0x0  }
0x206: {  	p4 =	por $0x0, $0x0;
	s17 =	simm.s32 $0xC;
	[tilespmem:$0x1088] =	vst v0;
	s0 =	simm.s32 @!p0 $0x0  }
0x207: {  	s21 =	simm.s32 $0x0;
	s18 =	simm.s32 $0x0;
	[tilespmem:$0x1078] =	vst v0;
	s29 =	smulhi.u32 $0x4BDA12F7, s0  }
0x208: {  	s20 =	simm.s32 $0x0;
	s2 =	sand.u32 $0x1, s2;
	s31 =	sshll.u32 s4, $0x5;
	[tilespmem:$0x1058] =	vst v0  }
0x209: {  	[dreg:$0x5] =	wrdreg s2;
	s2 =	smul.u32 $0x4E20, s2;
	[tilespmem:$0x1018] =	vst v0;
	s1 =	sshrl.u32 s29, $0x7  }
0x20a: {  	[tilespmem:$0x1008] =	vst v0;
	[sflag:s3] =	ssyncpa.u1 $0x0;
	v0 =	vimm.s32 $0xFFFFFFFF;
	s3 =	sadd.s32 $0x69000, s11;
	s5 =	smul.u32 $0x1B0, s1  }
.Ltmp7:
0x20b: {  	[dreg:$0x4] =	wrdreg s31;
	[tilespmem:$0x3648] =	vst v0;
	[sflag:s8] =	ssyncpa.u1 $0x0;
	(pc) =	sbr.rel .LBB3_1-.Ltmp7, $4  }
0x20c: {  	s2 =	sadd.s32 s2, s11;
	[sflag:s10] =	ssyncpa.u1 $0x0;
	p0 =	sne.s32 s0, s5  }
0x20d: {  	s11 =	sadd.s32 $0xE0800, s11;
	[sflag:s30] =	ssyncpa.u1 $0x0;
	s12 =	simm.s32 @!p0 $0x0  }
0x20e: {  	s13 =	sadd.s32 $0x9BA00, s2;
	s14 =	sadd.s32 $0x91C00, s2;
	s12 =	sadd.s32 s12, s1  }
0x20f: {  	v0 =	vlaneseq.u32;
	s19 =	smov.u32 s6;
	p0 =	por $0x1, $0x1;
	s15 =	sadd.s32 $0x1, s12  }
.LBB3_18:
0x210: {  	s0 =	simm.s32 $0x2  }
0x211: {  	_ =	swait.ge [sflag:s0], $0x0  }
0x212: {  	[sflag:s0] =	ssyncset.done $0x0;
	s0 =	simm.s32 $0x0  }
.LBB3_19:
0x213: {  	_ =	swait.ge [sflag:s17], s0  }
0x214: {  	s31 =	ssub.s32 $0x0, s0;
	v1 =	vmov s23;
	vm0 =	veq.s32 v0, $0x0;
	[sflag:s17] =	ssyncset.done $0x0  }
0x215: {  	vm15 =	veq.s32 v0, $0x2;
	v1 =	vsel vm0, s28, v1;
	[sflag:s17] =	ssyncadd.s32 s31  }
0x216: {  	v1 =	vsel vm15, s21, v1;
	[sflag:s17] =	ssyncpa.u1 $0x1  }
0x217: {  	[tilespmem:$0x3648] =	vst v1  }
.LBB3_20:
0x218: {  	s0 =	sadd.s32 $0x1B0, s19  }
0x219: {  	s1 =	smov.u32 s6;
	p1 =	slt.s32 s0, s7  }
0x21a: {  	s1 =	smov.u32 @p1 s0;
	p1 =	sne.s32 s20, s15  }
.Ltmp8:
0x21b: {  	_ = 	snop;
	(pc) =	sbr.rel @!p1 .LBB3_21-.Ltmp8, $4  }
0x21c: {  	_ = 	snop  }
0x21d: {  	s21 =	smov.u32 s18  }
0x21e: {  	s31 =	sadd.s32 $0x1, s20;
	s18 =	smov.u32 s19;
	p0 =	por !p0, !p0  }
0x21f: {  	p4 =	por !p4, !p4;
	s20 =	smov.u32 s31;
	s19 =	smov.u32 s1  }
.LBB3_1:
0x220: {  	p2 =	sge.u32 s20, s12  }
0x221: {  	s0 =	smulhi.u32 @!p2 $0xAAAAAAAB, s20  }
0x222: {  	s1 =	smov.u32 s19;
	p3 =	sgt.s32 @!p2 s19, $0x26F50  }
0x223: {  	s2 =	sshra.s32 @!p2 s19, $0x1F;
	p3 =	por !p3, p2;
	s0 =	sshrl.u32 @!p2 s0, $0x1  }
0x224: {  	s2 =	sand.u32 @!p2 s2, s19;
	s1 =	simm.s32 @p3 $0x26F50;
	s0 =	smul.u32 @!p2 $0x3, s0  }
0x225: {  	s1 =	ssub.s32 @!p2 s1, s2  }
0x226: {  	s23 =	sadd.s32 $0xFFFFFFFF, s20;
	s1 =	sadd.s32 @!p2 $0xFFFD90B0, s1;
	s0 =	ssub.s32 @!p2 s20, s0  }
0x227: {  	s2 =	sshll.u32 @!p2 s1, $0x2;
	p3 =	sgt.s32 @!p2 s1, $0x1AF;
	s0 =	smul.u32 @!p2 $0x6C0, s0  }
0x228: {  	s5 =	sand.u32 @!p2 $0x7, s19;
	s1 =	ssub.s32 @!p2 $0x6C0, s2;
	p3 =	por !p3, p2  }
0x229: {  	s2 =	sshrl.u32 @!p2 s19, $0x3;
	s1 =	sshrl.u32 @!p2 s1, $0x2;
	s0 =	sshrl.u32 @!p2 s0, $0x2  }
0x22a: {  	s2 =	sadd.s32 @!p2 s2, s13;
	s1 =	simm.s32 @!p3 $0x0;
	s0 =	sadd.s32 @!p2 $0x3888, s0  }
0x22b: {  	[tilespmem:s0], [sflag:$0xA] =	stream.linear.gather @!p2 [hbm4b:s2+s5], s1, $0x38;
	[tilespmem:$0x1F0F8] =	vst v63  }
0x22c: {  	p2 =	sge.u32 s23, s12  }
0x22d: {  	p3 =	sgt.s32 @!p2 s18, $0x26F50  }
0x22e: {  	s0 =	smov.u32 s18;
	s1 =	sshra.s32 @!p2 s18, $0x1F;
	p3 =	por !p3, p2  }
0x22f: {  	s1 =	sand.u32 @!p2 s1, s18;
	s0 =	simm.s32 @p3 $0x26F50  }
0x230: {  	s0 =	ssub.s32 @!p2 s0, s1  }
0x231: {  	s0 =	sadd.s32 @!p2 $0xFFFD90B0, s0  }
0x232: {  	s1 =	sshll.u32 @!p2 s0, $0x2  }
0x233: {  	p3 =	sgt.s32 @!p2 s0, $0x1AF;
	s0 =	ssub.s32 @!p2 $0x6C0, s1  }
0x234: {  	s22 =	ssub.s32 @!p2 $0x27100, s18;
	p3 =	por !p3, p2;
	s0 =	sshrl.u32 @!p2 s0, $0x2  }
0x235: {  	s1 =	sand.u32 @!p2 $0x1, s23;
	s0 =	simm.s32 @!p3 $0x0;
	p3 =	slt.s32 @!p2 s22, $0x1  }
0x236: {  	s2 =	simm.s32 @!p2 $0xA;
	s1 =	smul.u32 @!p2 $0x6C0, s1;
	p3 =	por p2, p3  }
.Ltmp9:
0x237: {  	_ =	swait.ge @!p2 [sflag:s2], s0;
	(pc) =	sbr.rel @p3 .LBB3_7-.Ltmp9, $4  }
0x238: {  	s5 =	ssub.s32 @!p2 $0x0, s0;
	[sflag:s2] =	ssyncset.done @!p2 $0x0  }
0x239: {  	s1 =	sshrl.u32 @!p2 s1, $0x2;
	[sflag:s2] =	ssyncadd.s32 @!p2 s5;
	s2 =	sshrl.u32 @!p2 s18, $0x3  }
0x23a: {  	s1 =	sadd.s32 @!p2 $0x3D98, s1;
	s5 =	sand.u32 @!p2 $0x7, s18;
	s2 =	sadd.s32 @!p2 s2, s14  }
0x23b: {  	[tilespmem:s1], [sflag:$0xB] =	stream.linear.gather @!p2 [hbm4b:s2+s5], s0, $0x38;
	[tilespmem:$0x1F0F8] =	vst v63  }
0x23c: {  	s0 =	smulhi.u32 $0xAAAAAAAB, s23;
	_ =	sdelay $0x1  }
0x23d: {  	s0 =	sshrl.u32 s0, $0x1  }
0x23e: {  	s0 =	smul.u32 $0x3, s0;
	_ =	sdelay $0x1  }
0x23f: {  	s0 =	ssub.s32 s23, s0  }
0x240: {  	s1 =	simm.s32 $0x1;
	s0 =	smul.u32 $0x6C0, s0  }
.Ltmp10:
0x241: {  	s1 =	simm.s32 @!p0 $0x0;
	(pc) =	sbr.rel .LBB3_4-.Ltmp10, $4  }
0x242: {  	s1 =	smul.u32 $0x36000, s1  }
0x243: {  	p3 =	slt.s32 @!p2 s22, $0x1B0;
	s0 =	sshrl.u32 s0, $0x2  }
0x244: {  	p2 =	por !p3, p2;
	s1 =	sshrl.u32 s1, $0x2;
	s0 =	sadd.s32 $0x3888, s0  }
0x245: {  	s24 =	simm.s32 $0x0;
	s22 =	simm.s32 @p2 $0x1B0;
	s23 =	sadd.s32 $0x40F8, s1;
	v1 =	vmov s0  }
.LBB3_3:
0x246: {  	p2 =	sge.s32 s24, s22  }
.Ltmp11:
0x247: {  	_ = 	snop;
	(pc) =	sbr.rel @p2 .LBB3_7-.Ltmp11, $2  }
0x248: {  	_ =	sdelay $0x2  }
0x249: {  	s23 =	sadd.s32 $0x800, s23  }
.LBB3_4:
0x24a: {  	p2 =	sle.s32 s22, s24  }
.Ltmp12:
0x24b: {  	_ = 	snop;
	(pc) =	sbr.rel @p2 .LBB3_3-.Ltmp12, $2  }
0x24c: {  	_ =	sdelay $0x2  }
0x24d: {  	s0 =	smov.u32 s24;
	s24 =	sadd.s32 $0x10, s24  }
0x24e: {  	s1 =	ssub.s32 s22, s0  }
0x24f: {  	p2 =	slt.s32 s1, $0x10  }
0x250: {  	s1 =	simm.s32 @!p2 $0x10  }
0x251: {  	v2 =	vmov s1  }
0x252: {  	vm0 =	vgt.s32 v2, v0;
	_ =	sdelay $0x5  }
0x253: {  	v2 =	vld.idx.msk [tilespmem:v1+s0+$0x0 ss:$0x1], vm0;
	_ =	sdelay $0x2  }
0x254: {  	p2 =	slt.s32 s24, s22;
	s1 =	smov.u32 s22  }
0x255: {  	s2 =	smov.u32 s23;
	s25 =	simm.s32 $0x0;
	s1 =	smov.u32 @p2 s24  }
.LBB3_6:
0x256: {  	(v2sf) =	vpush v2, s25;
	_ =	sdelay $0xc  }
0x257: {  	s25 =	sadd.s32 $0x1, s25  }
0x258: {  	s31 =	sadd.s32 s25, s0  }
0x259: {  	p2 =	slt.s32 s31, s1;
	s5 =	spop (v2sf)  }
.Ltmp13:
0x25a: {  	s5 =	sshll.u32 s5, $0x4;
	(pc) =	sbr.rel @p2 .LBB3_6-.Ltmp13, $4  }
0x25b: {  	s5 =	sand.u32 $0x1FFFFFF0, s5  }
0x25c: {  	s5 =	sadd.s32 s11, s5  }
0x25d: {  	[tilespmem:s2], [sflag:$0x9] =	stream.linear.gather [hbm4b:s5+s16], $0x8, $0x38;
	[tilespmem:$0x1F0F8] =	vst v63  }
0x25e: {  	s2 =	sadd.s32 $0x80, s2  }
.Ltmp14:
0x25f: {  	_ = 	snop;
	(pc) =	sbr.rel .LBB3_3-.Ltmp14, $1  }
0x260: {  	_ =	sdelay $0x3  }
.LBB3_7:
0x261: {  	p2 =	slt.u32 s20, $0x2  }
.Ltmp15:
0x262: {  	_ = 	snop;
	(pc) =	sbr.rel @p2 .LBB3_20-.Ltmp15, $1  }
0x263: {  	_ =	sdelay $0x3  }
0x264: {  	p2 =	sgt.s32 s21, $0x26F50  }
0x265: {  	s0 =	smov.u32 s21;
	s1 =	sshra.s32 s21, $0x1F;
	s2 =	ssub.s32 $0x27100, s21  }
0x266: {  	s0 =	simm.s32 @!p2 $0x26F50;
	s1 =	sand.u32 s1, s21;
	p2 =	slt.s32 s2, $0x1B0  }
0x267: {  	s0 =	ssub.s32 s0, s1;
	s2 =	simm.s32 @!p2 $0x1B0  }
0x268: {  	s0 =	sadd.s32 $0xFFFD90B0, s0;
	s24 =	sshll.u32 s2, $0x3  }
0x269: {  	s28 =	simm.s32 $0x9;
	s25 =	sshll.u32 s0, $0x2;
	s1 =	sand.u32 $0x3FFFFFF8, s24  }
0x26a: {  	p2 =	sgt.s32 s0, $0x1AF;
	s26 =	ssub.s32 $0x6C0, s25;
	_ =	swait.ge [sflag:s28], s1  }
0x26b: {  	s1 =	ssub.s32 $0x0, s1;
	[sflag:s28] =	ssyncset.done $0x0;
	s0 =	sshrl.u32 s26, $0x2  }
0x26c: {  	s30 =	simm.s32 $0xB;
	[sflag:s28] =	ssyncadd.s32 s1;
	s0 =	simm.s32 @p2 $0x0  }
0x26d: {  	_ =	swait.ge [sflag:s30], s0  }
0x26e: {  	s0 =	ssub.s32 $0x0, s0;
	[sflag:s30] =	ssyncset.done $0x0  }
0x26f: {  	[sflag:s30] =	ssyncadd.s32 s0  }
0x270: {  	v1 =	vld [tilespmem:$0x3648];
	_ =	sdelay $0x4  }
0x271: {  	(v2sf) =	vpush v1, $0x0  }
0x272: {  	(v2sf) =	vpush v1, $0x1  }
0x273: {  	(v2sf) =	vpush v1, $0x2;
	_ =	sdelay $0x3  }
0x274: {  	s0 =	sadd.s32 $0x1B0, s21  }
0x275: {  	s1 =	ssub.s32 $0x4E200, s21;
	p2 =	slt.s32 s7, s0  }
0x276: {  	s0 =	smov.u32 @p2 s7;
	p2 =	sgt.s32 s1, $0x0  }
0x277: {  	s25 =	ssub.s32 s0, s21;
	s1 =	simm.s32 @!p2 $0x0  }
0x278: {  	p2 =	slt.s32 s1, s25  }
0x279: {  	s25 =	smov.u32 @p2 s1  }
0x27a: {  	s24 =	simm.s32 $0x1;
	p2 =	slt.s32 s25, $0x1  }
.Ltmp16:
0x27b: {  	s24 =	simm.s32 @!p4 $0x0;
	(pc) =	sbr.rel @p2 .LBB3_12-.Ltmp16, $4  }
0x27c: {  	s31 =	smul.u32 $0x6C0, s24  }
0x27d: {  	s26 =	spop (v2sf)  }
0x27e: {  	s0 =	sshrl.u32 s31, $0x2;
	s29 =	spop (v2sf)  }
0x27f: {  	s22 =	sadd.s32 $0x3D98, s0;
	s21 =	spop (v2sf)  }
0x280: {  	s0 =	smin.u32 s25, $0x10  }
0x281: {  	v1 =	vmov s0  }
0x282: {  	p3 =	sgt.s32 s25, $0x10;
	vm1 =	vgt.u32 v1, v0  }
.Ltmp17:
0x283: {  	_ = 	snop;
	(pc) =	sbr.rel @!p3 .LBB3_11-.Ltmp17, $2  }
0x284: {  	_ =	sdelay $0x2  }
0x285: {  	s23 =	simm.s32 $0x10;
	s28 =	sadd.s32 $0xFFFFFFF0, s25;
	s0 =	smov.u32 s22;
	vm0 =	vmmov vm1  }
.LBB3_10:
0x286: {  	s1 =	smin.u32 s28, $0x10;
	s23 =	sadd.s32 $0x10, s23;
	v1 =	vld.msk [tilespmem:s0+$0x0 ss:$0x1], vm1  }
0x287: {  	v2 =	vmov s1;
	p3 =	slt.s32 s23, s25  }
0x288: {  	vm1 =	vgt.u32 v2, v0  }
.Ltmp18:
0x289: {  	(pc) =	sbr.rel @p3 .LBB3_10-.Ltmp18, $3  }
0x28a: {  	_ =	sdelay $0x1  }
0x28b: {  	v1 =	vshll.u32 v1, $0x4  }
0x28c: {  	s28 =	sadd.s32 $0xFFFFFFF0, s28;
	[tilespmem:s0+$0x0] =	vst.msk vm0, v1;
	s0 =	sadd.s32 $0x10, s0;
	vm0 =	vmmov vm1  }
.LBB3_11:
0x28d: {  	_ =	sdelay $0x4  }
0x28e: {  	v1 =	vld.msk [tilespmem:s0+$0x0 ss:$0x1], vm1;
	_ =	sdelay $0x4  }
0x28f: {  	v1 =	vshll.u32 v1, $0x4  }
0x290: {  	[tilespmem:s0+$0x0] =	vst.msk vm0, v1  }
.LBB3_12:
0x291: {  	s0 =	sand.u32 $0x1, s20  }
0x292: {  	s1 =	smul.u32 $0x1B0, s0  }
0x293: {  	p3 =	sne.s32 s29, $0xFFFFFFFF  }
0x294: {  	v1 =	vld.msk @!p3 [tilespmem:s1+$0x3D98], $0x1;
	_ =	sdelay $0x4  }
0x295: {  	(v2sf) =	vpush @!p3 v1, $0x0;
	_ =	sdelay $0x9  }
0x296: {  	s0 =	smul.u32 $0xD800, s0;
	_ =	sdelay $0x1  }
0x297: {  	v1 =	vld.msk @!p3 [tilespmem:s0+$0x40F8], $0xff  }
.Ltmp19:
0x298: {  	_ = 	snop;
	(pc) =	sbr.rel @p2 .LBB3_18-.Ltmp19, $4  }
0x299: {  	_ = 	snop  }
0x29a: {  	s28 =	spop @!p3 (v2sf)  }
0x29b: {  	s21 =	simm.s32 @!p3 $0x0;
	s0 =	simm.s32 @!p3 $0x28;
	s23 =	smov.u32 s28  }
0x29c: {  	[tilespmem:s0+$0x0] =	vst.msk @!p3 $0xff, v1;
	[sflag:s17] =	ssyncpa.u1 $0x0;
	s28 =	smov.u32 @p3 s26;
	s23 =	smov.u32 @p3 s29  }
0x29d: {  	v1 =	vld.msk [tilespmem:s22+$0x0], $0x1;
	_ =	sdelay $0x4  }
0x29e: {  	(v2sf) =	vpush v1, $0x0;
	_ =	sdelay $0xe  }
0x29f: {  	s0 =	simm.s32 @!p4 $0x0;
	s26 =	smul.u32 $0x36000, s24;
	s31 =	spop (v2sf)  }
0x2a0: {  	s29 =	ssub.s32 $0x0, s25;
	s0 =	simm.s32 @p4 $0x1;
	p2 =	seq.s32 s28, s31  }
0x2a1: {  	s1 =	smov.u32 s28;
	[smem:$0x7FD] =	sst s0;
	p3 =	sgt.s32 @!p2 s28, $0x0  }
0x2a2: {  	s0 =	sshrl.u32 s26, $0x2;
	s26 =	sadd.s32 $0x1, s29;
	p3 =	por !p3, p2  }
0x2a3: {  	s1 =	simm.s32 @p3 $0x0;
	p3 =	seq.s32 s26, $0x0  }
.Ltmp20:
0x2a4: {  	_ = 	snop;
	(pc) =	sbr.rel @p3 .LBB3_15-.Ltmp20, $4  }
0x2a5: {  	s25 =	simm.s32 $0x0  }
0x2a6: {  	s24 =	sadd.s32 $0x40F8, s0;
	s0 =	simm.s32 @!p2 $0x1;
	s2 =	smin.u32 @!p2 s1, $0x270FF  }
0x2a7: {  	s30 =	sadd.s32 $0x1, s22;
	s0 =	smov.u32 @p2 s25;
	s5 =	sand.u32 @!p2 $0x3FFF8, s2  }
0x2a8: {  	s1 =	simm.s32 @!p2 $0x1B38;
	s2 =	sand.u32 @!p2 $0x7, s2;
	s5 =	sadd.s32 @!p2 s3, s5  }
.LBB3_14:
0x2a9: {  	s4 =	smov.u32 s0  }
0x2aa: {  	[tilespmem:s1], [sflag:$0x2] =	stream.linear.gather @!p2 [hbm4b:s5+s2], $0x8, $0x38;
	[tilespmem:$0x1F0F8] =	vst v63  }
0x2ab: {  	s26 =	sadd.s32 $0x1, s26;
	s2 =	smov.u32 s31;
	v1 =	vld.msk [tilespmem:s30+$0x0], $0x1  }
0x2ac: {  	p3 =	seq.s32 s26, $0x0;
	_ =	sdelay $0x3  }
0x2ad: {  	(v2sf) =	vpush v1, $0x0;
	_ =	sdelay $0xe  }
0x2ae: {  	s31 =	spop (v2sf)  }
0x2af: {  	p2 =	seq.s32 s2, s31  }
0x2b0: {  	p4 =	sgt.s32 @!p2 s2, $0x0;
	s1 =	sshll.u32 @!p2 s0, $0x6;
	s0 =	sadd.s32 @!p2 $0x1, s0  }
.Ltmp21:
0x2b1: {  	p4 =	por !p4, p2;
	s1 =	sshra.s32 @!p2 s1, $0x2;
	(pc) =	sbr.rel @!p3 .LBB3_14-.Ltmp21, $4  }
0x2b2: {  	s0 =	smov.u32 @p2 s4;
	s2 =	simm.s32 @p4 $0x0;
	s1 =	sadd.s32 @!p2 $0x1B38, s1  }
0x2b3: {  	s2 =	smin.u32 @!p2 s2, $0x270FF  }
0x2b4: {  	s4 =	sand.u32 @!p2 $0x3FFF8, s2;
	s2 =	sand.u32 @!p2 $0x7, s2  }
0x2b5: {  	s30 =	sadd.s32 $0x1, s30;
	s5 =	sadd.s32 @!p2 s3, s4  }
.LBB3_15:
0x2b6: {  	[tilespmem:s1], [sflag:$0x2] =	stream.linear.gather @!p2 [hbm4b:s5+s2], $0x8, $0x38;
	[tilespmem:$0x1F0F8] =	vst v63  }
0x2b7: {  	s0 =	sshll.u32 s0, $0x3  }
0x2b8: {  	s31 =	simm.s32 $0x2;
	s0 =	sand.u32 $0x3FFFFFF8, s0  }
0x2b9: {  	_ =	swait.ge [sflag:s31], s0  }
0x2ba: {  	s0 =	ssub.s32 $0x0, s0;
	[sflag:s31] =	ssyncset.done $0x0  }
0x2bb: {  	[sflag:s31] =	ssyncadd.s32 s0  }
0x2bc: {  	v1 =	vld.msk [tilespmem:s22+$0x0], $0x1;
	_ =	sdelay $0x4  }
0x2bd: {  	(v2sf) =	vpush v1, $0x0;
	_ =	sdelay $0xe  }
0x2be: {  	s26 =	spop (v2sf)  }
0x2bf: {  	p2 =	sne.s32 s28, s26  }
0x2c0: {  	p4 =	sne.s32 @p2 s28, s23  }
0x2c1: {  	p3 =	por !p4, !p2  }
0x2c2: {  	s0 =	sshll.u32 @!p3 s21, $0x6;
	s1 =	simm.s32 @!p3 $0x0  }
0x2c3: {  	s0 =	sshra.s32 @!p3 s0, $0x2;
	v1 =	vld.msk @!p3 [tilespmem:s1+$0x1B38], $0xff  }
0x2c4: {  	v2 =	vld.msk @!p3 [tilespmem:s0+$0x28], $0xff;
	_ =	sdelay $0x1  }
0x2c5: {  	p5 =	sgt.u32 @!p3 s28, $0x270FF  }
0x2c6: {  	p6 =	por @p2 p5, !p4  }
0x2c7: {  	p1 =	por p6, !p2;
	p6 =	por p4, !p2  }
0x2c8: {  	s2 =	sadd.s32 @!p3 $0x28, s0;
	s1 =	sand.u32 @!p1 $0x3FFF8, s28;
	s4 =	sshll.u32 @!p6 s21, $0x6;
	v1 =	vmax.f32 @!p3 v1, v2  }
0x2c9: {  	s28 =	sand.u32 @!p1 $0x7, s28;
	s1 =	sadd.s32 @!p1 s3, s1;
	[tilespmem:s0+$0x28] =	vst.msk @!p3 $0xff, v1;
	s0 =	sshra.s32 @!p6 s4, $0x2  }
0x2ca: {  	[hbm4b:s1+s28] =	stream.linear.scatter @!p1 [tilespmem:s2], [sflag:$0xC], $0x8, $0x38;
	[tilespmem:$0x1F0F8] =	vst v63  }
0x2cb: {  	s5 =	rddreg [dreg:$0x4];
	s0 =	sadd.s32 @!p6 $0x28, s0;
	s1 =	simm.s32 @!p6 $0x1  }
0x2cc: {  	[spmem:s5] =	stream.linear.scatter @!p6 [tilespmem:s0], [sflag:$0x1], $0x8, $0x38;
	[tilespmem:$0x1F0F8] =	vst v63  }
0x2cd: {  	s0 =	sadd.s32 @p2 $0x1, s21;
	_ =	swait.ge @!p6 [sflag:s1], $0x8  }
0x2ce: {  	s2 =	sshrl.u32 @p2 s0, $0x4;
	[sflag:s1] =	ssyncset.done @!p6 $0x0  }
0x2cf: {  	s2 =	smulhi.u32 @p2 $0x97B425F, s2;
	[sflag:s1] =	ssyncadd.s32 @!p6 $0xFFFFFFF8  }
0x2d0: {  	v1 =	vld.msk @p2 [tilespmem:s24+$0x0], $0xff  }
0x2d1: {  	s28 =	sadd.s32 $0x1, s29;
	p1 =	por @p2 !p5, !p4;
	s1 =	smul.u32 @p2 $0x1B0, s2  }
0x2d2: {  	p1 =	por !p1, !p2;
	p6 =	seq.s32 s28, $0x0  }
.Ltmp22:
0x2d3: {  	s2 =	simm.s32 @!p3 $0x0;
	s1 =	ssub.s32 @p2 s0, s1;
	(pc) =	sbr.rel @p6 .LBB3_17-.Ltmp22, $4  }
0x2d4: {  	s2 =	simm.s32 @!p1 $0x20;
	s4 =	sshll.u32 @p2 s1, $0x4  }
0x2d5: {  	s29 =	simm.s32 $0x0;
	s0 =	sshll.u32 @!p2 s21, $0x6;
	s2 =	sadd.s32 @!p3 $0x0, s2;
	[tilespmem:s4+$0x28] =	vst.msk @p2 $0xff, v1  }
0x2d6: {  	s5 =	simm.s32 @p2 $0x1;
	s2 =	smov.u32 @p3 s25;
	s0 =	sshra.s32 @!p2 s0, $0x2;
	v1 =	vld.msk @!p2 [tilespmem:s24+$0x0], $0xff  }
0x2d7: {  	s29 =	smov.u32 @p2 s5;
	s21 =	smov.u32 @p2 s1;
	s25 =	smov.u32 @p2 s2;
	v2 =	vld.msk @!p2 [tilespmem:s0+$0x28], $0xff  }
.LBB3_16:
0x2d8: {  	_ =	sdelay $0x3  }
0x2d9: {  	v1 =	vmax.f32 @!p2 v1, v2  }
0x2da: {  	s22 =	sadd.s32 $0x1, s22;
	[tilespmem:s0+$0x28] =	vst.msk @!p2 $0xff, v1  }
0x2db: {  	v1 =	vld.msk [tilespmem:s22+$0x0], $0x1;
	_ =	sdelay $0x4  }
0x2dc: {  	(v2sf) =	vpush v1, $0x0;
	_ =	sdelay $0xe  }
0x2dd: {  	s30 =	smov.u32 s26;
	s26 =	spop (v2sf)  }
0x2de: {  	p2 =	sne.s32 s30, s26  }
0x2df: {  	p5 =	sne.s32 @p2 s30, s23  }
0x2e0: {  	s0 =	sadd.s32 @p2 $0x1, s21;
	p4 =	por !p5, !p2  }
0x2e1: {  	s31 =	sshll.u32 @!p2 s21, $0x6;
	s2 =	sadd.s32 @p2 $0x1, s29;
	s4 =	sshll.u32 @!p4 s29, $0x6  }
0x2e2: {  	s1 =	sshrl.u32 @p2 s0, $0x4;
	s5 =	sshll.u32 @!p4 s21, $0x6;
	s4 =	sshra.s32 @!p4 s4, $0x2  }
0x2e3: {  	p1 =	sgt.u32 @!p4 s30, $0x270FF;
	s1 =	smulhi.u32 @p2 $0x97B425F, s1;
	s5 =	sshra.s32 @!p4 s5, $0x2;
	v1 =	vld.msk @!p4 [tilespmem:s4+$0x1B38], $0xff  }
0x2e4: {  	s8 =	simm.s32 @!p4 $0x0;
	s29 =	smov.u32 @p2 s2;
	p6 =	por @p2 p1, !p5;
	v2 =	vld.msk @!p4 [tilespmem:s5+$0x28], $0xff  }
0x2e5: {  	p1 =	por @p2 !p1, !p5;
	p5 =	por p5, !p2;
	s4 =	sadd.s32 @!p4 $0x28, s5  }
0x2e6: {  	p6 =	por p6, !p2;
	p1 =	por !p1, !p2;
	s1 =	smul.u32 @p2 $0x1B0, s1  }
0x2e7: {  	s10 =	sshll.u32 @!p5 s21, $0x6;
	s9 =	sand.u32 @!p6 $0x3FFF8, s30;
	s8 =	simm.s32 @!p1 $0x20  }
0x2e8: {  	s30 =	sand.u32 @!p6 $0x7, s30;
	s9 =	sadd.s32 @!p6 s3, s9;
	s2 =	sadd.s32 @!p4 s8, s25  }
0x2e9: {  	s8 =	rddreg [dreg:$0x4];
	s0 =	ssub.s32 @p2 s0, s1;
	s2 =	smov.u32 @p4 s25;
	v1 =	vmax.f32 @!p4 v1, v2  }
0x2ea: {  	s1 =	sshll.u32 @p2 s0, $0x4;
	s25 =	smov.u32 @p2 s2;
	s2 =	sshra.s32 @!p5 s10, $0x2;
	[tilespmem:s5+$0x28] =	vst.msk @!p4 $0xff, v1  }
0x2eb: {  	[hbm4b:s9+s30] =	stream.linear.scatter @!p6 [tilespmem:s4], [sflag:$0xC], $0x8, $0x38;
	[tilespmem:$0x1F0F8] =	vst v63  }
0x2ec: {  	s21 =	smov.u32 @p2 s0;
	s0 =	sadd.s32 @!p5 $0x28, s2;
	s2 =	simm.s32 @!p5 $0x1  }
0x2ed: {  	[spmem:s8] =	stream.linear.scatter @!p5 [tilespmem:s0], [sflag:$0x1], $0x8, $0x38;
	[tilespmem:$0x1F0F8] =	vst v63  }
0x2ee: {  	_ =	swait.ge @!p5 [sflag:s2], $0x8  }
0x2ef: {  	[sflag:s2] =	ssyncset.done @!p5 $0x0  }
0x2f0: {  	s24 =	sadd.s32 $0x80, s24;
	[sflag:s2] =	ssyncadd.s32 @!p5 $0xFFFFFFF8  }
0x2f1: {  	v1 =	vld.msk @p2 [tilespmem:s24+$0x0], $0xff  }
0x2f2: {  	s28 =	sadd.s32 $0x1, s28  }
0x2f3: {  	p3 =	seq.s32 s28, $0x0  }
.Ltmp23:
0x2f4: {  	_ = 	snop;
	(pc) =	sbr.rel @!p3 .LBB3_16-.Ltmp23, $4  }
0x2f5: {  	_ = 	snop  }
0x2f6: {  	[tilespmem:s1+$0x28] =	vst.msk @p2 $0xff, v1  }
0x2f7: {  	s0 =	sshra.s32 @!p2 s31, $0x2;
	v1 =	vld.msk @!p2 [tilespmem:s24+$0x0], $0xff  }
0x2f8: {  	v2 =	vld.msk @!p2 [tilespmem:s0+$0x28], $0xff  }
.LBB3_17:
0x2f9: {  	_ = 	snop  }
.Ltmp24:
0x2fa: {  	_ = 	snop;
	(pc) =	sbr.rel .LBB3_19-.Ltmp24, $3  }
0x2fb: {  	s1 =	sld [smem:$0x7FD];
	_ =	sdelay $0x1  }
0x2fc: {  	v1 =	vmax.f32 @!p2 v1, v2  }
0x2fd: {  	s28 =	smov.u32 s26;
	p4 =	seq.s32 s1, $0x1;
	[tilespmem:s0+$0x28] =	vst.msk @!p2 $0xff, v1;
	s0 =	sshrl.u32 s25, $0x2  }
.LBB3_21:
0x2fe: {  	_ =	sfence.sel $0x180000  }
0x2ff: {  	s0 =	simm.s32 $0x9;
	[bflag:$0x0] =	sbarrier.arrive $0xFFFF  }
0x300: {  	s24 =	simm.s32 $0xA;
	[sflag:s0] =	ssyncpa.u1 $0x1  }
0x301: {  	s25 =	simm.s32 $0xB;
	[sflag:s24] =	ssyncpa.u1 $0x1  }
0x302: {  	s26 =	simm.s32 $0x2;
	[sflag:s25] =	ssyncpa.u1 $0x1  }
0x303: {  	[sflag:s26] =	ssyncpa.u1 $0x1  }
0x304: {  	v0 =	vld [tilespmem:$0x3648];
	_ =	sdelay $0x4  }
0x305: {  	(v2sf) =	vpush v0, $0x0  }
0x306: {  	(v2sf) =	vpush v0, $0x1;
	_ =	sdelay $0x1  }
0x307: {  	(v2sf) =	vpush v0, $0x2;
	_ =	sdelay $0xb  }
0x308: {  	s0 =	spop (v2sf)  }
0x309: {  	s1 =	spop (v2sf)  }
0x30a: {  	s2 =	smov.u32 s0;
	p0 =	sne.s32 s0, s1  }
0x30b: {  	s4 =	spop (v2sf);
	s2 =	simm.s32 @!p0 $0xFFFFFFFF  }
0x30c: {  	v2 =	vimm.s32 $0x1;
	v3 =	vlaneseq.u32;
	p0 =	seq.s32 s4, $0xFFFFFFFF;
	v1 =	vmov s2  }
0x30d: {  	s16 =	stileid.u32;
	v0 =	vperm.xlane v0, v2;
	p1 =	sne.s32 @!p0 s0, s1;
	v1 =	vperm.xlane v1, v3  }
0x30e: {  	vm0 =	vcmask $0x3F04;
	s6 =	simm.s32 $0x3648;
	s0 =	simm.s32 @!p0 $0x1;
	p1 =	por !p1, p0  }
0x30f: {  	s2 =	sshll.u32 s16, $0x1;
	s1 =	sshll.u32 @!p0 s4, $0x6;
	s0 =	simm.s32 @p1 $0x0;
	v0 =	vsel vm0, v1, v0  }
0x310: {  	s5 =	sor.u32 $0x200, s2;
	s1 =	sshra.s32 @!p0 s1, $0x2;
	s0 =	sor.u32 @!p0 s0, s2;
	[tilespmem:$0x3648] =	vst v0  }
0x311: {  	[spmem:s5] =	stream.linear.scatter [tilespmem:s6], [sflag:$0x1], $0x2, $0x38;
	[tilespmem:$0x1F0F8] =	vst v63  }
0x312: {  	s1 =	sadd.s32 @!p0 $0x28, s1;
	s0 =	sshll.u32 @!p0 s0, $0x4  }
0x313: {  	[spmem:s0] =	stream.linear.scatter @!p0 [tilespmem:s1], [sflag:$0x1], $0x10, $0x38;
	[tilespmem:$0x1F0F8] =	vst v63  }
0x314: {  	s0 =	simm.s32 @!p0 $0x12  }
0x315: {  	s28 =	simm.s32 $0x1;
	s0 =	simm.s32 @p0 $0x2  }
0x316: {  	_ =	swait.ge [sflag:s28], s0  }
0x317: {  	s0 =	ssub.s32 $0x0, s0;
	[sflag:s28] =	ssyncset.done $0x0  }
0x318: {  	p0 =	sne.s32 s16, $0x0;
	[sflag:s28] =	ssyncadd.s32 s0  }
.Ltmp25:
0x319: {  	_ =	sfence.stream.spmem;
	(pc) =	sbr.rel @p0 .LBB3_38-.Ltmp25, $4  }
0x31a: {  	s29 =	simm.s32 $0x3;
	[bflag:$0x0] =	sbarrier.arrive $0xFFFF  }
0x31b: {  	s30 =	simm.s32 $0x4;
	[sflag:s29] =	ssyncpa.u1 $0x1  }
0x31c: {  	s31 =	simm.s32 $0x3C;
	[sflag:s30] =	ssyncpa.u1 $0x1  }
0x31d: {  	s17 =	rddreg [dreg:$0x5];
	[sflag:s31] =	ssyncpa.u1 $0x1  }
0x31e: {  	_ =	sfence.stream.spmem;
	s0 =	simm.s32 $0x5  }
0x31f: {  	s1 =	simm.s32 $0x200;
	s2 =	simm.s32 $0x3658;
	[sflag:s0] =	ssyncpa.u1 $0x0  }
0x320: {  	[tilespmem:s2], [sflag:$0x5] =	stream.linear.gather [spmem:s1], $0x20, $0x38;
	[tilespmem:$0x1F0F8] =	vst v63  }
0x321: {  	s26 =	simm.s32 $0x0;
	s28 =	simm.s32 $0x3678  }
0x322: {  	[tilespmem:s28], [sflag:$0x5] =	stream.linear.gather [spmem:s26], $0x200, $0x38;
	[tilespmem:$0x1F0F8] =	vst v63  }
0x323: {  	_ =	swait.ge [sflag:s0], $0x220  }
0x324: {  	[sflag:s0] =	ssyncset.done $0x0  }
0x325: {  	s29 =	simm.s32 $0x0;
	[sflag:s0] =	ssyncadd.s32 $0xFFFFFDE0  }
0x326: {  	v0 =	vld.msk [tilespmem:s29+$0x3658], $0x1;
	_ =	sdelay $0x1  }
0x327: {  	s30 =	simm.s32 $0x1  }
0x328: {  	v1 =	vld.msk [tilespmem:s30+$0x3658], $0x1;
	_ =	sdelay $0x1  }
0x329: {  	(v2sf) =	vpush v0, $0x0;
	_ =	sdelay $0x2  }
0x32a: {  	(v2sf) =	vpush v1, $0x0;
	_ =	sdelay $0x2  }
0x32b: {  	s31 =	simm.s32 $0x2  }
0x32c: {  	v0 =	vld.msk [tilespmem:s31+$0x3658], $0x1;
	_ =	sdelay $0x2  }
0x32d: {  	s6 =	simm.s32 $0xFFFFFFFF;
	s1 =	simm.s32 $0xFFFFFFFF;
	s0 =	simm.s32 $0xC  }
.LBB3_23:
0x32e: {  	s2 =	smov.u32 s6;
	s4 =	smov.u32 s1  }
0x32f: {  	s1 =	sshra.s32 s0, $0x2;
	p1 =	sne.s32 s0, $0x7C;
	s0 =	sadd.s32 $0x4, s0;
	(v2sf) =	vpush v0, $0x0  }
0x330: {  	v0 =	vld.msk [tilespmem:s1+$0x3658], $0x1  }
.Ltmp26:
0x331: {  	(pc) =	sbr.rel @p1 .LBB3_23-.Ltmp26, $4  }
0x332: {  	s6 =	spop (v2sf)  }
0x333: {  	p2 =	sne.s32 s4, $0xFFFFFFFF;
	s1 =	smov.u32 s6  }
0x334: {  	p3 =	seq.s32 s6, $0xFFFFFFFF;
	s1 =	smov.u32 @p2 s4  }
0x335: {  	s6 =	smov.u32 @p3 s2;
	s1 =	smov.u32 @p3 s4  }
0x336: {  	(v2sf) =	vpush v0, $0x0;
	_ =	sdelay $0x8  }
0x337: {  	s0 =	spop (v2sf)  }
0x338: {  	p1 =	sne.s32 s1, $0xFFFFFFFF;
	s2 =	smov.u32 s0  }
0x339: {  	s9 =	simm.s32 $0x6;
	p2 =	seq.s32 s0, $0xFFFFFFFF;
	s2 =	smov.u32 @p1 s1  }
0x33a: {  	s10 =	simm.s32 $0x3638;
	s2 =	smov.u32 @p2 s1;
	s1 =	spop (v2sf)  }
0x33b: {  	s0 =	smov.u32 @p2 s6;
	p1 =	sne.s32 s2, $0xFFFFFFFF;
	s4 =	smov.u32 s1  }
.Ltmp27:
0x33c: {  	p2 =	seq.s32 s1, $0xFFFFFFFF;
	s4 =	smov.u32 @p1 s2;
	(pc) =	sbr.rel .LBB3_25-.Ltmp27, $4  }
0x33d: {  	s11 =	simm.s32 $0x0;
	s4 =	smov.u32 @p2 s2;
	s7 =	spop (v2sf)  }
0x33e: {  	[sflag:s9] =	ssyncpa.u1 $0x0;
	p1 =	sne.s32 s4, $0xFFFFFFFF;
	s8 =	smov.u32 s7  }
0x33f: {  	s1 =	smov.u32 @p2 s0;
	p2 =	seq.s32 s7, $0xFFFFFFFF;
	s8 =	smov.u32 @p1 s4  }
0x340: {  	s6 =	simm.s32 $0x0;
	s7 =	smov.u32 @p2 s1;
	s8 =	smov.u32 @p2 s4  }
.LBB3_30:
0x341: {  	p1 =	sgt.u32 s12, $0x270FF  }
0x342: {  	p2 =	seq.s32 @!p1 s12, s8  }
0x343: {  	p1 =	por p1, p2  }
0x344: {  	p2 =	sne.s32 @!p1 s12, s7  }
0x345: {  	p1 =	por p1, !p2  }
0x346: {  	s0 =	sshll.u32 @p1 s11, $0x6  }
0x347: {  	s0 =	sand.u32 @!p1 $0x3FFF8, s12  }
0x348: {  	s1 =	sand.u32 @!p1 $0x7, s12;
	s0 =	sadd.s32 @!p1 s3, s0  }
0x349: {  	[tilespmem:s10], [sflag:$0x6] =	stream.linear.gather @!p1 [hbm4b:s0+s1], $0x8, $0x38;
	[tilespmem:$0x1F0F8] =	vst v63  }
0x34a: {  	_ =	swait.ge @!p1 [sflag:s9], $0x8  }
0x34b: {  	[sflag:s9] =	ssyncset.done @!p1 $0x0  }
0x34c: {  	s0 =	sshll.u32 @!p1 s11, $0x6;
	[sflag:s9] =	ssyncadd.s32 @!p1 $0xFFFFFFF8  }
0x34d: {  	s1 =	sshrl.u32 @!p1 s0, $0x2;
	v1 =	vld @!p1 [tilespmem:$0x3638]  }
0x34e: {  	v2 =	vld @!p1 [tilespmem:s1+$0x3678];
	_ =	sdelay $0x4  }
0x34f: {  	v1 =	vmax.f32 @!p1 v1, v2  }
0x350: {  	[tilespmem:s1+$0x3678] =	vst @!p1 v1  }
0x351: {  	s0 =	sshrl.u32 s0, $0x2;
	[tilespmem:s6+$0x3658] =	vst.msk $0x1, v0  }
0x352: {  	v0 =	vld [tilespmem:s0+$0x3678];
	_ =	sdelay $0x2  }
0x353: {  	s31 =	sshll.u32 s6, $0x6  }
0x354: {  	s0 =	sshra.s32 s31, $0x2  }
0x355: {  	s6 =	sadd.s32 $0x1, s6;
	[tilespmem:s0+$0x3678] =	vst v0  }
.LBB3_32:
0x356: {  	s11 =	sadd.s32 $0x1, s11  }
0x357: {  	p1 =	sne.s32 s11, $0x20  }
.Ltmp28:
0x358: {  	_ = 	snop;
	(pc) =	sbr.rel @!p1 .LBB3_33-.Ltmp28, $1  }
0x359: {  	_ =	sdelay $0x3  }
.LBB3_25:
0x35a: {  	v0 =	vld.msk [tilespmem:s11+$0x3658], $0x1;
	_ =	sdelay $0x4  }
0x35b: {  	(v2sf) =	vpush v0, $0x0;
	_ =	sdelay $0xe  }
0x35c: {  	s12 =	spop (v2sf)  }
0x35d: {  	p1 =	seq.s32 s12, $0xFFFFFFFF  }
.Ltmp29:
0x35e: {  	_ = 	snop;
	(pc) =	sbr.rel @p1 .LBB3_32-.Ltmp29, $1  }
0x35f: {  	_ =	sdelay $0x3  }
0x360: {  	p1 =	slt.s32 s6, $0x1  }
.Ltmp30:
0x361: {  	_ = 	snop;
	(pc) =	sbr.rel @p1 .LBB3_30-.Ltmp30, $1  }
0x362: {  	_ =	sdelay $0x3  }
0x363: {  	s13 =	simm.s32 $0x3658;
	p1 =	por $0x0, $0x0  }
0x364: {  	v1 =	vld.msk @!p1 [tilespmem:s13+$0x0], $0x1;
	_ =	sdelay $0x4  }
0x365: {  	(v2sf) =	vpush @!p1 v1, $0x0;
	_ =	sdelay $0xd  }
0x366: {  	p3 =	sne.s32 s6, $0x1  }
.Ltmp31:
0x367: {  	s0 =	spop @!p1 (v2sf);
	(pc) =	sbr.rel @!p3 .LBB3_29-.Ltmp31, $4  }
0x368: {  	p2 =	seq.s32 @!p1 s12, s0  }
0x369: {  	s14 =	simm.s32 $0x0;
	p2 =	por !p2, p1  }
0x36a: {  	s0 =	simm.s32 $0xFFFFFFFF;
	s14 =	simm.s32 @p2 $0xFFFFFFFF  }
0x36b: {  	s15 =	simm.s32 $0x1;
	s14 =	smov.u32 @p1 s0  }
.LBB3_28:
0x36c: {  	s0 =	smov.u32 s14;
	p1 =	sne.s32 s14, $0xFFFFFFFF  }
0x36d: {  	s13 =	sadd.s32 $0x1, s13;
	s14 =	smov.u32 s15;
	s15 =	sadd.s32 $0x1, s15  }
0x36e: {  	p2 =	sne.s32 s6, s15;
	v1 =	vld.msk @!p1 [tilespmem:s13+$0x0], $0x1;
	_ =	sdelay $0x4  }
0x36f: {  	(v2sf) =	vpush @!p1 v1, $0x0;
	_ =	sdelay $0xe  }
.Ltmp32:
0x370: {  	s1 =	spop @!p1 (v2sf);
	(pc) =	sbr.rel @p2 .LBB3_28-.Ltmp32, $4  }
0x371: {  	p3 =	seq.s32 @!p1 s12, s1  }
0x372: {  	p3 =	por !p3, p1  }
0x373: {  	s14 =	simm.s32 @p3 $0xFFFFFFFF  }
0x374: {  	s14 =	smov.u32 @p1 s0  }
.LBB3_29:
0x375: {  	p1 =	sne.s32 s14, $0xFFFFFFFF  }
.Ltmp33:
0x376: {  	_ = 	snop;
	(pc) =	sbr.rel @!p1 .LBB3_30-.Ltmp33, $1  }
0x377: {  	_ =	sdelay $0x3  }
0x378: {  	s0 =	sshll.u32 s11, $0x4  }
0x379: {  	s1 =	sshll.u32 s14, $0x6;
	s0 =	sand.u32 $0x3FFFFFF0, s0  }
0x37a: {  	s31 =	sshra.s32 s1, $0x2;
	v0 =	vld [tilespmem:s0+$0x3678]  }
0x37b: {  	v1 =	vld [tilespmem:s31+$0x3678];
	_ =	sdelay $0x1  }
.Ltmp34:
0x37c: {  	_ = 	snop;
	(pc) =	sbr.rel .LBB3_32-.Ltmp34, $3  }
0x37d: {  	_ =	sdelay $0x1  }
0x37e: {  	v0 =	vmax.f32 v0, v1  }
0x37f: {  	[tilespmem:s31+$0x3678] =	vst v0  }
.LBB3_33:
0x380: {  	s0 =	simm.s32 $0x6;
	p1 =	seq.s32 s6, $0x0  }
0x381: {  	[sflag:s0] =	ssyncpa.u1 $0x1;
	v0 =	vimm.s32 @p1 $0xFFFFFFFF  }
0x382: {  	s9 =	sadd.s32 $0xFFFFFFFF, s6;
	[tilespmem:$0x3878] =	vst @p1 v0  }
0x383: {  	v0 =	vld.msk @!p1 [tilespmem:s9+$0x3658], $0x1;
	_ =	sdelay $0x1  }
0x384: {  	v1 =	vld.msk @!p1 [tilespmem:$0x3658], $0x1;
	_ =	sdelay $0x2  }
0x385: {  	p2 =	seq.s32 @!p1 s9, $0x0;
	v0 =	vbroadcast @!p1 v0, $0x0  }
0x386: {  	vm0 =	vmmov @!p1 $0x1;
	p2 =	por !p2, p1  }
0x387: {  	v1 =	vnsel @!p1 vm0, $0xFFFFFFFF, v1;
	vm0 =	vcmask @!p1 $0x308;
	v0 =	vpsel !p2, $0xFFFFFFFF, v0  }
0x388: {  	p2 =	sne.s32 @!p1 s8, s7;
	v0 =	vsel @!p1 vm0, v1, v0  }
0x389: {  	s0 =	simm.s32 @!p1 $0x3678;
	s1 =	simm.s32 @!p1 $0x0;
	p3 =	por !p2, p1;
	[tilespmem:$0x3878] =	vst @!p1 v0  }
0x38a: {  	[spmem:s1] =	stream.linear.scatter @!p1 [tilespmem:s0], [sflag:$0x1], $0x10, $0x38;
	[tilespmem:$0x1F0F8] =	vst v63  }
0x38b: {  	s0 =	sshll.u32 @!p3 s9, $0x6  }
0x38c: {  	s0 =	sshra.s32 @!p3 s0, $0x2  }
0x38d: {  	s1 =	simm.s32 @!p3 $0x10;
	s0 =	sadd.s32 @!p3 $0x3678, s0  }
0x38e: {  	[spmem:s1] =	stream.linear.scatter @!p3 [tilespmem:s0], [sflag:$0x1], $0x10, $0x38;
	[tilespmem:$0x1F0F8] =	vst v63  }
0x38f: {  	s0 =	simm.s32 @!p3 $0x1  }
0x390: {  	_ =	swait.ge @!p3 [sflag:s0], $0x20  }
0x391: {  	p1 =	por p2, p1;
	[sflag:s0] =	ssyncset.done @!p3 $0x0  }
0x392: {  	[sflag:s0] =	ssyncadd.s32 @!p3 $0xFFFFFFE0;
	s0 =	simm.s32 @!p1 $0x1  }
0x393: {  	_ =	swait.ge @!p1 [sflag:s0], $0x10  }
0x394: {  	s29 =	simm.s32 $0x3878;
	[sflag:s0] =	ssyncset.done @!p1 $0x0  }
0x395: {  	s30 =	simm.s32 $0x200;
	s31 =	simm.s32 $0x1;
	[sflag:s0] =	ssyncadd.s32 @!p1 $0xFFFFFFF0  }
0x396: {  	[spmem:s30] =	stream.linear.scatter [tilespmem:s29], [sflag:$0x1], $0x10, $0x38;
	[tilespmem:$0x1F0F8] =	vst v63  }
0x397: {  	_ =	swait.ge [sflag:s31], $0x10  }
0x398: {  	[sflag:s31] =	ssyncset.done $0x0  }
0x399: {  	p1 =	seq.s32 s17, $0x0;
	s8 =	rddreg [dreg:$0x1];
	[sflag:s31] =	ssyncadd.s32 $0xFFFFFFF0  }
0x39a: {  	s1 =	sshll.u32 @p1 s8, $0xE;
	s7 =	rddreg [dreg:$0x2]  }
0x39b: {  	s0 =	sadd.s32 @p1 $0x15C3C, s1;
	s1 =	sshll.u32 @p1 s7, $0x11  }
0x39c: {  	_ =	sfence.stream.spmem;
	s0 =	sor.u32 @p1 s1, s0  }
0x39d: {  	[sflag:s0] =	ssyncadd.remote.s32 @p1 $0x1;
	s0 =	simm.s32 @p1 $0x4  }
0x39e: {  	s2 =	simm.s32 @!p1 $0x3C;
	s1 =	sand.u32 $0xFFFFFFFE, s8;
	_ =	swait.ge @p1 [sflag:s0], $0x6  }
0x39f: {  	s4 =	simm.s32 @!p1 $0x0;
	s1 =	sadd.s32 @!p1 $0x4, s1;
	[sflag:s0] =	ssyncset.done @p1 $0x0  }
0x3a0: {  	s5 =	simm.s32 @!p1 $0x20;
	[sflag:s0] =	ssyncadd.s32 @p1 $0xFFFFFFFA;
	s0 =	sshll.u32 @!p1 s1, $0x1A  }
0x3a1: {  	s1 =	sshll.u32 @!p1 s1, $0xD;
	s0 =	sor.u32 @!p1 s0, s7;
	_ =	swait.eq @!p1 [sflag:s2], $0x1  }
0x3a2: {  	s1 =	sor.u32 @!p1 $0x1C04, s1;
	s2 =	simm.s32 @!p1 $0x1C03;
	s0 =	sor.u32 @!p1 $0x80004000, s0  }
0x3a3: {  	[spmem:s5], [sflag:s1] =	dma.general @!p1 [spmem:s4], [sflag:s2], length:$0x4, [dreg:$0x0], stride_count:$0x0, ici_dest:s0, dma_misc:DstOpCode:WRITE  }
0x3a4: {  	p2 =	slt.s32 s9, $0x2;
	s4 =	simm.s32 @!p1 $0x40;
	s5 =	simm.s32 @!p1 $0x42  }
0x3a5: {  	[spmem:s5], [sflag:s1] =	dma.general @!p1 [spmem:s4], [sflag:s2], length:$0x2, [dreg:$0x0], stride_count:$0x0, ici_dest:s0, dma_misc:DstOpCode:WRITE  }
.Ltmp35:
0x3a6: {  	s0 =	simm.s32 @!p1 $0x3;
	(pc) =	sbr.rel @p2 .LBB3_37-.Ltmp35, $4  }
0x3a7: {  	s1 =	sshll.u32 @!p1 s8, $0xE;
	_ =	swait.ge @!p1 [sflag:s0], $0x6  }
0x3a8: {  	s2 =	sshll.u32 @!p1 s7, $0x11;
	s1 =	sadd.s32 @!p1 $0x11C3C, s1;
	[sflag:s0] =	ssyncset.done @!p1 $0x0  }
0x3a9: {  	[sflag:s0] =	ssyncadd.s32 @!p1 $0xFFFFFFFA;
	s0 =	sor.u32 @!p1 s2, s1  }
0x3aa: {  	[sflag:s0] =	ssyncadd.remote.s32 @!p1 $0xFFFFFFFF;
	s0 =	simm.s32 $0x0  }
0x3ab: {  	s0 =	simm.s32 $0x3659  }
0x3ac: {  	v0 =	vld.msk [tilespmem:s0+$0x0], $0x1;
	_ =	sdelay $0x4  }
0x3ad: {  	(v2sf) =	vpush v0, $0x0;
	_ =	sdelay $0xd  }
0x3ae: {  	s2 =	sadd.s32 $0xFFFFFFFE, s6  }
0x3af: {  	s2 =	sadd.s32 $0xFFFFFFFF, s2;
	s0 =	spop (v2sf)  }
0x3b0: {  	p2 =	sne.s32 s2, $0x0;
	p1 =	sgt.u32 s0, $0x270FF  }
.Ltmp36:
0x3b1: {  	s4 =	sand.u32 @!p1 $0x3FFF8, s0;
	(pc) =	sbr.rel @!p2 .LBB3_36-.Ltmp36, $4  }
0x3b2: {  	s1 =	simm.s32 $0x3688;
	s0 =	sand.u32 @!p1 $0x7, s0;
	s4 =	sadd.s32 @!p1 s3, s4  }
0x3b3: {  	[hbm4b:s4+s0] =	stream.linear.scatter @!p1 [tilespmem:s1], [sflag:$0x5], $0x8, $0x38;
	[tilespmem:$0x1F0F8] =	vst v63  }
0x3b4: {  	s0 =	simm.s32 $0x0  }
0x3b5: {  	s6 =	simm.s32 $0x0;
	s7 =	simm.s32 $0x365A;
	s0 =	simm.s32 @!p1 $0x20  }
.LBB3_35:
0x3b6: {  	v0 =	vld.msk [tilespmem:s7+$0x0], $0x1;
	s2 =	sadd.s32 $0xFFFFFFFF, s2;
	s6 =	sadd.s32 s6, s0  }
0x3b7: {  	p1 =	sne.s32 s2, $0x0;
	_ =	sdelay $0x3  }
0x3b8: {  	(v2sf) =	vpush v0, $0x0;
	_ =	sdelay $0xe  }
.Ltmp37:
0x3b9: {  	s4 =	spop (v2sf);
	(pc) =	sbr.rel @p1 .LBB3_35-.Ltmp37, $4  }
0x3ba: {  	s0 =	simm.s32 $0x0;
	p2 =	sgt.u32 s4, $0x270FF  }
0x3bb: {  	s1 =	sadd.s32 $0x10, s1;
	s0 =	simm.s32 @!p2 $0x20;
	s5 =	sand.u32 @!p2 $0x3FFF8, s4  }
0x3bc: {  	s7 =	sadd.s32 $0x1, s7;
	s4 =	sand.u32 @!p2 $0x7, s4;
	s5 =	sadd.s32 @!p2 s3, s5  }
0x3bd: {  	[hbm4b:s5+s4] =	stream.linear.scatter @!p2 [tilespmem:s1], [sflag:$0x5], $0x8, $0x38;
	[tilespmem:$0x1F0F8] =	vst v63  }
.LBB3_36:
0x3be: {  	s0 =	sadd.s32 s6, s0  }
0x3bf: {  	s0 =	sshrl.u32 s0, $0x2  }
.LBB3_37:
0x3c0: {  	s1 =	simm.s32 $0x5  }
0x3c1: {  	_ =	swait.ge [sflag:s1], s0  }
0x3c2: {  	s31 =	ssub.s32 $0x0, s0;
	[sflag:s1] =	ssyncset.done $0x0  }
0x3c3: {  	[sflag:s1] =	ssyncadd.s32 s31  }
0x3c4: {  	[sflag:s1] =	ssyncpa.u1 $0x1  }
.LBB3_38:
0x3c5: {  	s0 =	sor.u32 s17, s16  }
0x3c6: {  	p1 =	sne.s32 s0, $0x0  }
.Ltmp38:
0x3c7: {  	_ = 	snop;
	(pc) =	sbr.rel @p1 .LBB3_53-.Ltmp38, $3  }
0x3c8: {  	_ =	sdelay $0x1  }
0x3c9: {  	[bflag:$0x0] =	sbarrier.arrive $0xFFFF  }
0x3ca: {  	_ =	sfence  }
0x3cb: {  	s0 =	simm.s32 $0x7  }
0x3cc: {  	s1 =	simm.s32 $0x200;
	s2 =	simm.s32 $0x3658;
	[sflag:s0] =	ssyncpa.u1 $0x0  }
0x3cd: {  	[tilespmem:s2], [sflag:$0x7] =	stream.linear.gather [spmem:s1], $0x20, $0x38;
	[tilespmem:$0x1F0F8] =	vst v63  }
0x3ce: {  	s30 =	simm.s32 $0x3678;
	s1 =	simm.s32 $0x0  }
0x3cf: {  	[tilespmem:s30], [sflag:$0x7] =	stream.linear.gather [spmem:s1], $0x200, $0x38;
	[tilespmem:$0x1F0F8] =	vst v63  }
.Ltmp39:
0x3d0: {  	_ = 	snop;
	(pc) =	sbr.rel .LBB3_40-.Ltmp39, $4  }
0x3d1: {  	_ =	swait.ge [sflag:s0], $0x220  }
0x3d2: {  	[sflag:s0] =	ssyncset.done $0x0  }
0x3d3: {  	s31 =	simm.s32 $0x8;
	[sflag:s0] =	ssyncadd.s32 $0xFFFFFDE0  }
0x3d4: {  	s2 =	simm.s32 $0x0;
	[sflag:s31] =	ssyncpa.u1 $0x0  }
.LBB3_45:
0x3d5: {  	p1 =	slt.u32 s4, $0x27100  }
0x3d6: {  	s0 =	sand.u32 @p1 $0x3FFF8, s4  }
0x3d7: {  	s4 =	sand.u32 @p1 $0x7, s4;
	s5 =	simm.s32 @p1 $0x3638;
	s0 =	sadd.s32 @p1 s3, s0  }
0x3d8: {  	[tilespmem:s5], [sflag:$0x8] =	stream.linear.gather @p1 [hbm4b:s0+s4], $0x8, $0x38;
	[tilespmem:$0x1F0F8] =	vst v63  }
0x3d9: {  	s0 =	simm.s32 @p1 $0x8  }
0x3da: {  	_ =	swait.ge @p1 [sflag:s0], $0x8  }
0x3db: {  	[sflag:s0] =	ssyncset.done @p1 $0x0  }
0x3dc: {  	[sflag:s0] =	ssyncadd.s32 @p1 $0xFFFFFFF8;
	s0 =	sshll.u32 @p1 s2, $0x6  }
0x3dd: {  	v1 =	vld @p1 [tilespmem:$0x3638];
	s4 =	sshrl.u32 @p1 s0, $0x2  }
0x3de: {  	v2 =	vld @p1 [tilespmem:s4+$0x3678];
	_ =	sdelay $0x4  }
0x3df: {  	s5 =	sshll.u32 @!p1 s2, $0x6;
	v1 =	vmax.f32 @p1 v1, v2  }
0x3e0: {  	s5 =	smov.u32 @p1 s0;
	[tilespmem:s4+$0x3678] =	vst @p1 v1  }
0x3e1: {  	s0 =	sshrl.u32 s5, $0x2;
	[tilespmem:s1+$0x3658] =	vst.msk $0x1, v0  }
0x3e2: {  	v0 =	vld [tilespmem:s0+$0x3678];
	_ =	sdelay $0x2  }
0x3e3: {  	s31 =	sshll.u32 s1, $0x6  }
0x3e4: {  	s0 =	sshra.s32 s31, $0x2  }
0x3e5: {  	s1 =	sadd.s32 $0x1, s1;
	[tilespmem:s0+$0x3678] =	vst v0  }
.LBB3_47:
0x3e6: {  	s2 =	sadd.s32 $0x1, s2  }
0x3e7: {  	p1 =	sne.s32 s2, $0x20  }
.Ltmp40:
0x3e8: {  	_ = 	snop;
	(pc) =	sbr.rel @!p1 .LBB3_48-.Ltmp40, $1  }
0x3e9: {  	_ =	sdelay $0x3  }
.LBB3_40:
0x3ea: {  	v0 =	vld.msk [tilespmem:s2+$0x3658], $0x1;
	_ =	sdelay $0x4  }
0x3eb: {  	(v2sf) =	vpush v0, $0x0;
	_ =	sdelay $0xe  }
0x3ec: {  	s4 =	spop (v2sf)  }
0x3ed: {  	p1 =	seq.s32 s4, $0xFFFFFFFF  }
.Ltmp41:
0x3ee: {  	_ = 	snop;
	(pc) =	sbr.rel @p1 .LBB3_47-.Ltmp41, $1  }
0x3ef: {  	_ =	sdelay $0x3  }
0x3f0: {  	p1 =	slt.s32 s1, $0x1  }
.Ltmp42:
0x3f1: {  	_ = 	snop;
	(pc) =	sbr.rel @p1 .LBB3_45-.Ltmp42, $1  }
0x3f2: {  	_ =	sdelay $0x3  }
0x3f3: {  	s5 =	simm.s32 $0x3658;
	p1 =	por $0x0, $0x0  }
0x3f4: {  	v1 =	vld.msk @!p1 [tilespmem:s5+$0x0], $0x1;
	_ =	sdelay $0x4  }
0x3f5: {  	(v2sf) =	vpush @!p1 v1, $0x0;
	_ =	sdelay $0xd  }
0x3f6: {  	p3 =	sne.s32 s1, $0x1  }
.Ltmp43:
0x3f7: {  	s0 =	spop @!p1 (v2sf);
	(pc) =	sbr.rel @!p3 .LBB3_44-.Ltmp43, $4  }
0x3f8: {  	p2 =	seq.s32 @!p1 s4, s0  }
0x3f9: {  	s6 =	simm.s32 $0x0;
	p2 =	por !p2, p1  }
0x3fa: {  	s0 =	simm.s32 $0xFFFFFFFF;
	s6 =	simm.s32 @p2 $0xFFFFFFFF  }
0x3fb: {  	s7 =	simm.s32 $0x1;
	s6 =	smov.u32 @p1 s0  }
.LBB3_43:
0x3fc: {  	s0 =	smov.u32 s6;
	p1 =	sne.s32 s6, $0xFFFFFFFF  }
0x3fd: {  	s5 =	sadd.s32 $0x1, s5;
	s6 =	smov.u32 s7;
	s7 =	sadd.s32 $0x1, s7  }
0x3fe: {  	p2 =	sne.s32 s1, s7;
	v1 =	vld.msk @!p1 [tilespmem:s5+$0x0], $0x1;
	_ =	sdelay $0x4  }
0x3ff: {  	(v2sf) =	vpush @!p1 v1, $0x0;
	_ =	sdelay $0xe  }
.Ltmp44:
0x400: {  	s8 =	spop @!p1 (v2sf);
	(pc) =	sbr.rel @p2 .LBB3_43-.Ltmp44, $4  }
0x401: {  	p3 =	seq.s32 @!p1 s4, s8  }
0x402: {  	p3 =	por !p3, p1  }
0x403: {  	s6 =	simm.s32 @p3 $0xFFFFFFFF  }
0x404: {  	s6 =	smov.u32 @p1 s0  }
.LBB3_44:
0x405: {  	p1 =	sne.s32 s6, $0xFFFFFFFF  }
.Ltmp45:
0x406: {  	_ = 	snop;
	(pc) =	sbr.rel @!p1 .LBB3_45-.Ltmp45, $1  }
0x407: {  	_ =	sdelay $0x3  }
0x408: {  	s0 =	sshll.u32 s2, $0x4  }
0x409: {  	s4 =	sshll.u32 s6, $0x6;
	s0 =	sand.u32 $0x3FFFFFF0, s0  }
0x40a: {  	s31 =	sshra.s32 s4, $0x2;
	v0 =	vld [tilespmem:s0+$0x3678]  }
0x40b: {  	v1 =	vld [tilespmem:s31+$0x3678];
	_ =	sdelay $0x1  }
.Ltmp46:
0x40c: {  	_ = 	snop;
	(pc) =	sbr.rel .LBB3_47-.Ltmp46, $3  }
0x40d: {  	_ =	sdelay $0x1  }
0x40e: {  	v0 =	vmax.f32 v0, v1  }
0x40f: {  	[tilespmem:s31+$0x3678] =	vst v0  }
.LBB3_48:
0x410: {  	p1 =	slt.s32 s1, $0x1  }
.Ltmp47:
0x411: {  	_ = 	snop;
	(pc) =	sbr.rel @p1 .LBB3_52-.Ltmp47, $3  }
0x412: {  	_ =	sdelay $0x1  }
0x413: {  	s0 =	simm.s32 $0x8  }
0x414: {  	s2 =	simm.s32 $0x0;
	[sflag:s0] =	ssyncpa.u1 $0x1  }
0x415: {  	s0 =	simm.s32 $0x3658  }
0x416: {  	v0 =	vld.msk [tilespmem:s0+$0x0], $0x1;
	_ =	sdelay $0x4  }
0x417: {  	(v2sf) =	vpush v0, $0x0;
	_ =	sdelay $0xe  }
0x418: {  	s1 =	sadd.s32 $0xFFFFFFFF, s1;
	s0 =	spop (v2sf)  }
0x419: {  	p2 =	sne.s32 s1, $0x0;
	p1 =	sgt.u32 s0, $0x270FF  }
.Ltmp48:
0x41a: {  	s5 =	sand.u32 @!p1 $0x3FFF8, s0;
	(pc) =	sbr.rel @!p2 .LBB3_51-.Ltmp48, $4  }
0x41b: {  	s4 =	simm.s32 $0x3678;
	s0 =	sand.u32 @!p1 $0x7, s0;
	s5 =	sadd.s32 @!p1 s3, s5  }
0x41c: {  	[hbm4b:s5+s0] =	stream.linear.scatter @!p1 [tilespmem:s4], [sflag:$0x7], $0x8, $0x38;
	[tilespmem:$0x1F0F8] =	vst v63  }
0x41d: {  	s0 =	simm.s32 $0x0  }
0x41e: {  	s5 =	simm.s32 $0x3659;
	s0 =	simm.s32 @!p1 $0x20  }
.LBB3_50:
0x41f: {  	v0 =	vld.msk [tilespmem:s5+$0x0], $0x1;
	s1 =	sadd.s32 $0xFFFFFFFF, s1;
	s2 =	sadd.s32 s2, s0  }
0x420: {  	p1 =	sne.s32 s1, $0x0;
	_ =	sdelay $0x3  }
0x421: {  	(v2sf) =	vpush v0, $0x0;
	_ =	sdelay $0xe  }
.Ltmp49:
0x422: {  	s6 =	spop (v2sf);
	(pc) =	sbr.rel @p1 .LBB3_50-.Ltmp49, $4  }
0x423: {  	s0 =	simm.s32 $0x0;
	p2 =	sgt.u32 s6, $0x270FF  }
0x424: {  	s4 =	sadd.s32 $0x10, s4;
	s0 =	simm.s32 @!p2 $0x20;
	s7 =	sand.u32 @!p2 $0x3FFF8, s6  }
0x425: {  	s5 =	sadd.s32 $0x1, s5;
	s6 =	sand.u32 @!p2 $0x7, s6;
	s7 =	sadd.s32 @!p2 s3, s7  }
0x426: {  	[hbm4b:s7+s6] =	stream.linear.scatter @!p2 [tilespmem:s4], [sflag:$0x7], $0x8, $0x38;
	[tilespmem:$0x1F0F8] =	vst v63  }
.LBB3_51:
0x427: {  	s0 =	sadd.s32 s2, s0  }
0x428: {  	s2 =	sshrl.u32 s0, $0x2  }
.LBB3_52:
0x429: {  	s0 =	simm.s32 $0x7  }
0x42a: {  	_ =	swait.ge [sflag:s0], s2  }
0x42b: {  	s1 =	ssub.s32 $0x0, s2;
	[sflag:s0] =	ssyncset.done $0x0  }
0x42c: {  	[sflag:s0] =	ssyncadd.s32 s1  }
0x42d: {  	[sflag:s0] =	ssyncpa.u1 $0x1  }
.LBB3_53:
0x42e: {  	_ =	sfence;
	s0 =	simm.s32 $0x1  }
0x42f: {  	[sflag:s0] =	ssyncpa.u1 $0x1  }
0x430: {  	_ =	strace $0x90000050  }
0x431: {  	[bflag:$0x2] =	sbarrier.arrive $0xFFFF  }
0x432: {  	s0 =	rddreg [dreg:$0x3]  }
0x433: {  	s0 =	sadd.s32 @!p0 $0x100000, s0  }
0x434: {  	[sflag:s0] =	ssyncadd.tile.s32 @!p0 $0x1;
	_ =	shalt  }
.Lfunc_end3:
_tile_overlayer_lowered:
.L_overlay_start_3:
0x435: {  	(tag) =	ssettag $0x3  }
0x436: {  	s0 =	rddreg [dreg:$0x0];
	s2 =	stileid.u32  }
0x437: {  	s1 =	rddreg [dreg:$0x1];
	p0 =	sne.s32 s2, $0x0  }
0x438: {  	s3 =	rddreg [dreg:$0x2];
	[bflag:$0x3] =	sbarrier.arrive $0xFFFF;
	s2 =	simm.s32 @!p0 $0x1C01  }
0x439: {  	[timem:s3], [sflag:s2] =	dma.local @!p0 [hbm:s0], s1  }
0x43a: {  	s0 =	simm.s32 @!p0 $0x1  }
0x43b: {  	_ =	swait.ge @!p0 [sflag:s0], s1  }
0x43c: {  	s1 =	ssub.s32 @!p0 $0x0, s1;
	[sflag:s0] =	ssyncset.done @!p0 $0x0  }
0x43d: {  	[sflag:s0] =	ssyncadd.s32 @!p0 s1  }
0x43e: {  	[bflag:$0x3] =	sbarrier.arrive $0xFFFF  }
0x43f: {  	_ =	shalt  }

</sc_bundles>
